<compile_context>
chip_gen: v7x
topology: tpu7x:2x2x1
jax: 0.10.2.dev20260603
libtpu: 0.0.44.dev20260713+nightly
codegen_flags: <defaults>
</compile_context>

<pallas_src>
import functools

import jax
import jax.numpy as jnp
from jax import lax
from jax.experimental import pallas as pl
from jax.experimental.pallas import tpu as pltpu
from jax.experimental.pallas import tpu_sc as plsc

B, L, H, VOCAB = 128, 512, 768, 8
EPS = 1e-5

NC, NS, LANES = 2, 16, 16
NW = NC * NS
N = B * L


LB = L // VOCAB


def _table_kernel(ids_ref, tok_ref, pos_ref, posf_ref, gamma_ref, beta_ref,
                  t_ref, idst_ref, rstd_s, rm_s):
    i = pl.program_id(0)

    @pl.when(i == 0)
    def _():
        idst_ref[...] = ids_ref[...].T
        tok = tok_ref[...]
        pos = posf_ref[...]
        inv_h = 1.0 / H
        ones_row = jnp.ones((1, H), dtype=jnp.float32)
        mp = jnp.mean(pos, axis=1, keepdims=True)
        ep2 = jnp.mean(pos * pos, axis=1, keepdims=True)
        mt = lax.dot_general(ones_row, tok, (((1,), (1,)), ((), ())),
                             preferred_element_type=jnp.float32) * inv_h
        et2 = lax.dot_general(ones_row, tok * tok, (((1,), (1,)), ((), ())),
                              preferred_element_type=jnp.float32) * inv_h
        cross = lax.dot_general(pos, tok, (((1,), (1,)), ((), ())),
                                preferred_element_type=jnp.float32) * inv_h
        mu = mp + mt
        var = ep2 + et2 + 2.0 * cross - mu * mu
        rstd = lax.rsqrt(var + EPS)
        rstd_s[...] = rstd
        rm_s[...] = rstd * mu

    tok = tok_ref[...]
    pos = pos_ref[...]
    rstd = rstd_s[pl.ds(i * LB, LB), :]
    rm = rm_s[pl.ds(i * LB, LB), :]
    gamma = gamma_ref[0]
    beta = beta_ref[0]
    for v in range(VOCAB):
        t = (pos + tok[v, :][None, :]) * rstd[:, v:v + 1] - rm[:, v:v + 1]
        t_ref[:, v, :] = t * gamma[None, :] + beta[None, :]


LPW = L // NW


LAG = 4


def _sc_gather(t_hbm, idst_hbm, out_hbm, tl_v, ids_v, sem):
    wid = lax.axis_index("s") * NC + lax.axis_index("c")
    l0 = wid * LPW
    pltpu.sync_copy(t_hbm.at[pl.ds(wid * LPW * VOCAB, LPW * VOCAB)], tl_v)
    pltpu.sync_copy(idst_hbm.at[pl.ds(l0 * B, LPW * B)], ids_v)

    lanesb = lax.iota(jnp.int32, LANES) * B

    def fire(b):
        v = plsc.load_gather(ids_v, [lanesb + b])
        for l in range(LPW):
            r = v[l] + l * VOCAB
            pltpu.async_copy(
                tl_v.at[pl.ds(r, 1)], out_hbm.at[pl.ds(b * L + l0 + l, 1)], sem
            )

    def drain_one_batch():
        pltpu.make_async_copy(
            tl_v.at[pl.ds(0, LPW)], out_hbm.at[pl.ds(l0, LPW)], sem
        ).wait()

    for b in range(LAG):
        fire(b)

    def body(b, _):
        drain_one_batch()
        fire(b)
        return _

    lax.fori_loop(LAG, B, body, None)
    for _ in range(LAG):
        drain_one_batch()


def kernel(input_ids, token_table, pos_table, gamma, beta):
    table, ids_t = pl.pallas_call(
        _table_kernel,
        grid=(VOCAB,),
        in_specs=[
            pl.BlockSpec((B, L), lambda i: (0, 0)),
            pl.BlockSpec((VOCAB, H), lambda i: (0, 0)),
            pl.BlockSpec((LB, H), lambda i: (i, 0)),
            pl.BlockSpec((L, H), lambda i: (0, 0)),
            pl.BlockSpec((1, H), lambda i: (0, 0)),
            pl.BlockSpec((1, H), lambda i: (0, 0)),
        ],
        out_specs=(
            pl.BlockSpec((LB, VOCAB, H), lambda i: (i, 0, 0)),
            pl.BlockSpec((L, B), lambda i: (0, 0)),
        ),
        out_shape=(
            jax.ShapeDtypeStruct((L, VOCAB, H), jnp.float32),
            jax.ShapeDtypeStruct((L, B), jnp.int32),
        ),
        scratch_shapes=[
            pltpu.VMEM((L, VOCAB), jnp.float32),
            pltpu.VMEM((L, VOCAB), jnp.float32),
        ],
        compiler_params=pltpu.CompilerParams(
            dimension_semantics=("arbitrary",),
        ),
    )(input_ids.astype(jnp.int32), token_table, pos_table, pos_table,
      gamma.reshape(1, H), beta.reshape(1, H))
    table = table.reshape(L * VOCAB, H)
    ids_t = ids_t.reshape(L * B)
    sc_call = functools.partial(
        pl.kernel,
        mesh=plsc.VectorSubcoreMesh(core_axis_name="c", subcore_axis_name="s"),
        compiler_params=pltpu.CompilerParams(needs_layout_passes=False),
        out_type=jax.ShapeDtypeStruct((N, H), jnp.float32),
        scratch_types=[
            pltpu.VMEM((LPW * VOCAB, H), jnp.float32),
            pltpu.VMEM((LPW * B,), jnp.int32),
            pltpu.SemaphoreType.DMA,
        ],
    )(_sc_gather)
    out = sc_call(table, ids_t)
    return out.reshape(B, L, H)

# --- scband reference (transcript-rebuilt; emitter-appended) ---
"""Pipeline reference for scband-dnaembedding-5111011082262 (READ-ONLY COPY).

The authoritative reference and input builder live on the scoring server;
editing this copy changes nothing except your own understanding.
"""

import jax, jax.numpy as jnp
import numpy as np

VOCAB = 8
HIDDEN = 768
MAXPOS = 512
B = 128
L = 512

def setup_inputs(seed: int = 0) -> dict:
    key = jax.random.key(seed)
    k1, k2, k3 = jax.random.split(key, 3)
    input_ids = jax.random.randint(k1, (B, L), 0, VOCAB)
    token_table = jax.random.normal(k2, (VOCAB, HIDDEN), dtype=jnp.float32) * 0.02
    pos_table = jax.random.normal(k3, (MAXPOS, HIDDEN), dtype=jnp.float32) * 0.02
    gamma = jnp.ones((HIDDEN,), dtype=jnp.float32)
    beta = jnp.zeros((HIDDEN,), dtype=jnp.float32)
    return {"input_ids": input_ids, "token_table": token_table, "pos_table": pos_table, "gamma": gamma, "beta": beta}

def reference(input_ids, token_table, pos_table, gamma, beta):
    # token embedding lookup (gather)
    tok = jnp.take(token_table, input_ids, axis=0)           # [B, L, H]
    # default position ids: arange(L) broadcast over batch
    seq_len = input_ids.shape[1]
    position_ids = jnp.arange(seq_len)[None, :]               # [1, L]
    pos = jnp.take(pos_table, position_ids, axis=0)           # [1, L, H]
    emb = tok + pos                                           # broadcast add -> [B, L, H]
    # LayerNorm over last dim, eps=1e-5 (torch default)
    mean = jnp.mean(emb, axis=-1, keepdims=True)
    var = jnp.var(emb, axis=-1, keepdims=True)
    normed = (emb - mean) / jnp.sqrt(var + 1e-5)
    out = normed * gamma + beta
    # dropout is identity in eval mode
    return out

if __name__ == "__main__":
    import jax
    _d = setup_inputs()
    print(jax.jit(kernel)(*tuple(_d.values())))

</pallas_src>

<mosaic_0001>
#map = affine_map<(d0, d1) -> (0, 0)>
#map1 = affine_map<(d0, d1) -> (0)>
module attributes {stable_mosaic.version = 14 : i64} {
  func.func @_sc_gather(%arg0: i32, %arg1: i32, %arg2: memref<4096x768xf32, #tpu.memory_space<hbm>>, %arg3: memref<65536xi32, #tpu.memory_space<hbm>>, %arg4: memref<65536x768xf32, #tpu.memory_space<hbm>>, %arg5: memref<128x768xf32, #tpu.memory_space<vmem>>, %arg6: memref<2048xi32, #tpu.memory_space<vmem>>, %arg7: memref<!tpu.dma_semaphore, #tpu.memory_space<semaphore_mem>>) attributes {dimension_semantics = [#tpu.dimension_semantics<core_parallel>, #tpu.dimension_semantics<subcore_parallel>], iteration_bounds = array<i64: 2, 16>, scalar_prefetch = 0 : i64, scratch_operands = 3 : i64, tpu.core_type = #tpu.core_type<sc_vector_subcore>, window_params = [{transform_indices = #map}, {transform_indices = #map1}, {transform_indices = #map}]} {
    %mul3A = arith.constant 2 : i32
    %mul3A_0 = arith.muli %arg1, %mul3A : i32
    %add3A = arith.addi %mul3A_0, %arg0 : i32
    %mul3A_1 = arith.constant 16 : i32
    %mul3A_2 = arith.muli %add3A, %mul3A_1 : i32
    %mul3A_3 = arith.constant 16 : i32
    %mul3A_4 = arith.muli %add3A, %mul3A_3 : i32
    %mul3A_5 = arith.constant 8 : i32
    %mul3A_6 = arith.muli %mul3A_4, %mul3A_5 : i32
    "tpu.region"() ({
      %run_scoped3A = tpu.sem_alloc : memref<!tpu.dma_semaphore, #tpu.memory_space<semaphore_mem>>
      %dma_start3A_1091 = arith.constant 0 : i32
      %dma_start3A_1092 = tpu.memref_slice %arg2[%mul3A_6, %dma_start3A_1091] : memref<4096x768xf32, #tpu.memory_space<hbm>> -> memref<128x768xf32, #tpu.memory_space<hbm>>
      %dma_start3A_1093 = arith.constant 0 : i32
      %dma_start3A_1094 = tpu.memref_slice %arg2[%mul3A_6, %dma_start3A_1093] : memref<4096x768xf32, #tpu.memory_space<hbm>> -> memref<128x768xf32, #tpu.memory_space<hbm>>
      tpu.enqueue_dma source(%dma_start3A_1094 : memref<128x768xf32, #tpu.memory_space<hbm>>) target(%arg5 : memref<128x768xf32, #tpu.memory_space<vmem>>) target_semaphore(%run_scoped3A : memref<!tpu.dma_semaphore, #tpu.memory_space<semaphore_mem>>)
      %dma_wait3A_1095 = arith.constant 0 : i32
      %dma_wait3A_1096 = tpu.memref_slice %arg2[%mul3A_6, %dma_wait3A_1095] : memref<4096x768xf32, #tpu.memory_space<hbm>> -> memref<128x768xf32, #tpu.memory_space<hbm>>
      %dma_wait3A_1097 = arith.constant 0 : i32
      %dma_wait3A_1098 = tpu.memref_slice %arg2[%mul3A_6, %dma_wait3A_1097] : memref<4096x768xf32, #tpu.memory_space<hbm>> -> memref<128x768xf32, #tpu.memory_space<hbm>>
      tpu.wait_dma2 semaphore(%run_scoped3A : memref<!tpu.dma_semaphore, #tpu.memory_space<semaphore_mem>>) src(%dma_wait3A_1098 : memref<128x768xf32, #tpu.memory_space<hbm>>) dst(%arg5 : memref<128x768xf32, #tpu.memory_space<vmem>>)
      tpu.yield
    }) : () -> ()
    %mul3A_7 = arith.constant 128 : i32
    %mul3A_8 = arith.muli %mul3A_2, %mul3A_7 : i32
    "tpu.region"() ({
      %run_scoped3A = tpu.sem_alloc : memref<!tpu.dma_semaphore, #tpu.memory_space<semaphore_mem>>
      %dma_start3A_1091 = tpu.memref_slice %arg3[%mul3A_8] : memref<65536xi32, #tpu.memory_space<hbm>> -> memref<2048xi32, #tpu.memory_space<hbm>>
      %dma_start3A_1092 = tpu.memref_slice %arg3[%mul3A_8] : memref<65536xi32, #tpu.memory_space<hbm>> -> memref<2048xi32, #tpu.memory_space<hbm>>
      tpu.enqueue_dma source(%dma_start3A_1092 : memref<2048xi32, #tpu.memory_space<hbm>>) target(%arg6 : memref<2048xi32, #tpu.memory_space<vmem>>) target_semaphore(%run_scoped3A : memref<!tpu.dma_semaphore, #tpu.memory_space<semaphore_mem>>)
      %dma_wait3A_1093 = tpu.memref_slice %arg3[%mul3A_8] : memref<65536xi32, #tpu.memory_space<hbm>> -> memref<2048xi32, #tpu.memory_space<hbm>>
      %dma_wait3A_1094 = tpu.memref_slice %arg3[%mul3A_8] : memref<65536xi32, #tpu.memory_space<hbm>> -> memref<2048xi32, #tpu.memory_space<hbm>>
      tpu.wait_dma2 semaphore(%run_scoped3A : memref<!tpu.dma_semaphore, #tpu.memory_space<semaphore_mem>>) src(%dma_wait3A_1094 : memref<2048xi32, #tpu.memory_space<hbm>>) dst(%arg6 : memref<2048xi32, #tpu.memory_space<vmem>>)
      tpu.yield
    }) : () -> ()
    %iota3A = tpu.iota {dimensions = array<i32: 0>} : vector<16xi32>
    %mul3A_9 = arith.constant 128 : i32
    %mul3A_10 = vector.broadcast %mul3A_9 : i32 to vector<16xi32>
    %mul3A_11 = arith.muli %iota3A, %mul3A_10 : vector<16xi32>
    %add3A_12 = arith.constant 0 : i32
    %add3A_13 = vector.broadcast %add3A_12 : i32 to vector<16xi32>
    %add3A_14 = arith.addi %mul3A_11, %add3A_13 : vector<16xi32>
    %gather3A = tpu.vector_load_idx %arg6[%add3A_14] : memref<2048xi32, #tpu.memory_space<vmem>>[vector<16xi32>], vector<16xi32>,
    %slice3A = vector.extract_strided_slice %gather3A {offsets = [0], sizes = [1], strides = [1]} : vector<16xi32> to vector<1xi32>
    %squeeze3A = vector.extract %slice3A[0] : i32 from vector<1xi32>
    %add3A_15 = arith.constant 0 : i32
    %add3A_16 = arith.addi %squeeze3A, %add3A_15 : i32
    %add3A_17 = arith.constant 0 : i32
    %add3A_18 = arith.addi %add3A_17, %mul3A_2 : i32
    %add3A_19 = arith.constant 0 : i32
    %add3A_20 = arith.addi %add3A_18, %add3A_19 : i32
    %dma_start3A = arith.constant 0 : i32
    %dma_start3A_21 = tpu.memref_slice %arg5[%add3A_16, %dma_start3A] : memref<128x768xf32, #tpu.memory_space<vmem>> -> memref<1x768xf32, #tpu.memory_space<vmem>>
    %dma_start3A_22 = arith.constant 0 : i32
    %dma_start3A_23 = tpu.memref_slice %arg4[%add3A_20, %dma_start3A_22] : memref<65536x768xf32, #tpu.memory_space<hbm>> -> memref<1x768xf32, #tpu.memory_space<hbm>>
    %dma_start3A_24 = arith.constant 0 : i32
    %dma_start3A_25 = tpu.memref_slice %arg4[%add3A_20, %dma_start3A_24] : memref<65536x768xf32, #tpu.memory_space<hbm>> -> memref<1x768xf32, #tpu.memory_space<hbm>>
    %dma_start3A_26 = arith.constant 0 : i32
    %dma_start3A_27 = tpu.memref_slice %arg5[%add3A_16, %dma_start3A_26] : memref<128x768xf32, #tpu.memory_space<vmem>> -> memref<1x768xf32, #tpu.memory_space<vmem>>
    tpu.enqueue_dma source(%dma_start3A_27 : memref<1x768xf32, #tpu.memory_space<vmem>>) target(%dma_start3A_25 : memref<1x768xf32, #tpu.memory_space<hbm>>) target_semaphore(%arg7 : memref<!tpu.dma_semaphore, #tpu.memory_space<semaphore_mem>>)
    %slice3A_28 = vector.extract_strided_slice %gather3A {offsets = [1], sizes = [1], strides = [1]} : vector<16xi32> to vector<1xi32>
    %squeeze3A_29 = vector.extract %slice3A_28[0] : i32 from vector<1xi32>
    %add3A_30 = arith.constant 8 : i32
    %add3A_31 = arith.addi %squeeze3A_29, %add3A_30 : i32
    %add3A_32 = arith.constant 0 : i32
    %add3A_33 = arith.addi %add3A_32, %mul3A_2 : i32
    %add3A_34 = arith.constant 1 : i32
    %add3A_35 = arith.addi %add3A_33, %add3A_34 : i32
    %dma_start3A_36 = arith.constant 0 : i32
    %dma_start3A_37 = tpu.memref_slice %arg5[%add3A_31, %dma_start3A_36] : memref<128x768xf32, #tpu.memory_space<vmem>> -> memref<1x768xf32, #tpu.memory_space<vmem>>
    %dma_start3A_38 = arith.constant 0 : i32
    %dma_start3A_39 = tpu.memref_slice %arg4[%add3A_35, %dma_start3A_38] : memref<65536x768xf32, #tpu.memory_space<hbm>> -> memref<1x768xf32, #tpu.memory_space<hbm>>
    %dma_start3A_40 = arith.constant 0 : i32
    %dma_start3A_41 = tpu.memref_slice %arg4[%add3A_35, %dma_start3A_40] : memref<65536x768xf32, #tpu.memory_space<hbm>> -> memref<1x768xf32, #tpu.memory_space<hbm>>
    %dma_start3A_42 = arith.constant 0 : i32
    %dma_start3A_43 = tpu.memref_slice %arg5[%add3A_31, %dma_start3A_42] : memref<128x768xf32, #tpu.memory_space<vmem>> -> memref<1x768xf32, #tpu.memory_space<vmem>>
    tpu.enqueue_dma source(%dma_start3A_43 : memref<1x768xf32, #tpu.memory_space<vmem>>) target(%dma_start3A_41 : memref<1x768xf32, #tpu.memory_space<hbm>>) target_semaphore(%arg7 : memref<!tpu.dma_semaphore, #tpu.memory_space<semaphore_mem>>)
    %slice3A_44 = vector.extract_strided_slice %gather3A {offsets = [2], sizes = [1], strides = [1]} : vector<16xi32> to vector<1xi32>
    %squeeze3A_45 = vector.extract %slice3A_44[0] : i32 from vector<1xi32>
    %add3A_46 = arith.constant 16 : i32
    %add3A_47 = arith.addi %squeeze3A_45, %add3A_46 : i32
    %add3A_48 = arith.constant 0 : i32
    %add3A_49 = arith.addi %add3A_48, %mul3A_2 : i32
    %add3A_50 = arith.constant 2 : i32
    %add3A_51 = arith.addi %add3A_49, %add3A_50 : i32
    %dma_start3A_52 = arith.constant 0 : i32
    %dma_start3A_53 = tpu.memref_slice %arg5[%add3A_47, %dma_start3A_52] : memref<128x768xf32, #tpu.memory_space<vmem>> -> memref<1x768xf32, #tpu.memory_space<vmem>>
    %dma_start3A_54 = arith.constant 0 : i32
    %dma_start3A_55 = tpu.memref_slice %arg4[%add3A_51, %dma_start3A_54] : memref<65536x768xf32, #tpu.memory_space<hbm>> -> memref<1x768xf32, #tpu.memory_space<hbm>>
    %dma_start3A_56 = arith.constant 0 : i32
    %dma_start3A_57 = tpu.memref_slice %arg4[%add3A_51, %dma_start3A_56] : memref<65536x768xf32, #tpu.memory_space<hbm>> -> memref<1x768xf32, #tpu.memory_space<hbm>>
    %dma_start3A_58 = arith.constant 0 : i32
    %dma_start3A_59 = tpu.memref_slice %arg5[%add3A_47, %dma_start3A_58] : memref<128x768xf32, #tpu.memory_space<vmem>> -> memref<1x768xf32, #tpu.memory_space<vmem>>
    tpu.enqueue_dma source(%dma_start3A_59 : memref<1x768xf32, #tpu.memory_space<vmem>>) target(%dma_start3A_57 : memref<1x768xf32, #tpu.memory_space<hbm>>) target_semaphore(%arg7 : memref<!tpu.dma_semaphore, #tpu.memory_space<semaphore_mem>>)
    %slice3A_60 = vector.extract_strided_slice %gather3A {offsets = [3], sizes = [1], strides = [1]} : vector<16xi32> to vector<1xi32>
    %squeeze3A_61 = vector.extract %slice3A_60[0] : i32 from vector<1xi32>
    %add3A_62 = arith.constant 24 : i32
    %add3A_63 = arith.addi %squeeze3A_61, %add3A_62 : i32
    %add3A_64 = arith.constant 0 : i32
    %add3A_65 = arith.addi %add3A_64, %mul3A_2 : i32
    %add3A_66 = arith.constant 3 : i32
    %add3A_67 = arith.addi %add3A_65, %add3A_66 : i32
    %dma_start3A_68 = arith.constant 0 : i32
    %dma_start3A_69 = tpu.memref_slice %arg5[%add3A_63, %dma_start3A_68] : memref<128x768xf32, #tpu.memory_space<vmem>> -> memref<1x768xf32, #tpu.memory_space<vmem>>
    %dma_start3A_70 = arith.constant 0 : i32
    %dma_start3A_71 = tpu.memref_slice %arg4[%add3A_67, %dma_start3A_70] : memref<65536x768xf32, #tpu.memory_space<hbm>> -> memref<1x768xf32, #tpu.memory_space<hbm>>
    %dma_start3A_72 = arith.constant 0 : i32
    %dma_start3A_73 = tpu.memref_slice %arg4[%add3A_67, %dma_start3A_72] : memref<65536x768xf32, #tpu.memory_space<hbm>> -> memref<1x768xf32, #tpu.memory_space<hbm>>
    %dma_start3A_74 = arith.constant 0 : i32
    %dma_start3A_75 = tpu.memref_slice %arg5[%add3A_63, %dma_start3A_74] : memref<128x768xf32, #tpu.memory_space<vmem>> -> memref<1x768xf32, #tpu.memory_space<vmem>>
    tpu.enqueue_dma source(%dma_start3A_75 : memref<1x768xf32, #tpu.memory_space<vmem>>) target(%dma_start3A_73 : memref<1x768xf32, #tpu.memory_space<hbm>>) target_semaphore(%arg7 : memref<!tpu.dma_semaphore, #tpu.memory_space<semaphore_mem>>)
    %slice3A_76 = vector.extract_strided_slice %gather3A {offsets = [4], sizes = [1], strides = [1]} : vector<16xi32> to vector<1xi32>
    %squeeze3A_77 = vector.extract %slice3A_76[0] : i32 from vector<1xi32>
    %add3A_78 = arith.constant 32 : i32
    %add3A_79 = arith.addi %squeeze3A_77, %add3A_78 : i32
    %add3A_80 = arith.constant 0 : i32
    %add3A_81 = arith.addi %add3A_80, %mul3A_2 : i32
    %add3A_82 = arith.constant 4 : i32
    %add3A_83 = arith.addi %add3A_81, %add3A_82 : i32
    %dma_start3A_84 = arith.constant 0 : i32
    %dma_start3A_85 = tpu.memref_slice %arg5[%add3A_79, %dma_start3A_84] : memref<128x768xf32, #tpu.memory_space<vmem>> -> memref<1x768xf32, #tpu.memory_space<vmem>>
    %dma_start3A_86 = arith.constant 0 : i32
    %dma_start3A_87 = tpu.memref_slice %arg4[%add3A_83, %dma_start3A_86] : memref<65536x768xf32, #tpu.memory_space<hbm>> -> memref<1x768xf32, #tpu.memory_space<hbm>>
    %dma_start3A_88 = arith.constant 0 : i32
    %dma_start3A_89 = tpu.memref_slice %arg4[%add3A_83, %dma_start3A_88] : memref<65536x768xf32, #tpu.memory_space<hbm>> -> memref<1x768xf32, #tpu.memory_space<hbm>>
    %dma_start3A_90 = arith.constant 0 : i32
    %dma_start3A_91 = tpu.memref_slice %arg5[%add3A_79, %dma_start3A_90] : memref<128x768xf32, #tpu.memory_space<vmem>> -> memref<1x768xf32, #tpu.memory_space<vmem>>
    tpu.enqueue_dma source(%dma_start3A_91 : memref<1x768xf32, #tpu.memory_space<vmem>>) target(%dma_start3A_89 : memref<1x768xf32, #tpu.memory_space<hbm>>) target_semaphore(%arg7 : memref<!tpu.dma_semaphore, #tpu.memory_space<semaphore_mem>>)
    %slice3A_92 = vector.extract_strided_slice %gather3A {offsets = [5], sizes = [1], strides = [1]} : vector<16xi32> to vector<1xi32>
    %squeeze3A_93 = vector.extract %slice3A_92[0] : i32 from vector<1xi32>
    %add3A_94 = arith.constant 40 : i32
    %add3A_95 = arith.addi %squeeze3A_93, %add3A_94 : i32
    %add3A_96 = arith.constant 0 : i32
    %add3A_97 = arith.addi %add3A_96, %mul3A_2 : i32
    %add3A_98 = arith.constant 5 : i32
    %add3A_99 = arith.addi %add3A_97, %add3A_98 : i32
    %dma_start3A_100 = arith.constant 0 : i32
    %dma_start3A_101 = tpu.memref_slice %arg5[%add3A_95, %dma_start3A_100] : memref<128x768xf32, #tpu.memory_space<vmem>> -> memref<1x768xf32, #tpu.memory_space<vmem>>
    %dma_start3A_102 = arith.constant 0 : i32
    %dma_start3A_103 = tpu.memref_slice %arg4[%add3A_99, %dma_start3A_102] : memref<65536x768xf32, #tpu.memory_space<hbm>> -> memref<1x768xf32, #tpu.memory_space<hbm>>
    %dma_start3A_104 = arith.constant 0 : i32
    %dma_start3A_105 = tpu.memref_slice %arg4[%add3A_99, %dma_start3A_104] : memref<65536x768xf32, #tpu.memory_space<hbm>> -> memref<1x768xf32, #tpu.memory_space<hbm>>
    %dma_start3A_106 = arith.constant 0 : i32
    %dma_start3A_107 = tpu.memref_slice %arg5[%add3A_95, %dma_start3A_106] : memref<128x768xf32, #tpu.memory_space<vmem>> -> memref<1x768xf32, #tpu.memory_space<vmem>>
    tpu.enqueue_dma source(%dma_start3A_107 : memref<1x768xf32, #tpu.memory_space<vmem>>) target(%dma_start3A_105 : memref<1x768xf32, #tpu.memory_space<hbm>>) target_semaphore(%arg7 : memref<!tpu.dma_semaphore, #tpu.memory_space<semaphore_mem>>)
    %slice3A_108 = vector.extract_strided_slice %gather3A {offsets = [6], sizes = [1], strides = [1]} : vector<16xi32> to vector<1xi32>
    %squeeze3A_109 = vector.extract %slice3A_108[0] : i32 from vector<1xi32>
    %add3A_110 = arith.constant 48 : i32
    %add3A_111 = arith.addi %squeeze3A_109, %add3A_110 : i32
    %add3A_112 = arith.constant 0 : i32
    %add3A_113 = arith.addi %add3A_112, %mul3A_2 : i32
    %add3A_114 = arith.constant 6 : i32
    %add3A_115 = arith.addi %add3A_113, %add3A_114 : i32
    %dma_start3A_116 = arith.constant 0 : i32
    %dma_start3A_117 = tpu.memref_slice %arg5[%add3A_111, %dma_start3A_116] : memref<128x768xf32, #tpu.memory_space<vmem>> -> memref<1x768xf32, #tpu.memory_space<vmem>>
    %dma_start3A_118 = arith.constant 0 : i32
    %dma_start3A_119 = tpu.memref_slice %arg4[%add3A_115, %dma_start3A_118] : memref<65536x768xf32, #tpu.memory_space<hbm>> -> memref<1x768xf32, #tpu.memory_space<hbm>>
    %dma_start3A_120 = arith.constant 0 : i32
    %dma_start3A_121 = tpu.memref_slice %arg4[%add3A_115, %dma_start3A_120] : memref<65536x768xf32, #tpu.memory_space<hbm>> -> memref<1x768xf32, #tpu.memory_space<hbm>>
    %dma_start3A_122 = arith.constant 0 : i32
    %dma_start3A_123 = tpu.memref_slice %arg5[%add3A_111, %dma_start3A_122] : memref<128x768xf32, #tpu.memory_space<vmem>> -> memref<1x768xf32, #tpu.memory_space<vmem>>
    tpu.enqueue_dma source(%dma_start3A_123 : memref<1x768xf32, #tpu.memory_space<vmem>>) target(%dma_start3A_121 : memref<1x768xf32, #tpu.memory_space<hbm>>) target_semaphore(%arg7 : memref<!tpu.dma_semaphore, #tpu.memory_space<semaphore_mem>>)
    %slice3A_124 = vector.extract_strided_slice %gather3A {offsets = [7], sizes = [1], strides = [1]} : vector<16xi32> to vector<1xi32>
    %squeeze3A_125 = vector.extract %slice3A_124[0] : i32 from vector<1xi32>
    %add3A_126 = arith.constant 56 : i32
    %add3A_127 = arith.addi %squeeze3A_125, %add3A_126 : i32
    %add3A_128 = arith.constant 0 : i32
    %add3A_129 = arith.addi %add3A_128, %mul3A_2 : i32
    %add3A_130 = arith.constant 7 : i32
    %add3A_131 = arith.addi %add3A_129, %add3A_130 : i32
    %dma_start3A_132 = arith.constant 0 : i32
    %dma_start3A_133 = tpu.memref_slice %arg5[%add3A_127, %dma_start3A_132] : memref<128x768xf32, #tpu.memory_space<vmem>> -> memref<1x768xf32, #tpu.memory_space<vmem>>
    %dma_start3A_134 = arith.constant 0 : i32
    %dma_start3A_135 = tpu.memref_slice %arg4[%add3A_131, %dma_start3A_134] : memref<65536x768xf32, #tpu.memory_space<hbm>> -> memref<1x768xf32, #tpu.memory_space<hbm>>
    %dma_start3A_136 = arith.constant 0 : i32
    %dma_start3A_137 = tpu.memref_slice %arg4[%add3A_131, %dma_start3A_136] : memref<65536x768xf32, #tpu.memory_space<hbm>> -> memref<1x768xf32, #tpu.memory_space<hbm>>
    %dma_start3A_138 = arith.constant 0 : i32
    %dma_start3A_139 = tpu.memref_slice %arg5[%add3A_127, %dma_start3A_138] : memref<128x768xf32, #tpu.memory_space<vmem>> -> memref<1x768xf32, #tpu.memory_space<vmem>>
    tpu.enqueue_dma source(%dma_start3A_139 : memref<1x768xf32, #tpu.memory_space<vmem>>) target(%dma_start3A_137 : memref<1x768xf32, #tpu.memory_space<hbm>>) target_semaphore(%arg7 : memref<!tpu.dma_semaphore, #tpu.memory_space<semaphore_mem>>)
    %slice3A_140 = vector.extract_strided_slice %gather3A {offsets = [8], sizes = [1], strides = [1]} : vector<16xi32> to vector<1xi32>
    %squeeze3A_141 = vector.extract %slice3A_140[0] : i32 from vector<1xi32>
    %add3A_142 = arith.constant 64 : i32
    %add3A_143 = arith.addi %squeeze3A_141, %add3A_142 : i32
    %add3A_144 = arith.constant 0 : i32
    %add3A_145 = arith.addi %add3A_144, %mul3A_2 : i32
    %add3A_146 = arith.constant 8 : i32
    %add3A_147 = arith.addi %add3A_145, %add3A_146 : i32
    %dma_start3A_148 = arith.constant 0 : i32
    %dma_start3A_149 = tpu.memref_slice %arg5[%add3A_143, %dma_start3A_148] : memref<128x768xf32, #tpu.memory_space<vmem>> -> memref<1x768xf32, #tpu.memory_space<vmem>>
    %dma_start3A_150 = arith.constant 0 : i32
    %dma_start3A_151 = tpu.memref_slice %arg4[%add3A_147, %dma_start3A_150] : memref<65536x768xf32, #tpu.memory_space<hbm>> -> memref<1x768xf32, #tpu.memory_space<hbm>>
    %dma_start3A_152 = arith.constant 0 : i32
    %dma_start3A_153 = tpu.memref_slice %arg4[%add3A_147, %dma_start3A_152] : memref<65536x768xf32, #tpu.memory_space<hbm>> -> memref<1x768xf32, #tpu.memory_space<hbm>>
    %dma_start3A_154 = arith.constant 0 : i32
    %dma_start3A_155 = tpu.memref_slice %arg5[%add3A_143, %dma_start3A_154] : memref<128x768xf32, #tpu.memory_space<vmem>> -> memref<1x768xf32, #tpu.memory_space<vmem>>
    tpu.enqueue_dma source(%dma_start3A_155 : memref<1x768xf32, #tpu.memory_space<vmem>>) target(%dma_start3A_153 : memref<1x768xf32, #tpu.memory_space<hbm>>) target_semaphore(%arg7 : memref<!tpu.dma_semaphore, #tpu.memory_space<semaphore_mem>>)
    %slice3A_156 = vector.extract_strided_slice %gather3A {offsets = [9], sizes = [1], strides = [1]} : vector<16xi32> to vector<1xi32>
    %squeeze3A_157 = vector.extract %slice3A_156[0] : i32 from vector<1xi32>
    %add3A_158 = arith.constant 72 : i32
    %add3A_159 = arith.addi %squeeze3A_157, %add3A_158 : i32
    %add3A_160 = arith.constant 0 : i32
    %add3A_161 = arith.addi %add3A_160, %mul3A_2 : i32
    %add3A_162 = arith.constant 9 : i32
    %add3A_163 = arith.addi %add3A_161, %add3A_162 : i32
    %dma_start3A_164 = arith.constant 0 : i32
    %dma_start3A_165 = tpu.memref_slice %arg5[%add3A_159, %dma_start3A_164] : memref<128x768xf32, #tpu.memory_space<vmem>> -> memref<1x768xf32, #tpu.memory_space<vmem>>
    %dma_start3A_166 = arith.constant 0 : i32
    %dma_start3A_167 = tpu.memref_slice %arg4[%add3A_163, %dma_start3A_166] : memref<65536x768xf32, #tpu.memory_space<hbm>> -> memref<1x768xf32, #tpu.memory_space<hbm>>
    %dma_start3A_168 = arith.constant 0 : i32
    %dma_start3A_169 = tpu.memref_slice %arg4[%add3A_163, %dma_start3A_168] : memref<65536x768xf32, #tpu.memory_space<hbm>> -> memref<1x768xf32, #tpu.memory_space<hbm>>
    %dma_start3A_170 = arith.constant 0 : i32
    %dma_start3A_171 = tpu.memref_slice %arg5[%add3A_159, %dma_start3A_170] : memref<128x768xf32, #tpu.memory_space<vmem>> -> memref<1x768xf32, #tpu.memory_space<vmem>>
    tpu.enqueue_dma source(%dma_start3A_171 : memref<1x768xf32, #tpu.memory_space<vmem>>) target(%dma_start3A_169 : memref<1x768xf32, #tpu.memory_space<hbm>>) target_semaphore(%arg7 : memref<!tpu.dma_semaphore, #tpu.memory_space<semaphore_mem>>)
    %slice3A_172 = vector.extract_strided_slice %gather3A {offsets = [10], sizes = [1], strides = [1]} : vector<16xi32> to vector<1xi32>
    %squeeze3A_173 = vector.extract %slice3A_172[0] : i32 from vector<1xi32>
    %add3A_174 = arith.constant 80 : i32
    %add3A_175 = arith.addi %squeeze3A_173, %add3A_174 : i32
    %add3A_176 = arith.constant 0 : i32
    %add3A_177 = arith.addi %add3A_176, %mul3A_2 : i32
    %add3A_178 = arith.constant 10 : i32
    %add3A_179 = arith.addi %add3A_177, %add3A_178 : i32
    %dma_start3A_180 = arith.constant 0 : i32
    %dma_start3A_181 = tpu.memref_slice %arg5[%add3A_175, %dma_start3A_180] : memref<128x768xf32, #tpu.memory_space<vmem>> -> memref<1x768xf32, #tpu.memory_space<vmem>>
    %dma_start3A_182 = arith.constant 0 : i32
    %dma_start3A_183 = tpu.memref_slice %arg4[%add3A_179, %dma_start3A_182] : memref<65536x768xf32, #tpu.memory_space<hbm>> -> memref<1x768xf32, #tpu.memory_space<hbm>>
    %dma_start3A_184 = arith.constant 0 : i32
    %dma_start3A_185 = tpu.memref_slice %arg4[%add3A_179, %dma_start3A_184] : memref<65536x768xf32, #tpu.memory_space<hbm>> -> memref<1x768xf32, #tpu.memory_space<hbm>>
    %dma_start3A_186 = arith.constant 0 : i32
    %dma_start3A_187 = tpu.memref_slice %arg5[%add3A_175, %dma_start3A_186] : memref<128x768xf32, #tpu.memory_space<vmem>> -> memref<1x768xf32, #tpu.memory_space<vmem>>
    tpu.enqueue_dma source(%dma_start3A_187 : memref<1x768xf32, #tpu.memory_space<vmem>>) target(%dma_start3A_185 : memref<1x768xf32, #tpu.memory_space<hbm>>) target_semaphore(%arg7 : memref<!tpu.dma_semaphore, #tpu.memory_space<semaphore_mem>>)
    %slice3A_188 = vector.extract_strided_slice %gather3A {offsets = [11], sizes = [1], strides = [1]} : vector<16xi32> to vector<1xi32>
    %squeeze3A_189 = vector.extract %slice3A_188[0] : i32 from vector<1xi32>
    %add3A_190 = arith.constant 88 : i32
    %add3A_191 = arith.addi %squeeze3A_189, %add3A_190 : i32
    %add3A_192 = arith.constant 0 : i32
    %add3A_193 = arith.addi %add3A_192, %mul3A_2 : i32
    %add3A_194 = arith.constant 11 : i32
    %add3A_195 = arith.addi %add3A_193, %add3A_194 : i32
    %dma_start3A_196 = arith.constant 0 : i32
    %dma_start3A_197 = tpu.memref_slice %arg5[%add3A_191, %dma_start3A_196] : memref<128x768xf32, #tpu.memory_space<vmem>> -> memref<1x768xf32, #tpu.memory_space<vmem>>
    %dma_start3A_198 = arith.constant 0 : i32
    %dma_start3A_199 = tpu.memref_slice %arg4[%add3A_195, %dma_start3A_198] : memref<65536x768xf32, #tpu.memory_space<hbm>> -> memref<1x768xf32, #tpu.memory_space<hbm>>
    %dma_start3A_200 = arith.constant 0 : i32
    %dma_start3A_201 = tpu.memref_slice %arg4[%add3A_195, %dma_start3A_200] : memref<65536x768xf32, #tpu.memory_space<hbm>> -> memref<1x768xf32, #tpu.memory_space<hbm>>
    %dma_start3A_202 = arith.constant 0 : i32
    %dma_start3A_203 = tpu.memref_slice %arg5[%add3A_191, %dma_start3A_202] : memref<128x768xf32, #tpu.memory_space<vmem>> -> memref<1x768xf32, #tpu.memory_space<vmem>>
    tpu.enqueue_dma source(%dma_start3A_203 : memref<1x768xf32, #tpu.memory_space<vmem>>) target(%dma_start3A_201 : memref<1x768xf32, #tpu.memory_space<hbm>>) target_semaphore(%arg7 : memref<!tpu.dma_semaphore, #tpu.memory_space<semaphore_mem>>)
    %slice3A_204 = vector.extract_strided_slice %gather3A {offsets = [12], sizes = [1], strides = [1]} : vector<16xi32> to vector<1xi32>
    %squeeze3A_205 = vector.extract %slice3A_204[0] : i32 from vector<1xi32>
    %add3A_206 = arith.constant 96 : i32
    %add3A_207 = arith.addi %squeeze3A_205, %add3A_206 : i32
    %add3A_208 = arith.constant 0 : i32
    %add3A_209 = arith.addi %add3A_208, %mul3A_2 : i32
    %add3A_210 = arith.constant 12 : i32
    %add3A_211 = arith.addi %add3A_209, %add3A_210 : i32
    %dma_start3A_212 = arith.constant 0 : i32
    %dma_start3A_213 = tpu.memref_slice %arg5[%add3A_207, %dma_start3A_212] : memref<128x768xf32, #tpu.memory_space<vmem>> -> memref<1x768xf32, #tpu.memory_space<vmem>>
    %dma_start3A_214 = arith.constant 0 : i32
    %dma_start3A_215 = tpu.memref_slice %arg4[%add3A_211, %dma_start3A_214] : memref<65536x768xf32, #tpu.memory_space<hbm>> -> memref<1x768xf32, #tpu.memory_space<hbm>>
    %dma_start3A_216 = arith.constant 0 : i32
    %dma_start3A_217 = tpu.memref_slice %arg4[%add3A_211, %dma_start3A_216] : memref<65536x768xf32, #tpu.memory_space<hbm>> -> memref<1x768xf32, #tpu.memory_space<hbm>>
    %dma_start3A_218 = arith.constant 0 : i32
    %dma_start3A_219 = tpu.memref_slice %arg5[%add3A_207, %dma_start3A_218] : memref<128x768xf32, #tpu.memory_space<vmem>> -> memref<1x768xf32, #tpu.memory_space<vmem>>
    tpu.enqueue_dma source(%dma_start3A_219 : memref<1x768xf32, #tpu.memory_space<vmem>>) target(%dma_start3A_217 : memref<1x768xf32, #tpu.memory_space<hbm>>) target_semaphore(%arg7 : memref<!tpu.dma_semaphore, #tpu.memory_space<semaphore_mem>>)
    %slice3A_220 = vector.extract_strided_slice %gather3A {offsets = [13], sizes = [1], strides = [1]} : vector<16xi32> to vector<1xi32>
    %squeeze3A_221 = vector.extract %slice3A_220[0] : i32 from vector<1xi32>
    %add3A_222 = arith.constant 104 : i32
    %add3A_223 = arith.addi %squeeze3A_221, %add3A_222 : i32
    %add3A_224 = arith.constant 0 : i32
    %add3A_225 = arith.addi %add3A_224, %mul3A_2 : i32
    %add3A_226 = arith.constant 13 : i32
    %add3A_227 = arith.addi %add3A_225, %add3A_226 : i32
    %dma_start3A_228 = arith.constant 0 : i32
    %dma_start3A_229 = tpu.memref_slice %arg5[%add3A_223, %dma_start3A_228] : memref<128x768xf32, #tpu.memory_space<vmem>> -> memref<1x768xf32, #tpu.memory_space<vmem>>
    %dma_start3A_230 = arith.constant 0 : i32
    %dma_start3A_231 = tpu.memref_slice %arg4[%add3A_227, %dma_start3A_230] : memref<65536x768xf32, #tpu.memory_space<hbm>> -> memref<1x768xf32, #tpu.memory_space<hbm>>
    %dma_start3A_232 = arith.constant 0 : i32
    %dma_start3A_233 = tpu.memref_slice %arg4[%add3A_227, %dma_start3A_232] : memref<65536x768xf32, #tpu.memory_space<hbm>> -> memref<1x768xf32, #tpu.memory_space<hbm>>
    %dma_start3A_234 = arith.constant 0 : i32
    %dma_start3A_235 = tpu.memref_slice %arg5[%add3A_223, %dma_start3A_234] : memref<128x768xf32, #tpu.memory_space<vmem>> -> memref<1x768xf32, #tpu.memory_space<vmem>>
    tpu.enqueue_dma source(%dma_start3A_235 : memref<1x768xf32, #tpu.memory_space<vmem>>) target(%dma_start3A_233 : memref<1x768xf32, #tpu.memory_space<hbm>>) target_semaphore(%arg7 : memref<!tpu.dma_semaphore, #tpu.memory_space<semaphore_mem>>)
    %slice3A_236 = vector.extract_strided_slice %gather3A {offsets = [14], sizes = [1], strides = [1]} : vector<16xi32> to vector<1xi32>
    %squeeze3A_237 = vector.extract %slice3A_236[0] : i32 from vector<1xi32>
    %add3A_238 = arith.constant 112 : i32
    %add3A_239 = arith.addi %squeeze3A_237, %add3A_238 : i32
    %add3A_240 = arith.constant 0 : i32
    %add3A_241 = arith.addi %add3A_240, %mul3A_2 : i32
    %add3A_242 = arith.constant 14 : i32
    %add3A_243 = arith.addi %add3A_241, %add3A_242 : i32
    %dma_start3A_244 = arith.constant 0 : i32
    %dma_start3A_245 = tpu.memref_slice %arg5[%add3A_239, %dma_start3A_244] : memref<128x768xf32, #tpu.memory_space<vmem>> -> memref<1x768xf32, #tpu.memory_space<vmem>>
    %dma_start3A_246 = arith.constant 0 : i32
    %dma_start3A_247 = tpu.memref_slice %arg4[%add3A_243, %dma_start3A_246] : memref<65536x768xf32, #tpu.memory_space<hbm>> -> memref<1x768xf32, #tpu.memory_space<hbm>>
    %dma_start3A_248 = arith.constant 0 : i32
    %dma_start3A_249 = tpu.memref_slice %arg4[%add3A_243, %dma_start3A_248] : memref<65536x768xf32, #tpu.memory_space<hbm>> -> memref<1x768xf32, #tpu.memory_space<hbm>>
    %dma_start3A_250 = arith.constant 0 : i32
    %dma_start3A_251 = tpu.memref_slice %arg5[%add3A_239, %dma_start3A_250] : memref<128x768xf32, #tpu.memory_space<vmem>> -> memref<1x768xf32, #tpu.memory_space<vmem>>
    tpu.enqueue_dma source(%dma_start3A_251 : memref<1x768xf32, #tpu.memory_space<vmem>>) target(%dma_start3A_249 : memref<1x768xf32, #tpu.memory_space<hbm>>) target_semaphore(%arg7 : memref<!tpu.dma_semaphore, #tpu.memory_space<semaphore_mem>>)
    %slice3A_252 = vector.extract_strided_slice %gather3A {offsets = [15], sizes = [1], strides = [1]} : vector<16xi32> to vector<1xi32>
    %squeeze3A_253 = vector.extract %slice3A_252[0] : i32 from vector<1xi32>
    %add3A_254 = arith.constant 120 : i32
    %add3A_255 = arith.addi %squeeze3A_253, %add3A_254 : i32
    %add3A_256 = arith.constant 0 : i32
    %add3A_257 = arith.addi %add3A_256, %mul3A_2 : i32
    %add3A_258 = arith.constant 15 : i32
    %add3A_259 = arith.addi %add3A_257, %add3A_258 : i32
    %dma_start3A_260 = arith.constant 0 : i32
    %dma_start3A_261 = tpu.memref_slice %arg5[%add3A_255, %dma_start3A_260] : memref<128x768xf32, #tpu.memory_space<vmem>> -> memref<1x768xf32, #tpu.memory_space<vmem>>
    %dma_start3A_262 = arith.constant 0 : i32
    %dma_start3A_263 = tpu.memref_slice %arg4[%add3A_259, %dma_start3A_262] : memref<65536x768xf32, #tpu.memory_space<hbm>> -> memref<1x768xf32, #tpu.memory_space<hbm>>
    %dma_start3A_264 = arith.constant 0 : i32
    %dma_start3A_265 = tpu.memref_slice %arg4[%add3A_259, %dma_start3A_264] : memref<65536x768xf32, #tpu.memory_space<hbm>> -> memref<1x768xf32, #tpu.memory_space<hbm>>
    %dma_start3A_266 = arith.constant 0 : i32
    %dma_start3A_267 = tpu.memref_slice %arg5[%add3A_255, %dma_start3A_266] : memref<128x768xf32, #tpu.memory_space<vmem>> -> memref<1x768xf32, #tpu.memory_space<vmem>>
    tpu.enqueue_dma source(%dma_start3A_267 : memref<1x768xf32, #tpu.memory_space<vmem>>) target(%dma_start3A_265 : memref<1x768xf32, #tpu.memory_space<hbm>>) target_semaphore(%arg7 : memref<!tpu.dma_semaphore, #tpu.memory_space<semaphore_mem>>)
    %add3A_268 = arith.constant 1 : i32
    %add3A_269 = vector.broadcast %add3A_268 : i32 to vector<16xi32>
    %add3A_270 = arith.addi %mul3A_11, %add3A_269 : vector<16xi32>
    %gather3A_271 = tpu.vector_load_idx %arg6[%add3A_270] : memref<2048xi32, #tpu.memory_space<vmem>>[vector<16xi32>], vector<16xi32>,
    %slice3A_272 = vector.extract_strided_slice %gather3A_271 {offsets = [0], sizes = [1], strides = [1]} : vector<16xi32> to vector<1xi32>
    %squeeze3A_273 = vector.extract %slice3A_272[0] : i32 from vector<1xi32>
    %add3A_274 = arith.constant 0 : i32
    %add3A_275 = arith.addi %squeeze3A_273, %add3A_274 : i32
    %add3A_276 = arith.constant 512 : i32
    %add3A_277 = arith.addi %add3A_276, %mul3A_2 : i32
    %add3A_278 = arith.constant 0 : i32
    %add3A_279 = arith.addi %add3A_277, %add3A_278 : i32
    %dma_start3A_280 = arith.constant 0 : i32
    %dma_start3A_281 = tpu.memref_slice %arg5[%add3A_275, %dma_start3A_280] : memref<128x768xf32, #tpu.memory_space<vmem>> -> memref<1x768xf32, #tpu.memory_space<vmem>>
    %dma_start3A_282 = arith.constant 0 : i32
    %dma_start3A_283 = tpu.memref_slice %arg4[%add3A_279, %dma_start3A_282] : memref<65536x768xf32, #tpu.memory_space<hbm>> -> memref<1x768xf32, #tpu.memory_space<hbm>>
    %dma_start3A_284 = arith.constant 0 : i32
    %dma_start3A_285 = tpu.memref_slice %arg4[%add3A_279, %dma_start3A_284] : memref<65536x768xf32, #tpu.memory_space<hbm>> -> memref<1x768xf32, #tpu.memory_space<hbm>>
    %dma_start3A_286 = arith.constant 0 : i32
    %dma_start3A_287 = tpu.memref_slice %arg5[%add3A_275, %dma_start3A_286] : memref<128x768xf32, #tpu.memory_space<vmem>> -> memref<1x768xf32, #tpu.memory_space<vmem>>
    tpu.enqueue_dma source(%dma_start3A_287 : memref<1x768xf32, #tpu.memory_space<vmem>>) target(%dma_start3A_285 : memref<1x768xf32, #tpu.memory_space<hbm>>) target_semaphore(%arg7 : memref<!tpu.dma_semaphore, #tpu.memory_space<semaphore_mem>>)
    %slice3A_288 = vector.extract_strided_slice %gather3A_271 {offsets = [1], sizes = [1], strides = [1]} : vector<16xi32> to vector<1xi32>
    %squeeze3A_289 = vector.extract %slice3A_288[0] : i32 from vector<1xi32>
    %add3A_290 = arith.constant 8 : i32
    %add3A_291 = arith.addi %squeeze3A_289, %add3A_290 : i32
    %add3A_292 = arith.constant 512 : i32
    %add3A_293 = arith.addi %add3A_292, %mul3A_2 : i32
    %add3A_294 = arith.constant 1 : i32
    %add3A_295 = arith.addi %add3A_293, %add3A_294 : i32
    %dma_start3A_296 = arith.constant 0 : i32
    %dma_start3A_297 = tpu.memref_slice %arg5[%add3A_291, %dma_start3A_296] : memref<128x768xf32, #tpu.memory_space<vmem>> -> memref<1x768xf32, #tpu.memory_space<vmem>>
    %dma_start3A_298 = arith.constant 0 : i32
    %dma_start3A_299 = tpu.memref_slice %arg4[%add3A_295, %dma_start3A_298] : memref<65536x768xf32, #tpu.memory_space<hbm>> -> memref<1x768xf32, #tpu.memory_space<hbm>>
    %dma_start3A_300 = arith.constant 0 : i32
    %dma_start3A_301 = tpu.memref_slice %arg4[%add3A_295, %dma_start3A_300] : memref<65536x768xf32, #tpu.memory_space<hbm>> -> memref<1x768xf32, #tpu.memory_space<hbm>>
    %dma_start3A_302 = arith.constant 0 : i32
    %dma_start3A_303 = tpu.memref_slice %arg5[%add3A_291, %dma_start3A_302] : memref<128x768xf32, #tpu.memory_space<vmem>> -> memref<1x768xf32, #tpu.memory_space<vmem>>
    tpu.enqueue_dma source(%dma_start3A_303 : memref<1x768xf32, #tpu.memory_space<vmem>>) target(%dma_start3A_301 : memref<1x768xf32, #tpu.memory_space<hbm>>) target_semaphore(%arg7 : memref<!tpu.dma_semaphore, #tpu.memory_space<semaphore_mem>>)
    %slice3A_304 = vector.extract_strided_slice %gather3A_271 {offsets = [2], sizes = [1], strides = [1]} : vector<16xi32> to vector<1xi32>
    %squeeze3A_305 = vector.extract %slice3A_304[0] : i32 from vector<1xi32>
    %add3A_306 = arith.constant 16 : i32
    %add3A_307 = arith.addi %squeeze3A_305, %add3A_306 : i32
    %add3A_308 = arith.constant 512 : i32
    %add3A_309 = arith.addi %add3A_308, %mul3A_2 : i32
    %add3A_310 = arith.constant 2 : i32
    %add3A_311 = arith.addi %add3A_309, %add3A_310 : i32
    %dma_start3A_312 = arith.constant 0 : i32
    %dma_start3A_313 = tpu.memref_slice %arg5[%add3A_307, %dma_start3A_312] : memref<128x768xf32, #tpu.memory_space<vmem>> -> memref<1x768xf32, #tpu.memory_space<vmem>>
    %dma_start3A_314 = arith.constant 0 : i32
    %dma_start3A_315 = tpu.memref_slice %arg4[%add3A_311, %dma_start3A_314] : memref<65536x768xf32, #tpu.memory_space<hbm>> -> memref<1x768xf32, #tpu.memory_space<hbm>>
    %dma_start3A_316 = arith.constant 0 : i32
    %dma_start3A_317 = tpu.memref_slice %arg4[%add3A_311, %dma_start3A_316] : memref<65536x768xf32, #tpu.memory_space<hbm>> -> memref<1x768xf32, #tpu.memory_space<hbm>>
    %dma_start3A_318 = arith.constant 0 : i32
    %dma_start3A_319 = tpu.memref_slice %arg5[%add3A_307, %dma_start3A_318] : memref<128x768xf32, #tpu.memory_space<vmem>> -> memref<1x768xf32, #tpu.memory_space<vmem>>
    tpu.enqueue_dma source(%dma_start3A_319 : memref<1x768xf32, #tpu.memory_space<vmem>>) target(%dma_start3A_317 : memref<1x768xf32, #tpu.memory_space<hbm>>) target_semaphore(%arg7 : memref<!tpu.dma_semaphore, #tpu.memory_space<semaphore_mem>>)
    %slice3A_320 = vector.extract_strided_slice %gather3A_271 {offsets = [3], sizes = [1], strides = [1]} : vector<16xi32> to vector<1xi32>
    %squeeze3A_321 = vector.extract %slice3A_320[0] : i32 from vector<1xi32>
    %add3A_322 = arith.constant 24 : i32
    %add3A_323 = arith.addi %squeeze3A_321, %add3A_322 : i32
    %add3A_324 = arith.constant 512 : i32
    %add3A_325 = arith.addi %add3A_324, %mul3A_2 : i32
    %add3A_326 = arith.constant 3 : i32
    %add3A_327 = arith.addi %add3A_325, %add3A_326 : i32
    %dma_start3A_328 = arith.constant 0 : i32
    %dma_start3A_329 = tpu.memref_slice %arg5[%add3A_323, %dma_start3A_328] : memref<128x768xf32, #tpu.memory_space<vmem>> -> memref<1x768xf32, #tpu.memory_space<vmem>>
    %dma_start3A_330 = arith.constant 0 : i32
    %dma_start3A_331 = tpu.memref_slice %arg4[%add3A_327, %dma_start3A_330] : memref<65536x768xf32, #tpu.memory_space<hbm>> -> memref<1x768xf32, #tpu.memory_space<hbm>>
    %dma_start3A_332 = arith.constant 0 : i32
    %dma_start3A_333 = tpu.memref_slice %arg4[%add3A_327, %dma_start3A_332] : memref<65536x768xf32, #tpu.memory_space<hbm>> -> memref<1x768xf32, #tpu.memory_space<hbm>>
    %dma_start3A_334 = arith.constant 0 : i32
    %dma_start3A_335 = tpu.memref_slice %arg5[%add3A_323, %dma_start3A_334] : memref<128x768xf32, #tpu.memory_space<vmem>> -> memref<1x768xf32, #tpu.memory_space<vmem>>
    tpu.enqueue_dma source(%dma_start3A_335 : memref<1x768xf32, #tpu.memory_space<vmem>>) target(%dma_start3A_333 : memref<1x768xf32, #tpu.memory_space<hbm>>) target_semaphore(%arg7 : memref<!tpu.dma_semaphore, #tpu.memory_space<semaphore_mem>>)
    %slice3A_336 = vector.extract_strided_slice %gather3A_271 {offsets = [4], sizes = [1], strides = [1]} : vector<16xi32> to vector<1xi32>
    %squeeze3A_337 = vector.extract %slice3A_336[0] : i32 from vector<1xi32>
    %add3A_338 = arith.constant 32 : i32
    %add3A_339 = arith.addi %squeeze3A_337, %add3A_338 : i32
    %add3A_340 = arith.constant 512 : i32
    %add3A_341 = arith.addi %add3A_340, %mul3A_2 : i32
    %add3A_342 = arith.constant 4 : i32
    %add3A_343 = arith.addi %add3A_341, %add3A_342 : i32
    %dma_start3A_344 = arith.constant 0 : i32
    %dma_start3A_345 = tpu.memref_slice %arg5[%add3A_339, %dma_start3A_344] : memref<128x768xf32, #tpu.memory_space<vmem>> -> memref<1x768xf32, #tpu.memory_space<vmem>>
    %dma_start3A_346 = arith.constant 0 : i32
    %dma_start3A_347 = tpu.memref_slice %arg4[%add3A_343, %dma_start3A_346] : memref<65536x768xf32, #tpu.memory_space<hbm>> -> memref<1x768xf32, #tpu.memory_space<hbm>>
    %dma_start3A_348 = arith.constant 0 : i32
    %dma_start3A_349 = tpu.memref_slice %arg4[%add3A_343, %dma_start3A_348] : memref<65536x768xf32, #tpu.memory_space<hbm>> -> memref<1x768xf32, #tpu.memory_space<hbm>>
    %dma_start3A_350 = arith.constant 0 : i32
    %dma_start3A_351 = tpu.memref_slice %arg5[%add3A_339, %dma_start3A_350] : memref<128x768xf32, #tpu.memory_space<vmem>> -> memref<1x768xf32, #tpu.memory_space<vmem>>
    tpu.enqueue_dma source(%dma_start3A_351 : memref<1x768xf32, #tpu.memory_space<vmem>>) target(%dma_start3A_349 : memref<1x768xf32, #tpu.memory_space<hbm>>) target_semaphore(%arg7 : memref<!tpu.dma_semaphore, #tpu.memory_space<semaphore_mem>>)
    %slice3A_352 = vector.extract_strided_slice %gather3A_271 {offsets = [5], sizes = [1], strides = [1]} : vector<16xi32> to vector<1xi32>
    %squeeze3A_353 = vector.extract %slice3A_352[0] : i32 from vector<1xi32>
    %add3A_354 = arith.constant 40 : i32
    %add3A_355 = arith.addi %squeeze3A_353, %add3A_354 : i32
    %add3A_356 = arith.constant 512 : i32
    %add3A_357 = arith.addi %add3A_356, %mul3A_2 : i32
    %add3A_358 = arith.constant 5 : i32
    %add3A_359 = arith.addi %add3A_357, %add3A_358 : i32
    %dma_start3A_360 = arith.constant 0 : i32
    %dma_start3A_361 = tpu.memref_slice %arg5[%add3A_355, %dma_start3A_360] : memref<128x768xf32, #tpu.memory_space<vmem>> -> memref<1x768xf32, #tpu.memory_space<vmem>>
    %dma_start3A_362 = arith.constant 0 : i32
    %dma_start3A_363 = tpu.memref_slice %arg4[%add3A_359, %dma_start3A_362] : memref<65536x768xf32, #tpu.memory_space<hbm>> -> memref<1x768xf32, #tpu.memory_space<hbm>>
    %dma_start3A_364 = arith.constant 0 : i32
    %dma_start3A_365 = tpu.memref_slice %arg4[%add3A_359, %dma_start3A_364] : memref<65536x768xf32, #tpu.memory_space<hbm>> -> memref<1x768xf32, #tpu.memory_space<hbm>>
    %dma_start3A_366 = arith.constant 0 : i32
    %dma_start3A_367 = tpu.memref_slice %arg5[%add3A_355, %dma_start3A_366] : memref<128x768xf32, #tpu.memory_space<vmem>> -> memref<1x768xf32, #tpu.memory_space<vmem>>
    tpu.enqueue_dma source(%dma_start3A_367 : memref<1x768xf32, #tpu.memory_space<vmem>>) target(%dma_start3A_365 : memref<1x768xf32, #tpu.memory_space<hbm>>) target_semaphore(%arg7 : memref<!tpu.dma_semaphore, #tpu.memory_space<semaphore_mem>>)
    %slice3A_368 = vector.extract_strided_slice %gather3A_271 {offsets = [6], sizes = [1], strides = [1]} : vector<16xi32> to vector<1xi32>
    %squeeze3A_369 = vector.extract %slice3A_368[0] : i32 from vector<1xi32>
    %add3A_370 = arith.constant 48 : i32
    %add3A_371 = arith.addi %squeeze3A_369, %add3A_370 : i32
    %add3A_372 = arith.constant 512 : i32
    %add3A_373 = arith.addi %add3A_372, %mul3A_2 : i32
    %add3A_374 = arith.constant 6 : i32
    %add3A_375 = arith.addi %add3A_373, %add3A_374 : i32
    %dma_start3A_376 = arith.constant 0 : i32
    %dma_start3A_377 = tpu.memref_slice %arg5[%add3A_371, %dma_start3A_376] : memref<128x768xf32, #tpu.memory_space<vmem>> -> memref<1x768xf32, #tpu.memory_space<vmem>>
    %dma_start3A_378 = arith.constant 0 : i32
    %dma_start3A_379 = tpu.memref_slice %arg4[%add3A_375, %dma_start3A_378] : memref<65536x768xf32, #tpu.memory_space<hbm>> -> memref<1x768xf32, #tpu.memory_space<hbm>>
    %dma_start3A_380 = arith.constant 0 : i32
    %dma_start3A_381 = tpu.memref_slice %arg4[%add3A_375, %dma_start3A_380] : memref<65536x768xf32, #tpu.memory_space<hbm>> -> memref<1x768xf32, #tpu.memory_space<hbm>>
    %dma_start3A_382 = arith.constant 0 : i32
    %dma_start3A_383 = tpu.memref_slice %arg5[%add3A_371, %dma_start3A_382] : memref<128x768xf32, #tpu.memory_space<vmem>> -> memref<1x768xf32, #tpu.memory_space<vmem>>
    tpu.enqueue_dma source(%dma_start3A_383 : memref<1x768xf32, #tpu.memory_space<vmem>>) target(%dma_start3A_381 : memref<1x768xf32, #tpu.memory_space<hbm>>) target_semaphore(%arg7 : memref<!tpu.dma_semaphore, #tpu.memory_space<semaphore_mem>>)
    %slice3A_384 = vector.extract_strided_slice %gather3A_271 {offsets = [7], sizes = [1], strides = [1]} : vector<16xi32> to vector<1xi32>
    %squeeze3A_385 = vector.extract %slice3A_384[0] : i32 from vector<1xi32>
    %add3A_386 = arith.constant 56 : i32
    %add3A_387 = arith.addi %squeeze3A_385, %add3A_386 : i32
    %add3A_388 = arith.constant 512 : i32
    %add3A_389 = arith.addi %add3A_388, %mul3A_2 : i32
    %add3A_390 = arith.constant 7 : i32
    %add3A_391 = arith.addi %add3A_389, %add3A_390 : i32
    %dma_start3A_392 = arith.constant 0 : i32
    %dma_start3A_393 = tpu.memref_slice %arg5[%add3A_387, %dma_start3A_392] : memref<128x768xf32, #tpu.memory_space<vmem>> -> memref<1x768xf32, #tpu.memory_space<vmem>>
    %dma_start3A_394 = arith.constant 0 : i32
    %dma_start3A_395 = tpu.memref_slice %arg4[%add3A_391, %dma_start3A_394] : memref<65536x768xf32, #tpu.memory_space<hbm>> -> memref<1x768xf32, #tpu.memory_space<hbm>>
    %dma_start3A_396 = arith.constant 0 : i32
    %dma_start3A_397 = tpu.memref_slice %arg4[%add3A_391, %dma_start3A_396] : memref<65536x768xf32, #tpu.memory_space<hbm>> -> memref<1x768xf32, #tpu.memory_space<hbm>>
    %dma_start3A_398 = arith.constant 0 : i32
    %dma_start3A_399 = tpu.memref_slice %arg5[%add3A_387, %dma_start3A_398] : memref<128x768xf32, #tpu.memory_space<vmem>> -> memref<1x768xf32, #tpu.memory_space<vmem>>
    tpu.enqueue_dma source(%dma_start3A_399 : memref<1x768xf32, #tpu.memory_space<vmem>>) target(%dma_start3A_397 : memref<1x768xf32, #tpu.memory_space<hbm>>) target_semaphore(%arg7 : memref<!tpu.dma_semaphore, #tpu.memory_space<semaphore_mem>>)
    %slice3A_400 = vector.extract_strided_slice %gather3A_271 {offsets = [8], sizes = [1], strides = [1]} : vector<16xi32> to vector<1xi32>
    %squeeze3A_401 = vector.extract %slice3A_400[0] : i32 from vector<1xi32>
    %add3A_402 = arith.constant 64 : i32
    %add3A_403 = arith.addi %squeeze3A_401, %add3A_402 : i32
    %add3A_404 = arith.constant 512 : i32
    %add3A_405 = arith.addi %add3A_404, %mul3A_2 : i32
    %add3A_406 = arith.constant 8 : i32
    %add3A_407 = arith.addi %add3A_405, %add3A_406 : i32
    %dma_start3A_408 = arith.constant 0 : i32
    %dma_start3A_409 = tpu.memref_slice %arg5[%add3A_403, %dma_start3A_408] : memref<128x768xf32, #tpu.memory_space<vmem>> -> memref<1x768xf32, #tpu.memory_space<vmem>>
    %dma_start3A_410 = arith.constant 0 : i32
    %dma_start3A_411 = tpu.memref_slice %arg4[%add3A_407, %dma_start3A_410] : memref<65536x768xf32, #tpu.memory_space<hbm>> -> memref<1x768xf32, #tpu.memory_space<hbm>>
    %dma_start3A_412 = arith.constant 0 : i32
    %dma_start3A_413 = tpu.memref_slice %arg4[%add3A_407, %dma_start3A_412] : memref<65536x768xf32, #tpu.memory_space<hbm>> -> memref<1x768xf32, #tpu.memory_space<hbm>>
    %dma_start3A_414 = arith.constant 0 : i32
    %dma_start3A_415 = tpu.memref_slice %arg5[%add3A_403, %dma_start3A_414] : memref<128x768xf32, #tpu.memory_space<vmem>> -> memref<1x768xf32, #tpu.memory_space<vmem>>
    tpu.enqueue_dma source(%dma_start3A_415 : memref<1x768xf32, #tpu.memory_space<vmem>>) target(%dma_start3A_413 : memref<1x768xf32, #tpu.memory_space<hbm>>) target_semaphore(%arg7 : memref<!tpu.dma_semaphore, #tpu.memory_space<semaphore_mem>>)
    %slice3A_416 = vector.extract_strided_slice %gather3A_271 {offsets = [9], sizes = [1], strides = [1]} : vector<16xi32> to vector<1xi32>
    %squeeze3A_417 = vector.extract %slice3A_416[0] : i32 from vector<1xi32>
    %add3A_418 = arith.constant 72 : i32
    %add3A_419 = arith.addi %squeeze3A_417, %add3A_418 : i32
    %add3A_420 = arith.constant 512 : i32
    %add3A_421 = arith.addi %add3A_420, %mul3A_2 : i32
    %add3A_422 = arith.constant 9 : i32
    %add3A_423 = arith.addi %add3A_421, %add3A_422 : i32
    %dma_start3A_424 = arith.constant 0 : i32
    %dma_start3A_425 = tpu.memref_slice %arg5[%add3A_419, %dma_start3A_424] : memref<128x768xf32, #tpu.memory_space<vmem>> -> memref<1x768xf32, #tpu.memory_space<vmem>>
    %dma_start3A_426 = arith.constant 0 : i32
    %dma_start3A_427 = tpu.memref_slice %arg4[%add3A_423, %dma_start3A_426] : memref<65536x768xf32, #tpu.memory_space<hbm>> -> memref<1x768xf32, #tpu.memory_space<hbm>>
    %dma_start3A_428 = arith.constant 0 : i32
    %dma_start3A_429 = tpu.memref_slice %arg4[%add3A_423, %dma_start3A_428] : memref<65536x768xf32, #tpu.memory_space<hbm>> -> memref<1x768xf32, #tpu.memory_space<hbm>>
    %dma_start3A_430 = arith.constant 0 : i32
    %dma_start3A_431 = tpu.memref_slice %arg5[%add3A_419, %dma_start3A_430] : memref<128x768xf32, #tpu.memory_space<vmem>> -> memref<1x768xf32, #tpu.memory_space<vmem>>
    tpu.enqueue_dma source(%dma_start3A_431 : memref<1x768xf32, #tpu.memory_space<vmem>>) target(%dma_start3A_429 : memref<1x768xf32, #tpu.memory_space<hbm>>) target_semaphore(%arg7 : memref<!tpu.dma_semaphore, #tpu.memory_space<semaphore_mem>>)
    %slice3A_432 = vector.extract_strided_slice %gather3A_271 {offsets = [10], sizes = [1], strides = [1]} : vector<16xi32> to vector<1xi32>
    %squeeze3A_433 = vector.extract %slice3A_432[0] : i32 from vector<1xi32>
    %add3A_434 = arith.constant 80 : i32
    %add3A_435 = arith.addi %squeeze3A_433, %add3A_434 : i32
    %add3A_436 = arith.constant 512 : i32
    %add3A_437 = arith.addi %add3A_436, %mul3A_2 : i32
    %add3A_438 = arith.constant 10 : i32
    %add3A_439 = arith.addi %add3A_437, %add3A_438 : i32
    %dma_start3A_440 = arith.constant 0 : i32
    %dma_start3A_441 = tpu.memref_slice %arg5[%add3A_435, %dma_start3A_440] : memref<128x768xf32, #tpu.memory_space<vmem>> -> memref<1x768xf32, #tpu.memory_space<vmem>>
    %dma_start3A_442 = arith.constant 0 : i32
    %dma_start3A_443 = tpu.memref_slice %arg4[%add3A_439, %dma_start3A_442] : memref<65536x768xf32, #tpu.memory_space<hbm>> -> memref<1x768xf32, #tpu.memory_space<hbm>>
    %dma_start3A_444 = arith.constant 0 : i32
    %dma_start3A_445 = tpu.memref_slice %arg4[%add3A_439, %dma_start3A_444] : memref<65536x768xf32, #tpu.memory_space<hbm>> -> memref<1x768xf32, #tpu.memory_space<hbm>>
    %dma_start3A_446 = arith.constant 0 : i32
    %dma_start3A_447 = tpu.memref_slice %arg5[%add3A_435, %dma_start3A_446] : memref<128x768xf32, #tpu.memory_space<vmem>> -> memref<1x768xf32, #tpu.memory_space<vmem>>
    tpu.enqueue_dma source(%dma_start3A_447 : memref<1x768xf32, #tpu.memory_space<vmem>>) target(%dma_start3A_445 : memref<1x768xf32, #tpu.memory_space<hbm>>) target_semaphore(%arg7 : memref<!tpu.dma_semaphore, #tpu.memory_space<semaphore_mem>>)
    %slice3A_448 = vector.extract_strided_slice %gather3A_271 {offsets = [11], sizes = [1], strides = [1]} : vector<16xi32> to vector<1xi32>
    %squeeze3A_449 = vector.extract %slice3A_448[0] : i32 from vector<1xi32>
    %add3A_450 = arith.constant 88 : i32
    %add3A_451 = arith.addi %squeeze3A_449, %add3A_450 : i32
    %add3A_452 = arith.constant 512 : i32
    %add3A_453 = arith.addi %add3A_452, %mul3A_2 : i32
    %add3A_454 = arith.constant 11 : i32
    %add3A_455 = arith.addi %add3A_453, %add3A_454 : i32
    %dma_start3A_456 = arith.constant 0 : i32
    %dma_start3A_457 = tpu.memref_slice %arg5[%add3A_451, %dma_start3A_456] : memref<128x768xf32, #tpu.memory_space<vmem>> -> memref<1x768xf32, #tpu.memory_space<vmem>>
    %dma_start3A_458 = arith.constant 0 : i32
    %dma_start3A_459 = tpu.memref_slice %arg4[%add3A_455, %dma_start3A_458] : memref<65536x768xf32, #tpu.memory_space<hbm>> -> memref<1x768xf32, #tpu.memory_space<hbm>>
    %dma_start3A_460 = arith.constant 0 : i32
    %dma_start3A_461 = tpu.memref_slice %arg4[%add3A_455, %dma_start3A_460] : memref<65536x768xf32, #tpu.memory_space<hbm>> -> memref<1x768xf32, #tpu.memory_space<hbm>>
    %dma_start3A_462 = arith.constant 0 : i32
    %dma_start3A_463 = tpu.memref_slice %arg5[%add3A_451, %dma_start3A_462] : memref<128x768xf32, #tpu.memory_space<vmem>> -> memref<1x768xf32, #tpu.memory_space<vmem>>
    tpu.enqueue_dma source(%dma_start3A_463 : memref<1x768xf32, #tpu.memory_space<vmem>>) target(%dma_start3A_461 : memref<1x768xf32, #tpu.memory_space<hbm>>) target_semaphore(%arg7 : memref<!tpu.dma_semaphore, #tpu.memory_space<semaphore_mem>>)
    %slice3A_464 = vector.extract_strided_slice %gather3A_271 {offsets = [12], sizes = [1], strides = [1]} : vector<16xi32> to vector<1xi32>
    %squeeze3A_465 = vector.extract %slice3A_464[0] : i32 from vector<1xi32>
    %add3A_466 = arith.constant 96 : i32
    %add3A_467 = arith.addi %squeeze3A_465, %add3A_466 : i32
    %add3A_468 = arith.constant 512 : i32
    %add3A_469 = arith.addi %add3A_468, %mul3A_2 : i32
    %add3A_470 = arith.constant 12 : i32
    %add3A_471 = arith.addi %add3A_469, %add3A_470 : i32
    %dma_start3A_472 = arith.constant 0 : i32
    %dma_start3A_473 = tpu.memref_slice %arg5[%add3A_467, %dma_start3A_472] : memref<128x768xf32, #tpu.memory_space<vmem>> -> memref<1x768xf32, #tpu.memory_space<vmem>>
    %dma_start3A_474 = arith.constant 0 : i32
    %dma_start3A_475 = tpu.memref_slice %arg4[%add3A_471, %dma_start3A_474] : memref<65536x768xf32, #tpu.memory_space<hbm>> -> memref<1x768xf32, #tpu.memory_space<hbm>>
    %dma_start3A_476 = arith.constant 0 : i32
    %dma_start3A_477 = tpu.memref_slice %arg4[%add3A_471, %dma_start3A_476] : memref<65536x768xf32, #tpu.memory_space<hbm>> -> memref<1x768xf32, #tpu.memory_space<hbm>>
    %dma_start3A_478 = arith.constant 0 : i32
    %dma_start3A_479 = tpu.memref_slice %arg5[%add3A_467, %dma_start3A_478] : memref<128x768xf32, #tpu.memory_space<vmem>> -> memref<1x768xf32, #tpu.memory_space<vmem>>
    tpu.enqueue_dma source(%dma_start3A_479 : memref<1x768xf32, #tpu.memory_space<vmem>>) target(%dma_start3A_477 : memref<1x768xf32, #tpu.memory_space<hbm>>) target_semaphore(%arg7 : memref<!tpu.dma_semaphore, #tpu.memory_space<semaphore_mem>>)
    %slice3A_480 = vector.extract_strided_slice %gather3A_271 {offsets = [13], sizes = [1], strides = [1]} : vector<16xi32> to vector<1xi32>
    %squeeze3A_481 = vector.extract %slice3A_480[0] : i32 from vector<1xi32>
    %add3A_482 = arith.constant 104 : i32
    %add3A_483 = arith.addi %squeeze3A_481, %add3A_482 : i32
    %add3A_484 = arith.constant 512 : i32
    %add3A_485 = arith.addi %add3A_484, %mul3A_2 : i32
    %add3A_486 = arith.constant 13 : i32
    %add3A_487 = arith.addi %add3A_485, %add3A_486 : i32
    %dma_start3A_488 = arith.constant 0 : i32
    %dma_start3A_489 = tpu.memref_slice %arg5[%add3A_483, %dma_start3A_488] : memref<128x768xf32, #tpu.memory_space<vmem>> -> memref<1x768xf32, #tpu.memory_space<vmem>>
    %dma_start3A_490 = arith.constant 0 : i32
    %dma_start3A_491 = tpu.memref_slice %arg4[%add3A_487, %dma_start3A_490] : memref<65536x768xf32, #tpu.memory_space<hbm>> -> memref<1x768xf32, #tpu.memory_space<hbm>>
    %dma_start3A_492 = arith.constant 0 : i32
    %dma_start3A_493 = tpu.memref_slice %arg4[%add3A_487, %dma_start3A_492] : memref<65536x768xf32, #tpu.memory_space<hbm>> -> memref<1x768xf32, #tpu.memory_space<hbm>>
    %dma_start3A_494 = arith.constant 0 : i32
    %dma_start3A_495 = tpu.memref_slice %arg5[%add3A_483, %dma_start3A_494] : memref<128x768xf32, #tpu.memory_space<vmem>> -> memref<1x768xf32, #tpu.memory_space<vmem>>
    tpu.enqueue_dma source(%dma_start3A_495 : memref<1x768xf32, #tpu.memory_space<vmem>>) target(%dma_start3A_493 : memref<1x768xf32, #tpu.memory_space<hbm>>) target_semaphore(%arg7 : memref<!tpu.dma_semaphore, #tpu.memory_space<semaphore_mem>>)
    %slice3A_496 = vector.extract_strided_slice %gather3A_271 {offsets = [14], sizes = [1], strides = [1]} : vector<16xi32> to vector<1xi32>
    %squeeze3A_497 = vector.extract %slice3A_496[0] : i32 from vector<1xi32>
    %add3A_498 = arith.constant 112 : i32
    %add3A_499 = arith.addi %squeeze3A_497, %add3A_498 : i32
    %add3A_500 = arith.constant 512 : i32
    %add3A_501 = arith.addi %add3A_500, %mul3A_2 : i32
    %add3A_502 = arith.constant 14 : i32
    %add3A_503 = arith.addi %add3A_501, %add3A_502 : i32
    %dma_start3A_504 = arith.constant 0 : i32
    %dma_start3A_505 = tpu.memref_slice %arg5[%add3A_499, %dma_start3A_504] : memref<128x768xf32, #tpu.memory_space<vmem>> -> memref<1x768xf32, #tpu.memory_space<vmem>>
    %dma_start3A_506 = arith.constant 0 : i32
    %dma_start3A_507 = tpu.memref_slice %arg4[%add3A_503, %dma_start3A_506] : memref<65536x768xf32, #tpu.memory_space<hbm>> -> memref<1x768xf32, #tpu.memory_space<hbm>>
    %dma_start3A_508 = arith.constant 0 : i32
    %dma_start3A_509 = tpu.memref_slice %arg4[%add3A_503, %dma_start3A_508] : memref<65536x768xf32, #tpu.memory_space<hbm>> -> memref<1x768xf32, #tpu.memory_space<hbm>>
    %dma_start3A_510 = arith.constant 0 : i32
    %dma_start3A_511 = tpu.memref_slice %arg5[%add3A_499, %dma_start3A_510] : memref<128x768xf32, #tpu.memory_space<vmem>> -> memref<1x768xf32, #tpu.memory_space<vmem>>
    tpu.enqueue_dma source(%dma_start3A_511 : memref<1x768xf32, #tpu.memory_space<vmem>>) target(%dma_start3A_509 : memref<1x768xf32, #tpu.memory_space<hbm>>) target_semaphore(%arg7 : memref<!tpu.dma_semaphore, #tpu.memory_space<semaphore_mem>>)
    %slice3A_512 = vector.extract_strided_slice %gather3A_271 {offsets = [15], sizes = [1], strides = [1]} : vector<16xi32> to vector<1xi32>
    %squeeze3A_513 = vector.extract %slice3A_512[0] : i32 from vector<1xi32>
    %add3A_514 = arith.constant 120 : i32
    %add3A_515 = arith.addi %squeeze3A_513, %add3A_514 : i32
    %add3A_516 = arith.constant 512 : i32
    %add3A_517 = arith.addi %add3A_516, %mul3A_2 : i32
    %add3A_518 = arith.constant 15 : i32
    %add3A_519 = arith.addi %add3A_517, %add3A_518 : i32
    %dma_start3A_520 = arith.constant 0 : i32
    %dma_start3A_521 = tpu.memref_slice %arg5[%add3A_515, %dma_start3A_520] : memref<128x768xf32, #tpu.memory_space<vmem>> -> memref<1x768xf32, #tpu.memory_space<vmem>>
    %dma_start3A_522 = arith.constant 0 : i32
    %dma_start3A_523 = tpu.memref_slice %arg4[%add3A_519, %dma_start3A_522] : memref<65536x768xf32, #tpu.memory_space<hbm>> -> memref<1x768xf32, #tpu.memory_space<hbm>>
    %dma_start3A_524 = arith.constant 0 : i32
    %dma_start3A_525 = tpu.memref_slice %arg4[%add3A_519, %dma_start3A_524] : memref<65536x768xf32, #tpu.memory_space<hbm>> -> memref<1x768xf32, #tpu.memory_space<hbm>>
    %dma_start3A_526 = arith.constant 0 : i32
    %dma_start3A_527 = tpu.memref_slice %arg5[%add3A_515, %dma_start3A_526] : memref<128x768xf32, #tpu.memory_space<vmem>> -> memref<1x768xf32, #tpu.memory_space<vmem>>
    tpu.enqueue_dma source(%dma_start3A_527 : memref<1x768xf32, #tpu.memory_space<vmem>>) target(%dma_start3A_525 : memref<1x768xf32, #tpu.memory_space<hbm>>) target_semaphore(%arg7 : memref<!tpu.dma_semaphore, #tpu.memory_space<semaphore_mem>>)
    %add3A_528 = arith.constant 2 : i32
    %add3A_529 = vector.broadcast %add3A_528 : i32 to vector<16xi32>
    %add3A_530 = arith.addi %mul3A_11, %add3A_529 : vector<16xi32>
    %gather3A_531 = tpu.vector_load_idx %arg6[%add3A_530] : memref<2048xi32, #tpu.memory_space<vmem>>[vector<16xi32>], vector<16xi32>,
    %slice3A_532 = vector.extract_strided_slice %gather3A_531 {offsets = [0], sizes = [1], strides = [1]} : vector<16xi32> to vector<1xi32>
    %squeeze3A_533 = vector.extract %slice3A_532[0] : i32 from vector<1xi32>
    %add3A_534 = arith.constant 0 : i32
    %add3A_535 = arith.addi %squeeze3A_533, %add3A_534 : i32
    %add3A_536 = arith.constant 1024 : i32
    %add3A_537 = arith.addi %add3A_536, %mul3A_2 : i32
    %add3A_538 = arith.constant 0 : i32
    %add3A_539 = arith.addi %add3A_537, %add3A_538 : i32
    %dma_start3A_540 = arith.constant 0 : i32
    %dma_start3A_541 = tpu.memref_slice %arg5[%add3A_535, %dma_start3A_540] : memref<128x768xf32, #tpu.memory_space<vmem>> -> memref<1x768xf32, #tpu.memory_space<vmem>>
    %dma_start3A_542 = arith.constant 0 : i32
    %dma_start3A_543 = tpu.memref_slice %arg4[%add3A_539, %dma_start3A_542] : memref<65536x768xf32, #tpu.memory_space<hbm>> -> memref<1x768xf32, #tpu.memory_space<hbm>>
    %dma_start3A_544 = arith.constant 0 : i32
    %dma_start3A_545 = tpu.memref_slice %arg4[%add3A_539, %dma_start3A_544] : memref<65536x768xf32, #tpu.memory_space<hbm>> -> memref<1x768xf32, #tpu.memory_space<hbm>>
    %dma_start3A_546 = arith.constant 0 : i32
    %dma_start3A_547 = tpu.memref_slice %arg5[%add3A_535, %dma_start3A_546] : memref<128x768xf32, #tpu.memory_space<vmem>> -> memref<1x768xf32, #tpu.memory_space<vmem>>
    tpu.enqueue_dma source(%dma_start3A_547 : memref<1x768xf32, #tpu.memory_space<vmem>>) target(%dma_start3A_545 : memref<1x768xf32, #tpu.memory_space<hbm>>) target_semaphore(%arg7 : memref<!tpu.dma_semaphore, #tpu.memory_space<semaphore_mem>>)
    %slice3A_548 = vector.extract_strided_slice %gather3A_531 {offsets = [1], sizes = [1], strides = [1]} : vector<16xi32> to vector<1xi32>
    %squeeze3A_549 = vector.extract %slice3A_548[0] : i32 from vector<1xi32>
    %add3A_550 = arith.constant 8 : i32
    %add3A_551 = arith.addi %squeeze3A_549, %add3A_550 : i32
    %add3A_552 = arith.constant 1024 : i32
    %add3A_553 = arith.addi %add3A_552, %mul3A_2 : i32
    %add3A_554 = arith.constant 1 : i32
    %add3A_555 = arith.addi %add3A_553, %add3A_554 : i32
    %dma_start3A_556 = arith.constant 0 : i32
    %dma_start3A_557 = tpu.memref_slice %arg5[%add3A_551, %dma_start3A_556] : memref<128x768xf32, #tpu.memory_space<vmem>> -> memref<1x768xf32, #tpu.memory_space<vmem>>
    %dma_start3A_558 = arith.constant 0 : i32
    %dma_start3A_559 = tpu.memref_slice %arg4[%add3A_555, %dma_start3A_558] : memref<65536x768xf32, #tpu.memory_space<hbm>> -> memref<1x768xf32, #tpu.memory_space<hbm>>
    %dma_start3A_560 = arith.constant 0 : i32
    %dma_start3A_561 = tpu.memref_slice %arg4[%add3A_555, %dma_start3A_560] : memref<65536x768xf32, #tpu.memory_space<hbm>> -> memref<1x768xf32, #tpu.memory_space<hbm>>
    %dma_start3A_562 = arith.constant 0 : i32
    %dma_start3A_563 = tpu.memref_slice %arg5[%add3A_551, %dma_start3A_562] : memref<128x768xf32, #tpu.memory_space<vmem>> -> memref<1x768xf32, #tpu.memory_space<vmem>>
    tpu.enqueue_dma source(%dma_start3A_563 : memref<1x768xf32, #tpu.memory_space<vmem>>) target(%dma_start3A_561 : memref<1x768xf32, #tpu.memory_space<hbm>>) target_semaphore(%arg7 : memref<!tpu.dma_semaphore, #tpu.memory_space<semaphore_mem>>)
    %slice3A_564 = vector.extract_strided_slice %gather3A_531 {offsets = [2], sizes = [1], strides = [1]} : vector<16xi32> to vector<1xi32>
    %squeeze3A_565 = vector.extract %slice3A_564[0] : i32 from vector<1xi32>
    %add3A_566 = arith.constant 16 : i32
    %add3A_567 = arith.addi %squeeze3A_565, %add3A_566 : i32
    %add3A_568 = arith.constant 1024 : i32
    %add3A_569 = arith.addi %add3A_568, %mul3A_2 : i32
    %add3A_570 = arith.constant 2 : i32
    %add3A_571 = arith.addi %add3A_569, %add3A_570 : i32
    %dma_start3A_572 = arith.constant 0 : i32
    %dma_start3A_573 = tpu.memref_slice %arg5[%add3A_567, %dma_start3A_572] : memref<128x768xf32, #tpu.memory_space<vmem>> -> memref<1x768xf32, #tpu.memory_space<vmem>>
    %dma_start3A_574 = arith.constant 0 : i32
    %dma_start3A_575 = tpu.memref_slice %arg4[%add3A_571, %dma_start3A_574] : memref<65536x768xf32, #tpu.memory_space<hbm>> -> memref<1x768xf32, #tpu.memory_space<hbm>>
    %dma_start3A_576 = arith.constant 0 : i32
    %dma_start3A_577 = tpu.memref_slice %arg4[%add3A_571, %dma_start3A_576] : memref<65536x768xf32, #tpu.memory_space<hbm>> -> memref<1x768xf32, #tpu.memory_space<hbm>>
    %dma_start3A_578 = arith.constant 0 : i32
    %dma_start3A_579 = tpu.memref_slice %arg5[%add3A_567, %dma_start3A_578] : memref<128x768xf32, #tpu.memory_space<vmem>> -> memref<1x768xf32, #tpu.memory_space<vmem>>
    tpu.enqueue_dma source(%dma_start3A_579 : memref<1x768xf32, #tpu.memory_space<vmem>>) target(%dma_start3A_577 : memref<1x768xf32, #tpu.memory_space<hbm>>) target_semaphore(%arg7 : memref<!tpu.dma_semaphore, #tpu.memory_space<semaphore_mem>>)
    %slice3A_580 = vector.extract_strided_slice %gather3A_531 {offsets = [3], sizes = [1], strides = [1]} : vector<16xi32> to vector<1xi32>
    %squeeze3A_581 = vector.extract %slice3A_580[0] : i32 from vector<1xi32>
    %add3A_582 = arith.constant 24 : i32
    %add3A_583 = arith.addi %squeeze3A_581, %add3A_582 : i32
    %add3A_584 = arith.constant 1024 : i32
    %add3A_585 = arith.addi %add3A_584, %mul3A_2 : i32
    %add3A_586 = arith.constant 3 : i32
    %add3A_587 = arith.addi %add3A_585, %add3A_586 : i32
    %dma_start3A_588 = arith.constant 0 : i32
    %dma_start3A_589 = tpu.memref_slice %arg5[%add3A_583, %dma_start3A_588] : memref<128x768xf32, #tpu.memory_space<vmem>> -> memref<1x768xf32, #tpu.memory_space<vmem>>
    %dma_start3A_590 = arith.constant 0 : i32
    %dma_start3A_591 = tpu.memref_slice %arg4[%add3A_587, %dma_start3A_590] : memref<65536x768xf32, #tpu.memory_space<hbm>> -> memref<1x768xf32, #tpu.memory_space<hbm>>
    %dma_start3A_592 = arith.constant 0 : i32
    %dma_start3A_593 = tpu.memref_slice %arg4[%add3A_587, %dma_start3A_592] : memref<65536x768xf32, #tpu.memory_space<hbm>> -> memref<1x768xf32, #tpu.memory_space<hbm>>
    %dma_start3A_594 = arith.constant 0 : i32
    %dma_start3A_595 = tpu.memref_slice %arg5[%add3A_583, %dma_start3A_594] : memref<128x768xf32, #tpu.memory_space<vmem>> -> memref<1x768xf32, #tpu.memory_space<vmem>>
    tpu.enqueue_dma source(%dma_start3A_595 : memref<1x768xf32, #tpu.memory_space<vmem>>) target(%dma_start3A_593 : memref<1x768xf32, #tpu.memory_space<hbm>>) target_semaphore(%arg7 : memref<!tpu.dma_semaphore, #tpu.memory_space<semaphore_mem>>)
    %slice3A_596 = vector.extract_strided_slice %gather3A_531 {offsets = [4], sizes = [1], strides = [1]} : vector<16xi32> to vector<1xi32>
    %squeeze3A_597 = vector.extract %slice3A_596[0] : i32 from vector<1xi32>
    %add3A_598 = arith.constant 32 : i32
    %add3A_599 = arith.addi %squeeze3A_597, %add3A_598 : i32
    %add3A_600 = arith.constant 1024 : i32
    %add3A_601 = arith.addi %add3A_600, %mul3A_2 : i32
    %add3A_602 = arith.constant 4 : i32
    %add3A_603 = arith.addi %add3A_601, %add3A_602 : i32
    %dma_start3A_604 = arith.constant 0 : i32
    %dma_start3A_605 = tpu.memref_slice %arg5[%add3A_599, %dma_start3A_604] : memref<128x768xf32, #tpu.memory_space<vmem>> -> memref<1x768xf32, #tpu.memory_space<vmem>>
    %dma_start3A_606 = arith.constant 0 : i32
    %dma_start3A_607 = tpu.memref_slice %arg4[%add3A_603, %dma_start3A_606] : memref<65536x768xf32, #tpu.memory_space<hbm>> -> memref<1x768xf32, #tpu.memory_space<hbm>>
    %dma_start3A_608 = arith.constant 0 : i32
    %dma_start3A_609 = tpu.memref_slice %arg4[%add3A_603, %dma_start3A_608] : memref<65536x768xf32, #tpu.memory_space<hbm>> -> memref<1x768xf32, #tpu.memory_space<hbm>>
    %dma_start3A_610 = arith.constant 0 : i32
    %dma_start3A_611 = tpu.memref_slice %arg5[%add3A_599, %dma_start3A_610] : memref<128x768xf32, #tpu.memory_space<vmem>> -> memref<1x768xf32, #tpu.memory_space<vmem>>
    tpu.enqueue_dma source(%dma_start3A_611 : memref<1x768xf32, #tpu.memory_space<vmem>>) target(%dma_start3A_609 : memref<1x768xf32, #tpu.memory_space<hbm>>) target_semaphore(%arg7 : memref<!tpu.dma_semaphore, #tpu.memory_space<semaphore_mem>>)
    %slice3A_612 = vector.extract_strided_slice %gather3A_531 {offsets = [5], sizes = [1], strides = [1]} : vector<16xi32> to vector<1xi32>
    %squeeze3A_613 = vector.extract %slice3A_612[0] : i32 from vector<1xi32>
    %add3A_614 = arith.constant 40 : i32
    %add3A_615 = arith.addi %squeeze3A_613, %add3A_614 : i32
    %add3A_616 = arith.constant 1024 : i32
    %add3A_617 = arith.addi %add3A_616, %mul3A_2 : i32
    %add3A_618 = arith.constant 5 : i32
    %add3A_619 = arith.addi %add3A_617, %add3A_618 : i32
    %dma_start3A_620 = arith.constant 0 : i32
    %dma_start3A_621 = tpu.memref_slice %arg5[%add3A_615, %dma_start3A_620] : memref<128x768xf32, #tpu.memory_space<vmem>> -> memref<1x768xf32, #tpu.memory_space<vmem>>
    %dma_start3A_622 = arith.constant 0 : i32
    %dma_start3A_623 = tpu.memref_slice %arg4[%add3A_619, %dma_start3A_622] : memref<65536x768xf32, #tpu.memory_space<hbm>> -> memref<1x768xf32, #tpu.memory_space<hbm>>
    %dma_start3A_624 = arith.constant 0 : i32
    %dma_start3A_625 = tpu.memref_slice %arg4[%add3A_619, %dma_start3A_624] : memref<65536x768xf32, #tpu.memory_space<hbm>> -> memref<1x768xf32, #tpu.memory_space<hbm>>
    %dma_start3A_626 = arith.constant 0 : i32
    %dma_start3A_627 = tpu.memref_slice %arg5[%add3A_615, %dma_start3A_626] : memref<128x768xf32, #tpu.memory_space<vmem>> -> memref<1x768xf32, #tpu.memory_space<vmem>>
    tpu.enqueue_dma source(%dma_start3A_627 : memref<1x768xf32, #tpu.memory_space<vmem>>) target(%dma_start3A_625 : memref<1x768xf32, #tpu.memory_space<hbm>>) target_semaphore(%arg7 : memref<!tpu.dma_semaphore, #tpu.memory_space<semaphore_mem>>)
    %slice3A_628 = vector.extract_strided_slice %gather3A_531 {offsets = [6], sizes = [1], strides = [1]} : vector<16xi32> to vector<1xi32>
    %squeeze3A_629 = vector.extract %slice3A_628[0] : i32 from vector<1xi32>
    %add3A_630 = arith.constant 48 : i32
    %add3A_631 = arith.addi %squeeze3A_629, %add3A_630 : i32
    %add3A_632 = arith.constant 1024 : i32
    %add3A_633 = arith.addi %add3A_632, %mul3A_2 : i32
    %add3A_634 = arith.constant 6 : i32
    %add3A_635 = arith.addi %add3A_633, %add3A_634 : i32
    %dma_start3A_636 = arith.constant 0 : i32
    %dma_start3A_637 = tpu.memref_slice %arg5[%add3A_631, %dma_start3A_636] : memref<128x768xf32, #tpu.memory_space<vmem>> -> memref<1x768xf32, #tpu.memory_space<vmem>>
    %dma_start3A_638 = arith.constant 0 : i32
    %dma_start3A_639 = tpu.memref_slice %arg4[%add3A_635, %dma_start3A_638] : memref<65536x768xf32, #tpu.memory_space<hbm>> -> memref<1x768xf32, #tpu.memory_space<hbm>>
    %dma_start3A_640 = arith.constant 0 : i32
    %dma_start3A_641 = tpu.memref_slice %arg4[%add3A_635, %dma_start3A_640] : memref<65536x768xf32, #tpu.memory_space<hbm>> -> memref<1x768xf32, #tpu.memory_space<hbm>>
    %dma_start3A_642 = arith.constant 0 : i32
    %dma_start3A_643 = tpu.memref_slice %arg5[%add3A_631, %dma_start3A_642] : memref<128x768xf32, #tpu.memory_space<vmem>> -> memref<1x768xf32, #tpu.memory_space<vmem>>
    tpu.enqueue_dma source(%dma_start3A_643 : memref<1x768xf32, #tpu.memory_space<vmem>>) target(%dma_start3A_641 : memref<1x768xf32, #tpu.memory_space<hbm>>) target_semaphore(%arg7 : memref<!tpu.dma_semaphore, #tpu.memory_space<semaphore_mem>>)
    %slice3A_644 = vector.extract_strided_slice %gather3A_531 {offsets = [7], sizes = [1], strides = [1]} : vector<16xi32> to vector<1xi32>
    %squeeze3A_645 = vector.extract %slice3A_644[0] : i32 from vector<1xi32>
    %add3A_646 = arith.constant 56 : i32
    %add3A_647 = arith.addi %squeeze3A_645, %add3A_646 : i32
    %add3A_648 = arith.constant 1024 : i32
    %add3A_649 = arith.addi %add3A_648, %mul3A_2 : i32
    %add3A_650 = arith.constant 7 : i32
    %add3A_651 = arith.addi %add3A_649, %add3A_650 : i32
    %dma_start3A_652 = arith.constant 0 : i32
    %dma_start3A_653 = tpu.memref_slice %arg5[%add3A_647, %dma_start3A_652] : memref<128x768xf32, #tpu.memory_space<vmem>> -> memref<1x768xf32, #tpu.memory_space<vmem>>
    %dma_start3A_654 = arith.constant 0 : i32
    %dma_start3A_655 = tpu.memref_slice %arg4[%add3A_651, %dma_start3A_654] : memref<65536x768xf32, #tpu.memory_space<hbm>> -> memref<1x768xf32, #tpu.memory_space<hbm>>
    %dma_start3A_656 = arith.constant 0 : i32
    %dma_start3A_657 = tpu.memref_slice %arg4[%add3A_651, %dma_start3A_656] : memref<65536x768xf32, #tpu.memory_space<hbm>> -> memref<1x768xf32, #tpu.memory_space<hbm>>
    %dma_start3A_658 = arith.constant 0 : i32
    %dma_start3A_659 = tpu.memref_slice %arg5[%add3A_647, %dma_start3A_658] : memref<128x768xf32, #tpu.memory_space<vmem>> -> memref<1x768xf32, #tpu.memory_space<vmem>>
    tpu.enqueue_dma source(%dma_start3A_659 : memref<1x768xf32, #tpu.memory_space<vmem>>) target(%dma_start3A_657 : memref<1x768xf32, #tpu.memory_space<hbm>>) target_semaphore(%arg7 : memref<!tpu.dma_semaphore, #tpu.memory_space<semaphore_mem>>)
    %slice3A_660 = vector.extract_strided_slice %gather3A_531 {offsets = [8], sizes = [1], strides = [1]} : vector<16xi32> to vector<1xi32>
    %squeeze3A_661 = vector.extract %slice3A_660[0] : i32 from vector<1xi32>
    %add3A_662 = arith.constant 64 : i32
    %add3A_663 = arith.addi %squeeze3A_661, %add3A_662 : i32
    %add3A_664 = arith.constant 1024 : i32
    %add3A_665 = arith.addi %add3A_664, %mul3A_2 : i32
    %add3A_666 = arith.constant 8 : i32
    %add3A_667 = arith.addi %add3A_665, %add3A_666 : i32
    %dma_start3A_668 = arith.constant 0 : i32
    %dma_start3A_669 = tpu.memref_slice %arg5[%add3A_663, %dma_start3A_668] : memref<128x768xf32, #tpu.memory_space<vmem>> -> memref<1x768xf32, #tpu.memory_space<vmem>>
    %dma_start3A_670 = arith.constant 0 : i32
    %dma_start3A_671 = tpu.memref_slice %arg4[%add3A_667, %dma_start3A_670] : memref<65536x768xf32, #tpu.memory_space<hbm>> -> memref<1x768xf32, #tpu.memory_space<hbm>>
    %dma_start3A_672 = arith.constant 0 : i32
    %dma_start3A_673 = tpu.memref_slice %arg4[%add3A_667, %dma_start3A_672] : memref<65536x768xf32, #tpu.memory_space<hbm>> -> memref<1x768xf32, #tpu.memory_space<hbm>>
    %dma_start3A_674 = arith.constant 0 : i32
    %dma_start3A_675 = tpu.memref_slice %arg5[%add3A_663, %dma_start3A_674] : memref<128x768xf32, #tpu.memory_space<vmem>> -> memref<1x768xf32, #tpu.memory_space<vmem>>
    tpu.enqueue_dma source(%dma_start3A_675 : memref<1x768xf32, #tpu.memory_space<vmem>>) target(%dma_start3A_673 : memref<1x768xf32, #tpu.memory_space<hbm>>) target_semaphore(%arg7 : memref<!tpu.dma_semaphore, #tpu.memory_space<semaphore_mem>>)
    %slice3A_676 = vector.extract_strided_slice %gather3A_531 {offsets = [9], sizes = [1], strides = [1]} : vector<16xi32> to vector<1xi32>
    %squeeze3A_677 = vector.extract %slice3A_676[0] : i32 from vector<1xi32>
    %add3A_678 = arith.constant 72 : i32
    %add3A_679 = arith.addi %squeeze3A_677, %add3A_678 : i32
    %add3A_680 = arith.constant 1024 : i32
    %add3A_681 = arith.addi %add3A_680, %mul3A_2 : i32
    %add3A_682 = arith.constant 9 : i32
    %add3A_683 = arith.addi %add3A_681, %add3A_682 : i32
    %dma_start3A_684 = arith.constant 0 : i32
    %dma_start3A_685 = tpu.memref_slice %arg5[%add3A_679, %dma_start3A_684] : memref<128x768xf32, #tpu.memory_space<vmem>> -> memref<1x768xf32, #tpu.memory_space<vmem>>
    %dma_start3A_686 = arith.constant 0 : i32
    %dma_start3A_687 = tpu.memref_slice %arg4[%add3A_683, %dma_start3A_686] : memref<65536x768xf32, #tpu.memory_space<hbm>> -> memref<1x768xf32, #tpu.memory_space<hbm>>
    %dma_start3A_688 = arith.constant 0 : i32
    %dma_start3A_689 = tpu.memref_slice %arg4[%add3A_683, %dma_start3A_688] : memref<65536x768xf32, #tpu.memory_space<hbm>> -> memref<1x768xf32, #tpu.memory_space<hbm>>
    %dma_start3A_690 = arith.constant 0 : i32
    %dma_start3A_691 = tpu.memref_slice %arg5[%add3A_679, %dma_start3A_690] : memref<128x768xf32, #tpu.memory_space<vmem>> -> memref<1x768xf32, #tpu.memory_space<vmem>>
    tpu.enqueue_dma source(%dma_start3A_691 : memref<1x768xf32, #tpu.memory_space<vmem>>) target(%dma_start3A_689 : memref<1x768xf32, #tpu.memory_space<hbm>>) target_semaphore(%arg7 : memref<!tpu.dma_semaphore, #tpu.memory_space<semaphore_mem>>)
    %slice3A_692 = vector.extract_strided_slice %gather3A_531 {offsets = [10], sizes = [1], strides = [1]} : vector<16xi32> to vector<1xi32>
    %squeeze3A_693 = vector.extract %slice3A_692[0] : i32 from vector<1xi32>
    %add3A_694 = arith.constant 80 : i32
    %add3A_695 = arith.addi %squeeze3A_693, %add3A_694 : i32
    %add3A_696 = arith.constant 1024 : i32
    %add3A_697 = arith.addi %add3A_696, %mul3A_2 : i32
    %add3A_698 = arith.constant 10 : i32
    %add3A_699 = arith.addi %add3A_697, %add3A_698 : i32
    %dma_start3A_700 = arith.constant 0 : i32
    %dma_start3A_701 = tpu.memref_slice %arg5[%add3A_695, %dma_start3A_700] : memref<128x768xf32, #tpu.memory_space<vmem>> -> memref<1x768xf32, #tpu.memory_space<vmem>>
    %dma_start3A_702 = arith.constant 0 : i32
    %dma_start3A_703 = tpu.memref_slice %arg4[%add3A_699, %dma_start3A_702] : memref<65536x768xf32, #tpu.memory_space<hbm>> -> memref<1x768xf32, #tpu.memory_space<hbm>>
    %dma_start3A_704 = arith.constant 0 : i32
    %dma_start3A_705 = tpu.memref_slice %arg4[%add3A_699, %dma_start3A_704] : memref<65536x768xf32, #tpu.memory_space<hbm>> -> memref<1x768xf32, #tpu.memory_space<hbm>>
    %dma_start3A_706 = arith.constant 0 : i32
    %dma_start3A_707 = tpu.memref_slice %arg5[%add3A_695, %dma_start3A_706] : memref<128x768xf32, #tpu.memory_space<vmem>> -> memref<1x768xf32, #tpu.memory_space<vmem>>
    tpu.enqueue_dma source(%dma_start3A_707 : memref<1x768xf32, #tpu.memory_space<vmem>>) target(%dma_start3A_705 : memref<1x768xf32, #tpu.memory_space<hbm>>) target_semaphore(%arg7 : memref<!tpu.dma_semaphore, #tpu.memory_space<semaphore_mem>>)
    %slice3A_708 = vector.extract_strided_slice %gather3A_531 {offsets = [11], sizes = [1], strides = [1]} : vector<16xi32> to vector<1xi32>
    %squeeze3A_709 = vector.extract %slice3A_708[0] : i32 from vector<1xi32>
    %add3A_710 = arith.constant 88 : i32
    %add3A_711 = arith.addi %squeeze3A_709, %add3A_710 : i32
    %add3A_712 = arith.constant 1024 : i32
    %add3A_713 = arith.addi %add3A_712, %mul3A_2 : i32
    %add3A_714 = arith.constant 11 : i32
    %add3A_715 = arith.addi %add3A_713, %add3A_714 : i32
    %dma_start3A_716 = arith.constant 0 : i32
    %dma_start3A_717 = tpu.memref_slice %arg5[%add3A_711, %dma_start3A_716] : memref<128x768xf32, #tpu.memory_space<vmem>> -> memref<1x768xf32, #tpu.memory_space<vmem>>
    %dma_start3A_718 = arith.constant 0 : i32
    %dma_start3A_719 = tpu.memref_slice %arg4[%add3A_715, %dma_start3A_718] : memref<65536x768xf32, #tpu.memory_space<hbm>> -> memref<1x768xf32, #tpu.memory_space<hbm>>
    %dma_start3A_720 = arith.constant 0 : i32
    %dma_start3A_721 = tpu.memref_slice %arg4[%add3A_715, %dma_start3A_720] : memref<65536x768xf32, #tpu.memory_space<hbm>> -> memref<1x768xf32, #tpu.memory_space<hbm>>
    %dma_start3A_722 = arith.constant 0 : i32
    %dma_start3A_723 = tpu.memref_slice %arg5[%add3A_711, %dma_start3A_722] : memref<128x768xf32, #tpu.memory_space<vmem>> -> memref<1x768xf32, #tpu.memory_space<vmem>>
    tpu.enqueue_dma source(%dma_start3A_723 : memref<1x768xf32, #tpu.memory_space<vmem>>) target(%dma_start3A_721 : memref<1x768xf32, #tpu.memory_space<hbm>>) target_semaphore(%arg7 : memref<!tpu.dma_semaphore, #tpu.memory_space<semaphore_mem>>)
    %slice3A_724 = vector.extract_strided_slice %gather3A_531 {offsets = [12], sizes = [1], strides = [1]} : vector<16xi32> to vector<1xi32>
    %squeeze3A_725 = vector.extract %slice3A_724[0] : i32 from vector<1xi32>
    %add3A_726 = arith.constant 96 : i32
    %add3A_727 = arith.addi %squeeze3A_725, %add3A_726 : i32
    %add3A_728 = arith.constant 1024 : i32
    %add3A_729 = arith.addi %add3A_728, %mul3A_2 : i32
    %add3A_730 = arith.constant 12 : i32
    %add3A_731 = arith.addi %add3A_729, %add3A_730 : i32
    %dma_start3A_732 = arith.constant 0 : i32
    %dma_start3A_733 = tpu.memref_slice %arg5[%add3A_727, %dma_start3A_732] : memref<128x768xf32, #tpu.memory_space<vmem>> -> memref<1x768xf32, #tpu.memory_space<vmem>>
    %dma_start3A_734 = arith.constant 0 : i32
    %dma_start3A_735 = tpu.memref_slice %arg4[%add3A_731, %dma_start3A_734] : memref<65536x768xf32, #tpu.memory_space<hbm>> -> memref<1x768xf32, #tpu.memory_space<hbm>>
    %dma_start3A_736 = arith.constant 0 : i32
    %dma_start3A_737 = tpu.memref_slice %arg4[%add3A_731, %dma_start3A_736] : memref<65536x768xf32, #tpu.memory_space<hbm>> -> memref<1x768xf32, #tpu.memory_space<hbm>>
    %dma_start3A_738 = arith.constant 0 : i32
    %dma_start3A_739 = tpu.memref_slice %arg5[%add3A_727, %dma_start3A_738] : memref<128x768xf32, #tpu.memory_space<vmem>> -> memref<1x768xf32, #tpu.memory_space<vmem>>
    tpu.enqueue_dma source(%dma_start3A_739 : memref<1x768xf32, #tpu.memory_space<vmem>>) target(%dma_start3A_737 : memref<1x768xf32, #tpu.memory_space<hbm>>) target_semaphore(%arg7 : memref<!tpu.dma_semaphore, #tpu.memory_space<semaphore_mem>>)
    %slice3A_740 = vector.extract_strided_slice %gather3A_531 {offsets = [13], sizes = [1], strides = [1]} : vector<16xi32> to vector<1xi32>
    %squeeze3A_741 = vector.extract %slice3A_740[0] : i32 from vector<1xi32>
    %add3A_742 = arith.constant 104 : i32
    %add3A_743 = arith.addi %squeeze3A_741, %add3A_742 : i32
    %add3A_744 = arith.constant 1024 : i32
    %add3A_745 = arith.addi %add3A_744, %mul3A_2 : i32
    %add3A_746 = arith.constant 13 : i32
    %add3A_747 = arith.addi %add3A_745, %add3A_746 : i32
    %dma_start3A_748 = arith.constant 0 : i32
    %dma_start3A_749 = tpu.memref_slice %arg5[%add3A_743, %dma_start3A_748] : memref<128x768xf32, #tpu.memory_space<vmem>> -> memref<1x768xf32, #tpu.memory_space<vmem>>
    %dma_start3A_750 = arith.constant 0 : i32
    %dma_start3A_751 = tpu.memref_slice %arg4[%add3A_747, %dma_start3A_750] : memref<65536x768xf32, #tpu.memory_space<hbm>> -> memref<1x768xf32, #tpu.memory_space<hbm>>
    %dma_start3A_752 = arith.constant 0 : i32
    %dma_start3A_753 = tpu.memref_slice %arg4[%add3A_747, %dma_start3A_752] : memref<65536x768xf32, #tpu.memory_space<hbm>> -> memref<1x768xf32, #tpu.memory_space<hbm>>
    %dma_start3A_754 = arith.constant 0 : i32
    %dma_start3A_755 = tpu.memref_slice %arg5[%add3A_743, %dma_start3A_754] : memref<128x768xf32, #tpu.memory_space<vmem>> -> memref<1x768xf32, #tpu.memory_space<vmem>>
    tpu.enqueue_dma source(%dma_start3A_755 : memref<1x768xf32, #tpu.memory_space<vmem>>) target(%dma_start3A_753 : memref<1x768xf32, #tpu.memory_space<hbm>>) target_semaphore(%arg7 : memref<!tpu.dma_semaphore, #tpu.memory_space<semaphore_mem>>)
    %slice3A_756 = vector.extract_strided_slice %gather3A_531 {offsets = [14], sizes = [1], strides = [1]} : vector<16xi32> to vector<1xi32>
    %squeeze3A_757 = vector.extract %slice3A_756[0] : i32 from vector<1xi32>
    %add3A_758 = arith.constant 112 : i32
    %add3A_759 = arith.addi %squeeze3A_757, %add3A_758 : i32
    %add3A_760 = arith.constant 1024 : i32
    %add3A_761 = arith.addi %add3A_760, %mul3A_2 : i32
    %add3A_762 = arith.constant 14 : i32
    %add3A_763 = arith.addi %add3A_761, %add3A_762 : i32
    %dma_start3A_764 = arith.constant 0 : i32
    %dma_start3A_765 = tpu.memref_slice %arg5[%add3A_759, %dma_start3A_764] : memref<128x768xf32, #tpu.memory_space<vmem>> -> memref<1x768xf32, #tpu.memory_space<vmem>>
    %dma_start3A_766 = arith.constant 0 : i32
    %dma_start3A_767 = tpu.memref_slice %arg4[%add3A_763, %dma_start3A_766] : memref<65536x768xf32, #tpu.memory_space<hbm>> -> memref<1x768xf32, #tpu.memory_space<hbm>>
    %dma_start3A_768 = arith.constant 0 : i32
    %dma_start3A_769 = tpu.memref_slice %arg4[%add3A_763, %dma_start3A_768] : memref<65536x768xf32, #tpu.memory_space<hbm>> -> memref<1x768xf32, #tpu.memory_space<hbm>>
    %dma_start3A_770 = arith.constant 0 : i32
    %dma_start3A_771 = tpu.memref_slice %arg5[%add3A_759, %dma_start3A_770] : memref<128x768xf32, #tpu.memory_space<vmem>> -> memref<1x768xf32, #tpu.memory_space<vmem>>
    tpu.enqueue_dma source(%dma_start3A_771 : memref<1x768xf32, #tpu.memory_space<vmem>>) target(%dma_start3A_769 : memref<1x768xf32, #tpu.memory_space<hbm>>) target_semaphore(%arg7 : memref<!tpu.dma_semaphore, #tpu.memory_space<semaphore_mem>>)
    %slice3A_772 = vector.extract_strided_slice %gather3A_531 {offsets = [15], sizes = [1], strides = [1]} : vector<16xi32> to vector<1xi32>
    %squeeze3A_773 = vector.extract %slice3A_772[0] : i32 from vector<1xi32>
    %add3A_774 = arith.constant 120 : i32
    %add3A_775 = arith.addi %squeeze3A_773, %add3A_774 : i32
    %add3A_776 = arith.constant 1024 : i32
    %add3A_777 = arith.addi %add3A_776, %mul3A_2 : i32
    %add3A_778 = arith.constant 15 : i32
    %add3A_779 = arith.addi %add3A_777, %add3A_778 : i32
    %dma_start3A_780 = arith.constant 0 : i32
    %dma_start3A_781 = tpu.memref_slice %arg5[%add3A_775, %dma_start3A_780] : memref<128x768xf32, #tpu.memory_space<vmem>> -> memref<1x768xf32, #tpu.memory_space<vmem>>
    %dma_start3A_782 = arith.constant 0 : i32
    %dma_start3A_783 = tpu.memref_slice %arg4[%add3A_779, %dma_start3A_782] : memref<65536x768xf32, #tpu.memory_space<hbm>> -> memref<1x768xf32, #tpu.memory_space<hbm>>
    %dma_start3A_784 = arith.constant 0 : i32
    %dma_start3A_785 = tpu.memref_slice %arg4[%add3A_779, %dma_start3A_784] : memref<65536x768xf32, #tpu.memory_space<hbm>> -> memref<1x768xf32, #tpu.memory_space<hbm>>
    %dma_start3A_786 = arith.constant 0 : i32
    %dma_start3A_787 = tpu.memref_slice %arg5[%add3A_775, %dma_start3A_786] : memref<128x768xf32, #tpu.memory_space<vmem>> -> memref<1x768xf32, #tpu.memory_space<vmem>>
    tpu.enqueue_dma source(%dma_start3A_787 : memref<1x768xf32, #tpu.memory_space<vmem>>) target(%dma_start3A_785 : memref<1x768xf32, #tpu.memory_space<hbm>>) target_semaphore(%arg7 : memref<!tpu.dma_semaphore, #tpu.memory_space<semaphore_mem>>)
    %add3A_788 = arith.constant 3 : i32
    %add3A_789 = vector.broadcast %add3A_788 : i32 to vector<16xi32>
    %add3A_790 = arith.addi %mul3A_11, %add3A_789 : vector<16xi32>
    %gather3A_791 = tpu.vector_load_idx %arg6[%add3A_790] : memref<2048xi32, #tpu.memory_space<vmem>>[vector<16xi32>], vector<16xi32>,
    %slice3A_792 = vector.extract_strided_slice %gather3A_791 {offsets = [0], sizes = [1], strides = [1]} : vector<16xi32> to vector<1xi32>
    %squeeze3A_793 = vector.extract %slice3A_792[0] : i32 from vector<1xi32>
    %add3A_794 = arith.constant 0 : i32
    %add3A_795 = arith.addi %squeeze3A_793, %add3A_794 : i32
    %add3A_796 = arith.constant 1536 : i32
    %add3A_797 = arith.addi %add3A_796, %mul3A_2 : i32
    %add3A_798 = arith.constant 0 : i32
    %add3A_799 = arith.addi %add3A_797, %add3A_798 : i32
    %dma_start3A_800 = arith.constant 0 : i32
    %dma_start3A_801 = tpu.memref_slice %arg5[%add3A_795, %dma_start3A_800] : memref<128x768xf32, #tpu.memory_space<vmem>> -> memref<1x768xf32, #tpu.memory_space<vmem>>
    %dma_start3A_802 = arith.constant 0 : i32
    %dma_start3A_803 = tpu.memref_slice %arg4[%add3A_799, %dma_start3A_802] : memref<65536x768xf32, #tpu.memory_space<hbm>> -> memref<1x768xf32, #tpu.memory_space<hbm>>
    %dma_start3A_804 = arith.constant 0 : i32
    %dma_start3A_805 = tpu.memref_slice %arg4[%add3A_799, %dma_start3A_804] : memref<65536x768xf32, #tpu.memory_space<hbm>> -> memref<1x768xf32, #tpu.memory_space<hbm>>
    %dma_start3A_806 = arith.constant 0 : i32
    %dma_start3A_807 = tpu.memref_slice %arg5[%add3A_795, %dma_start3A_806] : memref<128x768xf32, #tpu.memory_space<vmem>> -> memref<1x768xf32, #tpu.memory_space<vmem>>
    tpu.enqueue_dma source(%dma_start3A_807 : memref<1x768xf32, #tpu.memory_space<vmem>>) target(%dma_start3A_805 : memref<1x768xf32, #tpu.memory_space<hbm>>) target_semaphore(%arg7 : memref<!tpu.dma_semaphore, #tpu.memory_space<semaphore_mem>>)
    %slice3A_808 = vector.extract_strided_slice %gather3A_791 {offsets = [1], sizes = [1], strides = [1]} : vector<16xi32> to vector<1xi32>
    %squeeze3A_809 = vector.extract %slice3A_808[0] : i32 from vector<1xi32>
    %add3A_810 = arith.constant 8 : i32
    %add3A_811 = arith.addi %squeeze3A_809, %add3A_810 : i32
    %add3A_812 = arith.constant 1536 : i32
    %add3A_813 = arith.addi %add3A_812, %mul3A_2 : i32
    %add3A_814 = arith.constant 1 : i32
    %add3A_815 = arith.addi %add3A_813, %add3A_814 : i32
    %dma_start3A_816 = arith.constant 0 : i32
    %dma_start3A_817 = tpu.memref_slice %arg5[%add3A_811, %dma_start3A_816] : memref<128x768xf32, #tpu.memory_space<vmem>> -> memref<1x768xf32, #tpu.memory_space<vmem>>
    %dma_start3A_818 = arith.constant 0 : i32
    %dma_start3A_819 = tpu.memref_slice %arg4[%add3A_815, %dma_start3A_818] : memref<65536x768xf32, #tpu.memory_space<hbm>> -> memref<1x768xf32, #tpu.memory_space<hbm>>
    %dma_start3A_820 = arith.constant 0 : i32
    %dma_start3A_821 = tpu.memref_slice %arg4[%add3A_815, %dma_start3A_820] : memref<65536x768xf32, #tpu.memory_space<hbm>> -> memref<1x768xf32, #tpu.memory_space<hbm>>
    %dma_start3A_822 = arith.constant 0 : i32
    %dma_start3A_823 = tpu.memref_slice %arg5[%add3A_811, %dma_start3A_822] : memref<128x768xf32, #tpu.memory_space<vmem>> -> memref<1x768xf32, #tpu.memory_space<vmem>>
    tpu.enqueue_dma source(%dma_start3A_823 : memref<1x768xf32, #tpu.memory_space<vmem>>) target(%dma_start3A_821 : memref<1x768xf32, #tpu.memory_space<hbm>>) target_semaphore(%arg7 : memref<!tpu.dma_semaphore, #tpu.memory_space<semaphore_mem>>)
    %slice3A_824 = vector.extract_strided_slice %gather3A_791 {offsets = [2], sizes = [1], strides = [1]} : vector<16xi32> to vector<1xi32>
    %squeeze3A_825 = vector.extract %slice3A_824[0] : i32 from vector<1xi32>
    %add3A_826 = arith.constant 16 : i32
    %add3A_827 = arith.addi %squeeze3A_825, %add3A_826 : i32
    %add3A_828 = arith.constant 1536 : i32
    %add3A_829 = arith.addi %add3A_828, %mul3A_2 : i32
    %add3A_830 = arith.constant 2 : i32
    %add3A_831 = arith.addi %add3A_829, %add3A_830 : i32
    %dma_start3A_832 = arith.constant 0 : i32
    %dma_start3A_833 = tpu.memref_slice %arg5[%add3A_827, %dma_start3A_832] : memref<128x768xf32, #tpu.memory_space<vmem>> -> memref<1x768xf32, #tpu.memory_space<vmem>>
    %dma_start3A_834 = arith.constant 0 : i32
    %dma_start3A_835 = tpu.memref_slice %arg4[%add3A_831, %dma_start3A_834] : memref<65536x768xf32, #tpu.memory_space<hbm>> -> memref<1x768xf32, #tpu.memory_space<hbm>>
    %dma_start3A_836 = arith.constant 0 : i32
    %dma_start3A_837 = tpu.memref_slice %arg4[%add3A_831, %dma_start3A_836] : memref<65536x768xf32, #tpu.memory_space<hbm>> -> memref<1x768xf32, #tpu.memory_space<hbm>>
    %dma_start3A_838 = arith.constant 0 : i32
    %dma_start3A_839 = tpu.memref_slice %arg5[%add3A_827, %dma_start3A_838] : memref<128x768xf32, #tpu.memory_space<vmem>> -> memref<1x768xf32, #tpu.memory_space<vmem>>
    tpu.enqueue_dma source(%dma_start3A_839 : memref<1x768xf32, #tpu.memory_space<vmem>>) target(%dma_start3A_837 : memref<1x768xf32, #tpu.memory_space<hbm>>) target_semaphore(%arg7 : memref<!tpu.dma_semaphore, #tpu.memory_space<semaphore_mem>>)
    %slice3A_840 = vector.extract_strided_slice %gather3A_791 {offsets = [3], sizes = [1], strides = [1]} : vector<16xi32> to vector<1xi32>
    %squeeze3A_841 = vector.extract %slice3A_840[0] : i32 from vector<1xi32>
    %add3A_842 = arith.constant 24 : i32
    %add3A_843 = arith.addi %squeeze3A_841, %add3A_842 : i32
    %add3A_844 = arith.constant 1536 : i32
    %add3A_845 = arith.addi %add3A_844, %mul3A_2 : i32
    %add3A_846 = arith.constant 3 : i32
    %add3A_847 = arith.addi %add3A_845, %add3A_846 : i32
    %dma_start3A_848 = arith.constant 0 : i32
    %dma_start3A_849 = tpu.memref_slice %arg5[%add3A_843, %dma_start3A_848] : memref<128x768xf32, #tpu.memory_space<vmem>> -> memref<1x768xf32, #tpu.memory_space<vmem>>
    %dma_start3A_850 = arith.constant 0 : i32
    %dma_start3A_851 = tpu.memref_slice %arg4[%add3A_847, %dma_start3A_850] : memref<65536x768xf32, #tpu.memory_space<hbm>> -> memref<1x768xf32, #tpu.memory_space<hbm>>
    %dma_start3A_852 = arith.constant 0 : i32
    %dma_start3A_853 = tpu.memref_slice %arg4[%add3A_847, %dma_start3A_852] : memref<65536x768xf32, #tpu.memory_space<hbm>> -> memref<1x768xf32, #tpu.memory_space<hbm>>
    %dma_start3A_854 = arith.constant 0 : i32
    %dma_start3A_855 = tpu.memref_slice %arg5[%add3A_843, %dma_start3A_854] : memref<128x768xf32, #tpu.memory_space<vmem>> -> memref<1x768xf32, #tpu.memory_space<vmem>>
    tpu.enqueue_dma source(%dma_start3A_855 : memref<1x768xf32, #tpu.memory_space<vmem>>) target(%dma_start3A_853 : memref<1x768xf32, #tpu.memory_space<hbm>>) target_semaphore(%arg7 : memref<!tpu.dma_semaphore, #tpu.memory_space<semaphore_mem>>)
    %slice3A_856 = vector.extract_strided_slice %gather3A_791 {offsets = [4], sizes = [1], strides = [1]} : vector<16xi32> to vector<1xi32>
    %squeeze3A_857 = vector.extract %slice3A_856[0] : i32 from vector<1xi32>
    %add3A_858 = arith.constant 32 : i32
    %add3A_859 = arith.addi %squeeze3A_857, %add3A_858 : i32
    %add3A_860 = arith.constant 1536 : i32
    %add3A_861 = arith.addi %add3A_860, %mul3A_2 : i32
    %add3A_862 = arith.constant 4 : i32
    %add3A_863 = arith.addi %add3A_861, %add3A_862 : i32
    %dma_start3A_864 = arith.constant 0 : i32
    %dma_start3A_865 = tpu.memref_slice %arg5[%add3A_859, %dma_start3A_864] : memref<128x768xf32, #tpu.memory_space<vmem>> -> memref<1x768xf32, #tpu.memory_space<vmem>>
    %dma_start3A_866 = arith.constant 0 : i32
    %dma_start3A_867 = tpu.memref_slice %arg4[%add3A_863, %dma_start3A_866] : memref<65536x768xf32, #tpu.memory_space<hbm>> -> memref<1x768xf32, #tpu.memory_space<hbm>>
    %dma_start3A_868 = arith.constant 0 : i32
    %dma_start3A_869 = tpu.memref_slice %arg4[%add3A_863, %dma_start3A_868] : memref<65536x768xf32, #tpu.memory_space<hbm>> -> memref<1x768xf32, #tpu.memory_space<hbm>>
    %dma_start3A_870 = arith.constant 0 : i32
    %dma_start3A_871 = tpu.memref_slice %arg5[%add3A_859, %dma_start3A_870] : memref<128x768xf32, #tpu.memory_space<vmem>> -> memref<1x768xf32, #tpu.memory_space<vmem>>
    tpu.enqueue_dma source(%dma_start3A_871 : memref<1x768xf32, #tpu.memory_space<vmem>>) target(%dma_start3A_869 : memref<1x768xf32, #tpu.memory_space<hbm>>) target_semaphore(%arg7 : memref<!tpu.dma_semaphore, #tpu.memory_space<semaphore_mem>>)
    %slice3A_872 = vector.extract_strided_slice %gather3A_791 {offsets = [5], sizes = [1], strides = [1]} : vector<16xi32> to vector<1xi32>
    %squeeze3A_873 = vector.extract %slice3A_872[0] : i32 from vector<1xi32>
    %add3A_874 = arith.constant 40 : i32
    %add3A_875 = arith.addi %squeeze3A_873, %add3A_874 : i32
    %add3A_876 = arith.constant 1536 : i32
    %add3A_877 = arith.addi %add3A_876, %mul3A_2 : i32
    %add3A_878 = arith.constant 5 : i32
    %add3A_879 = arith.addi %add3A_877, %add3A_878 : i32
    %dma_start3A_880 = arith.constant 0 : i32
    %dma_start3A_881 = tpu.memref_slice %arg5[%add3A_875, %dma_start3A_880] : memref<128x768xf32, #tpu.memory_space<vmem>> -> memref<1x768xf32, #tpu.memory_space<vmem>>
    %dma_start3A_882 = arith.constant 0 : i32
    %dma_start3A_883 = tpu.memref_slice %arg4[%add3A_879, %dma_start3A_882] : memref<65536x768xf32, #tpu.memory_space<hbm>> -> memref<1x768xf32, #tpu.memory_space<hbm>>
    %dma_start3A_884 = arith.constant 0 : i32
    %dma_start3A_885 = tpu.memref_slice %arg4[%add3A_879, %dma_start3A_884] : memref<65536x768xf32, #tpu.memory_space<hbm>> -> memref<1x768xf32, #tpu.memory_space<hbm>>
    %dma_start3A_886 = arith.constant 0 : i32
    %dma_start3A_887 = tpu.memref_slice %arg5[%add3A_875, %dma_start3A_886] : memref<128x768xf32, #tpu.memory_space<vmem>> -> memref<1x768xf32, #tpu.memory_space<vmem>>
    tpu.enqueue_dma source(%dma_start3A_887 : memref<1x768xf32, #tpu.memory_space<vmem>>) target(%dma_start3A_885 : memref<1x768xf32, #tpu.memory_space<hbm>>) target_semaphore(%arg7 : memref<!tpu.dma_semaphore, #tpu.memory_space<semaphore_mem>>)
    %slice3A_888 = vector.extract_strided_slice %gather3A_791 {offsets = [6], sizes = [1], strides = [1]} : vector<16xi32> to vector<1xi32>
    %squeeze3A_889 = vector.extract %slice3A_888[0] : i32 from vector<1xi32>
    %add3A_890 = arith.constant 48 : i32
    %add3A_891 = arith.addi %squeeze3A_889, %add3A_890 : i32
    %add3A_892 = arith.constant 1536 : i32
    %add3A_893 = arith.addi %add3A_892, %mul3A_2 : i32
    %add3A_894 = arith.constant 6 : i32
    %add3A_895 = arith.addi %add3A_893, %add3A_894 : i32
    %dma_start3A_896 = arith.constant 0 : i32
    %dma_start3A_897 = tpu.memref_slice %arg5[%add3A_891, %dma_start3A_896] : memref<128x768xf32, #tpu.memory_space<vmem>> -> memref<1x768xf32, #tpu.memory_space<vmem>>
    %dma_start3A_898 = arith.constant 0 : i32
    %dma_start3A_899 = tpu.memref_slice %arg4[%add3A_895, %dma_start3A_898] : memref<65536x768xf32, #tpu.memory_space<hbm>> -> memref<1x768xf32, #tpu.memory_space<hbm>>
    %dma_start3A_900 = arith.constant 0 : i32
    %dma_start3A_901 = tpu.memref_slice %arg4[%add3A_895, %dma_start3A_900] : memref<65536x768xf32, #tpu.memory_space<hbm>> -> memref<1x768xf32, #tpu.memory_space<hbm>>
    %dma_start3A_902 = arith.constant 0 : i32
    %dma_start3A_903 = tpu.memref_slice %arg5[%add3A_891, %dma_start3A_902] : memref<128x768xf32, #tpu.memory_space<vmem>> -> memref<1x768xf32, #tpu.memory_space<vmem>>
    tpu.enqueue_dma source(%dma_start3A_903 : memref<1x768xf32, #tpu.memory_space<vmem>>) target(%dma_start3A_901 : memref<1x768xf32, #tpu.memory_space<hbm>>) target_semaphore(%arg7 : memref<!tpu.dma_semaphore, #tpu.memory_space<semaphore_mem>>)
    %slice3A_904 = vector.extract_strided_slice %gather3A_791 {offsets = [7], sizes = [1], strides = [1]} : vector<16xi32> to vector<1xi32>
    %squeeze3A_905 = vector.extract %slice3A_904[0] : i32 from vector<1xi32>
    %add3A_906 = arith.constant 56 : i32
    %add3A_907 = arith.addi %squeeze3A_905, %add3A_906 : i32
    %add3A_908 = arith.constant 1536 : i32
    %add3A_909 = arith.addi %add3A_908, %mul3A_2 : i32
    %add3A_910 = arith.constant 7 : i32
    %add3A_911 = arith.addi %add3A_909, %add3A_910 : i32
    %dma_start3A_912 = arith.constant 0 : i32
    %dma_start3A_913 = tpu.memref_slice %arg5[%add3A_907, %dma_start3A_912] : memref<128x768xf32, #tpu.memory_space<vmem>> -> memref<1x768xf32, #tpu.memory_space<vmem>>
    %dma_start3A_914 = arith.constant 0 : i32
    %dma_start3A_915 = tpu.memref_slice %arg4[%add3A_911, %dma_start3A_914] : memref<65536x768xf32, #tpu.memory_space<hbm>> -> memref<1x768xf32, #tpu.memory_space<hbm>>
    %dma_start3A_916 = arith.constant 0 : i32
    %dma_start3A_917 = tpu.memref_slice %arg4[%add3A_911, %dma_start3A_916] : memref<65536x768xf32, #tpu.memory_space<hbm>> -> memref<1x768xf32, #tpu.memory_space<hbm>>
    %dma_start3A_918 = arith.constant 0 : i32
    %dma_start3A_919 = tpu.memref_slice %arg5[%add3A_907, %dma_start3A_918] : memref<128x768xf32, #tpu.memory_space<vmem>> -> memref<1x768xf32, #tpu.memory_space<vmem>>
    tpu.enqueue_dma source(%dma_start3A_919 : memref<1x768xf32, #tpu.memory_space<vmem>>) target(%dma_start3A_917 : memref<1x768xf32, #tpu.memory_space<hbm>>) target_semaphore(%arg7 : memref<!tpu.dma_semaphore, #tpu.memory_space<semaphore_mem>>)
    %slice3A_920 = vector.extract_strided_slice %gather3A_791 {offsets = [8], sizes = [1], strides = [1]} : vector<16xi32> to vector<1xi32>
    %squeeze3A_921 = vector.extract %slice3A_920[0] : i32 from vector<1xi32>
    %add3A_922 = arith.constant 64 : i32
    %add3A_923 = arith.addi %squeeze3A_921, %add3A_922 : i32
    %add3A_924 = arith.constant 1536 : i32
    %add3A_925 = arith.addi %add3A_924, %mul3A_2 : i32
    %add3A_926 = arith.constant 8 : i32
    %add3A_927 = arith.addi %add3A_925, %add3A_926 : i32
    %dma_start3A_928 = arith.constant 0 : i32
    %dma_start3A_929 = tpu.memref_slice %arg5[%add3A_923, %dma_start3A_928] : memref<128x768xf32, #tpu.memory_space<vmem>> -> memref<1x768xf32, #tpu.memory_space<vmem>>
    %dma_start3A_930 = arith.constant 0 : i32
    %dma_start3A_931 = tpu.memref_slice %arg4[%add3A_927, %dma_start3A_930] : memref<65536x768xf32, #tpu.memory_space<hbm>> -> memref<1x768xf32, #tpu.memory_space<hbm>>
    %dma_start3A_932 = arith.constant 0 : i32
    %dma_start3A_933 = tpu.memref_slice %arg4[%add3A_927, %dma_start3A_932] : memref<65536x768xf32, #tpu.memory_space<hbm>> -> memref<1x768xf32, #tpu.memory_space<hbm>>
    %dma_start3A_934 = arith.constant 0 : i32
    %dma_start3A_935 = tpu.memref_slice %arg5[%add3A_923, %dma_start3A_934] : memref<128x768xf32, #tpu.memory_space<vmem>> -> memref<1x768xf32, #tpu.memory_space<vmem>>
    tpu.enqueue_dma source(%dma_start3A_935 : memref<1x768xf32, #tpu.memory_space<vmem>>) target(%dma_start3A_933 : memref<1x768xf32, #tpu.memory_space<hbm>>) target_semaphore(%arg7 : memref<!tpu.dma_semaphore, #tpu.memory_space<semaphore_mem>>)
    %slice3A_936 = vector.extract_strided_slice %gather3A_791 {offsets = [9], sizes = [1], strides = [1]} : vector<16xi32> to vector<1xi32>
    %squeeze3A_937 = vector.extract %slice3A_936[0] : i32 from vector<1xi32>
    %add3A_938 = arith.constant 72 : i32
    %add3A_939 = arith.addi %squeeze3A_937, %add3A_938 : i32
    %add3A_940 = arith.constant 1536 : i32
    %add3A_941 = arith.addi %add3A_940, %mul3A_2 : i32
    %add3A_942 = arith.constant 9 : i32
    %add3A_943 = arith.addi %add3A_941, %add3A_942 : i32
    %dma_start3A_944 = arith.constant 0 : i32
    %dma_start3A_945 = tpu.memref_slice %arg5[%add3A_939, %dma_start3A_944] : memref<128x768xf32, #tpu.memory_space<vmem>> -> memref<1x768xf32, #tpu.memory_space<vmem>>
    %dma_start3A_946 = arith.constant 0 : i32
    %dma_start3A_947 = tpu.memref_slice %arg4[%add3A_943, %dma_start3A_946] : memref<65536x768xf32, #tpu.memory_space<hbm>> -> memref<1x768xf32, #tpu.memory_space<hbm>>
    %dma_start3A_948 = arith.constant 0 : i32
    %dma_start3A_949 = tpu.memref_slice %arg4[%add3A_943, %dma_start3A_948] : memref<65536x768xf32, #tpu.memory_space<hbm>> -> memref<1x768xf32, #tpu.memory_space<hbm>>
    %dma_start3A_950 = arith.constant 0 : i32
    %dma_start3A_951 = tpu.memref_slice %arg5[%add3A_939, %dma_start3A_950] : memref<128x768xf32, #tpu.memory_space<vmem>> -> memref<1x768xf32, #tpu.memory_space<vmem>>
    tpu.enqueue_dma source(%dma_start3A_951 : memref<1x768xf32, #tpu.memory_space<vmem>>) target(%dma_start3A_949 : memref<1x768xf32, #tpu.memory_space<hbm>>) target_semaphore(%arg7 : memref<!tpu.dma_semaphore, #tpu.memory_space<semaphore_mem>>)
    %slice3A_952 = vector.extract_strided_slice %gather3A_791 {offsets = [10], sizes = [1], strides = [1]} : vector<16xi32> to vector<1xi32>
    %squeeze3A_953 = vector.extract %slice3A_952[0] : i32 from vector<1xi32>
    %add3A_954 = arith.constant 80 : i32
    %add3A_955 = arith.addi %squeeze3A_953, %add3A_954 : i32
    %add3A_956 = arith.constant 1536 : i32
    %add3A_957 = arith.addi %add3A_956, %mul3A_2 : i32
    %add3A_958 = arith.constant 10 : i32
    %add3A_959 = arith.addi %add3A_957, %add3A_958 : i32
    %dma_start3A_960 = arith.constant 0 : i32
    %dma_start3A_961 = tpu.memref_slice %arg5[%add3A_955, %dma_start3A_960] : memref<128x768xf32, #tpu.memory_space<vmem>> -> memref<1x768xf32, #tpu.memory_space<vmem>>
    %dma_start3A_962 = arith.constant 0 : i32
    %dma_start3A_963 = tpu.memref_slice %arg4[%add3A_959, %dma_start3A_962] : memref<65536x768xf32, #tpu.memory_space<hbm>> -> memref<1x768xf32, #tpu.memory_space<hbm>>
    %dma_start3A_964 = arith.constant 0 : i32
    %dma_start3A_965 = tpu.memref_slice %arg4[%add3A_959, %dma_start3A_964] : memref<65536x768xf32, #tpu.memory_space<hbm>> -> memref<1x768xf32, #tpu.memory_space<hbm>>
    %dma_start3A_966 = arith.constant 0 : i32
    %dma_start3A_967 = tpu.memref_slice %arg5[%add3A_955, %dma_start3A_966] : memref<128x768xf32, #tpu.memory_space<vmem>> -> memref<1x768xf32, #tpu.memory_space<vmem>>
    tpu.enqueue_dma source(%dma_start3A_967 : memref<1x768xf32, #tpu.memory_space<vmem>>) target(%dma_start3A_965 : memref<1x768xf32, #tpu.memory_space<hbm>>) target_semaphore(%arg7 : memref<!tpu.dma_semaphore, #tpu.memory_space<semaphore_mem>>)
    %slice3A_968 = vector.extract_strided_slice %gather3A_791 {offsets = [11], sizes = [1], strides = [1]} : vector<16xi32> to vector<1xi32>
    %squeeze3A_969 = vector.extract %slice3A_968[0] : i32 from vector<1xi32>
    %add3A_970 = arith.constant 88 : i32
    %add3A_971 = arith.addi %squeeze3A_969, %add3A_970 : i32
    %add3A_972 = arith.constant 1536 : i32
    %add3A_973 = arith.addi %add3A_972, %mul3A_2 : i32
    %add3A_974 = arith.constant 11 : i32
    %add3A_975 = arith.addi %add3A_973, %add3A_974 : i32
    %dma_start3A_976 = arith.constant 0 : i32
    %dma_start3A_977 = tpu.memref_slice %arg5[%add3A_971, %dma_start3A_976] : memref<128x768xf32, #tpu.memory_space<vmem>> -> memref<1x768xf32, #tpu.memory_space<vmem>>
    %dma_start3A_978 = arith.constant 0 : i32
    %dma_start3A_979 = tpu.memref_slice %arg4[%add3A_975, %dma_start3A_978] : memref<65536x768xf32, #tpu.memory_space<hbm>> -> memref<1x768xf32, #tpu.memory_space<hbm>>
    %dma_start3A_980 = arith.constant 0 : i32
    %dma_start3A_981 = tpu.memref_slice %arg4[%add3A_975, %dma_start3A_980] : memref<65536x768xf32, #tpu.memory_space<hbm>> -> memref<1x768xf32, #tpu.memory_space<hbm>>
    %dma_start3A_982 = arith.constant 0 : i32
    %dma_start3A_983 = tpu.memref_slice %arg5[%add3A_971, %dma_start3A_982] : memref<128x768xf32, #tpu.memory_space<vmem>> -> memref<1x768xf32, #tpu.memory_space<vmem>>
    tpu.enqueue_dma source(%dma_start3A_983 : memref<1x768xf32, #tpu.memory_space<vmem>>) target(%dma_start3A_981 : memref<1x768xf32, #tpu.memory_space<hbm>>) target_semaphore(%arg7 : memref<!tpu.dma_semaphore, #tpu.memory_space<semaphore_mem>>)
    %slice3A_984 = vector.extract_strided_slice %gather3A_791 {offsets = [12], sizes = [1], strides = [1]} : vector<16xi32> to vector<1xi32>
    %squeeze3A_985 = vector.extract %slice3A_984[0] : i32 from vector<1xi32>
    %add3A_986 = arith.constant 96 : i32
    %add3A_987 = arith.addi %squeeze3A_985, %add3A_986 : i32
    %add3A_988 = arith.constant 1536 : i32
    %add3A_989 = arith.addi %add3A_988, %mul3A_2 : i32
    %add3A_990 = arith.constant 12 : i32
    %add3A_991 = arith.addi %add3A_989, %add3A_990 : i32
    %dma_start3A_992 = arith.constant 0 : i32
    %dma_start3A_993 = tpu.memref_slice %arg5[%add3A_987, %dma_start3A_992] : memref<128x768xf32, #tpu.memory_space<vmem>> -> memref<1x768xf32, #tpu.memory_space<vmem>>
    %dma_start3A_994 = arith.constant 0 : i32
    %dma_start3A_995 = tpu.memref_slice %arg4[%add3A_991, %dma_start3A_994] : memref<65536x768xf32, #tpu.memory_space<hbm>> -> memref<1x768xf32, #tpu.memory_space<hbm>>
    %dma_start3A_996 = arith.constant 0 : i32
    %dma_start3A_997 = tpu.memref_slice %arg4[%add3A_991, %dma_start3A_996] : memref<65536x768xf32, #tpu.memory_space<hbm>> -> memref<1x768xf32, #tpu.memory_space<hbm>>
    %dma_start3A_998 = arith.constant 0 : i32
    %dma_start3A_999 = tpu.memref_slice %arg5[%add3A_987, %dma_start3A_998] : memref<128x768xf32, #tpu.memory_space<vmem>> -> memref<1x768xf32, #tpu.memory_space<vmem>>
    tpu.enqueue_dma source(%dma_start3A_999 : memref<1x768xf32, #tpu.memory_space<vmem>>) target(%dma_start3A_997 : memref<1x768xf32, #tpu.memory_space<hbm>>) target_semaphore(%arg7 : memref<!tpu.dma_semaphore, #tpu.memory_space<semaphore_mem>>)
    %slice3A_1000 = vector.extract_strided_slice %gather3A_791 {offsets = [13], sizes = [1], strides = [1]} : vector<16xi32> to vector<1xi32>
    %squeeze3A_1001 = vector.extract %slice3A_1000[0] : i32 from vector<1xi32>
    %add3A_1002 = arith.constant 104 : i32
    %add3A_1003 = arith.addi %squeeze3A_1001, %add3A_1002 : i32
    %add3A_1004 = arith.constant 1536 : i32
    %add3A_1005 = arith.addi %add3A_1004, %mul3A_2 : i32
    %add3A_1006 = arith.constant 13 : i32
    %add3A_1007 = arith.addi %add3A_1005, %add3A_1006 : i32
    %dma_start3A_1008 = arith.constant 0 : i32
    %dma_start3A_1009 = tpu.memref_slice %arg5[%add3A_1003, %dma_start3A_1008] : memref<128x768xf32, #tpu.memory_space<vmem>> -> memref<1x768xf32, #tpu.memory_space<vmem>>
    %dma_start3A_1010 = arith.constant 0 : i32
    %dma_start3A_1011 = tpu.memref_slice %arg4[%add3A_1007, %dma_start3A_1010] : memref<65536x768xf32, #tpu.memory_space<hbm>> -> memref<1x768xf32, #tpu.memory_space<hbm>>
    %dma_start3A_1012 = arith.constant 0 : i32
    %dma_start3A_1013 = tpu.memref_slice %arg4[%add3A_1007, %dma_start3A_1012] : memref<65536x768xf32, #tpu.memory_space<hbm>> -> memref<1x768xf32, #tpu.memory_space<hbm>>
    %dma_start3A_1014 = arith.constant 0 : i32
    %dma_start3A_1015 = tpu.memref_slice %arg5[%add3A_1003, %dma_start3A_1014] : memref<128x768xf32, #tpu.memory_space<vmem>> -> memref<1x768xf32, #tpu.memory_space<vmem>>
    tpu.enqueue_dma source(%dma_start3A_1015 : memref<1x768xf32, #tpu.memory_space<vmem>>) target(%dma_start3A_1013 : memref<1x768xf32, #tpu.memory_space<hbm>>) target_semaphore(%arg7 : memref<!tpu.dma_semaphore, #tpu.memory_space<semaphore_mem>>)
    %slice3A_1016 = vector.extract_strided_slice %gather3A_791 {offsets = [14], sizes = [1], strides = [1]} : vector<16xi32> to vector<1xi32>
    %squeeze3A_1017 = vector.extract %slice3A_1016[0] : i32 from vector<1xi32>
    %add3A_1018 = arith.constant 112 : i32
    %add3A_1019 = arith.addi %squeeze3A_1017, %add3A_1018 : i32
    %add3A_1020 = arith.constant 1536 : i32
    %add3A_1021 = arith.addi %add3A_1020, %mul3A_2 : i32
    %add3A_1022 = arith.constant 14 : i32
    %add3A_1023 = arith.addi %add3A_1021, %add3A_1022 : i32
    %dma_start3A_1024 = arith.constant 0 : i32
    %dma_start3A_1025 = tpu.memref_slice %arg5[%add3A_1019, %dma_start3A_1024] : memref<128x768xf32, #tpu.memory_space<vmem>> -> memref<1x768xf32, #tpu.memory_space<vmem>>
    %dma_start3A_1026 = arith.constant 0 : i32
    %dma_start3A_1027 = tpu.memref_slice %arg4[%add3A_1023, %dma_start3A_1026] : memref<65536x768xf32, #tpu.memory_space<hbm>> -> memref<1x768xf32, #tpu.memory_space<hbm>>
    %dma_start3A_1028 = arith.constant 0 : i32
    %dma_start3A_1029 = tpu.memref_slice %arg4[%add3A_1023, %dma_start3A_1028] : memref<65536x768xf32, #tpu.memory_space<hbm>> -> memref<1x768xf32, #tpu.memory_space<hbm>>
    %dma_start3A_1030 = arith.constant 0 : i32
    %dma_start3A_1031 = tpu.memref_slice %arg5[%add3A_1019, %dma_start3A_1030] : memref<128x768xf32, #tpu.memory_space<vmem>> -> memref<1x768xf32, #tpu.memory_space<vmem>>
    tpu.enqueue_dma source(%dma_start3A_1031 : memref<1x768xf32, #tpu.memory_space<vmem>>) target(%dma_start3A_1029 : memref<1x768xf32, #tpu.memory_space<hbm>>) target_semaphore(%arg7 : memref<!tpu.dma_semaphore, #tpu.memory_space<semaphore_mem>>)
    %slice3A_1032 = vector.extract_strided_slice %gather3A_791 {offsets = [15], sizes = [1], strides = [1]} : vector<16xi32> to vector<1xi32>
    %squeeze3A_1033 = vector.extract %slice3A_1032[0] : i32 from vector<1xi32>
    %add3A_1034 = arith.constant 120 : i32
    %add3A_1035 = arith.addi %squeeze3A_1033, %add3A_1034 : i32
    %add3A_1036 = arith.constant 1536 : i32
    %add3A_1037 = arith.addi %add3A_1036, %mul3A_2 : i32
    %add3A_1038 = arith.constant 15 : i32
    %add3A_1039 = arith.addi %add3A_1037, %add3A_1038 : i32
    %dma_start3A_1040 = arith.constant 0 : i32
    %dma_start3A_1041 = tpu.memref_slice %arg5[%add3A_1035, %dma_start3A_1040] : memref<128x768xf32, #tpu.memory_space<vmem>> -> memref<1x768xf32, #tpu.memory_space<vmem>>
    %dma_start3A_1042 = arith.constant 0 : i32
    %dma_start3A_1043 = tpu.memref_slice %arg4[%add3A_1039, %dma_start3A_1042] : memref<65536x768xf32, #tpu.memory_space<hbm>> -> memref<1x768xf32, #tpu.memory_space<hbm>>
    %dma_start3A_1044 = arith.constant 0 : i32
    %dma_start3A_1045 = tpu.memref_slice %arg4[%add3A_1039, %dma_start3A_1044] : memref<65536x768xf32, #tpu.memory_space<hbm>> -> memref<1x768xf32, #tpu.memory_space<hbm>>
    %dma_start3A_1046 = arith.constant 0 : i32
    %dma_start3A_1047 = tpu.memref_slice %arg5[%add3A_1035, %dma_start3A_1046] : memref<128x768xf32, #tpu.memory_space<vmem>> -> memref<1x768xf32, #tpu.memory_space<vmem>>
    tpu.enqueue_dma source(%dma_start3A_1047 : memref<1x768xf32, #tpu.memory_space<vmem>>) target(%dma_start3A_1045 : memref<1x768xf32, #tpu.memory_space<hbm>>) target_semaphore(%arg7 : memref<!tpu.dma_semaphore, #tpu.memory_space<semaphore_mem>>)
    %scan3A = arith.constant 4 : i32
    %scan3A_1048 = arith.constant 124 : i32
    %scan3A_1049 = arith.addi %scan3A, %scan3A_1048 : i32
    %scan3A_1050 = arith.constant 1 : i32
    scf.for %scan3A_1091 = %scan3A to %scan3A_1049 step %scan3A_1050  : i32 {
      %dma_wait3A_1092 = arith.constant 0 : i32
      %dma_wait3A_1093 = arith.constant 0 : i32
      %dma_wait3A_1094 = tpu.memref_slice %arg5[%dma_wait3A_1092, %dma_wait3A_1093] : memref<128x768xf32, #tpu.memory_space<vmem>> -> memref<16x768xf32, #tpu.memory_space<vmem>>
      %dma_wait3A_1095 = arith.constant 0 : i32
      %dma_wait3A_1096 = tpu.memref_slice %arg4[%mul3A_2, %dma_wait3A_1095] : memref<65536x768xf32, #tpu.memory_space<hbm>> -> memref<16x768xf32, #tpu.memory_space<hbm>>
      %dma_wait3A_1097 = arith.constant 0 : i32
      %dma_wait3A_1098 = tpu.memref_slice %arg4[%mul3A_2, %dma_wait3A_1097] : memref<65536x768xf32, #tpu.memory_space<hbm>> -> memref<16x768xf32, #tpu.memory_space<hbm>>
      %dma_wait3A_1099 = arith.constant 0 : i32
      %dma_wait3A_1100 = arith.constant 0 : i32
      %dma_wait3A_1101 = tpu.memref_slice %arg5[%dma_wait3A_1099, %dma_wait3A_1100] : memref<128x768xf32, #tpu.memory_space<vmem>> -> memref<16x768xf32, #tpu.memory_space<vmem>>
      tpu.wait_dma2 semaphore(%arg7 : memref<!tpu.dma_semaphore, #tpu.memory_space<semaphore_mem>>) src(%dma_wait3A_1101 : memref<16x768xf32, #tpu.memory_space<vmem>>) dst(%dma_wait3A_1098 : memref<16x768xf32, #tpu.memory_space<hbm>>)
      %add3A_1102 = vector.broadcast %scan3A_1091 : i32 to vector<16xi32>
      %add3A_1103 = arith.addi %mul3A_11, %add3A_1102 : vector<16xi32>
      %gather3A_1104 = tpu.vector_load_idx %arg6[%add3A_1103] : memref<2048xi32, #tpu.memory_space<vmem>>[vector<16xi32>], vector<16xi32>,
      %slice3A_1105 = vector.extract_strided_slice %gather3A_1104 {offsets = [0], sizes = [1], strides = [1]} : vector<16xi32> to vector<1xi32>
      %squeeze3A_1106 = vector.extract %slice3A_1105[0] : i32 from vector<1xi32>
      %add3A_1107 = arith.constant 0 : i32
      %add3A_1108 = arith.addi %squeeze3A_1106, %add3A_1107 : i32
      %mul3A_1109 = arith.constant 512 : i32
      %mul3A_1110 = arith.muli %scan3A_1091, %mul3A_1109 : i32
      %add3A_1111 = arith.addi %mul3A_1110, %mul3A_2 : i32
      %add3A_1112 = arith.constant 0 : i32
      %add3A_1113 = arith.addi %add3A_1111, %add3A_1112 : i32
      %dma_start3A_1114 = arith.constant 0 : i32
      %dma_start3A_1115 = tpu.memref_slice %arg5[%add3A_1108, %dma_start3A_1114] : memref<128x768xf32, #tpu.memory_space<vmem>> -> memref<1x768xf32, #tpu.memory_space<vmem>>
      %dma_start3A_1116 = arith.constant 0 : i32
      %dma_start3A_1117 = tpu.memref_slice %arg4[%add3A_1113, %dma_start3A_1116] : memref<65536x768xf32, #tpu.memory_space<hbm>> -> memref<1x768xf32, #tpu.memory_space<hbm>>
      %dma_start3A_1118 = arith.constant 0 : i32
      %dma_start3A_1119 = tpu.memref_slice %arg4[%add3A_1113, %dma_start3A_1118] : memref<65536x768xf32, #tpu.memory_space<hbm>> -> memref<1x768xf32, #tpu.memory_space<hbm>>
      %dma_start3A_1120 = arith.constant 0 : i32
      %dma_start3A_1121 = tpu.memref_slice %arg5[%add3A_1108, %dma_start3A_1120] : memref<128x768xf32, #tpu.memory_space<vmem>> -> memref<1x768xf32, #tpu.memory_space<vmem>>
      tpu.enqueue_dma source(%dma_start3A_1121 : memref<1x768xf32, #tpu.memory_space<vmem>>) target(%dma_start3A_1119 : memref<1x768xf32, #tpu.memory_space<hbm>>) target_semaphore(%arg7 : memref<!tpu.dma_semaphore, #tpu.memory_space<semaphore_mem>>)
      %slice3A_1122 = vector.extract_strided_slice %gather3A_1104 {offsets = [1], sizes = [1], strides = [1]} : vector<16xi32> to vector<1xi32>
      %squeeze3A_1123 = vector.extract %slice3A_1122[0] : i32 from vector<1xi32>
      %add3A_1124 = arith.constant 8 : i32
      %add3A_1125 = arith.addi %squeeze3A_1123, %add3A_1124 : i32
      %mul3A_1126 = arith.constant 512 : i32
      %mul3A_1127 = arith.muli %scan3A_1091, %mul3A_1126 : i32
      %add3A_1128 = arith.addi %mul3A_1127, %mul3A_2 : i32
      %add3A_1129 = arith.constant 1 : i32
      %add3A_1130 = arith.addi %add3A_1128, %add3A_1129 : i32
      %dma_start3A_1131 = arith.constant 0 : i32
      %dma_start3A_1132 = tpu.memref_slice %arg5[%add3A_1125, %dma_start3A_1131] : memref<128x768xf32, #tpu.memory_space<vmem>> -> memref<1x768xf32, #tpu.memory_space<vmem>>
      %dma_start3A_1133 = arith.constant 0 : i32
      %dma_start3A_1134 = tpu.memref_slice %arg4[%add3A_1130, %dma_start3A_1133] : memref<65536x768xf32, #tpu.memory_space<hbm>> -> memref<1x768xf32, #tpu.memory_space<hbm>>
      %dma_start3A_1135 = arith.constant 0 : i32
      %dma_start3A_1136 = tpu.memref_slice %arg4[%add3A_1130, %dma_start3A_1135] : memref<65536x768xf32, #tpu.memory_space<hbm>> -> memref<1x768xf32, #tpu.memory_space<hbm>>
      %dma_start3A_1137 = arith.constant 0 : i32
      %dma_start3A_1138 = tpu.memref_slice %arg5[%add3A_1125, %dma_start3A_1137] : memref<128x768xf32, #tpu.memory_space<vmem>> -> memref<1x768xf32, #tpu.memory_space<vmem>>
      tpu.enqueue_dma source(%dma_start3A_1138 : memref<1x768xf32, #tpu.memory_space<vmem>>) target(%dma_start3A_1136 : memref<1x768xf32, #tpu.memory_space<hbm>>) target_semaphore(%arg7 : memref<!tpu.dma_semaphore, #tpu.memory_space<semaphore_mem>>)
      %slice3A_1139 = vector.extract_strided_slice %gather3A_1104 {offsets = [2], sizes = [1], strides = [1]} : vector<16xi32> to vector<1xi32>
      %squeeze3A_1140 = vector.extract %slice3A_1139[0] : i32 from vector<1xi32>
      %add3A_1141 = arith.constant 16 : i32
      %add3A_1142 = arith.addi %squeeze3A_1140, %add3A_1141 : i32
      %mul3A_1143 = arith.constant 512 : i32
      %mul3A_1144 = arith.muli %scan3A_1091, %mul3A_1143 : i32
      %add3A_1145 = arith.addi %mul3A_1144, %mul3A_2 : i32
      %add3A_1146 = arith.constant 2 : i32
      %add3A_1147 = arith.addi %add3A_1145, %add3A_1146 : i32
      %dma_start3A_1148 = arith.constant 0 : i32
      %dma_start3A_1149 = tpu.memref_slice %arg5[%add3A_1142, %dma_start3A_1148] : memref<128x768xf32, #tpu.memory_space<vmem>> -> memref<1x768xf32, #tpu.memory_space<vmem>>
      %dma_start3A_1150 = arith.constant 0 : i32
      %dma_start3A_1151 = tpu.memref_slice %arg4[%add3A_1147, %dma_start3A_1150] : memref<65536x768xf32, #tpu.memory_space<hbm>> -> memref<1x768xf32, #tpu.memory_space<hbm>>
      %dma_start3A_1152 = arith.constant 0 : i32
      %dma_start3A_1153 = tpu.memref_slice %arg4[%add3A_1147, %dma_start3A_1152] : memref<65536x768xf32, #tpu.memory_space<hbm>> -> memref<1x768xf32, #tpu.memory_space<hbm>>
      %dma_start3A_1154 = arith.constant 0 : i32
      %dma_start3A_1155 = tpu.memref_slice %arg5[%add3A_1142, %dma_start3A_1154] : memref<128x768xf32, #tpu.memory_space<vmem>> -> memref<1x768xf32, #tpu.memory_space<vmem>>
      tpu.enqueue_dma source(%dma_start3A_1155 : memref<1x768xf32, #tpu.memory_space<vmem>>) target(%dma_start3A_1153 : memref<1x768xf32, #tpu.memory_space<hbm>>) target_semaphore(%arg7 : memref<!tpu.dma_semaphore, #tpu.memory_space<semaphore_mem>>)
      %slice3A_1156 = vector.extract_strided_slice %gather3A_1104 {offsets = [3], sizes = [1], strides = [1]} : vector<16xi32> to vector<1xi32>
      %squeeze3A_1157 = vector.extract %slice3A_1156[0] : i32 from vector<1xi32>
      %add3A_1158 = arith.constant 24 : i32
      %add3A_1159 = arith.addi %squeeze3A_1157, %add3A_1158 : i32
      %mul3A_1160 = arith.constant 512 : i32
      %mul3A_1161 = arith.muli %scan3A_1091, %mul3A_1160 : i32
      %add3A_1162 = arith.addi %mul3A_1161, %mul3A_2 : i32
      %add3A_1163 = arith.constant 3 : i32
      %add3A_1164 = arith.addi %add3A_1162, %add3A_1163 : i32
      %dma_start3A_1165 = arith.constant 0 : i32
      %dma_start3A_1166 = tpu.memref_slice %arg5[%add3A_1159, %dma_start3A_1165] : memref<128x768xf32, #tpu.memory_space<vmem>> -> memref<1x768xf32, #tpu.memory_space<vmem>>
      %dma_start3A_1167 = arith.constant 0 : i32
      %dma_start3A_1168 = tpu.memref_slice %arg4[%add3A_1164, %dma_start3A_1167] : memref<65536x768xf32, #tpu.memory_space<hbm>> -> memref<1x768xf32, #tpu.memory_space<hbm>>
      %dma_start3A_1169 = arith.constant 0 : i32
      %dma_start3A_1170 = tpu.memref_slice %arg4[%add3A_1164, %dma_start3A_1169] : memref<65536x768xf32, #tpu.memory_space<hbm>> -> memref<1x768xf32, #tpu.memory_space<hbm>>
      %dma_start3A_1171 = arith.constant 0 : i32
      %dma_start3A_1172 = tpu.memref_slice %arg5[%add3A_1159, %dma_start3A_1171] : memref<128x768xf32, #tpu.memory_space<vmem>> -> memref<1x768xf32, #tpu.memory_space<vmem>>
      tpu.enqueue_dma source(%dma_start3A_1172 : memref<1x768xf32, #tpu.memory_space<vmem>>) target(%dma_start3A_1170 : memref<1x768xf32, #tpu.memory_space<hbm>>) target_semaphore(%arg7 : memref<!tpu.dma_semaphore, #tpu.memory_space<semaphore_mem>>)
      %slice3A_1173 = vector.extract_strided_slice %gather3A_1104 {offsets = [4], sizes = [1], strides = [1]} : vector<16xi32> to vector<1xi32>
      %squeeze3A_1174 = vector.extract %slice3A_1173[0] : i32 from vector<1xi32>
      %add3A_1175 = arith.constant 32 : i32
      %add3A_1176 = arith.addi %squeeze3A_1174, %add3A_1175 : i32
      %mul3A_1177 = arith.constant 512 : i32
      %mul3A_1178 = arith.muli %scan3A_1091, %mul3A_1177 : i32
      %add3A_1179 = arith.addi %mul3A_1178, %mul3A_2 : i32
      %add3A_1180 = arith.constant 4 : i32
      %add3A_1181 = arith.addi %add3A_1179, %add3A_1180 : i32
      %dma_start3A_1182 = arith.constant 0 : i32
      %dma_start3A_1183 = tpu.memref_slice %arg5[%add3A_1176, %dma_start3A_1182] : memref<128x768xf32, #tpu.memory_space<vmem>> -> memref<1x768xf32, #tpu.memory_space<vmem>>
      %dma_start3A_1184 = arith.constant 0 : i32
      %dma_start3A_1185 = tpu.memref_slice %arg4[%add3A_1181, %dma_start3A_1184] : memref<65536x768xf32, #tpu.memory_space<hbm>> -> memref<1x768xf32, #tpu.memory_space<hbm>>
      %dma_start3A_1186 = arith.constant 0 : i32
      %dma_start3A_1187 = tpu.memref_slice %arg4[%add3A_1181, %dma_start3A_1186] : memref<65536x768xf32, #tpu.memory_space<hbm>> -> memref<1x768xf32, #tpu.memory_space<hbm>>
      %dma_start3A_1188 = arith.constant 0 : i32
      %dma_start3A_1189 = tpu.memref_slice %arg5[%add3A_1176, %dma_start3A_1188] : memref<128x768xf32, #tpu.memory_space<vmem>> -> memref<1x768xf32, #tpu.memory_space<vmem>>
      tpu.enqueue_dma source(%dma_start3A_1189 : memref<1x768xf32, #tpu.memory_space<vmem>>) target(%dma_start3A_1187 : memref<1x768xf32, #tpu.memory_space<hbm>>) target_semaphore(%arg7 : memref<!tpu.dma_semaphore, #tpu.memory_space<semaphore_mem>>)
      %slice3A_1190 = vector.extract_strided_slice %gather3A_1104 {offsets = [5], sizes = [1], strides = [1]} : vector<16xi32> to vector<1xi32>
      %squeeze3A_1191 = vector.extract %slice3A_1190[0] : i32 from vector<1xi32>
      %add3A_1192 = arith.constant 40 : i32
      %add3A_1193 = arith.addi %squeeze3A_1191, %add3A_1192 : i32
      %mul3A_1194 = arith.constant 512 : i32
      %mul3A_1195 = arith.muli %scan3A_1091, %mul3A_1194 : i32
      %add3A_1196 = arith.addi %mul3A_1195, %mul3A_2 : i32
      %add3A_1197 = arith.constant 5 : i32
      %add3A_1198 = arith.addi %add3A_1196, %add3A_1197 : i32
      %dma_start3A_1199 = arith.constant 0 : i32
      %dma_start3A_1200 = tpu.memref_slice %arg5[%add3A_1193, %dma_start3A_1199] : memref<128x768xf32, #tpu.memory_space<vmem>> -> memref<1x768xf32, #tpu.memory_space<vmem>>
      %dma_start3A_1201 = arith.constant 0 : i32
      %dma_start3A_1202 = tpu.memref_slice %arg4[%add3A_1198, %dma_start3A_1201] : memref<65536x768xf32, #tpu.memory_space<hbm>> -> memref<1x768xf32, #tpu.memory_space<hbm>>
      %dma_start3A_1203 = arith.constant 0 : i32
      %dma_start3A_1204 = tpu.memref_slice %arg4[%add3A_1198, %dma_start3A_1203] : memref<65536x768xf32, #tpu.memory_space<hbm>> -> memref<1x768xf32, #tpu.memory_space<hbm>>
      %dma_start3A_1205 = arith.constant 0 : i32
      %dma_start3A_1206 = tpu.memref_slice %arg5[%add3A_1193, %dma_start3A_1205] : memref<128x768xf32, #tpu.memory_space<vmem>> -> memref<1x768xf32, #tpu.memory_space<vmem>>
      tpu.enqueue_dma source(%dma_start3A_1206 : memref<1x768xf32, #tpu.memory_space<vmem>>) target(%dma_start3A_1204 : memref<1x768xf32, #tpu.memory_space<hbm>>) target_semaphore(%arg7 : memref<!tpu.dma_semaphore, #tpu.memory_space<semaphore_mem>>)
      %slice3A_1207 = vector.extract_strided_slice %gather3A_1104 {offsets = [6], sizes = [1], strides = [1]} : vector<16xi32> to vector<1xi32>
      %squeeze3A_1208 = vector.extract %slice3A_1207[0] : i32 from vector<1xi32>
      %add3A_1209 = arith.constant 48 : i32
      %add3A_1210 = arith.addi %squeeze3A_1208, %add3A_1209 : i32
      %mul3A_1211 = arith.constant 512 : i32
      %mul3A_1212 = arith.muli %scan3A_1091, %mul3A_1211 : i32
      %add3A_1213 = arith.addi %mul3A_1212, %mul3A_2 : i32
      %add3A_1214 = arith.constant 6 : i32
      %add3A_1215 = arith.addi %add3A_1213, %add3A_1214 : i32
      %dma_start3A_1216 = arith.constant 0 : i32
      %dma_start3A_1217 = tpu.memref_slice %arg5[%add3A_1210, %dma_start3A_1216] : memref<128x768xf32, #tpu.memory_space<vmem>> -> memref<1x768xf32, #tpu.memory_space<vmem>>
      %dma_start3A_1218 = arith.constant 0 : i32
      %dma_start3A_1219 = tpu.memref_slice %arg4[%add3A_1215, %dma_start3A_1218] : memref<65536x768xf32, #tpu.memory_space<hbm>> -> memref<1x768xf32, #tpu.memory_space<hbm>>
      %dma_start3A_1220 = arith.constant 0 : i32
      %dma_start3A_1221 = tpu.memref_slice %arg4[%add3A_1215, %dma_start3A_1220] : memref<65536x768xf32, #tpu.memory_space<hbm>> -> memref<1x768xf32, #tpu.memory_space<hbm>>
      %dma_start3A_1222 = arith.constant 0 : i32
      %dma_start3A_1223 = tpu.memref_slice %arg5[%add3A_1210, %dma_start3A_1222] : memref<128x768xf32, #tpu.memory_space<vmem>> -> memref<1x768xf32, #tpu.memory_space<vmem>>
      tpu.enqueue_dma source(%dma_start3A_1223 : memref<1x768xf32, #tpu.memory_space<vmem>>) target(%dma_start3A_1221 : memref<1x768xf32, #tpu.memory_space<hbm>>) target_semaphore(%arg7 : memref<!tpu.dma_semaphore, #tpu.memory_space<semaphore_mem>>)
      %slice3A_1224 = vector.extract_strided_slice %gather3A_1104 {offsets = [7], sizes = [1], strides = [1]} : vector<16xi32> to vector<1xi32>
      %squeeze3A_1225 = vector.extract %slice3A_1224[0] : i32 from vector<1xi32>
      %add3A_1226 = arith.constant 56 : i32
      %add3A_1227 = arith.addi %squeeze3A_1225, %add3A_1226 : i32
      %mul3A_1228 = arith.constant 512 : i32
      %mul3A_1229 = arith.muli %scan3A_1091, %mul3A_1228 : i32
      %add3A_1230 = arith.addi %mul3A_1229, %mul3A_2 : i32
      %add3A_1231 = arith.constant 7 : i32
      %add3A_1232 = arith.addi %add3A_1230, %add3A_1231 : i32
      %dma_start3A_1233 = arith.constant 0 : i32
      %dma_start3A_1234 = tpu.memref_slice %arg5[%add3A_1227, %dma_start3A_1233] : memref<128x768xf32, #tpu.memory_space<vmem>> -> memref<1x768xf32, #tpu.memory_space<vmem>>
      %dma_start3A_1235 = arith.constant 0 : i32
      %dma_start3A_1236 = tpu.memref_slice %arg4[%add3A_1232, %dma_start3A_1235] : memref<65536x768xf32, #tpu.memory_space<hbm>> -> memref<1x768xf32, #tpu.memory_space<hbm>>
      %dma_start3A_1237 = arith.constant 0 : i32
      %dma_start3A_1238 = tpu.memref_slice %arg4[%add3A_1232, %dma_start3A_1237] : memref<65536x768xf32, #tpu.memory_space<hbm>> -> memref<1x768xf32, #tpu.memory_space<hbm>>
      %dma_start3A_1239 = arith.constant 0 : i32
      %dma_start3A_1240 = tpu.memref_slice %arg5[%add3A_1227, %dma_start3A_1239] : memref<128x768xf32, #tpu.memory_space<vmem>> -> memref<1x768xf32, #tpu.memory_space<vmem>>
      tpu.enqueue_dma source(%dma_start3A_1240 : memref<1x768xf32, #tpu.memory_space<vmem>>) target(%dma_start3A_1238 : memref<1x768xf32, #tpu.memory_space<hbm>>) target_semaphore(%arg7 : memref<!tpu.dma_semaphore, #tpu.memory_space<semaphore_mem>>)
      %slice3A_1241 = vector.extract_strided_slice %gather3A_1104 {offsets = [8], sizes = [1], strides = [1]} : vector<16xi32> to vector<1xi32>
      %squeeze3A_1242 = vector.extract %slice3A_1241[0] : i32 from vector<1xi32>
      %add3A_1243 = arith.constant 64 : i32
      %add3A_1244 = arith.addi %squeeze3A_1242, %add3A_1243 : i32
      %mul3A_1245 = arith.constant 512 : i32
      %mul3A_1246 = arith.muli %scan3A_1091, %mul3A_1245 : i32
      %add3A_1247 = arith.addi %mul3A_1246, %mul3A_2 : i32
      %add3A_1248 = arith.constant 8 : i32
      %add3A_1249 = arith.addi %add3A_1247, %add3A_1248 : i32
      %dma_start3A_1250 = arith.constant 0 : i32
      %dma_start3A_1251 = tpu.memref_slice %arg5[%add3A_1244, %dma_start3A_1250] : memref<128x768xf32, #tpu.memory_space<vmem>> -> memref<1x768xf32, #tpu.memory_space<vmem>>
      %dma_start3A_1252 = arith.constant 0 : i32
      %dma_start3A_1253 = tpu.memref_slice %arg4[%add3A_1249, %dma_start3A_1252] : memref<65536x768xf32, #tpu.memory_space<hbm>> -> memref<1x768xf32, #tpu.memory_space<hbm>>
      %dma_start3A_1254 = arith.constant 0 : i32
      %dma_start3A_1255 = tpu.memref_slice %arg4[%add3A_1249, %dma_start3A_1254] : memref<65536x768xf32, #tpu.memory_space<hbm>> -> memref<1x768xf32, #tpu.memory_space<hbm>>
      %dma_start3A_1256 = arith.constant 0 : i32
      %dma_start3A_1257 = tpu.memref_slice %arg5[%add3A_1244, %dma_start3A_1256] : memref<128x768xf32, #tpu.memory_space<vmem>> -> memref<1x768xf32, #tpu.memory_space<vmem>>
      tpu.enqueue_dma source(%dma_start3A_1257 : memref<1x768xf32, #tpu.memory_space<vmem>>) target(%dma_start3A_1255 : memref<1x768xf32, #tpu.memory_space<hbm>>) target_semaphore(%arg7 : memref<!tpu.dma_semaphore, #tpu.memory_space<semaphore_mem>>)
      %slice3A_1258 = vector.extract_strided_slice %gather3A_1104 {offsets = [9], sizes = [1], strides = [1]} : vector<16xi32> to vector<1xi32>
      %squeeze3A_1259 = vector.extract %slice3A_1258[0] : i32 from vector<1xi32>
      %add3A_1260 = arith.constant 72 : i32
      %add3A_1261 = arith.addi %squeeze3A_1259, %add3A_1260 : i32
      %mul3A_1262 = arith.constant 512 : i32
      %mul3A_1263 = arith.muli %scan3A_1091, %mul3A_1262 : i32
      %add3A_1264 = arith.addi %mul3A_1263, %mul3A_2 : i32
      %add3A_1265 = arith.constant 9 : i32
      %add3A_1266 = arith.addi %add3A_1264, %add3A_1265 : i32
      %dma_start3A_1267 = arith.constant 0 : i32
      %dma_start3A_1268 = tpu.memref_slice %arg5[%add3A_1261, %dma_start3A_1267] : memref<128x768xf32, #tpu.memory_space<vmem>> -> memref<1x768xf32, #tpu.memory_space<vmem>>
      %dma_start3A_1269 = arith.constant 0 : i32
      %dma_start3A_1270 = tpu.memref_slice %arg4[%add3A_1266, %dma_start3A_1269] : memref<65536x768xf32, #tpu.memory_space<hbm>> -> memref<1x768xf32, #tpu.memory_space<hbm>>
      %dma_start3A_1271 = arith.constant 0 : i32
      %dma_start3A_1272 = tpu.memref_slice %arg4[%add3A_1266, %dma_start3A_1271] : memref<65536x768xf32, #tpu.memory_space<hbm>> -> memref<1x768xf32, #tpu.memory_space<hbm>>
      %dma_start3A_1273 = arith.constant 0 : i32
      %dma_start3A_1274 = tpu.memref_slice %arg5[%add3A_1261, %dma_start3A_1273] : memref<128x768xf32, #tpu.memory_space<vmem>> -> memref<1x768xf32, #tpu.memory_space<vmem>>
      tpu.enqueue_dma source(%dma_start3A_1274 : memref<1x768xf32, #tpu.memory_space<vmem>>) target(%dma_start3A_1272 : memref<1x768xf32, #tpu.memory_space<hbm>>) target_semaphore(%arg7 : memref<!tpu.dma_semaphore, #tpu.memory_space<semaphore_mem>>)
      %slice3A_1275 = vector.extract_strided_slice %gather3A_1104 {offsets = [10], sizes = [1], strides = [1]} : vector<16xi32> to vector<1xi32>
      %squeeze3A_1276 = vector.extract %slice3A_1275[0] : i32 from vector<1xi32>
      %add3A_1277 = arith.constant 80 : i32
      %add3A_1278 = arith.addi %squeeze3A_1276, %add3A_1277 : i32
      %mul3A_1279 = arith.constant 512 : i32
      %mul3A_1280 = arith.muli %scan3A_1091, %mul3A_1279 : i32
      %add3A_1281 = arith.addi %mul3A_1280, %mul3A_2 : i32
      %add3A_1282 = arith.constant 10 : i32
      %add3A_1283 = arith.addi %add3A_1281, %add3A_1282 : i32
      %dma_start3A_1284 = arith.constant 0 : i32
      %dma_start3A_1285 = tpu.memref_slice %arg5[%add3A_1278, %dma_start3A_1284] : memref<128x768xf32, #tpu.memory_space<vmem>> -> memref<1x768xf32, #tpu.memory_space<vmem>>
      %dma_start3A_1286 = arith.constant 0 : i32
      %dma_start3A_1287 = tpu.memref_slice %arg4[%add3A_1283, %dma_start3A_1286] : memref<65536x768xf32, #tpu.memory_space<hbm>> -> memref<1x768xf32, #tpu.memory_space<hbm>>
      %dma_start3A_1288 = arith.constant 0 : i32
      %dma_start3A_1289 = tpu.memref_slice %arg4[%add3A_1283, %dma_start3A_1288] : memref<65536x768xf32, #tpu.memory_space<hbm>> -> memref<1x768xf32, #tpu.memory_space<hbm>>
      %dma_start3A_1290 = arith.constant 0 : i32
      %dma_start3A_1291 = tpu.memref_slice %arg5[%add3A_1278, %dma_start3A_1290] : memref<128x768xf32, #tpu.memory_space<vmem>> -> memref<1x768xf32, #tpu.memory_space<vmem>>
      tpu.enqueue_dma source(%dma_start3A_1291 : memref<1x768xf32, #tpu.memory_space<vmem>>) target(%dma_start3A_1289 : memref<1x768xf32, #tpu.memory_space<hbm>>) target_semaphore(%arg7 : memref<!tpu.dma_semaphore, #tpu.memory_space<semaphore_mem>>)
      %slice3A_1292 = vector.extract_strided_slice %gather3A_1104 {offsets = [11], sizes = [1], strides = [1]} : vector<16xi32> to vector<1xi32>
      %squeeze3A_1293 = vector.extract %slice3A_1292[0] : i32 from vector<1xi32>
      %add3A_1294 = arith.constant 88 : i32
      %add3A_1295 = arith.addi %squeeze3A_1293, %add3A_1294 : i32
      %mul3A_1296 = arith.constant 512 : i32
      %mul3A_1297 = arith.muli %scan3A_1091, %mul3A_1296 : i32
      %add3A_1298 = arith.addi %mul3A_1297, %mul3A_2 : i32
      %add3A_1299 = arith.constant 11 : i32
      %add3A_1300 = arith.addi %add3A_1298, %add3A_1299 : i32
      %dma_start3A_1301 = arith.constant 0 : i32
      %dma_start3A_1302 = tpu.memref_slice %arg5[%add3A_1295, %dma_start3A_1301] : memref<128x768xf32, #tpu.memory_space<vmem>> -> memref<1x768xf32, #tpu.memory_space<vmem>>
      %dma_start3A_1303 = arith.constant 0 : i32
      %dma_start3A_1304 = tpu.memref_slice %arg4[%add3A_1300, %dma_start3A_1303] : memref<65536x768xf32, #tpu.memory_space<hbm>> -> memref<1x768xf32, #tpu.memory_space<hbm>>
      %dma_start3A_1305 = arith.constant 0 : i32
      %dma_start3A_1306 = tpu.memref_slice %arg4[%add3A_1300, %dma_start3A_1305] : memref<65536x768xf32, #tpu.memory_space<hbm>> -> memref<1x768xf32, #tpu.memory_space<hbm>>
      %dma_start3A_1307 = arith.constant 0 : i32
      %dma_start3A_1308 = tpu.memref_slice %arg5[%add3A_1295, %dma_start3A_1307] : memref<128x768xf32, #tpu.memory_space<vmem>> -> memref<1x768xf32, #tpu.memory_space<vmem>>
      tpu.enqueue_dma source(%dma_start3A_1308 : memref<1x768xf32, #tpu.memory_space<vmem>>) target(%dma_start3A_1306 : memref<1x768xf32, #tpu.memory_space<hbm>>) target_semaphore(%arg7 : memref<!tpu.dma_semaphore, #tpu.memory_space<semaphore_mem>>)
      %slice3A_1309 = vector.extract_strided_slice %gather3A_1104 {offsets = [12], sizes = [1], strides = [1]} : vector<16xi32> to vector<1xi32>
      %squeeze3A_1310 = vector.extract %slice3A_1309[0] : i32 from vector<1xi32>
      %add3A_1311 = arith.constant 96 : i32
      %add3A_1312 = arith.addi %squeeze3A_1310, %add3A_1311 : i32
      %mul3A_1313 = arith.constant 512 : i32
      %mul3A_1314 = arith.muli %scan3A_1091, %mul3A_1313 : i32
      %add3A_1315 = arith.addi %mul3A_1314, %mul3A_2 : i32
      %add3A_1316 = arith.constant 12 : i32
      %add3A_1317 = arith.addi %add3A_1315, %add3A_1316 : i32
      %dma_start3A_1318 = arith.constant 0 : i32
      %dma_start3A_1319 = tpu.memref_slice %arg5[%add3A_1312, %dma_start3A_1318] : memref<128x768xf32, #tpu.memory_space<vmem>> -> memref<1x768xf32, #tpu.memory_space<vmem>>
      %dma_start3A_1320 = arith.constant 0 : i32
      %dma_start3A_1321 = tpu.memref_slice %arg4[%add3A_1317, %dma_start3A_1320] : memref<65536x768xf32, #tpu.memory_space<hbm>> -> memref<1x768xf32, #tpu.memory_space<hbm>>
      %dma_start3A_1322 = arith.constant 0 : i32
      %dma_start3A_1323 = tpu.memref_slice %arg4[%add3A_1317, %dma_start3A_1322] : memref<65536x768xf32, #tpu.memory_space<hbm>> -> memref<1x768xf32, #tpu.memory_space<hbm>>
      %dma_start3A_1324 = arith.constant 0 : i32
      %dma_start3A_1325 = tpu.memref_slice %arg5[%add3A_1312, %dma_start3A_1324] : memref<128x768xf32, #tpu.memory_space<vmem>> -> memref<1x768xf32, #tpu.memory_space<vmem>>
      tpu.enqueue_dma source(%dma_start3A_1325 : memref<1x768xf32, #tpu.memory_space<vmem>>) target(%dma_start3A_1323 : memref<1x768xf32, #tpu.memory_space<hbm>>) target_semaphore(%arg7 : memref<!tpu.dma_semaphore, #tpu.memory_space<semaphore_mem>>)
      %slice3A_1326 = vector.extract_strided_slice %gather3A_1104 {offsets = [13], sizes = [1], strides = [1]} : vector<16xi32> to vector<1xi32>
      %squeeze3A_1327 = vector.extract %slice3A_1326[0] : i32 from vector<1xi32>
      %add3A_1328 = arith.constant 104 : i32
      %add3A_1329 = arith.addi %squeeze3A_1327, %add3A_1328 : i32
      %mul3A_1330 = arith.constant 512 : i32
      %mul3A_1331 = arith.muli %scan3A_1091, %mul3A_1330 : i32
      %add3A_1332 = arith.addi %mul3A_1331, %mul3A_2 : i32
      %add3A_1333 = arith.constant 13 : i32
      %add3A_1334 = arith.addi %add3A_1332, %add3A_1333 : i32
      %dma_start3A_1335 = arith.constant 0 : i32
      %dma_start3A_1336 = tpu.memref_slice %arg5[%add3A_1329, %dma_start3A_1335] : memref<128x768xf32, #tpu.memory_space<vmem>> -> memref<1x768xf32, #tpu.memory_space<vmem>>
      %dma_start3A_1337 = arith.constant 0 : i32
      %dma_start3A_1338 = tpu.memref_slice %arg4[%add3A_1334, %dma_start3A_1337] : memref<65536x768xf32, #tpu.memory_space<hbm>> -> memref<1x768xf32, #tpu.memory_space<hbm>>
      %dma_start3A_1339 = arith.constant 0 : i32
      %dma_start3A_1340 = tpu.memref_slice %arg4[%add3A_1334, %dma_start3A_1339] : memref<65536x768xf32, #tpu.memory_space<hbm>> -> memref<1x768xf32, #tpu.memory_space<hbm>>
      %dma_start3A_1341 = arith.constant 0 : i32
      %dma_start3A_1342 = tpu.memref_slice %arg5[%add3A_1329, %dma_start3A_1341] : memref<128x768xf32, #tpu.memory_space<vmem>> -> memref<1x768xf32, #tpu.memory_space<vmem>>
      tpu.enqueue_dma source(%dma_start3A_1342 : memref<1x768xf32, #tpu.memory_space<vmem>>) target(%dma_start3A_1340 : memref<1x768xf32, #tpu.memory_space<hbm>>) target_semaphore(%arg7 : memref<!tpu.dma_semaphore, #tpu.memory_space<semaphore_mem>>)
      %slice3A_1343 = vector.extract_strided_slice %gather3A_1104 {offsets = [14], sizes = [1], strides = [1]} : vector<16xi32> to vector<1xi32>
      %squeeze3A_1344 = vector.extract %slice3A_1343[0] : i32 from vector<1xi32>
      %add3A_1345 = arith.constant 112 : i32
      %add3A_1346 = arith.addi %squeeze3A_1344, %add3A_1345 : i32
      %mul3A_1347 = arith.constant 512 : i32
      %mul3A_1348 = arith.muli %scan3A_1091, %mul3A_1347 : i32
      %add3A_1349 = arith.addi %mul3A_1348, %mul3A_2 : i32
      %add3A_1350 = arith.constant 14 : i32
      %add3A_1351 = arith.addi %add3A_1349, %add3A_1350 : i32
      %dma_start3A_1352 = arith.constant 0 : i32
      %dma_start3A_1353 = tpu.memref_slice %arg5[%add3A_1346, %dma_start3A_1352] : memref<128x768xf32, #tpu.memory_space<vmem>> -> memref<1x768xf32, #tpu.memory_space<vmem>>
      %dma_start3A_1354 = arith.constant 0 : i32
      %dma_start3A_1355 = tpu.memref_slice %arg4[%add3A_1351, %dma_start3A_1354] : memref<65536x768xf32, #tpu.memory_space<hbm>> -> memref<1x768xf32, #tpu.memory_space<hbm>>
      %dma_start3A_1356 = arith.constant 0 : i32
      %dma_start3A_1357 = tpu.memref_slice %arg4[%add3A_1351, %dma_start3A_1356] : memref<65536x768xf32, #tpu.memory_space<hbm>> -> memref<1x768xf32, #tpu.memory_space<hbm>>
      %dma_start3A_1358 = arith.constant 0 : i32
      %dma_start3A_1359 = tpu.memref_slice %arg5[%add3A_1346, %dma_start3A_1358] : memref<128x768xf32, #tpu.memory_space<vmem>> -> memref<1x768xf32, #tpu.memory_space<vmem>>
      tpu.enqueue_dma source(%dma_start3A_1359 : memref<1x768xf32, #tpu.memory_space<vmem>>) target(%dma_start3A_1357 : memref<1x768xf32, #tpu.memory_space<hbm>>) target_semaphore(%arg7 : memref<!tpu.dma_semaphore, #tpu.memory_space<semaphore_mem>>)
      %slice3A_1360 = vector.extract_strided_slice %gather3A_1104 {offsets = [15], sizes = [1], strides = [1]} : vector<16xi32> to vector<1xi32>
      %squeeze3A_1361 = vector.extract %slice3A_1360[0] : i32 from vector<1xi32>
      %add3A_1362 = arith.constant 120 : i32
      %add3A_1363 = arith.addi %squeeze3A_1361, %add3A_1362 : i32
      %mul3A_1364 = arith.constant 512 : i32
      %mul3A_1365 = arith.muli %scan3A_1091, %mul3A_1364 : i32
      %add3A_1366 = arith.addi %mul3A_1365, %mul3A_2 : i32
      %add3A_1367 = arith.constant 15 : i32
      %add3A_1368 = arith.addi %add3A_1366, %add3A_1367 : i32
      %dma_start3A_1369 = arith.constant 0 : i32
      %dma_start3A_1370 = tpu.memref_slice %arg5[%add3A_1363, %dma_start3A_1369] : memref<128x768xf32, #tpu.memory_space<vmem>> -> memref<1x768xf32, #tpu.memory_space<vmem>>
      %dma_start3A_1371 = arith.constant 0 : i32
      %dma_start3A_1372 = tpu.memref_slice %arg4[%add3A_1368, %dma_start3A_1371] : memref<65536x768xf32, #tpu.memory_space<hbm>> -> memref<1x768xf32, #tpu.memory_space<hbm>>
      %dma_start3A_1373 = arith.constant 0 : i32
      %dma_start3A_1374 = tpu.memref_slice %arg4[%add3A_1368, %dma_start3A_1373] : memref<65536x768xf32, #tpu.memory_space<hbm>> -> memref<1x768xf32, #tpu.memory_space<hbm>>
      %dma_start3A_1375 = arith.constant 0 : i32
      %dma_start3A_1376 = tpu.memref_slice %arg5[%add3A_1363, %dma_start3A_1375] : memref<128x768xf32, #tpu.memory_space<vmem>> -> memref<1x768xf32, #tpu.memory_space<vmem>>
      tpu.enqueue_dma source(%dma_start3A_1376 : memref<1x768xf32, #tpu.memory_space<vmem>>) target(%dma_start3A_1374 : memref<1x768xf32, #tpu.memory_space<hbm>>) target_semaphore(%arg7 : memref<!tpu.dma_semaphore, #tpu.memory_space<semaphore_mem>>)
    }
    %scan3A_1051 = arith.constant 124 : i32
    %dma_wait3A = arith.constant 0 : i32
    %dma_wait3A_1052 = arith.constant 0 : i32
    %dma_wait3A_1053 = tpu.memref_slice %arg5[%dma_wait3A, %dma_wait3A_1052] : memref<128x768xf32, #tpu.memory_space<vmem>> -> memref<16x768xf32, #tpu.memory_space<vmem>>
    %dma_wait3A_1054 = arith.constant 0 : i32
    %dma_wait3A_1055 = tpu.memref_slice %arg4[%mul3A_2, %dma_wait3A_1054] : memref<65536x768xf32, #tpu.memory_space<hbm>> -> memref<16x768xf32, #tpu.memory_space<hbm>>
    %dma_wait3A_1056 = arith.constant 0 : i32
    %dma_wait3A_1057 = tpu.memref_slice %arg4[%mul3A_2, %dma_wait3A_1056] : memref<65536x768xf32, #tpu.memory_space<hbm>> -> memref<16x768xf32, #tpu.memory_space<hbm>>
    %dma_wait3A_1058 = arith.constant 0 : i32
    %dma_wait3A_1059 = arith.constant 0 : i32
    %dma_wait3A_1060 = tpu.memref_slice %arg5[%dma_wait3A_1058, %dma_wait3A_1059] : memref<128x768xf32, #tpu.memory_space<vmem>> -> memref<16x768xf32, #tpu.memory_space<vmem>>
    tpu.wait_dma2 semaphore(%arg7 : memref<!tpu.dma_semaphore, #tpu.memory_space<semaphore_mem>>) src(%dma_wait3A_1060 : memref<16x768xf32, #tpu.memory_space<vmem>>) dst(%dma_wait3A_1057 : memref<16x768xf32, #tpu.memory_space<hbm>>)
    %dma_wait3A_1061 = arith.constant 0 : i32
    %dma_wait3A_1062 = arith.constant 0 : i32
    %dma_wait3A_1063 = tpu.memref_slice %arg5[%dma_wait3A_1061, %dma_wait3A_1062] : memref<128x768xf32, #tpu.memory_space<vmem>> -> memref<16x768xf32, #tpu.memory_space<vmem>>
    %dma_wait3A_1064 = arith.constant 0 : i32
    %dma_wait3A_1065 = tpu.memref_slice %arg4[%mul3A_2, %dma_wait3A_1064] : memref<65536x768xf32, #tpu.memory_space<hbm>> -> memref<16x768xf32, #tpu.memory_space<hbm>>
    %dma_wait3A_1066 = arith.constant 0 : i32
    %dma_wait3A_1067 = tpu.memref_slice %arg4[%mul3A_2, %dma_wait3A_1066] : memref<65536x768xf32, #tpu.memory_space<hbm>> -> memref<16x768xf32, #tpu.memory_space<hbm>>
    %dma_wait3A_1068 = arith.constant 0 : i32
    %dma_wait3A_1069 = arith.constant 0 : i32
    %dma_wait3A_1070 = tpu.memref_slice %arg5[%dma_wait3A_1068, %dma_wait3A_1069] : memref<128x768xf32, #tpu.memory_space<vmem>> -> memref<16x768xf32, #tpu.memory_space<vmem>>
    tpu.wait_dma2 semaphore(%arg7 : memref<!tpu.dma_semaphore, #tpu.memory_space<semaphore_mem>>) src(%dma_wait3A_1070 : memref<16x768xf32, #tpu.memory_space<vmem>>) dst(%dma_wait3A_1067 : memref<16x768xf32, #tpu.memory_space<hbm>>)
    %dma_wait3A_1071 = arith.constant 0 : i32
    %dma_wait3A_1072 = arith.constant 0 : i32
    %dma_wait3A_1073 = tpu.memref_slice %arg5[%dma_wait3A_1071, %dma_wait3A_1072] : memref<128x768xf32, #tpu.memory_space<vmem>> -> memref<16x768xf32, #tpu.memory_space<vmem>>
    %dma_wait3A_1074 = arith.constant 0 : i32
    %dma_wait3A_1075 = tpu.memref_slice %arg4[%mul3A_2, %dma_wait3A_1074] : memref<65536x768xf32, #tpu.memory_space<hbm>> -> memref<16x768xf32, #tpu.memory_space<hbm>>
    %dma_wait3A_1076 = arith.constant 0 : i32
    %dma_wait3A_1077 = tpu.memref_slice %arg4[%mul3A_2, %dma_wait3A_1076] : memref<65536x768xf32, #tpu.memory_space<hbm>> -> memref<16x768xf32, #tpu.memory_space<hbm>>
    %dma_wait3A_1078 = arith.constant 0 : i32
    %dma_wait3A_1079 = arith.constant 0 : i32
    %dma_wait3A_1080 = tpu.memref_slice %arg5[%dma_wait3A_1078, %dma_wait3A_1079] : memref<128x768xf32, #tpu.memory_space<vmem>> -> memref<16x768xf32, #tpu.memory_space<vmem>>
    tpu.wait_dma2 semaphore(%arg7 : memref<!tpu.dma_semaphore, #tpu.memory_space<semaphore_mem>>) src(%dma_wait3A_1080 : memref<16x768xf32, #tpu.memory_space<vmem>>) dst(%dma_wait3A_1077 : memref<16x768xf32, #tpu.memory_space<hbm>>)
    %dma_wait3A_1081 = arith.constant 0 : i32
    %dma_wait3A_1082 = arith.constant 0 : i32
    %dma_wait3A_1083 = tpu.memref_slice %arg5[%dma_wait3A_1081, %dma_wait3A_1082] : memref<128x768xf32, #tpu.memory_space<vmem>> -> memref<16x768xf32, #tpu.memory_space<vmem>>
    %dma_wait3A_1084 = arith.constant 0 : i32
    %dma_wait3A_1085 = tpu.memref_slice %arg4[%mul3A_2, %dma_wait3A_1084] : memref<65536x768xf32, #tpu.memory_space<hbm>> -> memref<16x768xf32, #tpu.memory_space<hbm>>
    %dma_wait3A_1086 = arith.constant 0 : i32
    %dma_wait3A_1087 = tpu.memref_slice %arg4[%mul3A_2, %dma_wait3A_1086] : memref<65536x768xf32, #tpu.memory_space<hbm>> -> memref<16x768xf32, #tpu.memory_space<hbm>>
    %dma_wait3A_1088 = arith.constant 0 : i32
    %dma_wait3A_1089 = arith.constant 0 : i32
    %dma_wait3A_1090 = tpu.memref_slice %arg5[%dma_wait3A_1088, %dma_wait3A_1089] : memref<128x768xf32, #tpu.memory_space<vmem>> -> memref<16x768xf32, #tpu.memory_space<vmem>>
    tpu.wait_dma2 semaphore(%arg7 : memref<!tpu.dma_semaphore, #tpu.memory_space<semaphore_mem>>) src(%dma_wait3A_1090 : memref<16x768xf32, #tpu.memory_space<vmem>>) dst(%dma_wait3A_1087 : memref<16x768xf32, #tpu.memory_space<hbm>>)
    return
  }
}

module attributes {stable_mosaic.version = 14 : i64} {
  func.func @_table_kernel(%arg0: i32, %arg1: memref<128x512xi32, #tpu.memory_space<vmem>>, %arg2: memref<8x768xf32, #tpu.memory_space<vmem>>, %arg3: memref<64x768xf32, #tpu.memory_space<vmem>>, %arg4: memref<512x768xf32, #tpu.memory_space<vmem>>, %arg5: memref<1x768xf32, #tpu.memory_space<vmem>>, %arg6: memref<1x768xf32, #tpu.memory_space<vmem>>, %arg7: memref<64x8x768xf32, #tpu.memory_space<vmem>>, %arg8: memref<512x128xi32, #tpu.memory_space<vmem>>, %arg9: memref<512x8xf32, #tpu.memory_space<vmem>>, %arg10: memref<512x8xf32, #tpu.memory_space<vmem>>) attributes {dimension_semantics = [#tpu.dimension_semantics<arbitrary>], iteration_bounds = array<i64: 8>, scalar_prefetch = 0 : i64, scratch_operands = 2 : i64, tpu.core_type = #tpu.core_type<tc>, window_params = [{pipeline_mode = #tpu.pipeline_mode<synchronous>, transform_indices = @transform_0, window_bounds = array<i64: 128, 512>}, {pipeline_mode = #tpu.pipeline_mode<synchronous>, transform_indices = @transform_1, window_bounds = array<i64: 8, 768>}, {transform_indices = @transform_2, window_bounds = array<i64: 64, 768>}, {pipeline_mode = #tpu.pipeline_mode<synchronous>, transform_indices = @transform_3, window_bounds = array<i64: 512, 768>}, {pipeline_mode = #tpu.pipeline_mode<synchronous>, transform_indices = @transform_4, window_bounds = array<i64: 1, 768>}, {pipeline_mode = #tpu.pipeline_mode<synchronous>, transform_indices = @transform_5, window_bounds = array<i64: 1, 768>}, {transform_indices = @transform_6, window_bounds = array<i64: 64, 8, 768>}, {pipeline_mode = #tpu.pipeline_mode<synchronous>, transform_indices = @transform_7, window_bounds = array<i64: 512, 128>}]} {
    %eq3A = arith.constant 0 : i32
    %eq3A_0 = arith.cmpi eq, %arg0, %eq3A : i32
    %convert_element_type3A = arith.extui %eq3A_0 : i1 to i32
    %cond3A = arith.constant 0 : i32
    %cond3A_1 = arith.cmpi ne, %convert_element_type3A, %cond3A : i32
    scf.if %cond3A_1 {
      %get3A_202 = arith.constant 0 : index
      %get3A_203 = arith.constant 0 : index
      %get3A_204 = vector.load %arg1[%get3A_202, %get3A_203] : memref<128x512xi32, #tpu.memory_space<vmem>>, vector<128x512xi32>
      %transpose3A = tpu.transpose %get3A_204, [1, 0] : vector<128x512xi32> -> vector<512x128xi32>
      %swap3A_205 = arith.constant 0 : index
      %swap3A_206 = arith.constant 0 : index
      %swap3A_207 = vector.load %arg8[%swap3A_205, %swap3A_206] : memref<512x128xi32, #tpu.memory_space<vmem>>, vector<512x128xi32>
      tpu.vector_store %arg8[%swap3A_205, %swap3A_206], %transpose3A {strides = array<i32>} : memref<512x128xi32, #tpu.memory_space<vmem>>, vector<512x128xi32>,
      %get3A_208 = arith.constant 0 : index
      %get3A_209 = arith.constant 0 : index
      %get3A_210 = vector.load %arg2[%get3A_208, %get3A_209] : memref<8x768xf32, #tpu.memory_space<vmem>>, vector<8x768xf32>
      %get3A_211 = arith.constant 0 : index
      %get3A_212 = arith.constant 0 : index
      %get3A_213 = vector.load %arg4[%get3A_211, %get3A_212] : memref<512x768xf32, #tpu.memory_space<vmem>>, vector<512x768xf32>
      %broadcast_in_dim3A_214 = arith.constant 1.000000e+00 : f32
      %broadcast_in_dim3A_215 = vector.broadcast %broadcast_in_dim3A_214 : f32 to vector<1x768xf32>
      %reduce_sum3A = arith.constant dense<0.000000e+00> : vector<512xf32>
      %reduce_sum3A_216 = vector.multi_reduction <add>, %get3A_213, %reduce_sum3A [1] : vector<512x768xf32> to vector<512xf32>
      %broadcast_in_dim3A_217 = vector.shape_cast %reduce_sum3A_216 : vector<512xf32> to vector<512x1xf32>
      %div3A = arith.constant 7.680000e+02 : f32
      %div3A_218 = vector.broadcast %div3A : f32 to vector<512x1xf32>
      %div3A_219 = arith.divf %broadcast_in_dim3A_217, %div3A_218 : vector<512x1xf32>
      %mul3A_220 = arith.mulf %get3A_213, %get3A_213 : vector<512x768xf32>
      %reduce_sum3A_221 = arith.constant dense<0.000000e+00> : vector<512xf32>
      %reduce_sum3A_222 = vector.multi_reduction <add>, %mul3A_220, %reduce_sum3A_221 [1] : vector<512x768xf32> to vector<512xf32>
      %broadcast_in_dim3A_223 = vector.shape_cast %reduce_sum3A_222 : vector<512xf32> to vector<512x1xf32>
      %div3A_224 = arith.constant 7.680000e+02 : f32
      %div3A_225 = vector.broadcast %div3A_224 : f32 to vector<512x1xf32>
      %div3A_226 = arith.divf %broadcast_in_dim3A_223, %div3A_225 : vector<512x1xf32>
      %dot_general3A = arith.constant dense<0.000000e+00> : vector<1x8xf32>
      %dot_general3A_227 = tpu.matmul %broadcast_in_dim3A_215, %get3A_210, %dot_general3A {dimension_numbers = #tpu.dot_dimension_numbers<[1], [1], [0], [0], [0, 0, 1, 0], [], []>, transpose_lhs_hint = false} : vector<1x768xf32>, vector<8x768xf32>, vector<1x8xf32> -> vector<1x8xf32>
      %mul3A_228 = arith.constant 0.00130208337 : f32
      %mul3A_229 = vector.broadcast %mul3A_228 : f32 to vector<1x8xf32>
      %mul3A_230 = arith.mulf %dot_general3A_227, %mul3A_229 : vector<1x8xf32>
      %mul3A_231 = arith.mulf %get3A_210, %get3A_210 : vector<8x768xf32>
      %dot_general3A_232 = arith.constant dense<0.000000e+00> : vector<1x8xf32>
      %dot_general3A_233 = tpu.matmul %broadcast_in_dim3A_215, %mul3A_231, %dot_general3A_232 {dimension_numbers = #tpu.dot_dimension_numbers<[1], [1], [0], [0], [0, 0, 1, 0], [], []>, transpose_lhs_hint = false} : vector<1x768xf32>, vector<8x768xf32>, vector<1x8xf32> -> vector<1x8xf32>
      %mul3A_234 = arith.constant 0.00130208337 : f32
      %mul3A_235 = vector.broadcast %mul3A_234 : f32 to vector<1x8xf32>
      %mul3A_236 = arith.mulf %dot_general3A_233, %mul3A_235 : vector<1x8xf32>
      %dot_general3A_237 = arith.constant dense<0.000000e+00> : vector<512x8xf32>
      %dot_general3A_238 = tpu.matmul %get3A_213, %get3A_210, %dot_general3A_237 {dimension_numbers = #tpu.dot_dimension_numbers<[1], [1], [0], [0], [0, 0, 1, 0], [], []>, transpose_lhs_hint = false} : vector<512x768xf32>, vector<8x768xf32>, vector<512x8xf32> -> vector<512x8xf32>
      %mul3A_239 = arith.constant 0.00130208337 : f32
      %mul3A_240 = vector.broadcast %mul3A_239 : f32 to vector<512x8xf32>
      %mul3A_241 = arith.mulf %dot_general3A_238, %mul3A_240 : vector<512x8xf32>
      %add3A_242 = vector.broadcast %div3A_219 : vector<512x1xf32> to vector<512x8xf32>
      %add3A_243 = vector.broadcast %mul3A_230 : vector<1x8xf32> to vector<512x8xf32>
      %add3A_244 = arith.addf %add3A_242, %add3A_243 : vector<512x8xf32>
      %add3A_245 = vector.broadcast %div3A_226 : vector<512x1xf32> to vector<512x8xf32>
      %add3A_246 = vector.broadcast %mul3A_236 : vector<1x8xf32> to vector<512x8xf32>
      %add3A_247 = arith.addf %add3A_245, %add3A_246 : vector<512x8xf32>
      %mul3A_248 = arith.constant 2.000000e+00 : f32
      %mul3A_249 = vector.broadcast %mul3A_248 : f32 to vector<512x8xf32>
      %mul3A_250 = arith.mulf %mul3A_249, %mul3A_241 : vector<512x8xf32>
      %add3A_251 = arith.addf %add3A_247, %mul3A_250 : vector<512x8xf32>
      %mul3A_252 = arith.mulf %add3A_244, %add3A_244 : vector<512x8xf32>
      %sub3A_253 = arith.subf %add3A_251, %mul3A_252 : vector<512x8xf32>
      %add3A_254 = arith.constant 9.99999974E-6 : f32
      %add3A_255 = vector.broadcast %add3A_254 : f32 to vector<512x8xf32>
      %add3A_256 = arith.addf %sub3A_253, %add3A_255 : vector<512x8xf32>
      %rsqrt3A = math.rsqrt %add3A_256 : vector<512x8xf32>
      %swap3A_257 = arith.constant 0 : index
      %swap3A_258 = arith.constant 0 : index
      %swap3A_259 = vector.load %arg9[%swap3A_257, %swap3A_258] : memref<512x8xf32, #tpu.memory_space<vmem>>, vector<512x8xf32>
      tpu.vector_store %arg9[%swap3A_257, %swap3A_258], %rsqrt3A {strides = array<i32>} : memref<512x8xf32, #tpu.memory_space<vmem>>, vector<512x8xf32>,
      %mul3A_260 = arith.mulf %rsqrt3A, %add3A_244 : vector<512x8xf32>
      %swap3A_261 = arith.constant 0 : index
      %swap3A_262 = arith.constant 0 : index
      %swap3A_263 = vector.load %arg10[%swap3A_261, %swap3A_262] : memref<512x8xf32, #tpu.memory_space<vmem>>, vector<512x8xf32>
      tpu.vector_store %arg10[%swap3A_261, %swap3A_262], %mul3A_260 {strides = array<i32>} : memref<512x8xf32, #tpu.memory_space<vmem>>, vector<512x8xf32>,
    } else {
    }
    %get3A = arith.constant 0 : index
    %get3A_2 = arith.constant 0 : index
    %get3A_3 = vector.load %arg2[%get3A, %get3A_2] : memref<8x768xf32, #tpu.memory_space<vmem>>, vector<8x768xf32>
    %get3A_4 = arith.constant 0 : index
    %get3A_5 = arith.constant 0 : index
    %get3A_6 = vector.load %arg3[%get3A_4, %get3A_5] : memref<64x768xf32, #tpu.memory_space<vmem>>, vector<64x768xf32>
    %mul3A = arith.constant 64 : i32
    %mul3A_7 = arith.muli %arg0, %mul3A : i32
    %get3A_8 = arith.index_cast %mul3A_7 : i32 to index
    %get3A_9 = arith.constant 0 : index
    %get3A_10 = vector.load %arg9[%get3A_8, %get3A_9] : memref<512x8xf32, #tpu.memory_space<vmem>>, vector<64x8xf32>
    %mul3A_11 = arith.constant 64 : i32
    %mul3A_12 = arith.muli %arg0, %mul3A_11 : i32
    %get3A_13 = arith.index_cast %mul3A_12 : i32 to index
    %get3A_14 = arith.constant 0 : index
    %get3A_15 = vector.load %arg10[%get3A_13, %get3A_14] : memref<512x8xf32, #tpu.memory_space<vmem>>, vector<64x8xf32>
    %get3A_16 = arith.constant 0 : index
    %get3A_17 = arith.constant 0 : index
    %get3A_18 = vector.load %arg5[%get3A_16, %get3A_17] : memref<1x768xf32, #tpu.memory_space<vmem>>, vector<1x768xf32>
    %get3A_19 = vector.shape_cast %get3A_18 : vector<1x768xf32> to vector<768xf32>
    %get3A_20 = arith.constant 0 : index
    %get3A_21 = arith.constant 0 : index
    %get3A_22 = vector.load %arg6[%get3A_20, %get3A_21] : memref<1x768xf32, #tpu.memory_space<vmem>>, vector<1x768xf32>
    %get3A_23 = vector.shape_cast %get3A_22 : vector<1x768xf32> to vector<768xf32>
    %slice3A = vector.extract_strided_slice %get3A_3 {offsets = [0, 0], sizes = [1, 768], strides = [1, 1]} : vector<8x768xf32> to vector<1x768xf32>
    %squeeze3A = vector.shape_cast %slice3A : vector<1x768xf32> to vector<768xf32>
    %broadcast_in_dim3A = vector.shape_cast %squeeze3A : vector<768xf32> to vector<1x768xf32>
    %add3A = vector.broadcast %broadcast_in_dim3A : vector<1x768xf32> to vector<64x768xf32>
    %add3A_24 = arith.addf %get3A_6, %add3A : vector<64x768xf32>
    %slice3A_25 = vector.extract_strided_slice %get3A_10 {offsets = [0, 0], sizes = [64, 1], strides = [1, 1]} : vector<64x8xf32> to vector<64x1xf32>
    %mul3A_26 = vector.broadcast %slice3A_25 : vector<64x1xf32> to vector<64x768xf32>
    %mul3A_27 = arith.mulf %add3A_24, %mul3A_26 : vector<64x768xf32>
    %slice3A_28 = vector.extract_strided_slice %get3A_15 {offsets = [0, 0], sizes = [64, 1], strides = [1, 1]} : vector<64x8xf32> to vector<64x1xf32>
    %sub3A = vector.broadcast %slice3A_28 : vector<64x1xf32> to vector<64x768xf32>
    %sub3A_29 = arith.subf %mul3A_27, %sub3A : vector<64x768xf32>
    %broadcast_in_dim3A_30 = vector.shape_cast %get3A_19 : vector<768xf32> to vector<1x768xf32>
    %mul3A_31 = vector.broadcast %broadcast_in_dim3A_30 : vector<1x768xf32> to vector<64x768xf32>
    %mul3A_32 = arith.mulf %sub3A_29, %mul3A_31 : vector<64x768xf32>
    %broadcast_in_dim3A_33 = vector.shape_cast %get3A_23 : vector<768xf32> to vector<1x768xf32>
    %add3A_34 = vector.broadcast %broadcast_in_dim3A_33 : vector<1x768xf32> to vector<64x768xf32>
    %add3A_35 = arith.addf %mul3A_32, %add3A_34 : vector<64x768xf32>
    %swap3A = arith.constant 0 : index
    %swap3A_36 = arith.constant 0 : index
    %swap3A_37 = arith.constant 0 : index
    %swap3A_38 = vector.load %arg7[%swap3A, %swap3A_36, %swap3A_37] : memref<64x8x768xf32, #tpu.memory_space<vmem>>, vector<64x1x768xf32>
    %swap3A_39 = vector.shape_cast %swap3A_38 : vector<64x1x768xf32> to vector<64x768xf32>
    %swap3A_40 = vector.shape_cast %add3A_35 : vector<64x768xf32> to vector<64x1x768xf32>
    tpu.vector_store %arg7[%swap3A, %swap3A_36, %swap3A_37], %swap3A_40 {strides = array<i32>} : memref<64x8x768xf32, #tpu.memory_space<vmem>>, vector<64x1x768xf32>,
    %slice3A_41 = vector.extract_strided_slice %get3A_3 {offsets = [1, 0], sizes = [1, 768], strides = [1, 1]} : vector<8x768xf32> to vector<1x768xf32>
    %squeeze3A_42 = vector.shape_cast %slice3A_41 : vector<1x768xf32> to vector<768xf32>
    %broadcast_in_dim3A_43 = vector.shape_cast %squeeze3A_42 : vector<768xf32> to vector<1x768xf32>
    %add3A_44 = vector.broadcast %broadcast_in_dim3A_43 : vector<1x768xf32> to vector<64x768xf32>
    %add3A_45 = arith.addf %get3A_6, %add3A_44 : vector<64x768xf32>
    %slice3A_46 = vector.extract_strided_slice %get3A_10 {offsets = [0, 1], sizes = [64, 1], strides = [1, 1]} : vector<64x8xf32> to vector<64x1xf32>
    %mul3A_47 = vector.broadcast %slice3A_46 : vector<64x1xf32> to vector<64x768xf32>
    %mul3A_48 = arith.mulf %add3A_45, %mul3A_47 : vector<64x768xf32>
    %slice3A_49 = vector.extract_strided_slice %get3A_15 {offsets = [0, 1], sizes = [64, 1], strides = [1, 1]} : vector<64x8xf32> to vector<64x1xf32>
    %sub3A_50 = vector.broadcast %slice3A_49 : vector<64x1xf32> to vector<64x768xf32>
    %sub3A_51 = arith.subf %mul3A_48, %sub3A_50 : vector<64x768xf32>
    %broadcast_in_dim3A_52 = vector.shape_cast %get3A_19 : vector<768xf32> to vector<1x768xf32>
    %mul3A_53 = vector.broadcast %broadcast_in_dim3A_52 : vector<1x768xf32> to vector<64x768xf32>
    %mul3A_54 = arith.mulf %sub3A_51, %mul3A_53 : vector<64x768xf32>
    %broadcast_in_dim3A_55 = vector.shape_cast %get3A_23 : vector<768xf32> to vector<1x768xf32>
    %add3A_56 = vector.broadcast %broadcast_in_dim3A_55 : vector<1x768xf32> to vector<64x768xf32>
    %add3A_57 = arith.addf %mul3A_54, %add3A_56 : vector<64x768xf32>
    %swap3A_58 = arith.constant 0 : index
    %swap3A_59 = arith.constant 1 : index
    %swap3A_60 = arith.constant 0 : index
    %swap3A_61 = vector.load %arg7[%swap3A_58, %swap3A_59, %swap3A_60] : memref<64x8x768xf32, #tpu.memory_space<vmem>>, vector<64x1x768xf32>
    %swap3A_62 = vector.shape_cast %swap3A_61 : vector<64x1x768xf32> to vector<64x768xf32>
    %swap3A_63 = vector.shape_cast %add3A_57 : vector<64x768xf32> to vector<64x1x768xf32>
    tpu.vector_store %arg7[%swap3A_58, %swap3A_59, %swap3A_60], %swap3A_63 {strides = array<i32>} : memref<64x8x768xf32, #tpu.memory_space<vmem>>, vector<64x1x768xf32>,
    %slice3A_64 = vector.extract_strided_slice %get3A_3 {offsets = [2, 0], sizes = [1, 768], strides = [1, 1]} : vector<8x768xf32> to vector<1x768xf32>
    %squeeze3A_65 = vector.shape_cast %slice3A_64 : vector<1x768xf32> to vector<768xf32>
    %broadcast_in_dim3A_66 = vector.shape_cast %squeeze3A_65 : vector<768xf32> to vector<1x768xf32>
    %add3A_67 = vector.broadcast %broadcast_in_dim3A_66 : vector<1x768xf32> to vector<64x768xf32>
    %add3A_68 = arith.addf %get3A_6, %add3A_67 : vector<64x768xf32>
    %slice3A_69 = vector.extract_strided_slice %get3A_10 {offsets = [0, 2], sizes = [64, 1], strides = [1, 1]} : vector<64x8xf32> to vector<64x1xf32>
    %mul3A_70 = vector.broadcast %slice3A_69 : vector<64x1xf32> to vector<64x768xf32>
    %mul3A_71 = arith.mulf %add3A_68, %mul3A_70 : vector<64x768xf32>
    %slice3A_72 = vector.extract_strided_slice %get3A_15 {offsets = [0, 2], sizes = [64, 1], strides = [1, 1]} : vector<64x8xf32> to vector<64x1xf32>
    %sub3A_73 = vector.broadcast %slice3A_72 : vector<64x1xf32> to vector<64x768xf32>
    %sub3A_74 = arith.subf %mul3A_71, %sub3A_73 : vector<64x768xf32>
    %broadcast_in_dim3A_75 = vector.shape_cast %get3A_19 : vector<768xf32> to vector<1x768xf32>
    %mul3A_76 = vector.broadcast %broadcast_in_dim3A_75 : vector<1x768xf32> to vector<64x768xf32>
    %mul3A_77 = arith.mulf %sub3A_74, %mul3A_76 : vector<64x768xf32>
    %broadcast_in_dim3A_78 = vector.shape_cast %get3A_23 : vector<768xf32> to vector<1x768xf32>
    %add3A_79 = vector.broadcast %broadcast_in_dim3A_78 : vector<1x768xf32> to vector<64x768xf32>
    %add3A_80 = arith.addf %mul3A_77, %add3A_79 : vector<64x768xf32>
    %swap3A_81 = arith.constant 0 : index
    %swap3A_82 = arith.constant 2 : index
    %swap3A_83 = arith.constant 0 : index
    %swap3A_84 = vector.load %arg7[%swap3A_81, %swap3A_82, %swap3A_83] : memref<64x8x768xf32, #tpu.memory_space<vmem>>, vector<64x1x768xf32>
    %swap3A_85 = vector.shape_cast %swap3A_84 : vector<64x1x768xf32> to vector<64x768xf32>
    %swap3A_86 = vector.shape_cast %add3A_80 : vector<64x768xf32> to vector<64x1x768xf32>
    tpu.vector_store %arg7[%swap3A_81, %swap3A_82, %swap3A_83], %swap3A_86 {strides = array<i32>} : memref<64x8x768xf32, #tpu.memory_space<vmem>>, vector<64x1x768xf32>,
    %slice3A_87 = vector.extract_strided_slice %get3A_3 {offsets = [3, 0], sizes = [1, 768], strides = [1, 1]} : vector<8x768xf32> to vector<1x768xf32>
    %squeeze3A_88 = vector.shape_cast %slice3A_87 : vector<1x768xf32> to vector<768xf32>
    %broadcast_in_dim3A_89 = vector.shape_cast %squeeze3A_88 : vector<768xf32> to vector<1x768xf32>
    %add3A_90 = vector.broadcast %broadcast_in_dim3A_89 : vector<1x768xf32> to vector<64x768xf32>
    %add3A_91 = arith.addf %get3A_6, %add3A_90 : vector<64x768xf32>
    %slice3A_92 = vector.extract_strided_slice %get3A_10 {offsets = [0, 3], sizes = [64, 1], strides = [1, 1]} : vector<64x8xf32> to vector<64x1xf32>
    %mul3A_93 = vector.broadcast %slice3A_92 : vector<64x1xf32> to vector<64x768xf32>
    %mul3A_94 = arith.mulf %add3A_91, %mul3A_93 : vector<64x768xf32>
    %slice3A_95 = vector.extract_strided_slice %get3A_15 {offsets = [0, 3], sizes = [64, 1], strides = [1, 1]} : vector<64x8xf32> to vector<64x1xf32>
    %sub3A_96 = vector.broadcast %slice3A_95 : vector<64x1xf32> to vector<64x768xf32>
    %sub3A_97 = arith.subf %mul3A_94, %sub3A_96 : vector<64x768xf32>
    %broadcast_in_dim3A_98 = vector.shape_cast %get3A_19 : vector<768xf32> to vector<1x768xf32>
    %mul3A_99 = vector.broadcast %broadcast_in_dim3A_98 : vector<1x768xf32> to vector<64x768xf32>
    %mul3A_100 = arith.mulf %sub3A_97, %mul3A_99 : vector<64x768xf32>
    %broadcast_in_dim3A_101 = vector.shape_cast %get3A_23 : vector<768xf32> to vector<1x768xf32>
    %add3A_102 = vector.broadcast %broadcast_in_dim3A_101 : vector<1x768xf32> to vector<64x768xf32>
    %add3A_103 = arith.addf %mul3A_100, %add3A_102 : vector<64x768xf32>
    %swap3A_104 = arith.constant 0 : index
    %swap3A_105 = arith.constant 3 : index
    %swap3A_106 = arith.constant 0 : index
    %swap3A_107 = vector.load %arg7[%swap3A_104, %swap3A_105, %swap3A_106] : memref<64x8x768xf32, #tpu.memory_space<vmem>>, vector<64x1x768xf32>
    %swap3A_108 = vector.shape_cast %swap3A_107 : vector<64x1x768xf32> to vector<64x768xf32>
    %swap3A_109 = vector.shape_cast %add3A_103 : vector<64x768xf32> to vector<64x1x768xf32>
    tpu.vector_store %arg7[%swap3A_104, %swap3A_105, %swap3A_106], %swap3A_109 {strides = array<i32>} : memref<64x8x768xf32, #tpu.memory_space<vmem>>, vector<64x1x768xf32>,
    %slice3A_110 = vector.extract_strided_slice %get3A_3 {offsets = [4, 0], sizes = [1, 768], strides = [1, 1]} : vector<8x768xf32> to vector<1x768xf32>
    %squeeze3A_111 = vector.shape_cast %slice3A_110 : vector<1x768xf32> to vector<768xf32>
    %broadcast_in_dim3A_112 = vector.shape_cast %squeeze3A_111 : vector<768xf32> to vector<1x768xf32>
    %add3A_113 = vector.broadcast %broadcast_in_dim3A_112 : vector<1x768xf32> to vector<64x768xf32>
    %add3A_114 = arith.addf %get3A_6, %add3A_113 : vector<64x768xf32>
    %slice3A_115 = vector.extract_strided_slice %get3A_10 {offsets = [0, 4], sizes = [64, 1], strides = [1, 1]} : vector<64x8xf32> to vector<64x1xf32>
    %mul3A_116 = vector.broadcast %slice3A_115 : vector<64x1xf32> to vector<64x768xf32>
    %mul3A_117 = arith.mulf %add3A_114, %mul3A_116 : vector<64x768xf32>
    %slice3A_118 = vector.extract_strided_slice %get3A_15 {offsets = [0, 4], sizes = [64, 1], strides = [1, 1]} : vector<64x8xf32> to vector<64x1xf32>
    %sub3A_119 = vector.broadcast %slice3A_118 : vector<64x1xf32> to vector<64x768xf32>
    %sub3A_120 = arith.subf %mul3A_117, %sub3A_119 : vector<64x768xf32>
    %broadcast_in_dim3A_121 = vector.shape_cast %get3A_19 : vector<768xf32> to vector<1x768xf32>
    %mul3A_122 = vector.broadcast %broadcast_in_dim3A_121 : vector<1x768xf32> to vector<64x768xf32>
    %mul3A_123 = arith.mulf %sub3A_120, %mul3A_122 : vector<64x768xf32>
    %broadcast_in_dim3A_124 = vector.shape_cast %get3A_23 : vector<768xf32> to vector<1x768xf32>
    %add3A_125 = vector.broadcast %broadcast_in_dim3A_124 : vector<1x768xf32> to vector<64x768xf32>
    %add3A_126 = arith.addf %mul3A_123, %add3A_125 : vector<64x768xf32>
    %swap3A_127 = arith.constant 0 : index
    %swap3A_128 = arith.constant 4 : index
    %swap3A_129 = arith.constant 0 : index
    %swap3A_130 = vector.load %arg7[%swap3A_127, %swap3A_128, %swap3A_129] : memref<64x8x768xf32, #tpu.memory_space<vmem>>, vector<64x1x768xf32>
    %swap3A_131 = vector.shape_cast %swap3A_130 : vector<64x1x768xf32> to vector<64x768xf32>
    %swap3A_132 = vector.shape_cast %add3A_126 : vector<64x768xf32> to vector<64x1x768xf32>
    tpu.vector_store %arg7[%swap3A_127, %swap3A_128, %swap3A_129], %swap3A_132 {strides = array<i32>} : memref<64x8x768xf32, #tpu.memory_space<vmem>>, vector<64x1x768xf32>,
    %slice3A_133 = vector.extract_strided_slice %get3A_3 {offsets = [5, 0], sizes = [1, 768], strides = [1, 1]} : vector<8x768xf32> to vector<1x768xf32>
    %squeeze3A_134 = vector.shape_cast %slice3A_133 : vector<1x768xf32> to vector<768xf32>
    %broadcast_in_dim3A_135 = vector.shape_cast %squeeze3A_134 : vector<768xf32> to vector<1x768xf32>
    %add3A_136 = vector.broadcast %broadcast_in_dim3A_135 : vector<1x768xf32> to vector<64x768xf32>
    %add3A_137 = arith.addf %get3A_6, %add3A_136 : vector<64x768xf32>
    %slice3A_138 = vector.extract_strided_slice %get3A_10 {offsets = [0, 5], sizes = [64, 1], strides = [1, 1]} : vector<64x8xf32> to vector<64x1xf32>
    %mul3A_139 = vector.broadcast %slice3A_138 : vector<64x1xf32> to vector<64x768xf32>
    %mul3A_140 = arith.mulf %add3A_137, %mul3A_139 : vector<64x768xf32>
    %slice3A_141 = vector.extract_strided_slice %get3A_15 {offsets = [0, 5], sizes = [64, 1], strides = [1, 1]} : vector<64x8xf32> to vector<64x1xf32>
    %sub3A_142 = vector.broadcast %slice3A_141 : vector<64x1xf32> to vector<64x768xf32>
    %sub3A_143 = arith.subf %mul3A_140, %sub3A_142 : vector<64x768xf32>
    %broadcast_in_dim3A_144 = vector.shape_cast %get3A_19 : vector<768xf32> to vector<1x768xf32>
    %mul3A_145 = vector.broadcast %broadcast_in_dim3A_144 : vector<1x768xf32> to vector<64x768xf32>
    %mul3A_146 = arith.mulf %sub3A_143, %mul3A_145 : vector<64x768xf32>
    %broadcast_in_dim3A_147 = vector.shape_cast %get3A_23 : vector<768xf32> to vector<1x768xf32>
    %add3A_148 = vector.broadcast %broadcast_in_dim3A_147 : vector<1x768xf32> to vector<64x768xf32>
    %add3A_149 = arith.addf %mul3A_146, %add3A_148 : vector<64x768xf32>
    %swap3A_150 = arith.constant 0 : index
    %swap3A_151 = arith.constant 5 : index
    %swap3A_152 = arith.constant 0 : index
    %swap3A_153 = vector.load %arg7[%swap3A_150, %swap3A_151, %swap3A_152] : memref<64x8x768xf32, #tpu.memory_space<vmem>>, vector<64x1x768xf32>
    %swap3A_154 = vector.shape_cast %swap3A_153 : vector<64x1x768xf32> to vector<64x768xf32>
    %swap3A_155 = vector.shape_cast %add3A_149 : vector<64x768xf32> to vector<64x1x768xf32>
    tpu.vector_store %arg7[%swap3A_150, %swap3A_151, %swap3A_152], %swap3A_155 {strides = array<i32>} : memref<64x8x768xf32, #tpu.memory_space<vmem>>, vector<64x1x768xf32>,
    %slice3A_156 = vector.extract_strided_slice %get3A_3 {offsets = [6, 0], sizes = [1, 768], strides = [1, 1]} : vector<8x768xf32> to vector<1x768xf32>
    %squeeze3A_157 = vector.shape_cast %slice3A_156 : vector<1x768xf32> to vector<768xf32>
    %broadcast_in_dim3A_158 = vector.shape_cast %squeeze3A_157 : vector<768xf32> to vector<1x768xf32>
    %add3A_159 = vector.broadcast %broadcast_in_dim3A_158 : vector<1x768xf32> to vector<64x768xf32>
    %add3A_160 = arith.addf %get3A_6, %add3A_159 : vector<64x768xf32>
    %slice3A_161 = vector.extract_strided_slice %get3A_10 {offsets = [0, 6], sizes = [64, 1], strides = [1, 1]} : vector<64x8xf32> to vector<64x1xf32>
    %mul3A_162 = vector.broadcast %slice3A_161 : vector<64x1xf32> to vector<64x768xf32>
    %mul3A_163 = arith.mulf %add3A_160, %mul3A_162 : vector<64x768xf32>
    %slice3A_164 = vector.extract_strided_slice %get3A_15 {offsets = [0, 6], sizes = [64, 1], strides = [1, 1]} : vector<64x8xf32> to vector<64x1xf32>
    %sub3A_165 = vector.broadcast %slice3A_164 : vector<64x1xf32> to vector<64x768xf32>
    %sub3A_166 = arith.subf %mul3A_163, %sub3A_165 : vector<64x768xf32>
    %broadcast_in_dim3A_167 = vector.shape_cast %get3A_19 : vector<768xf32> to vector<1x768xf32>
    %mul3A_168 = vector.broadcast %broadcast_in_dim3A_167 : vector<1x768xf32> to vector<64x768xf32>
    %mul3A_169 = arith.mulf %sub3A_166, %mul3A_168 : vector<64x768xf32>
    %broadcast_in_dim3A_170 = vector.shape_cast %get3A_23 : vector<768xf32> to vector<1x768xf32>
    %add3A_171 = vector.broadcast %broadcast_in_dim3A_170 : vector<1x768xf32> to vector<64x768xf32>
    %add3A_172 = arith.addf %mul3A_169, %add3A_171 : vector<64x768xf32>
    %swap3A_173 = arith.constant 0 : index
    %swap3A_174 = arith.constant 6 : index
    %swap3A_175 = arith.constant 0 : index
    %swap3A_176 = vector.load %arg7[%swap3A_173, %swap3A_174, %swap3A_175] : memref<64x8x768xf32, #tpu.memory_space<vmem>>, vector<64x1x768xf32>
    %swap3A_177 = vector.shape_cast %swap3A_176 : vector<64x1x768xf32> to vector<64x768xf32>
    %swap3A_178 = vector.shape_cast %add3A_172 : vector<64x768xf32> to vector<64x1x768xf32>
    tpu.vector_store %arg7[%swap3A_173, %swap3A_174, %swap3A_175], %swap3A_178 {strides = array<i32>} : memref<64x8x768xf32, #tpu.memory_space<vmem>>, vector<64x1x768xf32>,
    %slice3A_179 = vector.extract_strided_slice %get3A_3 {offsets = [7, 0], sizes = [1, 768], strides = [1, 1]} : vector<8x768xf32> to vector<1x768xf32>
    %squeeze3A_180 = vector.shape_cast %slice3A_179 : vector<1x768xf32> to vector<768xf32>
    %broadcast_in_dim3A_181 = vector.shape_cast %squeeze3A_180 : vector<768xf32> to vector<1x768xf32>
    %add3A_182 = vector.broadcast %broadcast_in_dim3A_181 : vector<1x768xf32> to vector<64x768xf32>
    %add3A_183 = arith.addf %get3A_6, %add3A_182 : vector<64x768xf32>
    %slice3A_184 = vector.extract_strided_slice %get3A_10 {offsets = [0, 7], sizes = [64, 1], strides = [1, 1]} : vector<64x8xf32> to vector<64x1xf32>
    %mul3A_185 = vector.broadcast %slice3A_184 : vector<64x1xf32> to vector<64x768xf32>
    %mul3A_186 = arith.mulf %add3A_183, %mul3A_185 : vector<64x768xf32>
    %slice3A_187 = vector.extract_strided_slice %get3A_15 {offsets = [0, 7], sizes = [64, 1], strides = [1, 1]} : vector<64x8xf32> to vector<64x1xf32>
    %sub3A_188 = vector.broadcast %slice3A_187 : vector<64x1xf32> to vector<64x768xf32>
    %sub3A_189 = arith.subf %mul3A_186, %sub3A_188 : vector<64x768xf32>
    %broadcast_in_dim3A_190 = vector.shape_cast %get3A_19 : vector<768xf32> to vector<1x768xf32>
    %mul3A_191 = vector.broadcast %broadcast_in_dim3A_190 : vector<1x768xf32> to vector<64x768xf32>
    %mul3A_192 = arith.mulf %sub3A_189, %mul3A_191 : vector<64x768xf32>
    %broadcast_in_dim3A_193 = vector.shape_cast %get3A_23 : vector<768xf32> to vector<1x768xf32>
    %add3A_194 = vector.broadcast %broadcast_in_dim3A_193 : vector<1x768xf32> to vector<64x768xf32>
    %add3A_195 = arith.addf %mul3A_192, %add3A_194 : vector<64x768xf32>
    %swap3A_196 = arith.constant 0 : index
    %swap3A_197 = arith.constant 7 : index
    %swap3A_198 = arith.constant 0 : index
    %swap3A_199 = vector.load %arg7[%swap3A_196, %swap3A_197, %swap3A_198] : memref<64x8x768xf32, #tpu.memory_space<vmem>>, vector<64x1x768xf32>
    %swap3A_200 = vector.shape_cast %swap3A_199 : vector<64x1x768xf32> to vector<64x768xf32>
    %swap3A_201 = vector.shape_cast %add3A_195 : vector<64x768xf32> to vector<64x1x768xf32>
    tpu.vector_store %arg7[%swap3A_196, %swap3A_197, %swap3A_198], %swap3A_201 {strides = array<i32>} : memref<64x8x768xf32, #tpu.memory_space<vmem>>, vector<64x1x768xf32>,
    return
  }
  func.func @transform_0(%arg0: i32) -> (i32, i32) {
    %c0_i32 = arith.constant 0 : i32
    %c0_i32_0 = arith.constant 0 : i32
    %c0_i32_1 = arith.constant 0 : i32
    return %c0_i32, %c0_i32_0 : i32, i32
  }
  func.func @transform_1(%arg0: i32) -> (i32, i32) {
    %c0_i32 = arith.constant 0 : i32
    %c0_i32_0 = arith.constant 0 : i32
    %c0_i32_1 = arith.constant 0 : i32
    return %c0_i32, %c0_i32_0 : i32, i32
  }
  func.func @transform_2(%arg0: i32) -> (i32, i32) {
    %c0_i32 = arith.constant 0 : i32
    %c0_i32_0 = arith.constant 0 : i32
    return %arg0, %c0_i32 : i32, i32
  }
  func.func @transform_3(%arg0: i32) -> (i32, i32) {
    %c0_i32 = arith.constant 0 : i32
    %c0_i32_0 = arith.constant 0 : i32
    %c0_i32_1 = arith.constant 0 : i32
    return %c0_i32, %c0_i32_0 : i32, i32
  }
  func.func @transform_4(%arg0: i32) -> (i32, i32) {
    %c0_i32 = arith.constant 0 : i32
    %c0_i32_0 = arith.constant 0 : i32
    %c0_i32_1 = arith.constant 0 : i32
    return %c0_i32, %c0_i32_0 : i32, i32
  }
  func.func @transform_5(%arg0: i32) -> (i32, i32) {
    %c0_i32 = arith.constant 0 : i32
    %c0_i32_0 = arith.constant 0 : i32
    %c0_i32_1 = arith.constant 0 : i32
    return %c0_i32, %c0_i32_0 : i32, i32
  }
  func.func @transform_6(%arg0: i32) -> (i32, i32, i32) {
    %c0_i32 = arith.constant 0 : i32
    %c0_i32_0 = arith.constant 0 : i32
    %c0_i32_1 = arith.constant 0 : i32
    return %arg0, %c0_i32, %c0_i32_0 : i32, i32, i32
  }
  func.func @transform_7(%arg0: i32) -> (i32, i32) {
    %c0_i32 = arith.constant 0 : i32
    %c0_i32_0 = arith.constant 0 : i32
    %c0_i32_1 = arith.constant 0 : i32
    return %c0_i32, %c0_i32_0 : i32, i32
  }
}

</mosaic_0001>

<sc_bundles>
// kernel: kernel.4.cloned.1.call-start
scs
__scs_entry_jumppad:
0x0: {  	(pc) =	sbr.rel $0x88, $3  }
0x1: {  	(tag) =	ssettag $0x0;
	lr =	simm.s32 $0x1  }
0x2: {  	[smem:$0x3F9C] =	sst lr;
	_ =	strace $0xD0000000  }
0x3: {  	_ = 	snop  }
0x4: {  	_ = 	snop  }
0x5: {  	_ = 	snop  }
0x6: {  	_ = 	snop  }
0x7: {  	_ = 	snop  }
__scs_overlays_trampoline_lowered:
0x8: {  	[smem:$0x3FAB] =	sst s0  }
0x9: {  	[smem:$0x3FAC] =	sst s1  }
0xa: {  	[smem:$0x3FAD] =	sst s2  }
0xb: {  	[smem:$0x3FAE] =	sst s3  }
0xc: {  	[smem:$0x3FAF] =	sst s4  }
0xd: {  	[smem:$0x3FB0] =	sst s5  }
0xe: {  	[smem:$0x3FB1] =	sst s6  }
0xf: {  	[smem:$0x3FB2] =	sst s7  }
0x10: {  	[smem:$0x3FB3] =	sst s8  }
0x11: {  	[smem:$0x3FB4] =	sst s9;
	s0 =	simm.s32 @!p0 $0x0  }
0x12: {  	s1 =	sld [smem:$0x3F9A];
	s0 =	simm.s32 @p0 $0x1  }
0x13: {  	[smem:$0x3FB5] =	sst s0;
	s0 =	simm.s32 @!p1 $0x0  }
0x14: {  	s2 =	sld [smem:$0x3F99];
	s0 =	simm.s32 @p1 $0x1  }
0x15: {  	[smem:$0x3FB6] =	sst s0;
	s0 =	simm.s32 @!p2 $0x0  }
0x16: {  	s3 =	sld [smem:$0x3FDB];
	s0 =	simm.s32 @p2 $0x1  }
0x17: {  	s4 =	simm.s32 $0x1BF5;
	[smem:$0x3FB8] =	sst s0  }
0x18: {  	s0 =	sld [smem:$0x3F9B];
	_ =	swait.ge [sflag:s4], $0x0  }
0x19: {  	s7 =	sld [smem:$0x3F9C]  }
0x1a: {  	s8 =	sadd.s32 $0xFFFFE003, lr  }
0x1b: {  	s9 =	sadd.s32 $0xFFFFFEF7, lr;
	s5 =	simm.s32 $0xFFFFFFFF;
	p2 =	slt.u32 s8, $0xFFFFF086  }
0x1c: {  	p1 =	slt.u32 s9, $0xF7A;
	s5 =	simm.s32 @!p2 $0x0  }
0x1d: {  	s5 =	simm.s32 @p1 $0x1;
	p0 =	seq.s32 s7, s2  }
0x1e: {  	s7 =	smul.u32 @!p0 $0xF7A, s2;
	p2 =	seq.s32 @!p0 s5, $0x0  }
0x1f: {  	s9 =	smul.u32 $0xF7A, s1;
	s8 =	simm.s32 @!p0 $0x1BF5;
	p2 =	por !p2, p0  }
0x20: {  	[sflag:s8] =	ssyncset.s32 @!p0 $0xFFFFF086;
	s6 =	sadd.s32 @!p0 s3, s7;
	s7 =	simm.s32 @!p0 $0x108  }
0x21: {  	s3 =	sadd.s32 s3, s9;
	s6 =	sadd.s32 @!p0 $0x88, s6;
	s7 =	simm.s32 @p2 $0x1082  }
0x22: {  	[simem:s7], [sflag:s8] =	dma.local @!p0 [hbm:s6], $0xF7A  }
0x23: {  	s9 =	sor.u32 $0xD0000000, s2;
	s6 =	simm.s32 $0x108;
	_ =	swait.ge @!p0 [sflag:s8], $0x0  }
0x24: {  	s3 =	sadd.s32 $0x88, s3;
	s6 =	simm.s32 @!p1 $0x1082;
	[sflag:s4] =	ssyncset.s32 $0xFFFFF086  }
0x25: {  	[simem:s6], [sflag:s4] =	dma.local [hbm:s3], $0xF7A  }
0x26: {  	[smem:$0x3F9C] =	sst s1;
	(tag) =	ssettag s2;
	_ =	strace s9  }
0x27: {  	s1 =	sld [smem:$0x3FAC]  }
0x28: {  	s2 =	sld [smem:$0x3FAD]  }
0x29: {  	s4 =	sld [smem:$0x3FAF]  }
0x2a: {  	p0 =	seq.s32 s5, $0x0;
	s5 =	sld [smem:$0x3FB0]  }
0x2b: {  	s6 =	sld [smem:$0x3FB1]  }
0x2c: {  	s7 =	sld [smem:$0x3FB2]  }
0x2d: {  	s3 =	simm.s32 $0x108;
	s8 =	sld [smem:$0x3FB3]  }
0x2e: {  	s3 =	simm.s32 @!p0 $0x1082;
	s9 =	sld [smem:$0x3FB4]  }
0x2f: {  	lr =	sadd.s32 s0, s3;
	s0 =	sld [smem:$0x3FAB]  }
0x30: {  	s3 =	sld [smem:$0x3FAE]  }
0x31: {  	[smem:$0x3FB7] =	sst s10  }
0x32: {  	s10 =	sld [smem:$0x3FB5];
	_ =	sdelay $0x3  }
0x33: {  	p0 =	seq.s32 s10, $0x1;
	s10 =	sld [smem:$0x3FB7];
	_ =	sdelay $0x3  }
0x34: {  	[smem:$0x3FB7] =	sst s10  }
0x35: {  	s10 =	sld [smem:$0x3FB6];
	_ =	sdelay $0x3  }
0x36: {  	p1 =	seq.s32 s10, $0x1;
	s10 =	sld [smem:$0x3FB7];
	_ =	sdelay $0x3  }
0x37: {  	[smem:$0x3FB7] =	sst s10  }
0x38: {  	s10 =	sld [smem:$0x3FB8]  }
0x39: {  	_ = 	snop;
	(pc) =	sbr.ind lr, $3  }
0x3a: {  	_ = 	snop  }
0x3b: {  	_ = 	snop  }
0x3c: {  	p2 =	seq.s32 s10, $0x1;
	s10 =	sld [smem:$0x3FB7]  }
0x3d: {  	_ =	shalt  }
0x3e: {  	_ =	shalt  }
0x3f: {  	_ =	shalt  }
0x40: {  	_ =	shalt  }
0x41: {  	_ =	shalt  }
0x42: {  	_ =	shalt  }
0x43: {  	_ =	shalt  }
0x44: {  	_ =	shalt  }
0x45: {  	_ =	shalt  }
0x46: {  	_ =	shalt  }
0x47: {  	_ =	shalt  }
0x48: {  	_ =	shalt  }
0x49: {  	_ =	shalt  }
0x4a: {  	_ =	shalt  }
0x4b: {  	_ =	shalt  }
0x4c: {  	_ =	shalt  }
0x4d: {  	_ =	shalt  }
0x4e: {  	_ =	shalt  }
0x4f: {  	_ =	shalt  }
0x50: {  	_ =	shalt  }
0x51: {  	_ =	shalt  }
0x52: {  	_ =	shalt  }
0x53: {  	_ =	shalt  }
0x54: {  	_ =	shalt  }
0x55: {  	_ =	shalt  }
0x56: {  	_ =	shalt  }
0x57: {  	_ =	shalt  }
0x58: {  	_ =	shalt  }
0x59: {  	_ =	shalt  }
0x5a: {  	_ =	shalt  }
0x5b: {  	_ =	shalt  }
0x5c: {  	_ =	shalt  }
0x5d: {  	_ =	shalt  }
0x5e: {  	_ =	shalt  }
0x5f: {  	_ =	shalt  }
0x60: {  	_ =	shalt  }
0x61: {  	_ =	shalt  }
0x62: {  	_ =	shalt  }
0x63: {  	_ =	shalt  }
0x64: {  	_ =	shalt  }
0x65: {  	_ =	shalt  }
0x66: {  	_ =	shalt  }
0x67: {  	_ =	shalt  }
0x68: {  	_ =	shalt  }
0x69: {  	_ =	shalt  }
0x6a: {  	_ =	shalt  }
0x6b: {  	_ =	shalt  }
0x6c: {  	_ =	shalt  }
0x6d: {  	_ =	shalt  }
0x6e: {  	_ =	shalt  }
0x6f: {  	_ =	shalt  }
0x70: {  	_ =	shalt  }
0x71: {  	_ =	shalt  }
0x72: {  	_ =	shalt  }
0x73: {  	_ =	shalt  }
0x74: {  	_ =	shalt  }
0x75: {  	_ =	shalt  }
0x76: {  	_ =	shalt  }
0x77: {  	_ =	shalt  }
0x78: {  	_ =	shalt  }
0x79: {  	_ =	shalt  }
0x7a: {  	_ =	shalt  }
0x7b: {  	_ =	shalt  }
0x7c: {  	_ =	shalt  }
0x7d: {  	_ =	shalt  }
0x7e: {  	_ =	shalt  }
0x7f: {  	_ =	shalt  }
0x80: {  	_ =	shalt  }
0x81: {  	_ =	shalt  }
0x82: {  	_ =	shalt  }
0x83: {  	_ =	shalt  }
0x84: {  	_ =	shalt  }
0x85: {  	_ =	shalt  }
0x86: {  	_ =	shalt  }
0x87: {  	_ =	shalt  }
.Lfunc_end0:
.L_simem_size_0:
called_computation_lowered:
.L_overlay_start_0:
0x88: {  	s2 =	sld [smem:$0x3FD9]  }
0x89: {  	s3 =	sld [smem:$0x3FFE];
	_ =	sdelay $0x1  }
0x8a: {  	s1 =	srdreg.scid  }
0x8b: {  	s0 =	sand.u32 $0x1, s1  }
0x8c: {  	s17 =	sshll.u32 s0, $0xA;
	s2 =	sadd.s32 s3, s2  }
0x8d: {  	s2 =	sadd.s32 s2, s17  }
0x8e: {  	[smem:$0x3FC3] =	sst s2  }
0x8f: {  	_ = 	snop  }
0x90: {  	s2 =	sld [smem:$0x3FD0];
	(tm) =	ssettm $0x1  }
0x91: {  	s18 =	sld [smem:$0x3FFB];
	_ =	sdelay $0x3  }
0x92: {  	_ =	strace s18  }
0x93: {  	s3 =	sld [smem:$0x3FFC];
	_ =	sdelay $0x3  }
0x94: {  	_ =	strace s3  }
0x95: {  	s3 =	sld [smem:$0x3FFD];
	_ =	sdelay $0x3  }
0x96: {  	_ =	strace s3  }
0x97: {  	_ =	strace $0x8FFFFFFF  }
0x98: {  	s19 =	sld [smem:$0x3FDB];
	_ =	sdelay $0x1  }
0x99: {  	s4 =	simm.s32 $_scs_section_size  }
0x9a: {  	s5 =	simm.s32 $_size__tile_overlayer_lowered;
	s6 =	simm.s32 $_tile_overlayer_lowered  }
0x9b: {  	s22 =	simm.s32 $0x1BFF;
	s21 =	sshll.u32 s6, $0x1;
	s3 =	sadd.s32 s4, s19  }
0x9c: {  	s7 =	simm.s32 $0x0;
	s20 =	sshll.u32 s5, $0x1;
	s5 =	sadd.s32 s21, s3  }
0x9d: {  	[timem:s7], [sflag:s22] =	dma.local [hbm:s5], s20  }
0x9e: {  	_ =	swait.ge [sflag:s22], s20  }
0x9f: {  	s4 =	ssub.s32 $0x0, s20;
	[sflag:s22] =	ssyncset.done $0x0  }
0xa0: {  	[sflag:s22] =	ssyncadd.s32 s4;
	_ =	sdelay $0x1  }
0xa1: {  	s23 =	simm.s32 $0x1B8B  }
0xa2: {  	_ =	swait.ge [sflag:s23], $0x1  }
0xa3: {  	[sflag:s23] =	ssyncset.done $0x0  }
0xa4: {  	s25 =	simm.s32 $0x1B8E;
	s24 =	sld [smem:$0x3FFE];
	[sflag:s23] =	ssyncadd.s32 $0xFFFFFFFF  }
0xa5: {  	s26 =	simm.s32 $execute0_lowered;
	[smem:$0x3FD2] =	sst s25  }
0xa6: {  	s5 =	sshll.u32 s26, $0x1;
	_ =	strace $0x80000046;
	[dreg:$0x1] =	wrdreg $0xFFFFFFFF  }
0xa7: {  	s28 =	simm.s32 $_size_execute0_lowered;
	s3 =	sadd.s32 s3, s5;
	[dreg:$0x0] =	wrdreg $0x0  }
0xa8: {  	s5 =	sshll.u32 s28, $0x1;
	[dreg:$0x2] =	wrdreg s3  }
0xa9: {  	[dreg:$0x3] =	wrdreg s5  }
0xaa: {  	[dreg:$0x4] =	wrdreg $0xC0  }
0xab: {  	_ =	task [dreg:s7], $0x5FFFF  }
0xac: {  	[dreg:$0x1] =	wrdreg $0xFFFFFFFF  }
0xad: {  	[dreg:$0x0] =	wrdreg $0x60  }
0xae: {  	[dreg:$0x2] =	wrdreg s24  }
0xaf: {  	[dreg:$0x3] =	wrdreg s2  }
0xb0: {  	[dreg:$0x4] =	wrdreg $0x9  }
0xb1: {  	_ =	task.clear_ibuf [dreg:s7], $0x5FFFF;
	_ =	strace $0x90000046  }
0xb2: {  	s29 =	simm.s32 $0x9;
	_ =	strace $0x80000048  }
0xb3: {  	_ =	swait.ge [sflag:s29], $0x1  }
0xb4: {  	[sflag:s29] =	ssyncadd.s32 $0xFFFFFFFF  }
0xb5: {  	_ =	strace $0x90000048  }
0xb6: {  	_ =	sfence  }
0xb7: {  	s30 =	sld [smem:$0x0];
	_ =	sdelay $0x2  }
0xb8: {  	s31 =	sshll.u32 s1, $0xD;
	s1 =	sshrl.u32 s1, $0x2  }
0xb9: {  	s3 =	sand.u32 $0x4000, s31;
	s1 =	sadd.s32 s1, s30  }
0xba: {  	s0 =	sor.u32 s3, s0;
	s1 =	sshll.u32 s1, $0x11  }
0xbb: {  	s0 =	sor.u32 s1, s0  }
0xbc: {  	s0 =	sadd.s32 $0x8F2B, s0  }
0xbd: {  	[sflag:s0] =	ssyncadd.remote.s32 $0x1  }
0xbe: {  	_ =	sfence.sel $0xFFFF  }
0xbf: {  	[dreg:$0x0] =	wrdreg $0xFFFFFFFF;
	(pc) =	sbr.abs _section_cstart, $3  }
0xc0: {  	[dreg:$0x1] =	wrdreg $0xFFFFFFFF  }
0xc1: {  	_ =	task.clear_ibuf [dreg:s7], $0x2FFFF;
	_ =	strace $0x9FFFFFFF  }
0xc2: {  	(tm) =	ssettm $0x7FFFFFFF  }
0xc3: {  	_ =	shalt  }
tec
execute0_lowered:
.L_overlay_start_1:
0x0: {  	(tag) =	ssettag $0x1  }
0x1: {  	s3 =	rddreg [dreg:$0x0]  }
0x2: {  	s1 =	srdreg.scid;
	s18 =	stileid.u32  }
0x3: {  	s0 =	rddreg [dreg:$0x1];
	s2 =	simm.s32 $0x0;
	s14 =	sand.u32 $0x1, s1  }
0x4: {  	s19 =	sshll.u32 s18, $0x1;
	[smem:$0x7FF] =	sst s2;
	s15 =	smul.u32 $0x6000, s18  }
0x5: {  	s9 =	sadd.s32 $0x40, s0;
	s10 =	sadd.s32 $0x50, s0;
	s18 =	smul.u32 $0xC00, s18  }
0x6: {  	s11 =	sadd.s32 $0x60, s0;
	s12 =	sadd.s32 $0x70, s0;
	s17 =	smul.u32 $0x3000, s14  }
0x7: {  	s4 =	sor.u32 s14, s19;
	_ =	strace $0x80000047;
	s22 =	smul.u32 $0x600, s14  }
0x8: {  	s5 =	ssub.s32 $0x2, s14;
	s6 =	smul.u32 $0x3000, s4;
	s7 =	sshll.u32 s4, $0x8  }
0x9: {  	s8 =	sshrl.u32 s5, $0x1;
	s13 =	smul.u32 $0x600, s4;
	s24 =	sadd.s32 s18, s0  }
0xa: {  	s4 =	sadd.s32 $0x10, s0;
	s14 =	sadd.s32 s17, s15;
	s15 =	sadd.s32 s22, s24  }
0xb: {  	s1 =	sadd.s32 s6, s3;
	s3 =	sadd.s32 s7, s3;
	s7 =	ssub.s32 s5, s8  }
0xc: {  	s5 =	sadd.s32 $0x20, s0;
	s8 =	sadd.s32 $0x30, s0;
	s16 =	sadd.s32 $0xC000, s13  }
0xd: {  	s17 =	sadd.s32 $0x181B80, s14;
	[dreg:$0x3] =	wrdreg s15;
	s19 =	sadd.s32 s0, s16  }
0xe: {  	s28 =	sadd.s32 $0x181B00, s14;
	s20 =	sadd.s32 s16, s4;
	[dreg:$0xc] =	wrdreg s19  }
0xf: {  	s30 =	sadd.s32 $0x181A80, s14;
	s21 =	sadd.s32 s16, s5;
	[dreg:$0xd] =	wrdreg s20  }
0x10: {  	s31 =	sadd.s32 $0x181A00, s14;
	s23 =	sadd.s32 s16, s8;
	[dreg:$0xe] =	wrdreg s21  }
0x11: {  	s25 =	sadd.s32 s16, s9;
	s17 =	sshrl.u32 s17, $0x3;
	[dreg:$0xf] =	wrdreg s23  }
0x12: {  	s29 =	sshrl.u32 s28, $0x3;
	[dreg:$0x10] =	wrdreg s25;
	s26 =	sadd.s32 s17, s0  }
0x13: {  	s22 =	sadd.s32 $0x181980, s14;
	s15 =	sadd.s32 s29, s0;
	[dreg:$0xb] =	wrdreg s26  }
0x14: {  	s18 =	sadd.s32 $0xC300, s13;
	s29 =	sadd.s32 s16, s10;
	[dreg:$0xa] =	wrdreg s15  }
0x15: {  	s20 =	sshrl.u32 s31, $0x3;
	s31 =	sadd.s32 s16, s11;
	[dreg:$0x11] =	wrdreg s29  }
0x16: {  	s17 =	sshrl.u32 s30, $0x3;
	s16 =	sadd.s32 s16, s12;
	[dreg:$0x12] =	wrdreg s31  }
0x17: {  	s23 =	sshrl.u32 s22, $0x3;
	s22 =	sadd.s32 s18, s8;
	[dreg:$0x13] =	wrdreg s16  }
0x18: {  	s19 =	sadd.s32 s17, s0;
	[dreg:$0x17] =	wrdreg s22  }
0x19: {  	s21 =	sadd.s32 s20, s0;
	[dreg:$0x9] =	wrdreg s19  }
0x1a: {  	s15 =	sadd.s32 s23, s0;
	[dreg:$0x8] =	wrdreg s21  }
0x1b: {  	s24 =	sadd.s32 $0x181900, s14;
	s20 =	sadd.s32 s18, s4;
	[dreg:$0x7] =	wrdreg s15  }
0x1c: {  	s25 =	sadd.s32 $0x181880, s14;
	s23 =	sadd.s32 s18, s9;
	[dreg:$0x15] =	wrdreg s20  }
0x1d: {  	s17 =	sshrl.u32 s24, $0x3;
	s24 =	sadd.s32 s18, s10;
	[dreg:$0x18] =	wrdreg s23  }
0x1e: {  	s28 =	sshrl.u32 s25, $0x3;
	s25 =	sadd.s32 s18, s11;
	[dreg:$0x19] =	wrdreg s24  }
0x1f: {  	s26 =	sadd.s32 s17, s0;
	[dreg:$0x1a] =	wrdreg s25  }
0x20: {  	s30 =	sadd.s32 s28, s0;
	[dreg:$0x6] =	wrdreg s26  }
0x21: {  	s19 =	sadd.s32 s0, s18;
	[dreg:$0x5] =	wrdreg s30  }
0x22: {  	s14 =	sadd.s32 $0x181800, s14;
	s21 =	sadd.s32 s18, s5;
	[dreg:$0x14] =	wrdreg s19  }
0x23: {  	s14 =	sshrl.u32 s14, $0x3;
	s15 =	sadd.s32 s18, s12;
	[dreg:$0x16] =	wrdreg s21  }
0x24: {  	s20 =	sadd.s32 $0x18300, s13;
	s14 =	sadd.s32 s14, s0;
	[dreg:$0x1b] =	wrdreg s15  }
0x25: {  	s21 =	sadd.s32 s0, s20;
	[dreg:$0x4] =	wrdreg s14  }
0x26: {  	s22 =	sadd.s32 s20, s4;
	[smem:$0x7D3] =	sst s21  }
0x27: {  	s23 =	sadd.s32 s20, s5;
	[smem:$0x7D4] =	sst s22  }
0x28: {  	s24 =	sadd.s32 s20, s8;
	[smem:$0x7D5] =	sst s23  }
0x29: {  	s25 =	sadd.s32 s20, s9;
	[smem:$0x7D6] =	sst s24  }
0x2a: {  	s26 =	sadd.s32 $0x18000, s13;
	s15 =	sadd.s32 s20, s12;
	[smem:$0x7D7] =	sst s25  }
0x2b: {  	s28 =	sadd.s32 s0, s26;
	[smem:$0x7DA] =	sst s15  }
0x2c: {  	s29 =	sadd.s32 s26, s4;
	[dreg:$0x1c] =	wrdreg s28  }
0x2d: {  	s30 =	sadd.s32 s26, s5;
	[dreg:$0x1d] =	wrdreg s29  }
0x2e: {  	s31 =	sadd.s32 s26, s8;
	[dreg:$0x1e] =	wrdreg s30  }
0x2f: {  	s17 =	sadd.s32 s26, s9;
	[dreg:$0x1f] =	wrdreg s31  }
0x30: {  	s18 =	sadd.s32 s26, s10;
	[smem:$0x7CF] =	sst s17  }
0x31: {  	s19 =	sadd.s32 s26, s11;
	[smem:$0x7D0] =	sst s18  }
0x32: {  	s16 =	sadd.s32 s26, s12;
	[smem:$0x7D1] =	sst s19  }
0x33: {  	s26 =	sadd.s32 s20, s10;
	[smem:$0x7D2] =	sst s16  }
0x34: {  	s23 =	sadd.s32 s0, s13;
	[smem:$0x7D8] =	sst s26  }
0x35: {  	s24 =	sadd.s32 s13, s4;
	[smem:$0x7E3] =	sst s23  }
0x36: {  	s25 =	sadd.s32 s13, s5;
	[smem:$0x7E4] =	sst s24  }
0x37: {  	s6 =	sshrl.u32 s6, $0x3;
	s28 =	sadd.s32 s20, s11;
	[smem:$0x7E5] =	sst s25  }
0x38: {  	s6 =	sadd.s32 s0, s6;
	s26 =	sadd.s32 s13, s8;
	[smem:$0x7D9] =	sst s28  }
0x39: {  	s23 =	sadd.s32 $0x310, s6;
	[smem:$0x7E6] =	sst s26  }
0x3a: {  	s24 =	sadd.s32 $0x320, s6;
	[smem:$0x7F6] =	sst s23  }
0x3b: {  	s29 =	sadd.s32 $0x24000, s13;
	s25 =	sadd.s32 $0x330, s6;
	[smem:$0x7F7] =	sst s24  }
0x3c: {  	s30 =	sadd.s32 s0, s29;
	[smem:$0x7F8] =	sst s25  }
0x3d: {  	s31 =	sadd.s32 s29, s4;
	[smem:$0x7DB] =	sst s30  }
0x3e: {  	s17 =	sadd.s32 s29, s5;
	[smem:$0x7DC] =	sst s31  }
0x3f: {  	s18 =	sadd.s32 s29, s8;
	[smem:$0x7DD] =	sst s17  }
0x40: {  	s19 =	sadd.s32 s29, s9;
	[smem:$0x7DE] =	sst s18  }
0x41: {  	s20 =	sadd.s32 s29, s10;
	[smem:$0x7DF] =	sst s19  }
0x42: {  	s21 =	sadd.s32 s29, s11;
	[smem:$0x7E0] =	sst s20  }
0x43: {  	s22 =	sadd.s32 s29, s12;
	[smem:$0x7E1] =	sst s21  }
0x44: {  	s28 =	sadd.s32 s13, s9;
	[smem:$0x7E2] =	sst s22  }
0x45: {  	s29 =	sadd.s32 s13, s10;
	[smem:$0x7E7] =	sst s28  }
0x46: {  	s26 =	sadd.s32 $0x340, s6;
	[smem:$0x7E8] =	sst s29  }
0x47: {  	s30 =	sadd.s32 s13, s11;
	[smem:$0x7F9] =	sst s26  }
0x48: {  	s31 =	sadd.s32 s13, s12;
	[smem:$0x7E9] =	sst s30  }
0x49: {  	s20 =	sadd.s32 $0x1000, s1;
	[smem:$0x7EA] =	sst s31  }
0x4a: {  	s21 =	sadd.s32 $0x61000, s3;
	[smem:$0x7F3] =	sst s20  }
0x4b: {  	s22 =	sadd.s32 $0x300, s6;
	[smem:$0x7F4] =	sst s21  }
0x4c: {  	s28 =	sadd.s32 $0x350, s6;
	[smem:$0x7F5] =	sst s22  }
0x4d: {  	s13 =	sadd.s32 $0x24300, s13;
	s29 =	sadd.s32 $0x360, s6;
	[smem:$0x7FA] =	sst s28  }
0x4e: {  	s0 =	sadd.s32 s0, s13;
	[smem:$0x7FB] =	sst s29  }
0x4f: {  	s4 =	sadd.s32 s13, s4;
	[smem:$0x7EB] =	sst s0  }
0x50: {  	s5 =	sadd.s32 s13, s5;
	[smem:$0x7EC] =	sst s4  }
0x51: {  	s15 =	sadd.s32 s13, s8;
	[smem:$0x7ED] =	sst s5  }
0x52: {  	s16 =	sadd.s32 s13, s9;
	[smem:$0x7EE] =	sst s15  }
0x53: {  	s17 =	sadd.s32 s13, s10;
	[smem:$0x7EF] =	sst s16  }
0x54: {  	s18 =	sadd.s32 s13, s11;
	[smem:$0x7F0] =	sst s17  }
0x55: {  	v0 =	vlaneseq.u32;
	s19 =	sadd.s32 s13, s12;
	[smem:$0x7F1] =	sst s18  }
0x56: {  	v0 =	vmul.u32 $0x80, v0;
	s30 =	sadd.s32 $0x370, s6;
	[smem:$0x7F2] =	sst s19  }
0x57: {  	s31 =	smax.u32 s7, $0x1;
	[smem:$0x7FC] =	sst s30  }
0x58: {  	v1 =	vor.u32 $0x1, v0;
	v2 =	vor.u32 $0x2, v0;
	v3 =	vor.u32 $0x3, v0;
	s3 =	simm.s32 $0x0;
	[smem:$0x7FD] =	sst s31;
	s4 =	simm.s32 $0x18000  }
.LBB2_1:
0x59: {  	s0 =	sld [smem:$0x7F3];
	_ =	sdelay $0x1  }
0x5a: {  	[smem:$0x7CE] =	sst s3;
	s1 =	simm.s32 $0x2  }
0x5b: {  	[tilespmem:s2], [sflag:$0x2] =	stream.linear.gather [hbm4b:s0+s2], $0x18000, $0x38;
	[tilespmem:$0x18800] =	vst v63  }
0x5c: {  	_ =	swait.ge [sflag:s1], $0x18000  }
0x5d: {  	s20 =	sld [smem:$0x7F4]  }
0x5e: {  	[sflag:s1] =	ssyncset.done $0x0  }
0x5f: {  	[sflag:s1] =	ssyncadd.s32 $0xFFFE8000  }
0x60: {  	[tilespmem:s4], [sflag:$0x2] =	stream.linear.gather [hbm4b:s20+s2], $0x800, $0x38;
	[tilespmem:$0x18800] =	vst v63  }
0x61: {  	_ =	swait.ge [sflag:s1], $0x800  }
0x62: {  	[sflag:s1] =	ssyncset.done $0x0  }
0x63: {  	[sflag:s1] =	ssyncadd.s32 $0xFFFFF800  }
0x64: {  	v4 =	vld.idx.msk [tilespmem:v0+s4+$0x0], $0xffff;
	_ =	sdelay $0x4  }
0x65: {  	(v2sf) =	vpush v4, $0x0;
	_ =	sdelay $0x8  }
0x66: {  	(v2sf) =	vpush v4, $0x1;
	_ =	sdelay $0x5  }
0x67: {  	s21 =	spop (v2sf)  }
0x68: {  	s10 =	sshrl.u32 s21, $0x3  }
0x69: {  	s10 =	smul.u32 $0x6000, s10  }
0x6a: {  	s22 =	sld [smem:$0x7E3];
	s1 =	sshll.u32 s21, $0x7  }
0x6b: {  	s1 =	sand.u32 $0x380, s1;
	s10 =	sshra.s32 s10, $0x2  }
0x6c: {  	s1 =	sor.u32 s1, s10  }
0x6d: {  	[hbm4b:s22+s2] =	stream.linear.scatter [tilespmem:s1], [sflag:$0x1], $0x80, $0x38;
	[tilespmem:$0x18800] =	vst v63  }
0x6e: {  	s11 =	sadd.s32 $0x80, s22;
	s10 =	sor.u32 $0x400, s1  }
0x6f: {  	(v2sf) =	vpush v4, $0x2;
	[hbm4b:s11+s2] =	stream.linear.scatter [tilespmem:s10], [sflag:$0x1], $0x80, $0x38;
	[tilespmem:$0x18800] =	vst v63  }
0x70: {  	s24 =	sadd.s32 $0x100, s22;
	s31 =	spop (v2sf);
	s23 =	sadd.s32 $0x800, s1  }
0x71: {  	[hbm4b:s24+s2] =	stream.linear.scatter [tilespmem:s23], [sflag:$0x1], $0x80, $0x38;
	[tilespmem:$0x18800] =	vst v63  }
0x72: {  	s26 =	sadd.s32 $0x180, s22;
	s0 =	sadd.s32 $0x8, s31;
	s25 =	sadd.s32 $0xC00, s1  }
0x73: {  	[hbm4b:s26+s2] =	stream.linear.scatter [tilespmem:s25], [sflag:$0x1], $0x80, $0x38;
	[tilespmem:$0x18800] =	vst v63  }
0x74: {  	s29 =	sadd.s32 $0x200, s22;
	s28 =	sadd.s32 $0x1000, s1;
	s10 =	sshrl.u32 s0, $0x3  }
0x75: {  	[hbm4b:s29+s2] =	stream.linear.scatter [tilespmem:s28], [sflag:$0x1], $0x80, $0x38;
	[tilespmem:$0x18800] =	vst v63  }
0x76: {  	s30 =	sadd.s32 $0x280, s22;
	s1 =	sadd.s32 $0x1400, s1;
	s10 =	smul.u32 $0x6000, s10  }
0x77: {  	[hbm4b:s30+s2] =	stream.linear.scatter [tilespmem:s1], [sflag:$0x1], $0x80, $0x38;
	[tilespmem:$0x18800] =	vst v63  }
0x78: {  	s3 =	sld [smem:$0x7E4];
	s1 =	sshll.u32 s31, $0x7  }
0x79: {  	s10 =	sshra.s32 s10, $0x2;
	s1 =	sand.u32 $0x380, s1  }
0x7a: {  	s1 =	sor.u32 s1, s10  }
0x7b: {  	[hbm4b:s3+s2] =	stream.linear.scatter [tilespmem:s1], [sflag:$0x1], $0x80, $0x38;
	[tilespmem:$0x18800] =	vst v63  }
0x7c: {  	s5 =	sadd.s32 $0x80, s3;
	s10 =	sor.u32 $0x400, s1  }
0x7d: {  	(v2sf) =	vpush v4, $0x3;
	[hbm4b:s5+s2] =	stream.linear.scatter [tilespmem:s10], [sflag:$0x1], $0x80, $0x38;
	[tilespmem:$0x18800] =	vst v63  }
0x7e: {  	s7 =	sadd.s32 $0x100, s3;
	s15 =	spop (v2sf);
	s6 =	sadd.s32 $0x800, s1  }
0x7f: {  	[hbm4b:s7+s2] =	stream.linear.scatter [tilespmem:s6], [sflag:$0x1], $0x80, $0x38;
	[tilespmem:$0x18800] =	vst v63  }
0x80: {  	s9 =	sadd.s32 $0x180, s3;
	s16 =	sadd.s32 $0x10, s15;
	s8 =	sadd.s32 $0xC00, s1  }
0x81: {  	[hbm4b:s9+s2] =	stream.linear.scatter [tilespmem:s8], [sflag:$0x1], $0x80, $0x38;
	[tilespmem:$0x18800] =	vst v63  }
0x82: {  	s13 =	sadd.s32 $0x200, s3;
	s12 =	sadd.s32 $0x1000, s1;
	s10 =	sshrl.u32 s16, $0x3  }
0x83: {  	[hbm4b:s13+s2] =	stream.linear.scatter [tilespmem:s12], [sflag:$0x1], $0x80, $0x38;
	[tilespmem:$0x18800] =	vst v63  }
0x84: {  	s14 =	sadd.s32 $0x280, s3;
	s1 =	sadd.s32 $0x1400, s1;
	s10 =	smul.u32 $0x6000, s10  }
0x85: {  	[hbm4b:s14+s2] =	stream.linear.scatter [tilespmem:s1], [sflag:$0x1], $0x80, $0x38;
	[tilespmem:$0x18800] =	vst v63  }
0x86: {  	s17 =	sld [smem:$0x7E5];
	s1 =	sshll.u32 s15, $0x7  }
0x87: {  	s10 =	sshra.s32 s10, $0x2;
	s1 =	sand.u32 $0x380, s1  }
0x88: {  	s1 =	sor.u32 s1, s10  }
0x89: {  	[hbm4b:s17+s2] =	stream.linear.scatter [tilespmem:s1], [sflag:$0x1], $0x80, $0x38;
	[tilespmem:$0x18800] =	vst v63  }
0x8a: {  	s18 =	sadd.s32 $0x80, s17;
	s10 =	sor.u32 $0x400, s1  }
0x8b: {  	(v2sf) =	vpush v4, $0x4;
	[hbm4b:s18+s2] =	stream.linear.scatter [tilespmem:s10], [sflag:$0x1], $0x80, $0x38;
	[tilespmem:$0x18800] =	vst v63  }
0x8c: {  	s20 =	sadd.s32 $0x100, s17;
	s26 =	spop (v2sf);
	s19 =	sadd.s32 $0x800, s1  }
0x8d: {  	[hbm4b:s20+s2] =	stream.linear.scatter [tilespmem:s19], [sflag:$0x1], $0x80, $0x38;
	[tilespmem:$0x18800] =	vst v63  }
0x8e: {  	s22 =	sadd.s32 $0x180, s17;
	s28 =	sadd.s32 $0x18, s26;
	s21 =	sadd.s32 $0xC00, s1  }
0x8f: {  	[hbm4b:s22+s2] =	stream.linear.scatter [tilespmem:s21], [sflag:$0x1], $0x80, $0x38;
	[tilespmem:$0x18800] =	vst v63  }
0x90: {  	s24 =	sadd.s32 $0x200, s17;
	s23 =	sadd.s32 $0x1000, s1;
	s10 =	sshrl.u32 s28, $0x3  }
0x91: {  	[hbm4b:s24+s2] =	stream.linear.scatter [tilespmem:s23], [sflag:$0x1], $0x80, $0x38;
	[tilespmem:$0x18800] =	vst v63  }
0x92: {  	s25 =	sadd.s32 $0x280, s17;
	s1 =	sadd.s32 $0x1400, s1;
	s10 =	smul.u32 $0x6000, s10  }
0x93: {  	[hbm4b:s25+s2] =	stream.linear.scatter [tilespmem:s1], [sflag:$0x1], $0x80, $0x38;
	[tilespmem:$0x18800] =	vst v63  }
0x94: {  	s29 =	sld [smem:$0x7E6];
	s1 =	sshll.u32 s26, $0x7  }
0x95: {  	s10 =	sshra.s32 s10, $0x2;
	s1 =	sand.u32 $0x380, s1  }
0x96: {  	s1 =	sor.u32 s1, s10  }
0x97: {  	[hbm4b:s29+s2] =	stream.linear.scatter [tilespmem:s1], [sflag:$0x1], $0x80, $0x38;
	[tilespmem:$0x18800] =	vst v63  }
0x98: {  	s30 =	sadd.s32 $0x80, s29;
	s10 =	sor.u32 $0x400, s1  }
0x99: {  	(v2sf) =	vpush v4, $0x5;
	[hbm4b:s30+s2] =	stream.linear.scatter [tilespmem:s10], [sflag:$0x1], $0x80, $0x38;
	[tilespmem:$0x18800] =	vst v63  }
0x9a: {  	s11 =	spop (v2sf);
	s3 =	sadd.s32 $0x100, s29;
	s31 =	sadd.s32 $0x800, s1  }
0x9b: {  	[hbm4b:s3+s2] =	stream.linear.scatter [tilespmem:s31], [sflag:$0x1], $0x80, $0x38;
	[tilespmem:$0x18800] =	vst v63  }
0x9c: {  	s6 =	sadd.s32 $0x180, s29;
	s12 =	sadd.s32 $0x20, s11;
	s5 =	sadd.s32 $0xC00, s1  }
0x9d: {  	[hbm4b:s6+s2] =	stream.linear.scatter [tilespmem:s5], [sflag:$0x1], $0x80, $0x38;
	[tilespmem:$0x18800] =	vst v63  }
0x9e: {  	s8 =	sadd.s32 $0x200, s29;
	s7 =	sadd.s32 $0x1000, s1;
	s10 =	sshrl.u32 s12, $0x3  }
0x9f: {  	[hbm4b:s8+s2] =	stream.linear.scatter [tilespmem:s7], [sflag:$0x1], $0x80, $0x38;
	[tilespmem:$0x18800] =	vst v63  }
0xa0: {  	s9 =	sadd.s32 $0x280, s29;
	s1 =	sadd.s32 $0x1400, s1;
	s10 =	smul.u32 $0x6000, s10  }
0xa1: {  	[hbm4b:s9+s2] =	stream.linear.scatter [tilespmem:s1], [sflag:$0x1], $0x80, $0x38;
	[tilespmem:$0x18800] =	vst v63  }
0xa2: {  	s13 =	sld [smem:$0x7E7];
	s1 =	sshll.u32 s11, $0x7  }
0xa3: {  	s10 =	sshra.s32 s10, $0x2;
	s1 =	sand.u32 $0x380, s1  }
0xa4: {  	s1 =	sor.u32 s1, s10  }
0xa5: {  	[hbm4b:s13+s2] =	stream.linear.scatter [tilespmem:s1], [sflag:$0x1], $0x80, $0x38;
	[tilespmem:$0x18800] =	vst v63  }
0xa6: {  	s14 =	sadd.s32 $0x80, s13;
	s10 =	sor.u32 $0x400, s1  }
0xa7: {  	(v2sf) =	vpush v4, $0x6;
	[hbm4b:s14+s2] =	stream.linear.scatter [tilespmem:s10], [sflag:$0x1], $0x80, $0x38;
	[tilespmem:$0x18800] =	vst v63  }
0xa8: {  	s16 =	sadd.s32 $0x100, s13;
	s22 =	spop (v2sf);
	s15 =	sadd.s32 $0x800, s1  }
0xa9: {  	[hbm4b:s16+s2] =	stream.linear.scatter [tilespmem:s15], [sflag:$0x1], $0x80, $0x38;
	[tilespmem:$0x18800] =	vst v63  }
0xaa: {  	s18 =	sadd.s32 $0x180, s13;
	s23 =	sadd.s32 $0x28, s22;
	s17 =	sadd.s32 $0xC00, s1  }
0xab: {  	[hbm4b:s18+s2] =	stream.linear.scatter [tilespmem:s17], [sflag:$0x1], $0x80, $0x38;
	[tilespmem:$0x18800] =	vst v63  }
0xac: {  	s20 =	sadd.s32 $0x200, s13;
	s19 =	sadd.s32 $0x1000, s1;
	s10 =	sshrl.u32 s23, $0x3  }
0xad: {  	[hbm4b:s20+s2] =	stream.linear.scatter [tilespmem:s19], [sflag:$0x1], $0x80, $0x38;
	[tilespmem:$0x18800] =	vst v63  }
0xae: {  	s21 =	sadd.s32 $0x280, s13;
	s1 =	sadd.s32 $0x1400, s1;
	s10 =	smul.u32 $0x6000, s10  }
0xaf: {  	[hbm4b:s21+s2] =	stream.linear.scatter [tilespmem:s1], [sflag:$0x1], $0x80, $0x38;
	[tilespmem:$0x18800] =	vst v63  }
0xb0: {  	s24 =	sld [smem:$0x7E8];
	s1 =	sshll.u32 s22, $0x7  }
0xb1: {  	s10 =	sshra.s32 s10, $0x2;
	s1 =	sand.u32 $0x380, s1  }
0xb2: {  	s1 =	sor.u32 s1, s10  }
0xb3: {  	[hbm4b:s24+s2] =	stream.linear.scatter [tilespmem:s1], [sflag:$0x1], $0x80, $0x38;
	[tilespmem:$0x18800] =	vst v63  }
0xb4: {  	s25 =	sadd.s32 $0x80, s24;
	s10 =	sor.u32 $0x400, s1  }
0xb5: {  	(v2sf) =	vpush v4, $0x7;
	[hbm4b:s25+s2] =	stream.linear.scatter [tilespmem:s10], [sflag:$0x1], $0x80, $0x38;
	[tilespmem:$0x18800] =	vst v63  }
0xb6: {  	s28 =	sadd.s32 $0x100, s24;
	s6 =	spop (v2sf);
	s26 =	sadd.s32 $0x800, s1  }
0xb7: {  	[hbm4b:s28+s2] =	stream.linear.scatter [tilespmem:s26], [sflag:$0x1], $0x80, $0x38;
	[tilespmem:$0x18800] =	vst v63  }
0xb8: {  	s30 =	sadd.s32 $0x180, s24;
	s7 =	sadd.s32 $0x30, s6;
	s29 =	sadd.s32 $0xC00, s1  }
0xb9: {  	[hbm4b:s30+s2] =	stream.linear.scatter [tilespmem:s29], [sflag:$0x1], $0x80, $0x38;
	[tilespmem:$0x18800] =	vst v63  }
0xba: {  	s3 =	sadd.s32 $0x200, s24;
	s31 =	sadd.s32 $0x1000, s1;
	s10 =	sshrl.u32 s7, $0x3  }
0xbb: {  	[hbm4b:s3+s2] =	stream.linear.scatter [tilespmem:s31], [sflag:$0x1], $0x80, $0x38;
	[tilespmem:$0x18800] =	vst v63  }
0xbc: {  	s5 =	sadd.s32 $0x280, s24;
	s1 =	sadd.s32 $0x1400, s1;
	s10 =	smul.u32 $0x6000, s10  }
0xbd: {  	[hbm4b:s5+s2] =	stream.linear.scatter [tilespmem:s1], [sflag:$0x1], $0x80, $0x38;
	[tilespmem:$0x18800] =	vst v63  }
0xbe: {  	s8 =	sld [smem:$0x7E9];
	s1 =	sshll.u32 s6, $0x7  }
0xbf: {  	s10 =	sshra.s32 s10, $0x2;
	s1 =	sand.u32 $0x380, s1  }
0xc0: {  	s1 =	sor.u32 s1, s10  }
0xc1: {  	[hbm4b:s8+s2] =	stream.linear.scatter [tilespmem:s1], [sflag:$0x1], $0x80, $0x38;
	[tilespmem:$0x18800] =	vst v63  }
0xc2: {  	s9 =	sadd.s32 $0x80, s8;
	s10 =	sor.u32 $0x400, s1  }
0xc3: {  	(v2sf) =	vpush v4, $0x8;
	[hbm4b:s9+s2] =	stream.linear.scatter [tilespmem:s10], [sflag:$0x1], $0x80, $0x38;
	[tilespmem:$0x18800] =	vst v63  }
0xc4: {  	s13 =	sadd.s32 $0x100, s8;
	s19 =	spop (v2sf);
	s12 =	sadd.s32 $0x800, s1  }
0xc5: {  	[hbm4b:s13+s2] =	stream.linear.scatter [tilespmem:s12], [sflag:$0x1], $0x80, $0x38;
	[tilespmem:$0x18800] =	vst v63  }
0xc6: {  	s15 =	sadd.s32 $0x180, s8;
	s20 =	sadd.s32 $0x38, s19;
	s14 =	sadd.s32 $0xC00, s1  }
0xc7: {  	[hbm4b:s15+s2] =	stream.linear.scatter [tilespmem:s14], [sflag:$0x1], $0x80, $0x38;
	[tilespmem:$0x18800] =	vst v63  }
0xc8: {  	s17 =	sadd.s32 $0x200, s8;
	s16 =	sadd.s32 $0x1000, s1;
	s10 =	sshrl.u32 s20, $0x3  }
0xc9: {  	[hbm4b:s17+s2] =	stream.linear.scatter [tilespmem:s16], [sflag:$0x1], $0x80, $0x38;
	[tilespmem:$0x18800] =	vst v63  }
0xca: {  	s18 =	sadd.s32 $0x280, s8;
	s1 =	sadd.s32 $0x1400, s1;
	s10 =	smul.u32 $0x6000, s10  }
0xcb: {  	[hbm4b:s18+s2] =	stream.linear.scatter [tilespmem:s1], [sflag:$0x1], $0x80, $0x38;
	[tilespmem:$0x18800] =	vst v63  }
0xcc: {  	s21 =	sld [smem:$0x7EA];
	s1 =	sshll.u32 s19, $0x7  }
0xcd: {  	s10 =	sshra.s32 s10, $0x2;
	s1 =	sand.u32 $0x380, s1  }
0xce: {  	s1 =	sor.u32 s1, s10  }
0xcf: {  	[hbm4b:s21+s2] =	stream.linear.scatter [tilespmem:s1], [sflag:$0x1], $0x80, $0x38;
	[tilespmem:$0x18800] =	vst v63  }
0xd0: {  	s22 =	sadd.s32 $0x80, s21;
	s10 =	sor.u32 $0x400, s1  }
0xd1: {  	(v2sf) =	vpush v4, $0x9;
	[hbm4b:s22+s2] =	stream.linear.scatter [tilespmem:s10], [sflag:$0x1], $0x80, $0x38;
	[tilespmem:$0x18800] =	vst v63  }
0xd2: {  	s24 =	sadd.s32 $0x100, s21;
	s31 =	spop (v2sf);
	s23 =	sadd.s32 $0x800, s1  }
0xd3: {  	[hbm4b:s24+s2] =	stream.linear.scatter [tilespmem:s23], [sflag:$0x1], $0x80, $0x38;
	[tilespmem:$0x18800] =	vst v63  }
0xd4: {  	s26 =	sadd.s32 $0x180, s21;
	s0 =	sadd.s32 $0x40, s31;
	s25 =	sadd.s32 $0xC00, s1  }
0xd5: {  	[hbm4b:s26+s2] =	stream.linear.scatter [tilespmem:s25], [sflag:$0x1], $0x80, $0x38;
	[tilespmem:$0x18800] =	vst v63  }
0xd6: {  	s29 =	sadd.s32 $0x200, s21;
	s28 =	sadd.s32 $0x1000, s1;
	s10 =	sshrl.u32 s0, $0x3  }
0xd7: {  	[hbm4b:s29+s2] =	stream.linear.scatter [tilespmem:s28], [sflag:$0x1], $0x80, $0x38;
	[tilespmem:$0x18800] =	vst v63  }
0xd8: {  	s30 =	sadd.s32 $0x280, s21;
	s1 =	sadd.s32 $0x1400, s1;
	s10 =	smul.u32 $0x6000, s10  }
0xd9: {  	[hbm4b:s30+s2] =	stream.linear.scatter [tilespmem:s1], [sflag:$0x1], $0x80, $0x38;
	[tilespmem:$0x18800] =	vst v63  }
0xda: {  	s3 =	sld [smem:$0x7F5];
	s1 =	sshll.u32 s31, $0x7  }
0xdb: {  	s10 =	sshra.s32 s10, $0x2;
	s1 =	sand.u32 $0x380, s1  }
0xdc: {  	s1 =	sor.u32 s1, s10  }
0xdd: {  	[hbm4b:s3+s2] =	stream.linear.scatter [tilespmem:s1], [sflag:$0x1], $0x80, $0x38;
	[tilespmem:$0x18800] =	vst v63  }
0xde: {  	s5 =	sadd.s32 $0x80, s3;
	s10 =	sor.u32 $0x400, s1  }
0xdf: {  	(v2sf) =	vpush v4, $0xA;
	[hbm4b:s5+s2] =	stream.linear.scatter [tilespmem:s10], [sflag:$0x1], $0x80, $0x38;
	[tilespmem:$0x18800] =	vst v63  }
0xe0: {  	s7 =	sadd.s32 $0x100, s3;
	s15 =	spop (v2sf);
	s6 =	sadd.s32 $0x800, s1  }
0xe1: {  	[hbm4b:s7+s2] =	stream.linear.scatter [tilespmem:s6], [sflag:$0x1], $0x80, $0x38;
	[tilespmem:$0x18800] =	vst v63  }
0xe2: {  	s9 =	sadd.s32 $0x180, s3;
	s16 =	sadd.s32 $0x48, s15;
	s8 =	sadd.s32 $0xC00, s1  }
0xe3: {  	[hbm4b:s9+s2] =	stream.linear.scatter [tilespmem:s8], [sflag:$0x1], $0x80, $0x38;
	[tilespmem:$0x18800] =	vst v63  }
0xe4: {  	s13 =	sadd.s32 $0x200, s3;
	s12 =	sadd.s32 $0x1000, s1;
	s10 =	sshrl.u32 s16, $0x3  }
0xe5: {  	[hbm4b:s13+s2] =	stream.linear.scatter [tilespmem:s12], [sflag:$0x1], $0x80, $0x38;
	[tilespmem:$0x18800] =	vst v63  }
0xe6: {  	s14 =	sadd.s32 $0x280, s3;
	s1 =	sadd.s32 $0x1400, s1;
	s10 =	smul.u32 $0x6000, s10  }
0xe7: {  	[hbm4b:s14+s2] =	stream.linear.scatter [tilespmem:s1], [sflag:$0x1], $0x80, $0x38;
	[tilespmem:$0x18800] =	vst v63  }
0xe8: {  	s17 =	sld [smem:$0x7F6];
	s1 =	sshll.u32 s15, $0x7  }
0xe9: {  	s10 =	sshra.s32 s10, $0x2;
	s1 =	sand.u32 $0x380, s1  }
0xea: {  	s1 =	sor.u32 s1, s10  }
0xeb: {  	[hbm4b:s17+s2] =	stream.linear.scatter [tilespmem:s1], [sflag:$0x1], $0x80, $0x38;
	[tilespmem:$0x18800] =	vst v63  }
0xec: {  	s18 =	sadd.s32 $0x80, s17;
	s10 =	sor.u32 $0x400, s1  }
0xed: {  	(v2sf) =	vpush v4, $0xB;
	[hbm4b:s18+s2] =	stream.linear.scatter [tilespmem:s10], [sflag:$0x1], $0x80, $0x38;
	[tilespmem:$0x18800] =	vst v63  }
0xee: {  	s20 =	sadd.s32 $0x100, s17;
	s26 =	spop (v2sf);
	s19 =	sadd.s32 $0x800, s1  }
0xef: {  	[hbm4b:s20+s2] =	stream.linear.scatter [tilespmem:s19], [sflag:$0x1], $0x80, $0x38;
	[tilespmem:$0x18800] =	vst v63  }
0xf0: {  	s22 =	sadd.s32 $0x180, s17;
	s28 =	sadd.s32 $0x50, s26;
	s21 =	sadd.s32 $0xC00, s1  }
0xf1: {  	[hbm4b:s22+s2] =	stream.linear.scatter [tilespmem:s21], [sflag:$0x1], $0x80, $0x38;
	[tilespmem:$0x18800] =	vst v63  }
0xf2: {  	s24 =	sadd.s32 $0x200, s17;
	s23 =	sadd.s32 $0x1000, s1;
	s10 =	sshrl.u32 s28, $0x3  }
0xf3: {  	[hbm4b:s24+s2] =	stream.linear.scatter [tilespmem:s23], [sflag:$0x1], $0x80, $0x38;
	[tilespmem:$0x18800] =	vst v63  }
0xf4: {  	s25 =	sadd.s32 $0x280, s17;
	s1 =	sadd.s32 $0x1400, s1;
	s10 =	smul.u32 $0x6000, s10  }
0xf5: {  	[hbm4b:s25+s2] =	stream.linear.scatter [tilespmem:s1], [sflag:$0x1], $0x80, $0x38;
	[tilespmem:$0x18800] =	vst v63  }
0xf6: {  	s29 =	sld [smem:$0x7F7];
	s1 =	sshll.u32 s26, $0x7  }
0xf7: {  	s10 =	sshra.s32 s10, $0x2;
	s1 =	sand.u32 $0x380, s1  }
0xf8: {  	s1 =	sor.u32 s1, s10  }
0xf9: {  	[hbm4b:s29+s2] =	stream.linear.scatter [tilespmem:s1], [sflag:$0x1], $0x80, $0x38;
	[tilespmem:$0x18800] =	vst v63  }
0xfa: {  	s30 =	sadd.s32 $0x80, s29;
	s10 =	sor.u32 $0x400, s1  }
0xfb: {  	(v2sf) =	vpush v4, $0xC;
	[hbm4b:s30+s2] =	stream.linear.scatter [tilespmem:s10], [sflag:$0x1], $0x80, $0x38;
	[tilespmem:$0x18800] =	vst v63  }
0xfc: {  	s11 =	spop (v2sf);
	s3 =	sadd.s32 $0x100, s29;
	s31 =	sadd.s32 $0x800, s1  }
0xfd: {  	[hbm4b:s3+s2] =	stream.linear.scatter [tilespmem:s31], [sflag:$0x1], $0x80, $0x38;
	[tilespmem:$0x18800] =	vst v63  }
0xfe: {  	s6 =	sadd.s32 $0x180, s29;
	s12 =	sadd.s32 $0x58, s11;
	s5 =	sadd.s32 $0xC00, s1  }
0xff: {  	[hbm4b:s6+s2] =	stream.linear.scatter [tilespmem:s5], [sflag:$0x1], $0x80, $0x38;
	[tilespmem:$0x18800] =	vst v63  }
0x100: {  	s8 =	sadd.s32 $0x200, s29;
	s7 =	sadd.s32 $0x1000, s1;
	s10 =	sshrl.u32 s12, $0x3  }
0x101: {  	[hbm4b:s8+s2] =	stream.linear.scatter [tilespmem:s7], [sflag:$0x1], $0x80, $0x38;
	[tilespmem:$0x18800] =	vst v63  }
0x102: {  	s9 =	sadd.s32 $0x280, s29;
	s1 =	sadd.s32 $0x1400, s1;
	s10 =	smul.u32 $0x6000, s10  }
0x103: {  	[hbm4b:s9+s2] =	stream.linear.scatter [tilespmem:s1], [sflag:$0x1], $0x80, $0x38;
	[tilespmem:$0x18800] =	vst v63  }
0x104: {  	s13 =	sld [smem:$0x7F8];
	s1 =	sshll.u32 s11, $0x7  }
0x105: {  	s10 =	sshra.s32 s10, $0x2;
	s1 =	sand.u32 $0x380, s1  }
0x106: {  	s1 =	sor.u32 s1, s10  }
0x107: {  	[hbm4b:s13+s2] =	stream.linear.scatter [tilespmem:s1], [sflag:$0x1], $0x80, $0x38;
	[tilespmem:$0x18800] =	vst v63  }
0x108: {  	s14 =	sadd.s32 $0x80, s13;
	s10 =	sor.u32 $0x400, s1  }
0x109: {  	(v2sf) =	vpush v4, $0xD;
	[hbm4b:s14+s2] =	stream.linear.scatter [tilespmem:s10], [sflag:$0x1], $0x80, $0x38;
	[tilespmem:$0x18800] =	vst v63  }
0x10a: {  	s16 =	sadd.s32 $0x100, s13;
	s22 =	spop (v2sf);
	s15 =	sadd.s32 $0x800, s1  }
0x10b: {  	[hbm4b:s16+s2] =	stream.linear.scatter [tilespmem:s15], [sflag:$0x1], $0x80, $0x38;
	[tilespmem:$0x18800] =	vst v63  }
0x10c: {  	s18 =	sadd.s32 $0x180, s13;
	s23 =	sadd.s32 $0x60, s22;
	s17 =	sadd.s32 $0xC00, s1  }
0x10d: {  	[hbm4b:s18+s2] =	stream.linear.scatter [tilespmem:s17], [sflag:$0x1], $0x80, $0x38;
	[tilespmem:$0x18800] =	vst v63  }
0x10e: {  	s20 =	sadd.s32 $0x200, s13;
	s19 =	sadd.s32 $0x1000, s1;
	s10 =	sshrl.u32 s23, $0x3  }
0x10f: {  	[hbm4b:s20+s2] =	stream.linear.scatter [tilespmem:s19], [sflag:$0x1], $0x80, $0x38;
	[tilespmem:$0x18800] =	vst v63  }
0x110: {  	s21 =	sadd.s32 $0x280, s13;
	s1 =	sadd.s32 $0x1400, s1;
	s10 =	smul.u32 $0x6000, s10  }
0x111: {  	[hbm4b:s21+s2] =	stream.linear.scatter [tilespmem:s1], [sflag:$0x1], $0x80, $0x38;
	[tilespmem:$0x18800] =	vst v63  }
0x112: {  	s24 =	sld [smem:$0x7F9];
	s1 =	sshll.u32 s22, $0x7  }
0x113: {  	s10 =	sshra.s32 s10, $0x2;
	s1 =	sand.u32 $0x380, s1  }
0x114: {  	s1 =	sor.u32 s1, s10  }
0x115: {  	[hbm4b:s24+s2] =	stream.linear.scatter [tilespmem:s1], [sflag:$0x1], $0x80, $0x38;
	[tilespmem:$0x18800] =	vst v63  }
0x116: {  	s25 =	sadd.s32 $0x80, s24;
	s10 =	sor.u32 $0x400, s1  }
0x117: {  	(v2sf) =	vpush v4, $0xE;
	[hbm4b:s25+s2] =	stream.linear.scatter [tilespmem:s10], [sflag:$0x1], $0x80, $0x38;
	[tilespmem:$0x18800] =	vst v63  }
0x118: {  	s28 =	sadd.s32 $0x100, s24;
	s6 =	spop (v2sf);
	s26 =	sadd.s32 $0x800, s1  }
0x119: {  	[hbm4b:s28+s2] =	stream.linear.scatter [tilespmem:s26], [sflag:$0x1], $0x80, $0x38;
	[tilespmem:$0x18800] =	vst v63  }
0x11a: {  	s30 =	sadd.s32 $0x180, s24;
	s7 =	sadd.s32 $0x68, s6;
	s29 =	sadd.s32 $0xC00, s1  }
0x11b: {  	[hbm4b:s30+s2] =	stream.linear.scatter [tilespmem:s29], [sflag:$0x1], $0x80, $0x38;
	[tilespmem:$0x18800] =	vst v63  }
0x11c: {  	s3 =	sadd.s32 $0x200, s24;
	s31 =	sadd.s32 $0x1000, s1;
	s10 =	sshrl.u32 s7, $0x3  }
0x11d: {  	[hbm4b:s3+s2] =	stream.linear.scatter [tilespmem:s31], [sflag:$0x1], $0x80, $0x38;
	[tilespmem:$0x18800] =	vst v63  }
0x11e: {  	s5 =	sadd.s32 $0x280, s24;
	s1 =	sadd.s32 $0x1400, s1;
	s10 =	smul.u32 $0x6000, s10  }
0x11f: {  	[hbm4b:s5+s2] =	stream.linear.scatter [tilespmem:s1], [sflag:$0x1], $0x80, $0x38;
	[tilespmem:$0x18800] =	vst v63  }
0x120: {  	s8 =	sld [smem:$0x7FA];
	s1 =	sshll.u32 s6, $0x7  }
0x121: {  	s10 =	sshra.s32 s10, $0x2;
	s1 =	sand.u32 $0x380, s1  }
0x122: {  	s1 =	sor.u32 s1, s10  }
0x123: {  	[hbm4b:s8+s2] =	stream.linear.scatter [tilespmem:s1], [sflag:$0x1], $0x80, $0x38;
	[tilespmem:$0x18800] =	vst v63  }
0x124: {  	s9 =	sadd.s32 $0x80, s8;
	s10 =	sor.u32 $0x400, s1  }
0x125: {  	(v2sf) =	vpush v4, $0xF;
	[hbm4b:s9+s2] =	stream.linear.scatter [tilespmem:s10], [sflag:$0x1], $0x80, $0x38;
	[tilespmem:$0x18800] =	vst v63  }
0x126: {  	s13 =	sadd.s32 $0x100, s8;
	s19 =	spop (v2sf);
	s12 =	sadd.s32 $0x800, s1  }
0x127: {  	[hbm4b:s13+s2] =	stream.linear.scatter [tilespmem:s12], [sflag:$0x1], $0x80, $0x38;
	[tilespmem:$0x18800] =	vst v63  }
0x128: {  	s15 =	sadd.s32 $0x180, s8;
	s20 =	sadd.s32 $0x70, s19;
	s14 =	sadd.s32 $0xC00, s1  }
0x129: {  	[hbm4b:s15+s2] =	stream.linear.scatter [tilespmem:s14], [sflag:$0x1], $0x80, $0x38;
	[tilespmem:$0x18800] =	vst v63  }
0x12a: {  	s17 =	sadd.s32 $0x200, s8;
	s16 =	sadd.s32 $0x1000, s1;
	s10 =	sshrl.u32 s20, $0x3  }
0x12b: {  	[hbm4b:s17+s2] =	stream.linear.scatter [tilespmem:s16], [sflag:$0x1], $0x80, $0x38;
	[tilespmem:$0x18800] =	vst v63  }
0x12c: {  	s18 =	sadd.s32 $0x280, s8;
	s1 =	sadd.s32 $0x1400, s1;
	s10 =	smul.u32 $0x6000, s10  }
0x12d: {  	[hbm4b:s18+s2] =	stream.linear.scatter [tilespmem:s1], [sflag:$0x1], $0x80, $0x38;
	[tilespmem:$0x18800] =	vst v63  }
0x12e: {  	s21 =	sld [smem:$0x7FB];
	s1 =	sshll.u32 s19, $0x7  }
0x12f: {  	s10 =	sshra.s32 s10, $0x2;
	s1 =	sand.u32 $0x380, s1  }
0x130: {  	s1 =	sor.u32 s1, s10  }
0x131: {  	[hbm4b:s21+s2] =	stream.linear.scatter [tilespmem:s1], [sflag:$0x1], $0x80, $0x38;
	[tilespmem:$0x18800] =	vst v63  }
0x132: {  	s22 =	sadd.s32 $0x80, s21;
	s10 =	sor.u32 $0x400, s1  }
0x133: {  	[hbm4b:s22+s2] =	stream.linear.scatter [tilespmem:s10], [sflag:$0x1], $0x80, $0x38;
	[tilespmem:$0x18800] =	vst v63  }
0x134: {  	s24 =	sadd.s32 $0x100, s21;
	s31 =	spop (v2sf);
	s23 =	sadd.s32 $0x800, s1  }
0x135: {  	[hbm4b:s24+s2] =	stream.linear.scatter [tilespmem:s23], [sflag:$0x1], $0x80, $0x38;
	[tilespmem:$0x18800] =	vst v63  }
0x136: {  	s26 =	sadd.s32 $0x180, s21;
	s0 =	sadd.s32 $0x78, s31;
	s25 =	sadd.s32 $0xC00, s1  }
0x137: {  	[hbm4b:s26+s2] =	stream.linear.scatter [tilespmem:s25], [sflag:$0x1], $0x80, $0x38;
	[tilespmem:$0x18800] =	vst v63  }
0x138: {  	s29 =	sadd.s32 $0x200, s21;
	s28 =	sadd.s32 $0x1000, s1;
	s10 =	sshrl.u32 s0, $0x3  }
0x139: {  	[hbm4b:s29+s2] =	stream.linear.scatter [tilespmem:s28], [sflag:$0x1], $0x80, $0x38;
	[tilespmem:$0x18800] =	vst v63  }
0x13a: {  	s30 =	sadd.s32 $0x280, s21;
	s1 =	sadd.s32 $0x1400, s1;
	s10 =	smul.u32 $0x6000, s10  }
0x13b: {  	[hbm4b:s30+s2] =	stream.linear.scatter [tilespmem:s1], [sflag:$0x1], $0x80, $0x38;
	[tilespmem:$0x18800] =	vst v63  }
0x13c: {  	s3 =	sld [smem:$0x7FC];
	s1 =	sshll.u32 s31, $0x7  }
0x13d: {  	s10 =	sshra.s32 s10, $0x2;
	s1 =	sand.u32 $0x380, s1  }
0x13e: {  	s1 =	sor.u32 s1, s10  }
0x13f: {  	[hbm4b:s3+s2] =	stream.linear.scatter [tilespmem:s1], [sflag:$0x1], $0x80, $0x38;
	[tilespmem:$0x18800] =	vst v63  }
0x140: {  	s5 =	sadd.s32 $0x80, s3;
	s10 =	sor.u32 $0x400, s1  }
0x141: {  	[hbm4b:s5+s2] =	stream.linear.scatter [tilespmem:s10], [sflag:$0x1], $0x80, $0x38;
	[tilespmem:$0x18800] =	vst v63  }
0x142: {  	s7 =	sadd.s32 $0x100, s3;
	s6 =	sadd.s32 $0x800, s1  }
0x143: {  	[hbm4b:s7+s2] =	stream.linear.scatter [tilespmem:s6], [sflag:$0x1], $0x80, $0x38;
	[tilespmem:$0x18800] =	vst v63  }
0x144: {  	s9 =	sadd.s32 $0x180, s3;
	s8 =	sadd.s32 $0xC00, s1  }
0x145: {  	[hbm4b:s9+s2] =	stream.linear.scatter [tilespmem:s8], [sflag:$0x1], $0x80, $0x38;
	[tilespmem:$0x18800] =	vst v63  }
0x146: {  	s13 =	sadd.s32 $0x200, s3;
	s12 =	sadd.s32 $0x1000, s1  }
0x147: {  	[hbm4b:s13+s2] =	stream.linear.scatter [tilespmem:s12], [sflag:$0x1], $0x80, $0x38;
	[tilespmem:$0x18800] =	vst v63  }
0x148: {  	s14 =	sadd.s32 $0x280, s3;
	s1 =	sadd.s32 $0x1400, s1  }
0x149: {  	[hbm4b:s14+s2] =	stream.linear.scatter [tilespmem:s1], [sflag:$0x1], $0x80, $0x38;
	[tilespmem:$0x18800] =	vst v63  }
0x14a: {  	v4 =	vld.idx.msk [tilespmem:v1+s4+$0x0], $0xffff;
	_ =	sdelay $0x4  }
0x14b: {  	(v2sf) =	vpush v4, $0x0;
	_ =	sdelay $0x8  }
0x14c: {  	(v2sf) =	vpush v4, $0x1;
	_ =	sdelay $0x5  }
0x14d: {  	s15 =	spop (v2sf)  }
0x14e: {  	s16 =	sshrl.u32 s15, $0x3  }
0x14f: {  	s10 =	smul.u32 $0x6000, s16  }
0x150: {  	s1 =	sshll.u32 s15, $0x7  }
0x151: {  	s1 =	sand.u32 $0x380, s1;
	s10 =	sshra.s32 s10, $0x2  }
0x152: {  	s17 =	rddreg [dreg:$0xc];
	s1 =	sor.u32 s1, s10  }
0x153: {  	[hbm4b:s17+s2] =	stream.linear.scatter [tilespmem:s1], [sflag:$0x1], $0x80, $0x38;
	[tilespmem:$0x18800] =	vst v63  }
0x154: {  	s18 =	sadd.s32 $0x80, s17;
	s10 =	sor.u32 $0x400, s1  }
0x155: {  	(v2sf) =	vpush v4, $0x2;
	[hbm4b:s18+s2] =	stream.linear.scatter [tilespmem:s10], [sflag:$0x1], $0x80, $0x38;
	[tilespmem:$0x18800] =	vst v63  }
0x156: {  	s20 =	sadd.s32 $0x100, s17;
	s26 =	spop (v2sf);
	s19 =	sadd.s32 $0x800, s1  }
0x157: {  	[hbm4b:s20+s2] =	stream.linear.scatter [tilespmem:s19], [sflag:$0x1], $0x80, $0x38;
	[tilespmem:$0x18800] =	vst v63  }
0x158: {  	s22 =	sadd.s32 $0x180, s17;
	s28 =	sadd.s32 $0x8, s26;
	s21 =	sadd.s32 $0xC00, s1  }
0x159: {  	[hbm4b:s22+s2] =	stream.linear.scatter [tilespmem:s21], [sflag:$0x1], $0x80, $0x38;
	[tilespmem:$0x18800] =	vst v63  }
0x15a: {  	s24 =	sadd.s32 $0x200, s17;
	s23 =	sadd.s32 $0x1000, s1;
	s10 =	sshrl.u32 s28, $0x3  }
0x15b: {  	[hbm4b:s24+s2] =	stream.linear.scatter [tilespmem:s23], [sflag:$0x1], $0x80, $0x38;
	[tilespmem:$0x18800] =	vst v63  }
0x15c: {  	s25 =	sadd.s32 $0x280, s17;
	s1 =	sadd.s32 $0x1400, s1;
	s10 =	smul.u32 $0x6000, s10  }
0x15d: {  	[hbm4b:s25+s2] =	stream.linear.scatter [tilespmem:s1], [sflag:$0x1], $0x80, $0x38;
	[tilespmem:$0x18800] =	vst v63  }
0x15e: {  	s1 =	sshll.u32 s26, $0x7  }
0x15f: {  	s10 =	sshra.s32 s10, $0x2;
	s1 =	sand.u32 $0x380, s1  }
0x160: {  	s29 =	rddreg [dreg:$0xd];
	s1 =	sor.u32 s1, s10  }
0x161: {  	[hbm4b:s29+s2] =	stream.linear.scatter [tilespmem:s1], [sflag:$0x1], $0x80, $0x38;
	[tilespmem:$0x18800] =	vst v63  }
0x162: {  	s30 =	sadd.s32 $0x80, s29;
	s10 =	sor.u32 $0x400, s1  }
0x163: {  	(v2sf) =	vpush v4, $0x3;
	[hbm4b:s30+s2] =	stream.linear.scatter [tilespmem:s10], [sflag:$0x1], $0x80, $0x38;
	[tilespmem:$0x18800] =	vst v63  }
0x164: {  	s3 =	sadd.s32 $0x100, s29;
	s11 =	spop (v2sf);
	s31 =	sadd.s32 $0x800, s1  }
0x165: {  	[hbm4b:s3+s2] =	stream.linear.scatter [tilespmem:s31], [sflag:$0x1], $0x80, $0x38;
	[tilespmem:$0x18800] =	vst v63  }
0x166: {  	s6 =	sadd.s32 $0x180, s29;
	s12 =	sadd.s32 $0x10, s11;
	s5 =	sadd.s32 $0xC00, s1  }
0x167: {  	[hbm4b:s6+s2] =	stream.linear.scatter [tilespmem:s5], [sflag:$0x1], $0x80, $0x38;
	[tilespmem:$0x18800] =	vst v63  }
0x168: {  	s8 =	sadd.s32 $0x200, s29;
	s7 =	sadd.s32 $0x1000, s1;
	s10 =	sshrl.u32 s12, $0x3  }
0x169: {  	[hbm4b:s8+s2] =	stream.linear.scatter [tilespmem:s7], [sflag:$0x1], $0x80, $0x38;
	[tilespmem:$0x18800] =	vst v63  }
0x16a: {  	s9 =	sadd.s32 $0x280, s29;
	s1 =	sadd.s32 $0x1400, s1;
	s10 =	smul.u32 $0x6000, s10  }
0x16b: {  	[hbm4b:s9+s2] =	stream.linear.scatter [tilespmem:s1], [sflag:$0x1], $0x80, $0x38;
	[tilespmem:$0x18800] =	vst v63  }
0x16c: {  	s1 =	sshll.u32 s11, $0x7  }
0x16d: {  	s10 =	sshra.s32 s10, $0x2;
	s1 =	sand.u32 $0x380, s1  }
0x16e: {  	s13 =	rddreg [dreg:$0xe];
	s1 =	sor.u32 s1, s10  }
0x16f: {  	[hbm4b:s13+s2] =	stream.linear.scatter [tilespmem:s1], [sflag:$0x1], $0x80, $0x38;
	[tilespmem:$0x18800] =	vst v63  }
0x170: {  	s14 =	sadd.s32 $0x80, s13;
	s10 =	sor.u32 $0x400, s1  }
0x171: {  	(v2sf) =	vpush v4, $0x4;
	[hbm4b:s14+s2] =	stream.linear.scatter [tilespmem:s10], [sflag:$0x1], $0x80, $0x38;
	[tilespmem:$0x18800] =	vst v63  }
0x172: {  	s16 =	sadd.s32 $0x100, s13;
	s22 =	spop (v2sf);
	s15 =	sadd.s32 $0x800, s1  }
0x173: {  	[hbm4b:s16+s2] =	stream.linear.scatter [tilespmem:s15], [sflag:$0x1], $0x80, $0x38;
	[tilespmem:$0x18800] =	vst v63  }
0x174: {  	s18 =	sadd.s32 $0x180, s13;
	s23 =	sadd.s32 $0x18, s22;
	s17 =	sadd.s32 $0xC00, s1  }
0x175: {  	[hbm4b:s18+s2] =	stream.linear.scatter [tilespmem:s17], [sflag:$0x1], $0x80, $0x38;
	[tilespmem:$0x18800] =	vst v63  }
0x176: {  	s20 =	sadd.s32 $0x200, s13;
	s19 =	sadd.s32 $0x1000, s1;
	s10 =	sshrl.u32 s23, $0x3  }
0x177: {  	[hbm4b:s20+s2] =	stream.linear.scatter [tilespmem:s19], [sflag:$0x1], $0x80, $0x38;
	[tilespmem:$0x18800] =	vst v63  }
0x178: {  	s21 =	sadd.s32 $0x280, s13;
	s1 =	sadd.s32 $0x1400, s1;
	s10 =	smul.u32 $0x6000, s10  }
0x179: {  	[hbm4b:s21+s2] =	stream.linear.scatter [tilespmem:s1], [sflag:$0x1], $0x80, $0x38;
	[tilespmem:$0x18800] =	vst v63  }
0x17a: {  	s1 =	sshll.u32 s22, $0x7  }
0x17b: {  	s10 =	sshra.s32 s10, $0x2;
	s1 =	sand.u32 $0x380, s1  }
0x17c: {  	s24 =	rddreg [dreg:$0xf];
	s1 =	sor.u32 s1, s10  }
0x17d: {  	[hbm4b:s24+s2] =	stream.linear.scatter [tilespmem:s1], [sflag:$0x1], $0x80, $0x38;
	[tilespmem:$0x18800] =	vst v63  }
0x17e: {  	s25 =	sadd.s32 $0x80, s24;
	s10 =	sor.u32 $0x400, s1  }
0x17f: {  	(v2sf) =	vpush v4, $0x5;
	[hbm4b:s25+s2] =	stream.linear.scatter [tilespmem:s10], [sflag:$0x1], $0x80, $0x38;
	[tilespmem:$0x18800] =	vst v63  }
0x180: {  	s28 =	sadd.s32 $0x100, s24;
	s6 =	spop (v2sf);
	s26 =	sadd.s32 $0x800, s1  }
0x181: {  	[hbm4b:s28+s2] =	stream.linear.scatter [tilespmem:s26], [sflag:$0x1], $0x80, $0x38;
	[tilespmem:$0x18800] =	vst v63  }
0x182: {  	s30 =	sadd.s32 $0x180, s24;
	s7 =	sadd.s32 $0x20, s6;
	s29 =	sadd.s32 $0xC00, s1  }
0x183: {  	[hbm4b:s30+s2] =	stream.linear.scatter [tilespmem:s29], [sflag:$0x1], $0x80, $0x38;
	[tilespmem:$0x18800] =	vst v63  }
0x184: {  	s3 =	sadd.s32 $0x200, s24;
	s31 =	sadd.s32 $0x1000, s1;
	s10 =	sshrl.u32 s7, $0x3  }
0x185: {  	[hbm4b:s3+s2] =	stream.linear.scatter [tilespmem:s31], [sflag:$0x1], $0x80, $0x38;
	[tilespmem:$0x18800] =	vst v63  }
0x186: {  	s5 =	sadd.s32 $0x280, s24;
	s1 =	sadd.s32 $0x1400, s1;
	s10 =	smul.u32 $0x6000, s10  }
0x187: {  	[hbm4b:s5+s2] =	stream.linear.scatter [tilespmem:s1], [sflag:$0x1], $0x80, $0x38;
	[tilespmem:$0x18800] =	vst v63  }
0x188: {  	s1 =	sshll.u32 s6, $0x7  }
0x189: {  	s10 =	sshra.s32 s10, $0x2;
	s1 =	sand.u32 $0x380, s1  }
0x18a: {  	s8 =	rddreg [dreg:$0x10];
	s1 =	sor.u32 s1, s10  }
0x18b: {  	[hbm4b:s8+s2] =	stream.linear.scatter [tilespmem:s1], [sflag:$0x1], $0x80, $0x38;
	[tilespmem:$0x18800] =	vst v63  }
0x18c: {  	s9 =	sadd.s32 $0x80, s8;
	s10 =	sor.u32 $0x400, s1  }
0x18d: {  	(v2sf) =	vpush v4, $0x6;
	[hbm4b:s9+s2] =	stream.linear.scatter [tilespmem:s10], [sflag:$0x1], $0x80, $0x38;
	[tilespmem:$0x18800] =	vst v63  }
0x18e: {  	s13 =	sadd.s32 $0x100, s8;
	s19 =	spop (v2sf);
	s12 =	sadd.s32 $0x800, s1  }
0x18f: {  	[hbm4b:s13+s2] =	stream.linear.scatter [tilespmem:s12], [sflag:$0x1], $0x80, $0x38;
	[tilespmem:$0x18800] =	vst v63  }
0x190: {  	s15 =	sadd.s32 $0x180, s8;
	s20 =	sadd.s32 $0x28, s19;
	s14 =	sadd.s32 $0xC00, s1  }
0x191: {  	[hbm4b:s15+s2] =	stream.linear.scatter [tilespmem:s14], [sflag:$0x1], $0x80, $0x38;
	[tilespmem:$0x18800] =	vst v63  }
0x192: {  	s17 =	sadd.s32 $0x200, s8;
	s16 =	sadd.s32 $0x1000, s1;
	s10 =	sshrl.u32 s20, $0x3  }
0x193: {  	[hbm4b:s17+s2] =	stream.linear.scatter [tilespmem:s16], [sflag:$0x1], $0x80, $0x38;
	[tilespmem:$0x18800] =	vst v63  }
0x194: {  	s18 =	sadd.s32 $0x280, s8;
	s1 =	sadd.s32 $0x1400, s1;
	s10 =	smul.u32 $0x6000, s10  }
0x195: {  	[hbm4b:s18+s2] =	stream.linear.scatter [tilespmem:s1], [sflag:$0x1], $0x80, $0x38;
	[tilespmem:$0x18800] =	vst v63  }
0x196: {  	s1 =	sshll.u32 s19, $0x7  }
0x197: {  	s10 =	sshra.s32 s10, $0x2;
	s1 =	sand.u32 $0x380, s1  }
0x198: {  	s21 =	rddreg [dreg:$0x11];
	s1 =	sor.u32 s1, s10  }
0x199: {  	[hbm4b:s21+s2] =	stream.linear.scatter [tilespmem:s1], [sflag:$0x1], $0x80, $0x38;
	[tilespmem:$0x18800] =	vst v63  }
0x19a: {  	s22 =	sadd.s32 $0x80, s21;
	s10 =	sor.u32 $0x400, s1  }
0x19b: {  	(v2sf) =	vpush v4, $0x7;
	[hbm4b:s22+s2] =	stream.linear.scatter [tilespmem:s10], [sflag:$0x1], $0x80, $0x38;
	[tilespmem:$0x18800] =	vst v63  }
0x19c: {  	s24 =	sadd.s32 $0x100, s21;
	s31 =	spop (v2sf);
	s23 =	sadd.s32 $0x800, s1  }
0x19d: {  	[hbm4b:s24+s2] =	stream.linear.scatter [tilespmem:s23], [sflag:$0x1], $0x80, $0x38;
	[tilespmem:$0x18800] =	vst v63  }
0x19e: {  	s26 =	sadd.s32 $0x180, s21;
	s0 =	sadd.s32 $0x30, s31;
	s25 =	sadd.s32 $0xC00, s1  }
0x19f: {  	[hbm4b:s26+s2] =	stream.linear.scatter [tilespmem:s25], [sflag:$0x1], $0x80, $0x38;
	[tilespmem:$0x18800] =	vst v63  }
0x1a0: {  	s29 =	sadd.s32 $0x200, s21;
	s28 =	sadd.s32 $0x1000, s1;
	s10 =	sshrl.u32 s0, $0x3  }
0x1a1: {  	[hbm4b:s29+s2] =	stream.linear.scatter [tilespmem:s28], [sflag:$0x1], $0x80, $0x38;
	[tilespmem:$0x18800] =	vst v63  }
0x1a2: {  	s30 =	sadd.s32 $0x280, s21;
	s1 =	sadd.s32 $0x1400, s1;
	s10 =	smul.u32 $0x6000, s10  }
0x1a3: {  	[hbm4b:s30+s2] =	stream.linear.scatter [tilespmem:s1], [sflag:$0x1], $0x80, $0x38;
	[tilespmem:$0x18800] =	vst v63  }
0x1a4: {  	s1 =	sshll.u32 s31, $0x7  }
0x1a5: {  	s10 =	sshra.s32 s10, $0x2;
	s1 =	sand.u32 $0x380, s1  }
0x1a6: {  	s3 =	rddreg [dreg:$0x12];
	s1 =	sor.u32 s1, s10  }
0x1a7: {  	[hbm4b:s3+s2] =	stream.linear.scatter [tilespmem:s1], [sflag:$0x1], $0x80, $0x38;
	[tilespmem:$0x18800] =	vst v63  }
0x1a8: {  	s5 =	sadd.s32 $0x80, s3;
	s10 =	sor.u32 $0x400, s1  }
0x1a9: {  	[hbm4b:s5+s2] =	stream.linear.scatter [tilespmem:s10], [sflag:$0x1], $0x80, $0x38;
	[tilespmem:$0x18800] =	vst v63  }
0x1aa: {  	s7 =	sadd.s32 $0x100, s3;
	s15 =	spop (v2sf);
	s6 =	sadd.s32 $0x800, s1  }
0x1ab: {  	[hbm4b:s7+s2] =	stream.linear.scatter [tilespmem:s6], [sflag:$0x1], $0x80, $0x38;
	[tilespmem:$0x18800] =	vst v63  }
0x1ac: {  	s9 =	sadd.s32 $0x180, s3;
	s16 =	sadd.s32 $0x38, s15;
	s8 =	sadd.s32 $0xC00, s1  }
0x1ad: {  	(v2sf) =	vpush v4, $0x8;
	[hbm4b:s9+s2] =	stream.linear.scatter [tilespmem:s8], [sflag:$0x1], $0x80, $0x38;
	[tilespmem:$0x18800] =	vst v63  }
0x1ae: {  	s13 =	sadd.s32 $0x200, s3;
	s12 =	sadd.s32 $0x1000, s1;
	s10 =	sshrl.u32 s16, $0x3  }
0x1af: {  	[hbm4b:s13+s2] =	stream.linear.scatter [tilespmem:s12], [sflag:$0x1], $0x80, $0x38;
	[tilespmem:$0x18800] =	vst v63  }
0x1b0: {  	s14 =	sadd.s32 $0x280, s3;
	s1 =	sadd.s32 $0x1400, s1;
	s10 =	smul.u32 $0x6000, s10  }
0x1b1: {  	[hbm4b:s14+s2] =	stream.linear.scatter [tilespmem:s1], [sflag:$0x1], $0x80, $0x38;
	[tilespmem:$0x18800] =	vst v63  }
0x1b2: {  	s1 =	sshll.u32 s15, $0x7  }
0x1b3: {  	s10 =	sshra.s32 s10, $0x2;
	s1 =	sand.u32 $0x380, s1  }
0x1b4: {  	s17 =	rddreg [dreg:$0x13];
	s1 =	sor.u32 s1, s10  }
0x1b5: {  	[hbm4b:s17+s2] =	stream.linear.scatter [tilespmem:s1], [sflag:$0x1], $0x80, $0x38;
	[tilespmem:$0x18800] =	vst v63  }
0x1b6: {  	s18 =	sadd.s32 $0x80, s17;
	s10 =	sor.u32 $0x400, s1  }
0x1b7: {  	[hbm4b:s18+s2] =	stream.linear.scatter [tilespmem:s10], [sflag:$0x1], $0x80, $0x38;
	[tilespmem:$0x18800] =	vst v63  }
0x1b8: {  	s20 =	sadd.s32 $0x100, s17;
	s19 =	sadd.s32 $0x800, s1  }
0x1b9: {  	[hbm4b:s20+s2] =	stream.linear.scatter [tilespmem:s19], [sflag:$0x1], $0x80, $0x38;
	[tilespmem:$0x18800] =	vst v63  }
0x1ba: {  	s22 =	sadd.s32 $0x180, s17;
	s21 =	sadd.s32 $0xC00, s1  }
0x1bb: {  	[hbm4b:s22+s2] =	stream.linear.scatter [tilespmem:s21], [sflag:$0x1], $0x80, $0x38;
	[tilespmem:$0x18800] =	vst v63  }
0x1bc: {  	s24 =	sadd.s32 $0x200, s17;
	s23 =	sadd.s32 $0x1000, s1;
	s26 =	spop (v2sf)  }
0x1bd: {  	[hbm4b:s24+s2] =	stream.linear.scatter [tilespmem:s23], [sflag:$0x1], $0x80, $0x38;
	[tilespmem:$0x18800] =	vst v63  }
0x1be: {  	s28 =	sadd.s32 $0x40, s26  }
0x1bf: {  	s25 =	sadd.s32 $0x280, s17;
	s1 =	sadd.s32 $0x1400, s1;
	(v2sf) =	vpush v4, $0x9;
	s10 =	sshrl.u32 s28, $0x3  }
0x1c0: {  	[hbm4b:s25+s2] =	stream.linear.scatter [tilespmem:s1], [sflag:$0x1], $0x80, $0x38;
	[tilespmem:$0x18800] =	vst v63  }
0x1c1: {  	s10 =	smul.u32 $0x6000, s10  }
0x1c2: {  	s1 =	sshll.u32 s26, $0x7  }
0x1c3: {  	s1 =	sand.u32 $0x380, s1;
	s10 =	sshra.s32 s10, $0x2  }
0x1c4: {  	s29 =	rddreg [dreg:$0x14];
	s1 =	sor.u32 s1, s10  }
0x1c5: {  	[hbm4b:s29+s2] =	stream.linear.scatter [tilespmem:s1], [sflag:$0x1], $0x80, $0x38;
	[tilespmem:$0x18800] =	vst v63  }
0x1c6: {  	s30 =	sadd.s32 $0x80, s29;
	s10 =	sor.u32 $0x400, s1  }
0x1c7: {  	[hbm4b:s30+s2] =	stream.linear.scatter [tilespmem:s10], [sflag:$0x1], $0x80, $0x38;
	[tilespmem:$0x18800] =	vst v63  }
0x1c8: {  	s3 =	sadd.s32 $0x100, s29;
	s31 =	sadd.s32 $0x800, s1  }
0x1c9: {  	[hbm4b:s3+s2] =	stream.linear.scatter [tilespmem:s31], [sflag:$0x1], $0x80, $0x38;
	[tilespmem:$0x18800] =	vst v63  }
0x1ca: {  	s6 =	sadd.s32 $0x180, s29;
	(v2sf) =	vpush v4, $0xA;
	s5 =	sadd.s32 $0xC00, s1  }
0x1cb: {  	[hbm4b:s6+s2] =	stream.linear.scatter [tilespmem:s5], [sflag:$0x1], $0x80, $0x38;
	[tilespmem:$0x18800] =	vst v63  }
0x1cc: {  	s8 =	sadd.s32 $0x200, s29;
	s7 =	sadd.s32 $0x1000, s1  }
0x1cd: {  	[hbm4b:s8+s2] =	stream.linear.scatter [tilespmem:s7], [sflag:$0x1], $0x80, $0x38;
	[tilespmem:$0x18800] =	vst v63  }
0x1ce: {  	s11 =	spop (v2sf)  }
0x1cf: {  	s9 =	sadd.s32 $0x280, s29;
	s1 =	sadd.s32 $0x1400, s1;
	s12 =	sadd.s32 $0x48, s11  }
0x1d0: {  	[hbm4b:s9+s2] =	stream.linear.scatter [tilespmem:s1], [sflag:$0x1], $0x80, $0x38;
	[tilespmem:$0x18800] =	vst v63  }
0x1d1: {  	s10 =	sshrl.u32 s12, $0x3  }
0x1d2: {  	s10 =	smul.u32 $0x6000, s10  }
0x1d3: {  	s1 =	sshll.u32 s11, $0x7  }
0x1d4: {  	s1 =	sand.u32 $0x380, s1;
	s10 =	sshra.s32 s10, $0x2  }
0x1d5: {  	s13 =	rddreg [dreg:$0x15];
	s1 =	sor.u32 s1, s10  }
0x1d6: {  	[hbm4b:s13+s2] =	stream.linear.scatter [tilespmem:s1], [sflag:$0x1], $0x80, $0x38;
	[tilespmem:$0x18800] =	vst v63  }
0x1d7: {  	s14 =	sadd.s32 $0x80, s13;
	s10 =	sor.u32 $0x400, s1  }
0x1d8: {  	(v2sf) =	vpush v4, $0xB;
	[hbm4b:s14+s2] =	stream.linear.scatter [tilespmem:s10], [sflag:$0x1], $0x80, $0x38;
	[tilespmem:$0x18800] =	vst v63  }
0x1d9: {  	s16 =	sadd.s32 $0x100, s13;
	s22 =	spop (v2sf);
	s15 =	sadd.s32 $0x800, s1  }
0x1da: {  	[hbm4b:s16+s2] =	stream.linear.scatter [tilespmem:s15], [sflag:$0x1], $0x80, $0x38;
	[tilespmem:$0x18800] =	vst v63  }
0x1db: {  	s18 =	sadd.s32 $0x180, s13;
	s23 =	sadd.s32 $0x50, s22;
	s17 =	sadd.s32 $0xC00, s1  }
0x1dc: {  	[hbm4b:s18+s2] =	stream.linear.scatter [tilespmem:s17], [sflag:$0x1], $0x80, $0x38;
	[tilespmem:$0x18800] =	vst v63  }
0x1dd: {  	s20 =	sadd.s32 $0x200, s13;
	s19 =	sadd.s32 $0x1000, s1;
	s10 =	sshrl.u32 s23, $0x3  }
0x1de: {  	[hbm4b:s20+s2] =	stream.linear.scatter [tilespmem:s19], [sflag:$0x1], $0x80, $0x38;
	[tilespmem:$0x18800] =	vst v63  }
0x1df: {  	s21 =	sadd.s32 $0x280, s13;
	s1 =	sadd.s32 $0x1400, s1;
	s10 =	smul.u32 $0x6000, s10  }
0x1e0: {  	[hbm4b:s21+s2] =	stream.linear.scatter [tilespmem:s1], [sflag:$0x1], $0x80, $0x38;
	[tilespmem:$0x18800] =	vst v63  }
0x1e1: {  	s1 =	sshll.u32 s22, $0x7  }
0x1e2: {  	s10 =	sshra.s32 s10, $0x2;
	s1 =	sand.u32 $0x380, s1  }
0x1e3: {  	s24 =	rddreg [dreg:$0x16];
	s1 =	sor.u32 s1, s10  }
0x1e4: {  	[hbm4b:s24+s2] =	stream.linear.scatter [tilespmem:s1], [sflag:$0x1], $0x80, $0x38;
	[tilespmem:$0x18800] =	vst v63  }
0x1e5: {  	s25 =	sadd.s32 $0x80, s24;
	s10 =	sor.u32 $0x400, s1  }
0x1e6: {  	(v2sf) =	vpush v4, $0xC;
	[hbm4b:s25+s2] =	stream.linear.scatter [tilespmem:s10], [sflag:$0x1], $0x80, $0x38;
	[tilespmem:$0x18800] =	vst v63  }
0x1e7: {  	s28 =	sadd.s32 $0x100, s24;
	s6 =	spop (v2sf);
	s26 =	sadd.s32 $0x800, s1  }
0x1e8: {  	[hbm4b:s28+s2] =	stream.linear.scatter [tilespmem:s26], [sflag:$0x1], $0x80, $0x38;
	[tilespmem:$0x18800] =	vst v63  }
0x1e9: {  	s30 =	sadd.s32 $0x180, s24;
	s7 =	sadd.s32 $0x58, s6;
	s29 =	sadd.s32 $0xC00, s1  }
0x1ea: {  	[hbm4b:s30+s2] =	stream.linear.scatter [tilespmem:s29], [sflag:$0x1], $0x80, $0x38;
	[tilespmem:$0x18800] =	vst v63  }
0x1eb: {  	s3 =	sadd.s32 $0x200, s24;
	s31 =	sadd.s32 $0x1000, s1;
	s10 =	sshrl.u32 s7, $0x3  }
0x1ec: {  	[hbm4b:s3+s2] =	stream.linear.scatter [tilespmem:s31], [sflag:$0x1], $0x80, $0x38;
	[tilespmem:$0x18800] =	vst v63  }
0x1ed: {  	s5 =	sadd.s32 $0x280, s24;
	s1 =	sadd.s32 $0x1400, s1;
	s10 =	smul.u32 $0x6000, s10  }
0x1ee: {  	[hbm4b:s5+s2] =	stream.linear.scatter [tilespmem:s1], [sflag:$0x1], $0x80, $0x38;
	[tilespmem:$0x18800] =	vst v63  }
0x1ef: {  	s1 =	sshll.u32 s6, $0x7  }
0x1f0: {  	s10 =	sshra.s32 s10, $0x2;
	s1 =	sand.u32 $0x380, s1  }
0x1f1: {  	s8 =	rddreg [dreg:$0x17];
	s1 =	sor.u32 s1, s10  }
0x1f2: {  	[hbm4b:s8+s2] =	stream.linear.scatter [tilespmem:s1], [sflag:$0x1], $0x80, $0x38;
	[tilespmem:$0x18800] =	vst v63  }
0x1f3: {  	s9 =	sadd.s32 $0x80, s8;
	s10 =	sor.u32 $0x400, s1  }
0x1f4: {  	(v2sf) =	vpush v4, $0xD;
	[hbm4b:s9+s2] =	stream.linear.scatter [tilespmem:s10], [sflag:$0x1], $0x80, $0x38;
	[tilespmem:$0x18800] =	vst v63  }
0x1f5: {  	s13 =	sadd.s32 $0x100, s8;
	s19 =	spop (v2sf);
	s12 =	sadd.s32 $0x800, s1  }
0x1f6: {  	[hbm4b:s13+s2] =	stream.linear.scatter [tilespmem:s12], [sflag:$0x1], $0x80, $0x38;
	[tilespmem:$0x18800] =	vst v63  }
0x1f7: {  	s15 =	sadd.s32 $0x180, s8;
	s20 =	sadd.s32 $0x60, s19;
	s14 =	sadd.s32 $0xC00, s1  }
0x1f8: {  	[hbm4b:s15+s2] =	stream.linear.scatter [tilespmem:s14], [sflag:$0x1], $0x80, $0x38;
	[tilespmem:$0x18800] =	vst v63  }
0x1f9: {  	s17 =	sadd.s32 $0x200, s8;
	s16 =	sadd.s32 $0x1000, s1;
	s10 =	sshrl.u32 s20, $0x3  }
0x1fa: {  	[hbm4b:s17+s2] =	stream.linear.scatter [tilespmem:s16], [sflag:$0x1], $0x80, $0x38;
	[tilespmem:$0x18800] =	vst v63  }
0x1fb: {  	s18 =	sadd.s32 $0x280, s8;
	s1 =	sadd.s32 $0x1400, s1;
	s10 =	smul.u32 $0x6000, s10  }
0x1fc: {  	[hbm4b:s18+s2] =	stream.linear.scatter [tilespmem:s1], [sflag:$0x1], $0x80, $0x38;
	[tilespmem:$0x18800] =	vst v63  }
0x1fd: {  	s1 =	sshll.u32 s19, $0x7  }
0x1fe: {  	s10 =	sshra.s32 s10, $0x2;
	s1 =	sand.u32 $0x380, s1  }
0x1ff: {  	s21 =	rddreg [dreg:$0x18];
	s1 =	sor.u32 s1, s10  }
0x200: {  	[hbm4b:s21+s2] =	stream.linear.scatter [tilespmem:s1], [sflag:$0x1], $0x80, $0x38;
	[tilespmem:$0x18800] =	vst v63  }
0x201: {  	s22 =	sadd.s32 $0x80, s21;
	s10 =	sor.u32 $0x400, s1  }
0x202: {  	(v2sf) =	vpush v4, $0xE;
	[hbm4b:s22+s2] =	stream.linear.scatter [tilespmem:s10], [sflag:$0x1], $0x80, $0x38;
	[tilespmem:$0x18800] =	vst v63  }
0x203: {  	s24 =	sadd.s32 $0x100, s21;
	s31 =	spop (v2sf);
	s23 =	sadd.s32 $0x800, s1  }
0x204: {  	[hbm4b:s24+s2] =	stream.linear.scatter [tilespmem:s23], [sflag:$0x1], $0x80, $0x38;
	[tilespmem:$0x18800] =	vst v63  }
0x205: {  	s26 =	sadd.s32 $0x180, s21;
	s0 =	sadd.s32 $0x68, s31;
	s25 =	sadd.s32 $0xC00, s1  }
0x206: {  	[hbm4b:s26+s2] =	stream.linear.scatter [tilespmem:s25], [sflag:$0x1], $0x80, $0x38;
	[tilespmem:$0x18800] =	vst v63  }
0x207: {  	s29 =	sadd.s32 $0x200, s21;
	s28 =	sadd.s32 $0x1000, s1;
	s10 =	sshrl.u32 s0, $0x3  }
0x208: {  	[hbm4b:s29+s2] =	stream.linear.scatter [tilespmem:s28], [sflag:$0x1], $0x80, $0x38;
	[tilespmem:$0x18800] =	vst v63  }
0x209: {  	s30 =	sadd.s32 $0x280, s21;
	s1 =	sadd.s32 $0x1400, s1;
	s10 =	smul.u32 $0x6000, s10  }
0x20a: {  	[hbm4b:s30+s2] =	stream.linear.scatter [tilespmem:s1], [sflag:$0x1], $0x80, $0x38;
	[tilespmem:$0x18800] =	vst v63  }
0x20b: {  	s1 =	sshll.u32 s31, $0x7  }
0x20c: {  	s10 =	sshra.s32 s10, $0x2;
	s1 =	sand.u32 $0x380, s1  }
0x20d: {  	s3 =	rddreg [dreg:$0x19];
	s1 =	sor.u32 s1, s10  }
0x20e: {  	[hbm4b:s3+s2] =	stream.linear.scatter [tilespmem:s1], [sflag:$0x1], $0x80, $0x38;
	[tilespmem:$0x18800] =	vst v63  }
0x20f: {  	s5 =	sadd.s32 $0x80, s3;
	s10 =	sor.u32 $0x400, s1  }
0x210: {  	(v2sf) =	vpush v4, $0xF;
	[hbm4b:s5+s2] =	stream.linear.scatter [tilespmem:s10], [sflag:$0x1], $0x80, $0x38;
	[tilespmem:$0x18800] =	vst v63  }
0x211: {  	s7 =	sadd.s32 $0x100, s3;
	s15 =	spop (v2sf);
	s6 =	sadd.s32 $0x800, s1  }
0x212: {  	[hbm4b:s7+s2] =	stream.linear.scatter [tilespmem:s6], [sflag:$0x1], $0x80, $0x38;
	[tilespmem:$0x18800] =	vst v63  }
0x213: {  	s9 =	sadd.s32 $0x180, s3;
	s16 =	sadd.s32 $0x70, s15;
	s8 =	sadd.s32 $0xC00, s1  }
0x214: {  	[hbm4b:s9+s2] =	stream.linear.scatter [tilespmem:s8], [sflag:$0x1], $0x80, $0x38;
	[tilespmem:$0x18800] =	vst v63  }
0x215: {  	s13 =	sadd.s32 $0x200, s3;
	s12 =	sadd.s32 $0x1000, s1;
	s10 =	sshrl.u32 s16, $0x3  }
0x216: {  	[hbm4b:s13+s2] =	stream.linear.scatter [tilespmem:s12], [sflag:$0x1], $0x80, $0x38;
	[tilespmem:$0x18800] =	vst v63  }
0x217: {  	s14 =	sadd.s32 $0x280, s3;
	s1 =	sadd.s32 $0x1400, s1;
	s10 =	smul.u32 $0x6000, s10  }
0x218: {  	[hbm4b:s14+s2] =	stream.linear.scatter [tilespmem:s1], [sflag:$0x1], $0x80, $0x38;
	[tilespmem:$0x18800] =	vst v63  }
0x219: {  	s1 =	sshll.u32 s15, $0x7  }
0x21a: {  	s10 =	sshra.s32 s10, $0x2;
	s1 =	sand.u32 $0x380, s1  }
0x21b: {  	s17 =	rddreg [dreg:$0x1a];
	s1 =	sor.u32 s1, s10  }
0x21c: {  	[hbm4b:s17+s2] =	stream.linear.scatter [tilespmem:s1], [sflag:$0x1], $0x80, $0x38;
	[tilespmem:$0x18800] =	vst v63  }
0x21d: {  	s18 =	sadd.s32 $0x80, s17;
	s10 =	sor.u32 $0x400, s1  }
0x21e: {  	[hbm4b:s18+s2] =	stream.linear.scatter [tilespmem:s10], [sflag:$0x1], $0x80, $0x38;
	[tilespmem:$0x18800] =	vst v63  }
0x21f: {  	s20 =	sadd.s32 $0x100, s17;
	s26 =	spop (v2sf);
	s19 =	sadd.s32 $0x800, s1  }
0x220: {  	[hbm4b:s20+s2] =	stream.linear.scatter [tilespmem:s19], [sflag:$0x1], $0x80, $0x38;
	[tilespmem:$0x18800] =	vst v63  }
0x221: {  	s22 =	sadd.s32 $0x180, s17;
	s28 =	sadd.s32 $0x78, s26;
	s21 =	sadd.s32 $0xC00, s1  }
0x222: {  	[hbm4b:s22+s2] =	stream.linear.scatter [tilespmem:s21], [sflag:$0x1], $0x80, $0x38;
	[tilespmem:$0x18800] =	vst v63  }
0x223: {  	s24 =	sadd.s32 $0x200, s17;
	s23 =	sadd.s32 $0x1000, s1;
	s10 =	sshrl.u32 s28, $0x3  }
0x224: {  	[hbm4b:s24+s2] =	stream.linear.scatter [tilespmem:s23], [sflag:$0x1], $0x80, $0x38;
	[tilespmem:$0x18800] =	vst v63  }
0x225: {  	s25 =	sadd.s32 $0x280, s17;
	s1 =	sadd.s32 $0x1400, s1;
	s10 =	smul.u32 $0x6000, s10  }
0x226: {  	[hbm4b:s25+s2] =	stream.linear.scatter [tilespmem:s1], [sflag:$0x1], $0x80, $0x38;
	[tilespmem:$0x18800] =	vst v63  }
0x227: {  	s1 =	sshll.u32 s26, $0x7  }
0x228: {  	s10 =	sshra.s32 s10, $0x2;
	s1 =	sand.u32 $0x380, s1  }
0x229: {  	s29 =	rddreg [dreg:$0x1b];
	s1 =	sor.u32 s1, s10  }
0x22a: {  	[hbm4b:s29+s2] =	stream.linear.scatter [tilespmem:s1], [sflag:$0x1], $0x80, $0x38;
	[tilespmem:$0x18800] =	vst v63  }
0x22b: {  	s30 =	sadd.s32 $0x80, s29;
	s10 =	sor.u32 $0x400, s1  }
0x22c: {  	[hbm4b:s30+s2] =	stream.linear.scatter [tilespmem:s10], [sflag:$0x1], $0x80, $0x38;
	[tilespmem:$0x18800] =	vst v63  }
0x22d: {  	s3 =	sadd.s32 $0x100, s29;
	s31 =	sadd.s32 $0x800, s1  }
0x22e: {  	[hbm4b:s3+s2] =	stream.linear.scatter [tilespmem:s31], [sflag:$0x1], $0x80, $0x38;
	[tilespmem:$0x18800] =	vst v63  }
0x22f: {  	s6 =	sadd.s32 $0x180, s29;
	s5 =	sadd.s32 $0xC00, s1  }
0x230: {  	[hbm4b:s6+s2] =	stream.linear.scatter [tilespmem:s5], [sflag:$0x1], $0x80, $0x38;
	[tilespmem:$0x18800] =	vst v63  }
0x231: {  	s8 =	sadd.s32 $0x200, s29;
	s7 =	sadd.s32 $0x1000, s1  }
0x232: {  	[hbm4b:s8+s2] =	stream.linear.scatter [tilespmem:s7], [sflag:$0x1], $0x80, $0x38;
	[tilespmem:$0x18800] =	vst v63  }
0x233: {  	s9 =	sadd.s32 $0x280, s29;
	s1 =	sadd.s32 $0x1400, s1  }
0x234: {  	[hbm4b:s9+s2] =	stream.linear.scatter [tilespmem:s1], [sflag:$0x1], $0x80, $0x38;
	[tilespmem:$0x18800] =	vst v63  }
0x235: {  	v4 =	vld.idx.msk [tilespmem:v2+s4+$0x0], $0xffff;
	_ =	sdelay $0x4  }
0x236: {  	(v2sf) =	vpush v4, $0x0;
	_ =	sdelay $0x8  }
0x237: {  	(v2sf) =	vpush v4, $0x1;
	_ =	sdelay $0x5  }
0x238: {  	s11 =	spop (v2sf)  }
0x239: {  	s12 =	sshrl.u32 s11, $0x3  }
0x23a: {  	s10 =	smul.u32 $0x6000, s12  }
0x23b: {  	s1 =	sshll.u32 s11, $0x7  }
0x23c: {  	s1 =	sand.u32 $0x380, s1;
	s10 =	sshra.s32 s10, $0x2  }
0x23d: {  	s13 =	rddreg [dreg:$0x1c];
	s1 =	sor.u32 s1, s10  }
0x23e: {  	[hbm4b:s13+s2] =	stream.linear.scatter [tilespmem:s1], [sflag:$0x1], $0x80, $0x38;
	[tilespmem:$0x18800] =	vst v63  }
0x23f: {  	s14 =	sadd.s32 $0x80, s13;
	s10 =	sor.u32 $0x400, s1  }
0x240: {  	(v2sf) =	vpush v4, $0x2;
	[hbm4b:s14+s2] =	stream.linear.scatter [tilespmem:s10], [sflag:$0x1], $0x80, $0x38;
	[tilespmem:$0x18800] =	vst v63  }
0x241: {  	s16 =	sadd.s32 $0x100, s13;
	s22 =	spop (v2sf);
	s15 =	sadd.s32 $0x800, s1  }
0x242: {  	[hbm4b:s16+s2] =	stream.linear.scatter [tilespmem:s15], [sflag:$0x1], $0x80, $0x38;
	[tilespmem:$0x18800] =	vst v63  }
0x243: {  	s18 =	sadd.s32 $0x180, s13;
	s23 =	sadd.s32 $0x8, s22;
	s17 =	sadd.s32 $0xC00, s1  }
0x244: {  	[hbm4b:s18+s2] =	stream.linear.scatter [tilespmem:s17], [sflag:$0x1], $0x80, $0x38;
	[tilespmem:$0x18800] =	vst v63  }
0x245: {  	s20 =	sadd.s32 $0x200, s13;
	s19 =	sadd.s32 $0x1000, s1;
	s10 =	sshrl.u32 s23, $0x3  }
0x246: {  	[hbm4b:s20+s2] =	stream.linear.scatter [tilespmem:s19], [sflag:$0x1], $0x80, $0x38;
	[tilespmem:$0x18800] =	vst v63  }
0x247: {  	s21 =	sadd.s32 $0x280, s13;
	s1 =	sadd.s32 $0x1400, s1;
	s10 =	smul.u32 $0x6000, s10  }
0x248: {  	[hbm4b:s21+s2] =	stream.linear.scatter [tilespmem:s1], [sflag:$0x1], $0x80, $0x38;
	[tilespmem:$0x18800] =	vst v63  }
0x249: {  	s1 =	sshll.u32 s22, $0x7  }
0x24a: {  	s10 =	sshra.s32 s10, $0x2;
	s1 =	sand.u32 $0x380, s1  }
0x24b: {  	s24 =	rddreg [dreg:$0x1d];
	s1 =	sor.u32 s1, s10  }
0x24c: {  	[hbm4b:s24+s2] =	stream.linear.scatter [tilespmem:s1], [sflag:$0x1], $0x80, $0x38;
	[tilespmem:$0x18800] =	vst v63  }
0x24d: {  	s25 =	sadd.s32 $0x80, s24;
	s10 =	sor.u32 $0x400, s1  }
0x24e: {  	(v2sf) =	vpush v4, $0x3;
	[hbm4b:s25+s2] =	stream.linear.scatter [tilespmem:s10], [sflag:$0x1], $0x80, $0x38;
	[tilespmem:$0x18800] =	vst v63  }
0x24f: {  	s28 =	sadd.s32 $0x100, s24;
	s6 =	spop (v2sf);
	s26 =	sadd.s32 $0x800, s1  }
0x250: {  	[hbm4b:s28+s2] =	stream.linear.scatter [tilespmem:s26], [sflag:$0x1], $0x80, $0x38;
	[tilespmem:$0x18800] =	vst v63  }
0x251: {  	s30 =	sadd.s32 $0x180, s24;
	s7 =	sadd.s32 $0x10, s6;
	s29 =	sadd.s32 $0xC00, s1  }
0x252: {  	[hbm4b:s30+s2] =	stream.linear.scatter [tilespmem:s29], [sflag:$0x1], $0x80, $0x38;
	[tilespmem:$0x18800] =	vst v63  }
0x253: {  	s3 =	sadd.s32 $0x200, s24;
	s31 =	sadd.s32 $0x1000, s1;
	s10 =	sshrl.u32 s7, $0x3  }
0x254: {  	[hbm4b:s3+s2] =	stream.linear.scatter [tilespmem:s31], [sflag:$0x1], $0x80, $0x38;
	[tilespmem:$0x18800] =	vst v63  }
0x255: {  	s5 =	sadd.s32 $0x280, s24;
	s1 =	sadd.s32 $0x1400, s1;
	s10 =	smul.u32 $0x6000, s10  }
0x256: {  	[hbm4b:s5+s2] =	stream.linear.scatter [tilespmem:s1], [sflag:$0x1], $0x80, $0x38;
	[tilespmem:$0x18800] =	vst v63  }
0x257: {  	s1 =	sshll.u32 s6, $0x7  }
0x258: {  	s10 =	sshra.s32 s10, $0x2;
	s1 =	sand.u32 $0x380, s1  }
0x259: {  	s8 =	rddreg [dreg:$0x1e];
	s1 =	sor.u32 s1, s10  }
0x25a: {  	[hbm4b:s8+s2] =	stream.linear.scatter [tilespmem:s1], [sflag:$0x1], $0x80, $0x38;
	[tilespmem:$0x18800] =	vst v63  }
0x25b: {  	s9 =	sadd.s32 $0x80, s8;
	s10 =	sor.u32 $0x400, s1  }
0x25c: {  	(v2sf) =	vpush v4, $0x4;
	[hbm4b:s9+s2] =	stream.linear.scatter [tilespmem:s10], [sflag:$0x1], $0x80, $0x38;
	[tilespmem:$0x18800] =	vst v63  }
0x25d: {  	s13 =	sadd.s32 $0x100, s8;
	s19 =	spop (v2sf);
	s12 =	sadd.s32 $0x800, s1  }
0x25e: {  	[hbm4b:s13+s2] =	stream.linear.scatter [tilespmem:s12], [sflag:$0x1], $0x80, $0x38;
	[tilespmem:$0x18800] =	vst v63  }
0x25f: {  	s15 =	sadd.s32 $0x180, s8;
	s20 =	sadd.s32 $0x18, s19;
	s14 =	sadd.s32 $0xC00, s1  }
0x260: {  	[hbm4b:s15+s2] =	stream.linear.scatter [tilespmem:s14], [sflag:$0x1], $0x80, $0x38;
	[tilespmem:$0x18800] =	vst v63  }
0x261: {  	s17 =	sadd.s32 $0x200, s8;
	s16 =	sadd.s32 $0x1000, s1;
	s10 =	sshrl.u32 s20, $0x3  }
0x262: {  	[hbm4b:s17+s2] =	stream.linear.scatter [tilespmem:s16], [sflag:$0x1], $0x80, $0x38;
	[tilespmem:$0x18800] =	vst v63  }
0x263: {  	s18 =	sadd.s32 $0x280, s8;
	s1 =	sadd.s32 $0x1400, s1;
	s10 =	smul.u32 $0x6000, s10  }
0x264: {  	[hbm4b:s18+s2] =	stream.linear.scatter [tilespmem:s1], [sflag:$0x1], $0x80, $0x38;
	[tilespmem:$0x18800] =	vst v63  }
0x265: {  	s1 =	sshll.u32 s19, $0x7  }
0x266: {  	s10 =	sshra.s32 s10, $0x2;
	s1 =	sand.u32 $0x380, s1  }
0x267: {  	s21 =	rddreg [dreg:$0x1f];
	s1 =	sor.u32 s1, s10  }
0x268: {  	[hbm4b:s21+s2] =	stream.linear.scatter [tilespmem:s1], [sflag:$0x1], $0x80, $0x38;
	[tilespmem:$0x18800] =	vst v63  }
0x269: {  	s22 =	sadd.s32 $0x80, s21;
	s10 =	sor.u32 $0x400, s1  }
0x26a: {  	(v2sf) =	vpush v4, $0x5;
	[hbm4b:s22+s2] =	stream.linear.scatter [tilespmem:s10], [sflag:$0x1], $0x80, $0x38;
	[tilespmem:$0x18800] =	vst v63  }
0x26b: {  	s24 =	sadd.s32 $0x100, s21;
	s31 =	spop (v2sf);
	s23 =	sadd.s32 $0x800, s1  }
0x26c: {  	[hbm4b:s24+s2] =	stream.linear.scatter [tilespmem:s23], [sflag:$0x1], $0x80, $0x38;
	[tilespmem:$0x18800] =	vst v63  }
0x26d: {  	s26 =	sadd.s32 $0x180, s21;
	s0 =	sadd.s32 $0x20, s31;
	s25 =	sadd.s32 $0xC00, s1  }
0x26e: {  	[hbm4b:s26+s2] =	stream.linear.scatter [tilespmem:s25], [sflag:$0x1], $0x80, $0x38;
	[tilespmem:$0x18800] =	vst v63  }
0x26f: {  	s29 =	sadd.s32 $0x200, s21;
	s28 =	sadd.s32 $0x1000, s1;
	s10 =	sshrl.u32 s0, $0x3  }
0x270: {  	[hbm4b:s29+s2] =	stream.linear.scatter [tilespmem:s28], [sflag:$0x1], $0x80, $0x38;
	[tilespmem:$0x18800] =	vst v63  }
0x271: {  	s30 =	sadd.s32 $0x280, s21;
	s1 =	sadd.s32 $0x1400, s1;
	s10 =	smul.u32 $0x6000, s10  }
0x272: {  	[hbm4b:s30+s2] =	stream.linear.scatter [tilespmem:s1], [sflag:$0x1], $0x80, $0x38;
	[tilespmem:$0x18800] =	vst v63  }
0x273: {  	s3 =	sld [smem:$0x7CF];
	s1 =	sshll.u32 s31, $0x7  }
0x274: {  	s10 =	sshra.s32 s10, $0x2;
	s1 =	sand.u32 $0x380, s1  }
0x275: {  	s1 =	sor.u32 s1, s10  }
0x276: {  	[hbm4b:s3+s2] =	stream.linear.scatter [tilespmem:s1], [sflag:$0x1], $0x80, $0x38;
	[tilespmem:$0x18800] =	vst v63  }
0x277: {  	s5 =	sadd.s32 $0x80, s3;
	s10 =	sor.u32 $0x400, s1  }
0x278: {  	(v2sf) =	vpush v4, $0x6;
	[hbm4b:s5+s2] =	stream.linear.scatter [tilespmem:s10], [sflag:$0x1], $0x80, $0x38;
	[tilespmem:$0x18800] =	vst v63  }
0x279: {  	s7 =	sadd.s32 $0x100, s3;
	s15 =	spop (v2sf);
	s6 =	sadd.s32 $0x800, s1  }
0x27a: {  	[hbm4b:s7+s2] =	stream.linear.scatter [tilespmem:s6], [sflag:$0x1], $0x80, $0x38;
	[tilespmem:$0x18800] =	vst v63  }
0x27b: {  	s9 =	sadd.s32 $0x180, s3;
	s16 =	sadd.s32 $0x28, s15;
	s8 =	sadd.s32 $0xC00, s1  }
0x27c: {  	[hbm4b:s9+s2] =	stream.linear.scatter [tilespmem:s8], [sflag:$0x1], $0x80, $0x38;
	[tilespmem:$0x18800] =	vst v63  }
0x27d: {  	s13 =	sadd.s32 $0x200, s3;
	s12 =	sadd.s32 $0x1000, s1;
	s10 =	sshrl.u32 s16, $0x3  }
0x27e: {  	[hbm4b:s13+s2] =	stream.linear.scatter [tilespmem:s12], [sflag:$0x1], $0x80, $0x38;
	[tilespmem:$0x18800] =	vst v63  }
0x27f: {  	s14 =	sadd.s32 $0x280, s3;
	s1 =	sadd.s32 $0x1400, s1;
	s10 =	smul.u32 $0x6000, s10  }
0x280: {  	[hbm4b:s14+s2] =	stream.linear.scatter [tilespmem:s1], [sflag:$0x1], $0x80, $0x38;
	[tilespmem:$0x18800] =	vst v63  }
0x281: {  	s17 =	sld [smem:$0x7D0];
	s1 =	sshll.u32 s15, $0x7  }
0x282: {  	s10 =	sshra.s32 s10, $0x2;
	s1 =	sand.u32 $0x380, s1  }
0x283: {  	s1 =	sor.u32 s1, s10  }
0x284: {  	[hbm4b:s17+s2] =	stream.linear.scatter [tilespmem:s1], [sflag:$0x1], $0x80, $0x38;
	[tilespmem:$0x18800] =	vst v63  }
0x285: {  	s18 =	sadd.s32 $0x80, s17;
	s10 =	sor.u32 $0x400, s1  }
0x286: {  	(v2sf) =	vpush v4, $0x7;
	[hbm4b:s18+s2] =	stream.linear.scatter [tilespmem:s10], [sflag:$0x1], $0x80, $0x38;
	[tilespmem:$0x18800] =	vst v63  }
0x287: {  	s20 =	sadd.s32 $0x100, s17;
	s26 =	spop (v2sf);
	s19 =	sadd.s32 $0x800, s1  }
0x288: {  	[hbm4b:s20+s2] =	stream.linear.scatter [tilespmem:s19], [sflag:$0x1], $0x80, $0x38;
	[tilespmem:$0x18800] =	vst v63  }
0x289: {  	s22 =	sadd.s32 $0x180, s17;
	s28 =	sadd.s32 $0x30, s26;
	s21 =	sadd.s32 $0xC00, s1  }
0x28a: {  	[hbm4b:s22+s2] =	stream.linear.scatter [tilespmem:s21], [sflag:$0x1], $0x80, $0x38;
	[tilespmem:$0x18800] =	vst v63  }
0x28b: {  	s24 =	sadd.s32 $0x200, s17;
	s23 =	sadd.s32 $0x1000, s1;
	s10 =	sshrl.u32 s28, $0x3  }
0x28c: {  	[hbm4b:s24+s2] =	stream.linear.scatter [tilespmem:s23], [sflag:$0x1], $0x80, $0x38;
	[tilespmem:$0x18800] =	vst v63  }
0x28d: {  	s25 =	sadd.s32 $0x280, s17;
	s1 =	sadd.s32 $0x1400, s1;
	s10 =	smul.u32 $0x6000, s10  }
0x28e: {  	[hbm4b:s25+s2] =	stream.linear.scatter [tilespmem:s1], [sflag:$0x1], $0x80, $0x38;
	[tilespmem:$0x18800] =	vst v63  }
0x28f: {  	s29 =	sld [smem:$0x7D1];
	s1 =	sshll.u32 s26, $0x7  }
0x290: {  	s10 =	sshra.s32 s10, $0x2;
	s1 =	sand.u32 $0x380, s1  }
0x291: {  	s1 =	sor.u32 s1, s10  }
0x292: {  	[hbm4b:s29+s2] =	stream.linear.scatter [tilespmem:s1], [sflag:$0x1], $0x80, $0x38;
	[tilespmem:$0x18800] =	vst v63  }
0x293: {  	s30 =	sadd.s32 $0x80, s29;
	s10 =	sor.u32 $0x400, s1  }
0x294: {  	(v2sf) =	vpush v4, $0x8;
	[hbm4b:s30+s2] =	stream.linear.scatter [tilespmem:s10], [sflag:$0x1], $0x80, $0x38;
	[tilespmem:$0x18800] =	vst v63  }
0x295: {  	s11 =	spop (v2sf);
	s3 =	sadd.s32 $0x100, s29;
	s31 =	sadd.s32 $0x800, s1  }
0x296: {  	[hbm4b:s3+s2] =	stream.linear.scatter [tilespmem:s31], [sflag:$0x1], $0x80, $0x38;
	[tilespmem:$0x18800] =	vst v63  }
0x297: {  	s6 =	sadd.s32 $0x180, s29;
	s12 =	sadd.s32 $0x38, s11;
	s5 =	sadd.s32 $0xC00, s1  }
0x298: {  	[hbm4b:s6+s2] =	stream.linear.scatter [tilespmem:s5], [sflag:$0x1], $0x80, $0x38;
	[tilespmem:$0x18800] =	vst v63  }
0x299: {  	s8 =	sadd.s32 $0x200, s29;
	s7 =	sadd.s32 $0x1000, s1;
	s10 =	sshrl.u32 s12, $0x3  }
0x29a: {  	[hbm4b:s8+s2] =	stream.linear.scatter [tilespmem:s7], [sflag:$0x1], $0x80, $0x38;
	[tilespmem:$0x18800] =	vst v63  }
0x29b: {  	s9 =	sadd.s32 $0x280, s29;
	s1 =	sadd.s32 $0x1400, s1;
	s10 =	smul.u32 $0x6000, s10  }
0x29c: {  	[hbm4b:s9+s2] =	stream.linear.scatter [tilespmem:s1], [sflag:$0x1], $0x80, $0x38;
	[tilespmem:$0x18800] =	vst v63  }
0x29d: {  	s13 =	sld [smem:$0x7D2];
	s1 =	sshll.u32 s11, $0x7  }
0x29e: {  	s10 =	sshra.s32 s10, $0x2;
	s1 =	sand.u32 $0x380, s1  }
0x29f: {  	s1 =	sor.u32 s1, s10  }
0x2a0: {  	[hbm4b:s13+s2] =	stream.linear.scatter [tilespmem:s1], [sflag:$0x1], $0x80, $0x38;
	[tilespmem:$0x18800] =	vst v63  }
0x2a1: {  	s14 =	sadd.s32 $0x80, s13;
	s10 =	sor.u32 $0x400, s1  }
0x2a2: {  	(v2sf) =	vpush v4, $0x9;
	[hbm4b:s14+s2] =	stream.linear.scatter [tilespmem:s10], [sflag:$0x1], $0x80, $0x38;
	[tilespmem:$0x18800] =	vst v63  }
0x2a3: {  	s16 =	sadd.s32 $0x100, s13;
	s22 =	spop (v2sf);
	s15 =	sadd.s32 $0x800, s1  }
0x2a4: {  	[hbm4b:s16+s2] =	stream.linear.scatter [tilespmem:s15], [sflag:$0x1], $0x80, $0x38;
	[tilespmem:$0x18800] =	vst v63  }
0x2a5: {  	s18 =	sadd.s32 $0x180, s13;
	s23 =	sadd.s32 $0x40, s22;
	s17 =	sadd.s32 $0xC00, s1  }
0x2a6: {  	[hbm4b:s18+s2] =	stream.linear.scatter [tilespmem:s17], [sflag:$0x1], $0x80, $0x38;
	[tilespmem:$0x18800] =	vst v63  }
0x2a7: {  	s20 =	sadd.s32 $0x200, s13;
	s19 =	sadd.s32 $0x1000, s1;
	s10 =	sshrl.u32 s23, $0x3  }
0x2a8: {  	[hbm4b:s20+s2] =	stream.linear.scatter [tilespmem:s19], [sflag:$0x1], $0x80, $0x38;
	[tilespmem:$0x18800] =	vst v63  }
0x2a9: {  	s21 =	sadd.s32 $0x280, s13;
	s1 =	sadd.s32 $0x1400, s1;
	s10 =	smul.u32 $0x6000, s10  }
0x2aa: {  	[hbm4b:s21+s2] =	stream.linear.scatter [tilespmem:s1], [sflag:$0x1], $0x80, $0x38;
	[tilespmem:$0x18800] =	vst v63  }
0x2ab: {  	s24 =	sld [smem:$0x7D3];
	s1 =	sshll.u32 s22, $0x7  }
0x2ac: {  	s10 =	sshra.s32 s10, $0x2;
	s1 =	sand.u32 $0x380, s1  }
0x2ad: {  	s1 =	sor.u32 s1, s10  }
0x2ae: {  	[hbm4b:s24+s2] =	stream.linear.scatter [tilespmem:s1], [sflag:$0x1], $0x80, $0x38;
	[tilespmem:$0x18800] =	vst v63  }
0x2af: {  	s25 =	sadd.s32 $0x80, s24;
	s10 =	sor.u32 $0x400, s1  }
0x2b0: {  	(v2sf) =	vpush v4, $0xA;
	[hbm4b:s25+s2] =	stream.linear.scatter [tilespmem:s10], [sflag:$0x1], $0x80, $0x38;
	[tilespmem:$0x18800] =	vst v63  }
0x2b1: {  	s28 =	sadd.s32 $0x100, s24;
	s6 =	spop (v2sf);
	s26 =	sadd.s32 $0x800, s1  }
0x2b2: {  	[hbm4b:s28+s2] =	stream.linear.scatter [tilespmem:s26], [sflag:$0x1], $0x80, $0x38;
	[tilespmem:$0x18800] =	vst v63  }
0x2b3: {  	s30 =	sadd.s32 $0x180, s24;
	s7 =	sadd.s32 $0x48, s6;
	s29 =	sadd.s32 $0xC00, s1  }
0x2b4: {  	[hbm4b:s30+s2] =	stream.linear.scatter [tilespmem:s29], [sflag:$0x1], $0x80, $0x38;
	[tilespmem:$0x18800] =	vst v63  }
0x2b5: {  	s3 =	sadd.s32 $0x200, s24;
	s31 =	sadd.s32 $0x1000, s1;
	s10 =	sshrl.u32 s7, $0x3  }
0x2b6: {  	[hbm4b:s3+s2] =	stream.linear.scatter [tilespmem:s31], [sflag:$0x1], $0x80, $0x38;
	[tilespmem:$0x18800] =	vst v63  }
0x2b7: {  	s5 =	sadd.s32 $0x280, s24;
	s1 =	sadd.s32 $0x1400, s1;
	s10 =	smul.u32 $0x6000, s10  }
0x2b8: {  	[hbm4b:s5+s2] =	stream.linear.scatter [tilespmem:s1], [sflag:$0x1], $0x80, $0x38;
	[tilespmem:$0x18800] =	vst v63  }
0x2b9: {  	s8 =	sld [smem:$0x7D4];
	s1 =	sshll.u32 s6, $0x7  }
0x2ba: {  	s10 =	sshra.s32 s10, $0x2;
	s1 =	sand.u32 $0x380, s1  }
0x2bb: {  	s1 =	sor.u32 s1, s10  }
0x2bc: {  	[hbm4b:s8+s2] =	stream.linear.scatter [tilespmem:s1], [sflag:$0x1], $0x80, $0x38;
	[tilespmem:$0x18800] =	vst v63  }
0x2bd: {  	s9 =	sadd.s32 $0x80, s8;
	s10 =	sor.u32 $0x400, s1  }
0x2be: {  	(v2sf) =	vpush v4, $0xB;
	[hbm4b:s9+s2] =	stream.linear.scatter [tilespmem:s10], [sflag:$0x1], $0x80, $0x38;
	[tilespmem:$0x18800] =	vst v63  }
0x2bf: {  	s13 =	sadd.s32 $0x100, s8;
	s19 =	spop (v2sf);
	s12 =	sadd.s32 $0x800, s1  }
0x2c0: {  	[hbm4b:s13+s2] =	stream.linear.scatter [tilespmem:s12], [sflag:$0x1], $0x80, $0x38;
	[tilespmem:$0x18800] =	vst v63  }
0x2c1: {  	s15 =	sadd.s32 $0x180, s8;
	s20 =	sadd.s32 $0x50, s19;
	s14 =	sadd.s32 $0xC00, s1  }
0x2c2: {  	[hbm4b:s15+s2] =	stream.linear.scatter [tilespmem:s14], [sflag:$0x1], $0x80, $0x38;
	[tilespmem:$0x18800] =	vst v63  }
0x2c3: {  	s17 =	sadd.s32 $0x200, s8;
	s16 =	sadd.s32 $0x1000, s1;
	s10 =	sshrl.u32 s20, $0x3  }
0x2c4: {  	[hbm4b:s17+s2] =	stream.linear.scatter [tilespmem:s16], [sflag:$0x1], $0x80, $0x38;
	[tilespmem:$0x18800] =	vst v63  }
0x2c5: {  	s18 =	sadd.s32 $0x280, s8;
	s1 =	sadd.s32 $0x1400, s1;
	s10 =	smul.u32 $0x6000, s10  }
0x2c6: {  	[hbm4b:s18+s2] =	stream.linear.scatter [tilespmem:s1], [sflag:$0x1], $0x80, $0x38;
	[tilespmem:$0x18800] =	vst v63  }
0x2c7: {  	s21 =	sld [smem:$0x7D5];
	s1 =	sshll.u32 s19, $0x7  }
0x2c8: {  	s10 =	sshra.s32 s10, $0x2;
	s1 =	sand.u32 $0x380, s1  }
0x2c9: {  	s1 =	sor.u32 s1, s10  }
0x2ca: {  	[hbm4b:s21+s2] =	stream.linear.scatter [tilespmem:s1], [sflag:$0x1], $0x80, $0x38;
	[tilespmem:$0x18800] =	vst v63  }
0x2cb: {  	s22 =	sadd.s32 $0x80, s21;
	s10 =	sor.u32 $0x400, s1  }
0x2cc: {  	(v2sf) =	vpush v4, $0xC;
	[hbm4b:s22+s2] =	stream.linear.scatter [tilespmem:s10], [sflag:$0x1], $0x80, $0x38;
	[tilespmem:$0x18800] =	vst v63  }
0x2cd: {  	s24 =	sadd.s32 $0x100, s21;
	s31 =	spop (v2sf);
	s23 =	sadd.s32 $0x800, s1  }
0x2ce: {  	[hbm4b:s24+s2] =	stream.linear.scatter [tilespmem:s23], [sflag:$0x1], $0x80, $0x38;
	[tilespmem:$0x18800] =	vst v63  }
0x2cf: {  	s26 =	sadd.s32 $0x180, s21;
	s0 =	sadd.s32 $0x58, s31;
	s25 =	sadd.s32 $0xC00, s1  }
0x2d0: {  	[hbm4b:s26+s2] =	stream.linear.scatter [tilespmem:s25], [sflag:$0x1], $0x80, $0x38;
	[tilespmem:$0x18800] =	vst v63  }
0x2d1: {  	s29 =	sadd.s32 $0x200, s21;
	s28 =	sadd.s32 $0x1000, s1;
	s10 =	sshrl.u32 s0, $0x3  }
0x2d2: {  	[hbm4b:s29+s2] =	stream.linear.scatter [tilespmem:s28], [sflag:$0x1], $0x80, $0x38;
	[tilespmem:$0x18800] =	vst v63  }
0x2d3: {  	s30 =	sadd.s32 $0x280, s21;
	s1 =	sadd.s32 $0x1400, s1;
	s10 =	smul.u32 $0x6000, s10  }
0x2d4: {  	[hbm4b:s30+s2] =	stream.linear.scatter [tilespmem:s1], [sflag:$0x1], $0x80, $0x38;
	[tilespmem:$0x18800] =	vst v63  }
0x2d5: {  	s3 =	sld [smem:$0x7D6];
	s1 =	sshll.u32 s31, $0x7  }
0x2d6: {  	s10 =	sshra.s32 s10, $0x2;
	s1 =	sand.u32 $0x380, s1  }
0x2d7: {  	s1 =	sor.u32 s1, s10  }
0x2d8: {  	[hbm4b:s3+s2] =	stream.linear.scatter [tilespmem:s1], [sflag:$0x1], $0x80, $0x38;
	[tilespmem:$0x18800] =	vst v63  }
0x2d9: {  	s5 =	sadd.s32 $0x80, s3;
	s10 =	sor.u32 $0x400, s1  }
0x2da: {  	(v2sf) =	vpush v4, $0xD;
	[hbm4b:s5+s2] =	stream.linear.scatter [tilespmem:s10], [sflag:$0x1], $0x80, $0x38;
	[tilespmem:$0x18800] =	vst v63  }
0x2db: {  	s7 =	sadd.s32 $0x100, s3;
	s15 =	spop (v2sf);
	s6 =	sadd.s32 $0x800, s1  }
0x2dc: {  	[hbm4b:s7+s2] =	stream.linear.scatter [tilespmem:s6], [sflag:$0x1], $0x80, $0x38;
	[tilespmem:$0x18800] =	vst v63  }
0x2dd: {  	s9 =	sadd.s32 $0x180, s3;
	s16 =	sadd.s32 $0x60, s15;
	s8 =	sadd.s32 $0xC00, s1  }
0x2de: {  	[hbm4b:s9+s2] =	stream.linear.scatter [tilespmem:s8], [sflag:$0x1], $0x80, $0x38;
	[tilespmem:$0x18800] =	vst v63  }
0x2df: {  	s13 =	sadd.s32 $0x200, s3;
	s12 =	sadd.s32 $0x1000, s1;
	s10 =	sshrl.u32 s16, $0x3  }
0x2e0: {  	[hbm4b:s13+s2] =	stream.linear.scatter [tilespmem:s12], [sflag:$0x1], $0x80, $0x38;
	[tilespmem:$0x18800] =	vst v63  }
0x2e1: {  	s14 =	sadd.s32 $0x280, s3;
	s1 =	sadd.s32 $0x1400, s1;
	s10 =	smul.u32 $0x6000, s10  }
0x2e2: {  	[hbm4b:s14+s2] =	stream.linear.scatter [tilespmem:s1], [sflag:$0x1], $0x80, $0x38;
	[tilespmem:$0x18800] =	vst v63  }
0x2e3: {  	s17 =	sld [smem:$0x7D7];
	s1 =	sshll.u32 s15, $0x7  }
0x2e4: {  	s10 =	sshra.s32 s10, $0x2;
	s1 =	sand.u32 $0x380, s1  }
0x2e5: {  	s1 =	sor.u32 s1, s10  }
0x2e6: {  	[hbm4b:s17+s2] =	stream.linear.scatter [tilespmem:s1], [sflag:$0x1], $0x80, $0x38;
	[tilespmem:$0x18800] =	vst v63  }
0x2e7: {  	s18 =	sadd.s32 $0x80, s17;
	s10 =	sor.u32 $0x400, s1  }
0x2e8: {  	(v2sf) =	vpush v4, $0xE;
	[hbm4b:s18+s2] =	stream.linear.scatter [tilespmem:s10], [sflag:$0x1], $0x80, $0x38;
	[tilespmem:$0x18800] =	vst v63  }
0x2e9: {  	s20 =	sadd.s32 $0x100, s17;
	s26 =	spop (v2sf);
	s19 =	sadd.s32 $0x800, s1  }
0x2ea: {  	[hbm4b:s20+s2] =	stream.linear.scatter [tilespmem:s19], [sflag:$0x1], $0x80, $0x38;
	[tilespmem:$0x18800] =	vst v63  }
0x2eb: {  	s22 =	sadd.s32 $0x180, s17;
	s28 =	sadd.s32 $0x68, s26;
	s21 =	sadd.s32 $0xC00, s1  }
0x2ec: {  	[hbm4b:s22+s2] =	stream.linear.scatter [tilespmem:s21], [sflag:$0x1], $0x80, $0x38;
	[tilespmem:$0x18800] =	vst v63  }
0x2ed: {  	s24 =	sadd.s32 $0x200, s17;
	s23 =	sadd.s32 $0x1000, s1;
	s10 =	sshrl.u32 s28, $0x3  }
0x2ee: {  	[hbm4b:s24+s2] =	stream.linear.scatter [tilespmem:s23], [sflag:$0x1], $0x80, $0x38;
	[tilespmem:$0x18800] =	vst v63  }
0x2ef: {  	s25 =	sadd.s32 $0x280, s17;
	s1 =	sadd.s32 $0x1400, s1;
	s10 =	smul.u32 $0x6000, s10  }
0x2f0: {  	[hbm4b:s25+s2] =	stream.linear.scatter [tilespmem:s1], [sflag:$0x1], $0x80, $0x38;
	[tilespmem:$0x18800] =	vst v63  }
0x2f1: {  	s29 =	sld [smem:$0x7D8];
	s1 =	sshll.u32 s26, $0x7  }
0x2f2: {  	s10 =	sshra.s32 s10, $0x2;
	s1 =	sand.u32 $0x380, s1  }
0x2f3: {  	s1 =	sor.u32 s1, s10  }
0x2f4: {  	[hbm4b:s29+s2] =	stream.linear.scatter [tilespmem:s1], [sflag:$0x1], $0x80, $0x38;
	[tilespmem:$0x18800] =	vst v63  }
0x2f5: {  	s30 =	sadd.s32 $0x80, s29;
	s10 =	sor.u32 $0x400, s1  }
0x2f6: {  	(v2sf) =	vpush v4, $0xF;
	[hbm4b:s30+s2] =	stream.linear.scatter [tilespmem:s10], [sflag:$0x1], $0x80, $0x38;
	[tilespmem:$0x18800] =	vst v63  }
0x2f7: {  	s11 =	spop (v2sf);
	s3 =	sadd.s32 $0x100, s29;
	s31 =	sadd.s32 $0x800, s1  }
0x2f8: {  	[hbm4b:s3+s2] =	stream.linear.scatter [tilespmem:s31], [sflag:$0x1], $0x80, $0x38;
	[tilespmem:$0x18800] =	vst v63  }
0x2f9: {  	s6 =	sadd.s32 $0x180, s29;
	s12 =	sadd.s32 $0x70, s11;
	s5 =	sadd.s32 $0xC00, s1  }
0x2fa: {  	[hbm4b:s6+s2] =	stream.linear.scatter [tilespmem:s5], [sflag:$0x1], $0x80, $0x38;
	[tilespmem:$0x18800] =	vst v63  }
0x2fb: {  	s8 =	sadd.s32 $0x200, s29;
	s7 =	sadd.s32 $0x1000, s1;
	s10 =	sshrl.u32 s12, $0x3  }
0x2fc: {  	[hbm4b:s8+s2] =	stream.linear.scatter [tilespmem:s7], [sflag:$0x1], $0x80, $0x38;
	[tilespmem:$0x18800] =	vst v63  }
0x2fd: {  	s9 =	sadd.s32 $0x280, s29;
	s1 =	sadd.s32 $0x1400, s1;
	s10 =	smul.u32 $0x6000, s10  }
0x2fe: {  	[hbm4b:s9+s2] =	stream.linear.scatter [tilespmem:s1], [sflag:$0x1], $0x80, $0x38;
	[tilespmem:$0x18800] =	vst v63  }
0x2ff: {  	s13 =	sld [smem:$0x7D9];
	s1 =	sshll.u32 s11, $0x7  }
0x300: {  	s10 =	sshra.s32 s10, $0x2;
	s1 =	sand.u32 $0x380, s1  }
0x301: {  	s1 =	sor.u32 s1, s10  }
0x302: {  	[hbm4b:s13+s2] =	stream.linear.scatter [tilespmem:s1], [sflag:$0x1], $0x80, $0x38;
	[tilespmem:$0x18800] =	vst v63  }
0x303: {  	s14 =	sadd.s32 $0x80, s13;
	s10 =	sor.u32 $0x400, s1  }
0x304: {  	[hbm4b:s14+s2] =	stream.linear.scatter [tilespmem:s10], [sflag:$0x1], $0x80, $0x38;
	[tilespmem:$0x18800] =	vst v63  }
0x305: {  	s16 =	sadd.s32 $0x100, s13;
	s22 =	spop (v2sf);
	s15 =	sadd.s32 $0x800, s1  }
0x306: {  	[hbm4b:s16+s2] =	stream.linear.scatter [tilespmem:s15], [sflag:$0x1], $0x80, $0x38;
	[tilespmem:$0x18800] =	vst v63  }
0x307: {  	s18 =	sadd.s32 $0x180, s13;
	s23 =	sadd.s32 $0x78, s22;
	s17 =	sadd.s32 $0xC00, s1  }
0x308: {  	[hbm4b:s18+s2] =	stream.linear.scatter [tilespmem:s17], [sflag:$0x1], $0x80, $0x38;
	[tilespmem:$0x18800] =	vst v63  }
0x309: {  	s20 =	sadd.s32 $0x200, s13;
	s19 =	sadd.s32 $0x1000, s1;
	s10 =	sshrl.u32 s23, $0x3  }
0x30a: {  	[hbm4b:s20+s2] =	stream.linear.scatter [tilespmem:s19], [sflag:$0x1], $0x80, $0x38;
	[tilespmem:$0x18800] =	vst v63  }
0x30b: {  	s21 =	sadd.s32 $0x280, s13;
	s1 =	sadd.s32 $0x1400, s1;
	s10 =	smul.u32 $0x6000, s10  }
0x30c: {  	[hbm4b:s21+s2] =	stream.linear.scatter [tilespmem:s1], [sflag:$0x1], $0x80, $0x38;
	[tilespmem:$0x18800] =	vst v63  }
0x30d: {  	s24 =	sld [smem:$0x7DA];
	s1 =	sshll.u32 s22, $0x7  }
0x30e: {  	s10 =	sshra.s32 s10, $0x2;
	s1 =	sand.u32 $0x380, s1  }
0x30f: {  	s1 =	sor.u32 s1, s10  }
0x310: {  	[hbm4b:s24+s2] =	stream.linear.scatter [tilespmem:s1], [sflag:$0x1], $0x80, $0x38;
	[tilespmem:$0x18800] =	vst v63  }
0x311: {  	s25 =	sadd.s32 $0x80, s24;
	s10 =	sor.u32 $0x400, s1  }
0x312: {  	[hbm4b:s25+s2] =	stream.linear.scatter [tilespmem:s10], [sflag:$0x1], $0x80, $0x38;
	[tilespmem:$0x18800] =	vst v63  }
0x313: {  	s28 =	sadd.s32 $0x100, s24;
	s26 =	sadd.s32 $0x800, s1  }
0x314: {  	[hbm4b:s28+s2] =	stream.linear.scatter [tilespmem:s26], [sflag:$0x1], $0x80, $0x38;
	[tilespmem:$0x18800] =	vst v63  }
0x315: {  	s30 =	sadd.s32 $0x180, s24;
	s29 =	sadd.s32 $0xC00, s1  }
0x316: {  	[hbm4b:s30+s2] =	stream.linear.scatter [tilespmem:s29], [sflag:$0x1], $0x80, $0x38;
	[tilespmem:$0x18800] =	vst v63  }
0x317: {  	s3 =	sadd.s32 $0x200, s24;
	s31 =	sadd.s32 $0x1000, s1  }
0x318: {  	[hbm4b:s3+s2] =	stream.linear.scatter [tilespmem:s31], [sflag:$0x1], $0x80, $0x38;
	[tilespmem:$0x18800] =	vst v63  }
0x319: {  	s5 =	sadd.s32 $0x280, s24;
	s1 =	sadd.s32 $0x1400, s1  }
0x31a: {  	[hbm4b:s5+s2] =	stream.linear.scatter [tilespmem:s1], [sflag:$0x1], $0x80, $0x38;
	[tilespmem:$0x18800] =	vst v63  }
0x31b: {  	v4 =	vld.idx.msk [tilespmem:v3+s4+$0x0], $0xffff;
	_ =	sdelay $0x4  }
0x31c: {  	(v2sf) =	vpush v4, $0x0;
	_ =	sdelay $0x8  }
0x31d: {  	(v2sf) =	vpush v4, $0x1;
	_ =	sdelay $0x5  }
0x31e: {  	s6 =	spop (v2sf)  }
0x31f: {  	s7 =	sshrl.u32 s6, $0x3  }
0x320: {  	s10 =	smul.u32 $0x6000, s7  }
0x321: {  	s8 =	sld [smem:$0x7DB];
	s1 =	sshll.u32 s6, $0x7  }
0x322: {  	s1 =	sand.u32 $0x380, s1;
	s10 =	sshra.s32 s10, $0x2  }
0x323: {  	s1 =	sor.u32 s1, s10  }
0x324: {  	[hbm4b:s8+s2] =	stream.linear.scatter [tilespmem:s1], [sflag:$0x1], $0x80, $0x38;
	[tilespmem:$0x18800] =	vst v63  }
0x325: {  	s9 =	sadd.s32 $0x80, s8;
	s10 =	sor.u32 $0x400, s1  }
0x326: {  	(v2sf) =	vpush v4, $0x2;
	[hbm4b:s9+s2] =	stream.linear.scatter [tilespmem:s10], [sflag:$0x1], $0x80, $0x38;
	[tilespmem:$0x18800] =	vst v63  }
0x327: {  	s13 =	sadd.s32 $0x100, s8;
	s19 =	spop (v2sf);
	s12 =	sadd.s32 $0x800, s1  }
0x328: {  	[hbm4b:s13+s2] =	stream.linear.scatter [tilespmem:s12], [sflag:$0x1], $0x80, $0x38;
	[tilespmem:$0x18800] =	vst v63  }
0x329: {  	s15 =	sadd.s32 $0x180, s8;
	s20 =	sadd.s32 $0x8, s19;
	s14 =	sadd.s32 $0xC00, s1  }
0x32a: {  	[hbm4b:s15+s2] =	stream.linear.scatter [tilespmem:s14], [sflag:$0x1], $0x80, $0x38;
	[tilespmem:$0x18800] =	vst v63  }
0x32b: {  	s17 =	sadd.s32 $0x200, s8;
	s16 =	sadd.s32 $0x1000, s1;
	s10 =	sshrl.u32 s20, $0x3  }
0x32c: {  	[hbm4b:s17+s2] =	stream.linear.scatter [tilespmem:s16], [sflag:$0x1], $0x80, $0x38;
	[tilespmem:$0x18800] =	vst v63  }
0x32d: {  	s18 =	sadd.s32 $0x280, s8;
	s1 =	sadd.s32 $0x1400, s1;
	s10 =	smul.u32 $0x6000, s10  }
0x32e: {  	[hbm4b:s18+s2] =	stream.linear.scatter [tilespmem:s1], [sflag:$0x1], $0x80, $0x38;
	[tilespmem:$0x18800] =	vst v63  }
0x32f: {  	s21 =	sld [smem:$0x7DC];
	s1 =	sshll.u32 s19, $0x7  }
0x330: {  	s10 =	sshra.s32 s10, $0x2;
	s1 =	sand.u32 $0x380, s1  }
0x331: {  	s1 =	sor.u32 s1, s10  }
0x332: {  	[hbm4b:s21+s2] =	stream.linear.scatter [tilespmem:s1], [sflag:$0x1], $0x80, $0x38;
	[tilespmem:$0x18800] =	vst v63  }
0x333: {  	s22 =	sadd.s32 $0x80, s21;
	s10 =	sor.u32 $0x400, s1  }
0x334: {  	(v2sf) =	vpush v4, $0x3;
	[hbm4b:s22+s2] =	stream.linear.scatter [tilespmem:s10], [sflag:$0x1], $0x80, $0x38;
	[tilespmem:$0x18800] =	vst v63  }
0x335: {  	s24 =	sadd.s32 $0x100, s21;
	s31 =	spop (v2sf);
	s23 =	sadd.s32 $0x800, s1  }
0x336: {  	[hbm4b:s24+s2] =	stream.linear.scatter [tilespmem:s23], [sflag:$0x1], $0x80, $0x38;
	[tilespmem:$0x18800] =	vst v63  }
0x337: {  	s26 =	sadd.s32 $0x180, s21;
	s0 =	sadd.s32 $0x10, s31;
	s25 =	sadd.s32 $0xC00, s1  }
0x338: {  	[hbm4b:s26+s2] =	stream.linear.scatter [tilespmem:s25], [sflag:$0x1], $0x80, $0x38;
	[tilespmem:$0x18800] =	vst v63  }
0x339: {  	s29 =	sadd.s32 $0x200, s21;
	s28 =	sadd.s32 $0x1000, s1;
	s10 =	sshrl.u32 s0, $0x3  }
0x33a: {  	[hbm4b:s29+s2] =	stream.linear.scatter [tilespmem:s28], [sflag:$0x1], $0x80, $0x38;
	[tilespmem:$0x18800] =	vst v63  }
0x33b: {  	s30 =	sadd.s32 $0x280, s21;
	s1 =	sadd.s32 $0x1400, s1;
	s10 =	smul.u32 $0x6000, s10  }
0x33c: {  	[hbm4b:s30+s2] =	stream.linear.scatter [tilespmem:s1], [sflag:$0x1], $0x80, $0x38;
	[tilespmem:$0x18800] =	vst v63  }
0x33d: {  	s3 =	sld [smem:$0x7DD];
	s1 =	sshll.u32 s31, $0x7  }
0x33e: {  	s10 =	sshra.s32 s10, $0x2;
	s1 =	sand.u32 $0x380, s1  }
0x33f: {  	s1 =	sor.u32 s1, s10  }
0x340: {  	[hbm4b:s3+s2] =	stream.linear.scatter [tilespmem:s1], [sflag:$0x1], $0x80, $0x38;
	[tilespmem:$0x18800] =	vst v63  }
0x341: {  	s5 =	sadd.s32 $0x80, s3;
	s10 =	sor.u32 $0x400, s1  }
0x342: {  	(v2sf) =	vpush v4, $0x4;
	[hbm4b:s5+s2] =	stream.linear.scatter [tilespmem:s10], [sflag:$0x1], $0x80, $0x38;
	[tilespmem:$0x18800] =	vst v63  }
0x343: {  	s7 =	sadd.s32 $0x100, s3;
	s15 =	spop (v2sf);
	s6 =	sadd.s32 $0x800, s1  }
0x344: {  	[hbm4b:s7+s2] =	stream.linear.scatter [tilespmem:s6], [sflag:$0x1], $0x80, $0x38;
	[tilespmem:$0x18800] =	vst v63  }
0x345: {  	s9 =	sadd.s32 $0x180, s3;
	s16 =	sadd.s32 $0x18, s15;
	s8 =	sadd.s32 $0xC00, s1  }
0x346: {  	[hbm4b:s9+s2] =	stream.linear.scatter [tilespmem:s8], [sflag:$0x1], $0x80, $0x38;
	[tilespmem:$0x18800] =	vst v63  }
0x347: {  	s13 =	sadd.s32 $0x200, s3;
	s12 =	sadd.s32 $0x1000, s1;
	s10 =	sshrl.u32 s16, $0x3  }
0x348: {  	[hbm4b:s13+s2] =	stream.linear.scatter [tilespmem:s12], [sflag:$0x1], $0x80, $0x38;
	[tilespmem:$0x18800] =	vst v63  }
0x349: {  	s14 =	sadd.s32 $0x280, s3;
	s1 =	sadd.s32 $0x1400, s1;
	s10 =	smul.u32 $0x6000, s10  }
0x34a: {  	[hbm4b:s14+s2] =	stream.linear.scatter [tilespmem:s1], [sflag:$0x1], $0x80, $0x38;
	[tilespmem:$0x18800] =	vst v63  }
0x34b: {  	s17 =	sld [smem:$0x7DE];
	s1 =	sshll.u32 s15, $0x7  }
0x34c: {  	s10 =	sshra.s32 s10, $0x2;
	s1 =	sand.u32 $0x380, s1  }
0x34d: {  	s1 =	sor.u32 s1, s10  }
0x34e: {  	[hbm4b:s17+s2] =	stream.linear.scatter [tilespmem:s1], [sflag:$0x1], $0x80, $0x38;
	[tilespmem:$0x18800] =	vst v63  }
0x34f: {  	s18 =	sadd.s32 $0x80, s17;
	s10 =	sor.u32 $0x400, s1  }
0x350: {  	(v2sf) =	vpush v4, $0x5;
	[hbm4b:s18+s2] =	stream.linear.scatter [tilespmem:s10], [sflag:$0x1], $0x80, $0x38;
	[tilespmem:$0x18800] =	vst v63  }
0x351: {  	s20 =	sadd.s32 $0x100, s17;
	s26 =	spop (v2sf);
	s19 =	sadd.s32 $0x800, s1  }
0x352: {  	[hbm4b:s20+s2] =	stream.linear.scatter [tilespmem:s19], [sflag:$0x1], $0x80, $0x38;
	[tilespmem:$0x18800] =	vst v63  }
0x353: {  	s22 =	sadd.s32 $0x180, s17;
	s28 =	sadd.s32 $0x20, s26;
	s21 =	sadd.s32 $0xC00, s1  }
0x354: {  	[hbm4b:s22+s2] =	stream.linear.scatter [tilespmem:s21], [sflag:$0x1], $0x80, $0x38;
	[tilespmem:$0x18800] =	vst v63  }
0x355: {  	s24 =	sadd.s32 $0x200, s17;
	s23 =	sadd.s32 $0x1000, s1;
	s10 =	sshrl.u32 s28, $0x3  }
0x356: {  	[hbm4b:s24+s2] =	stream.linear.scatter [tilespmem:s23], [sflag:$0x1], $0x80, $0x38;
	[tilespmem:$0x18800] =	vst v63  }
0x357: {  	s25 =	sadd.s32 $0x280, s17;
	s1 =	sadd.s32 $0x1400, s1;
	s10 =	smul.u32 $0x6000, s10  }
0x358: {  	[hbm4b:s25+s2] =	stream.linear.scatter [tilespmem:s1], [sflag:$0x1], $0x80, $0x38;
	[tilespmem:$0x18800] =	vst v63  }
0x359: {  	s29 =	sld [smem:$0x7DF];
	s1 =	sshll.u32 s26, $0x7  }
0x35a: {  	s10 =	sshra.s32 s10, $0x2;
	s1 =	sand.u32 $0x380, s1  }
0x35b: {  	s1 =	sor.u32 s1, s10  }
0x35c: {  	[hbm4b:s29+s2] =	stream.linear.scatter [tilespmem:s1], [sflag:$0x1], $0x80, $0x38;
	[tilespmem:$0x18800] =	vst v63  }
0x35d: {  	s30 =	sadd.s32 $0x80, s29;
	s10 =	sor.u32 $0x400, s1  }
0x35e: {  	(v2sf) =	vpush v4, $0x6;
	[hbm4b:s30+s2] =	stream.linear.scatter [tilespmem:s10], [sflag:$0x1], $0x80, $0x38;
	[tilespmem:$0x18800] =	vst v63  }
0x35f: {  	s11 =	spop (v2sf);
	s3 =	sadd.s32 $0x100, s29;
	s31 =	sadd.s32 $0x800, s1  }
0x360: {  	[hbm4b:s3+s2] =	stream.linear.scatter [tilespmem:s31], [sflag:$0x1], $0x80, $0x38;
	[tilespmem:$0x18800] =	vst v63  }
0x361: {  	s6 =	sadd.s32 $0x180, s29;
	s12 =	sadd.s32 $0x28, s11;
	s5 =	sadd.s32 $0xC00, s1  }
0x362: {  	[hbm4b:s6+s2] =	stream.linear.scatter [tilespmem:s5], [sflag:$0x1], $0x80, $0x38;
	[tilespmem:$0x18800] =	vst v63  }
0x363: {  	s8 =	sadd.s32 $0x200, s29;
	s7 =	sadd.s32 $0x1000, s1;
	s10 =	sshrl.u32 s12, $0x3  }
0x364: {  	[hbm4b:s8+s2] =	stream.linear.scatter [tilespmem:s7], [sflag:$0x1], $0x80, $0x38;
	[tilespmem:$0x18800] =	vst v63  }
0x365: {  	s9 =	sadd.s32 $0x280, s29;
	s1 =	sadd.s32 $0x1400, s1;
	s10 =	smul.u32 $0x6000, s10  }
0x366: {  	[hbm4b:s9+s2] =	stream.linear.scatter [tilespmem:s1], [sflag:$0x1], $0x80, $0x38;
	[tilespmem:$0x18800] =	vst v63  }
0x367: {  	s13 =	sld [smem:$0x7E0];
	s1 =	sshll.u32 s11, $0x7  }
0x368: {  	s10 =	sshra.s32 s10, $0x2;
	s1 =	sand.u32 $0x380, s1  }
0x369: {  	s1 =	sor.u32 s1, s10  }
0x36a: {  	[hbm4b:s13+s2] =	stream.linear.scatter [tilespmem:s1], [sflag:$0x1], $0x80, $0x38;
	[tilespmem:$0x18800] =	vst v63  }
0x36b: {  	s14 =	sadd.s32 $0x80, s13;
	s10 =	sor.u32 $0x400, s1  }
0x36c: {  	(v2sf) =	vpush v4, $0x7;
	[hbm4b:s14+s2] =	stream.linear.scatter [tilespmem:s10], [sflag:$0x1], $0x80, $0x38;
	[tilespmem:$0x18800] =	vst v63  }
0x36d: {  	s16 =	sadd.s32 $0x100, s13;
	s22 =	spop (v2sf);
	s15 =	sadd.s32 $0x800, s1  }
0x36e: {  	[hbm4b:s16+s2] =	stream.linear.scatter [tilespmem:s15], [sflag:$0x1], $0x80, $0x38;
	[tilespmem:$0x18800] =	vst v63  }
0x36f: {  	s18 =	sadd.s32 $0x180, s13;
	s23 =	sadd.s32 $0x30, s22;
	s17 =	sadd.s32 $0xC00, s1  }
0x370: {  	[hbm4b:s18+s2] =	stream.linear.scatter [tilespmem:s17], [sflag:$0x1], $0x80, $0x38;
	[tilespmem:$0x18800] =	vst v63  }
0x371: {  	s20 =	sadd.s32 $0x200, s13;
	s19 =	sadd.s32 $0x1000, s1;
	s10 =	sshrl.u32 s23, $0x3  }
0x372: {  	[hbm4b:s20+s2] =	stream.linear.scatter [tilespmem:s19], [sflag:$0x1], $0x80, $0x38;
	[tilespmem:$0x18800] =	vst v63  }
0x373: {  	s21 =	sadd.s32 $0x280, s13;
	s1 =	sadd.s32 $0x1400, s1;
	s10 =	smul.u32 $0x6000, s10  }
0x374: {  	[hbm4b:s21+s2] =	stream.linear.scatter [tilespmem:s1], [sflag:$0x1], $0x80, $0x38;
	[tilespmem:$0x18800] =	vst v63  }
0x375: {  	s24 =	sld [smem:$0x7E1];
	s1 =	sshll.u32 s22, $0x7  }
0x376: {  	s10 =	sshra.s32 s10, $0x2;
	s1 =	sand.u32 $0x380, s1  }
0x377: {  	s1 =	sor.u32 s1, s10  }
0x378: {  	[hbm4b:s24+s2] =	stream.linear.scatter [tilespmem:s1], [sflag:$0x1], $0x80, $0x38;
	[tilespmem:$0x18800] =	vst v63  }
0x379: {  	s25 =	sadd.s32 $0x80, s24;
	s10 =	sor.u32 $0x400, s1  }
0x37a: {  	(v2sf) =	vpush v4, $0x8;
	[hbm4b:s25+s2] =	stream.linear.scatter [tilespmem:s10], [sflag:$0x1], $0x80, $0x38;
	[tilespmem:$0x18800] =	vst v63  }
0x37b: {  	s28 =	sadd.s32 $0x100, s24;
	s6 =	spop (v2sf);
	s26 =	sadd.s32 $0x800, s1  }
0x37c: {  	[hbm4b:s28+s2] =	stream.linear.scatter [tilespmem:s26], [sflag:$0x1], $0x80, $0x38;
	[tilespmem:$0x18800] =	vst v63  }
0x37d: {  	s30 =	sadd.s32 $0x180, s24;
	s7 =	sadd.s32 $0x38, s6;
	s29 =	sadd.s32 $0xC00, s1  }
0x37e: {  	[hbm4b:s30+s2] =	stream.linear.scatter [tilespmem:s29], [sflag:$0x1], $0x80, $0x38;
	[tilespmem:$0x18800] =	vst v63  }
0x37f: {  	s3 =	sadd.s32 $0x200, s24;
	s31 =	sadd.s32 $0x1000, s1;
	s10 =	sshrl.u32 s7, $0x3  }
0x380: {  	[hbm4b:s3+s2] =	stream.linear.scatter [tilespmem:s31], [sflag:$0x1], $0x80, $0x38;
	[tilespmem:$0x18800] =	vst v63  }
0x381: {  	s5 =	sadd.s32 $0x280, s24;
	s1 =	sadd.s32 $0x1400, s1;
	s10 =	smul.u32 $0x6000, s10  }
0x382: {  	[hbm4b:s5+s2] =	stream.linear.scatter [tilespmem:s1], [sflag:$0x1], $0x80, $0x38;
	[tilespmem:$0x18800] =	vst v63  }
0x383: {  	s8 =	sld [smem:$0x7E2];
	s1 =	sshll.u32 s6, $0x7  }
0x384: {  	s10 =	sshra.s32 s10, $0x2;
	s1 =	sand.u32 $0x380, s1  }
0x385: {  	s1 =	sor.u32 s1, s10  }
0x386: {  	[hbm4b:s8+s2] =	stream.linear.scatter [tilespmem:s1], [sflag:$0x1], $0x80, $0x38;
	[tilespmem:$0x18800] =	vst v63  }
0x387: {  	s9 =	sadd.s32 $0x80, s8;
	s10 =	sor.u32 $0x400, s1  }
0x388: {  	(v2sf) =	vpush v4, $0x9;
	[hbm4b:s9+s2] =	stream.linear.scatter [tilespmem:s10], [sflag:$0x1], $0x80, $0x38;
	[tilespmem:$0x18800] =	vst v63  }
0x389: {  	s13 =	sadd.s32 $0x100, s8;
	s19 =	spop (v2sf);
	s12 =	sadd.s32 $0x800, s1  }
0x38a: {  	[hbm4b:s13+s2] =	stream.linear.scatter [tilespmem:s12], [sflag:$0x1], $0x80, $0x38;
	[tilespmem:$0x18800] =	vst v63  }
0x38b: {  	s15 =	sadd.s32 $0x180, s8;
	s20 =	sadd.s32 $0x40, s19;
	s14 =	sadd.s32 $0xC00, s1  }
0x38c: {  	[hbm4b:s15+s2] =	stream.linear.scatter [tilespmem:s14], [sflag:$0x1], $0x80, $0x38;
	[tilespmem:$0x18800] =	vst v63  }
0x38d: {  	s17 =	sadd.s32 $0x200, s8;
	s16 =	sadd.s32 $0x1000, s1;
	s10 =	sshrl.u32 s20, $0x3  }
0x38e: {  	[hbm4b:s17+s2] =	stream.linear.scatter [tilespmem:s16], [sflag:$0x1], $0x80, $0x38;
	[tilespmem:$0x18800] =	vst v63  }
0x38f: {  	s18 =	sadd.s32 $0x280, s8;
	s1 =	sadd.s32 $0x1400, s1;
	s10 =	smul.u32 $0x6000, s10  }
0x390: {  	[hbm4b:s18+s2] =	stream.linear.scatter [tilespmem:s1], [sflag:$0x1], $0x80, $0x38;
	[tilespmem:$0x18800] =	vst v63  }
0x391: {  	s21 =	sld [smem:$0x7EB];
	s1 =	sshll.u32 s19, $0x7  }
0x392: {  	s10 =	sshra.s32 s10, $0x2;
	s1 =	sand.u32 $0x380, s1  }
0x393: {  	s1 =	sor.u32 s1, s10  }
0x394: {  	[hbm4b:s21+s2] =	stream.linear.scatter [tilespmem:s1], [sflag:$0x1], $0x80, $0x38;
	[tilespmem:$0x18800] =	vst v63  }
0x395: {  	s22 =	sadd.s32 $0x80, s21;
	s10 =	sor.u32 $0x400, s1  }
0x396: {  	(v2sf) =	vpush v4, $0xA;
	[hbm4b:s22+s2] =	stream.linear.scatter [tilespmem:s10], [sflag:$0x1], $0x80, $0x38;
	[tilespmem:$0x18800] =	vst v63  }
0x397: {  	s24 =	sadd.s32 $0x100, s21;
	s31 =	spop (v2sf);
	s23 =	sadd.s32 $0x800, s1  }
0x398: {  	[hbm4b:s24+s2] =	stream.linear.scatter [tilespmem:s23], [sflag:$0x1], $0x80, $0x38;
	[tilespmem:$0x18800] =	vst v63  }
0x399: {  	s26 =	sadd.s32 $0x180, s21;
	s0 =	sadd.s32 $0x48, s31;
	s25 =	sadd.s32 $0xC00, s1  }
0x39a: {  	[hbm4b:s26+s2] =	stream.linear.scatter [tilespmem:s25], [sflag:$0x1], $0x80, $0x38;
	[tilespmem:$0x18800] =	vst v63  }
0x39b: {  	s29 =	sadd.s32 $0x200, s21;
	s28 =	sadd.s32 $0x1000, s1;
	s10 =	sshrl.u32 s0, $0x3  }
0x39c: {  	[hbm4b:s29+s2] =	stream.linear.scatter [tilespmem:s28], [sflag:$0x1], $0x80, $0x38;
	[tilespmem:$0x18800] =	vst v63  }
0x39d: {  	s30 =	sadd.s32 $0x280, s21;
	s1 =	sadd.s32 $0x1400, s1;
	s10 =	smul.u32 $0x6000, s10  }
0x39e: {  	[hbm4b:s30+s2] =	stream.linear.scatter [tilespmem:s1], [sflag:$0x1], $0x80, $0x38;
	[tilespmem:$0x18800] =	vst v63  }
0x39f: {  	s3 =	sld [smem:$0x7EC];
	s1 =	sshll.u32 s31, $0x7  }
0x3a0: {  	s10 =	sshra.s32 s10, $0x2;
	s1 =	sand.u32 $0x380, s1  }
0x3a1: {  	s1 =	sor.u32 s1, s10  }
0x3a2: {  	[hbm4b:s3+s2] =	stream.linear.scatter [tilespmem:s1], [sflag:$0x1], $0x80, $0x38;
	[tilespmem:$0x18800] =	vst v63  }
0x3a3: {  	s5 =	sadd.s32 $0x80, s3;
	s10 =	sor.u32 $0x400, s1  }
0x3a4: {  	(v2sf) =	vpush v4, $0xB;
	[hbm4b:s5+s2] =	stream.linear.scatter [tilespmem:s10], [sflag:$0x1], $0x80, $0x38;
	[tilespmem:$0x18800] =	vst v63  }
0x3a5: {  	s7 =	sadd.s32 $0x100, s3;
	s15 =	spop (v2sf);
	s6 =	sadd.s32 $0x800, s1  }
0x3a6: {  	[hbm4b:s7+s2] =	stream.linear.scatter [tilespmem:s6], [sflag:$0x1], $0x80, $0x38;
	[tilespmem:$0x18800] =	vst v63  }
0x3a7: {  	s9 =	sadd.s32 $0x180, s3;
	s16 =	sadd.s32 $0x50, s15;
	s8 =	sadd.s32 $0xC00, s1  }
0x3a8: {  	[hbm4b:s9+s2] =	stream.linear.scatter [tilespmem:s8], [sflag:$0x1], $0x80, $0x38;
	[tilespmem:$0x18800] =	vst v63  }
0x3a9: {  	s13 =	sadd.s32 $0x200, s3;
	s12 =	sadd.s32 $0x1000, s1;
	s10 =	sshrl.u32 s16, $0x3  }
0x3aa: {  	[hbm4b:s13+s2] =	stream.linear.scatter [tilespmem:s12], [sflag:$0x1], $0x80, $0x38;
	[tilespmem:$0x18800] =	vst v63  }
0x3ab: {  	s14 =	sadd.s32 $0x280, s3;
	s1 =	sadd.s32 $0x1400, s1;
	s10 =	smul.u32 $0x6000, s10  }
0x3ac: {  	[hbm4b:s14+s2] =	stream.linear.scatter [tilespmem:s1], [sflag:$0x1], $0x80, $0x38;
	[tilespmem:$0x18800] =	vst v63  }
0x3ad: {  	s17 =	sld [smem:$0x7ED];
	s1 =	sshll.u32 s15, $0x7  }
0x3ae: {  	s10 =	sshra.s32 s10, $0x2;
	s1 =	sand.u32 $0x380, s1  }
0x3af: {  	s1 =	sor.u32 s1, s10  }
0x3b0: {  	[hbm4b:s17+s2] =	stream.linear.scatter [tilespmem:s1], [sflag:$0x1], $0x80, $0x38;
	[tilespmem:$0x18800] =	vst v63  }
0x3b1: {  	s18 =	sadd.s32 $0x80, s17;
	s10 =	sor.u32 $0x400, s1  }
0x3b2: {  	(v2sf) =	vpush v4, $0xC;
	[hbm4b:s18+s2] =	stream.linear.scatter [tilespmem:s10], [sflag:$0x1], $0x80, $0x38;
	[tilespmem:$0x18800] =	vst v63  }
0x3b3: {  	s20 =	sadd.s32 $0x100, s17;
	s26 =	spop (v2sf);
	s19 =	sadd.s32 $0x800, s1  }
0x3b4: {  	[hbm4b:s20+s2] =	stream.linear.scatter [tilespmem:s19], [sflag:$0x1], $0x80, $0x38;
	[tilespmem:$0x18800] =	vst v63  }
0x3b5: {  	s22 =	sadd.s32 $0x180, s17;
	s28 =	sadd.s32 $0x58, s26;
	s21 =	sadd.s32 $0xC00, s1  }
0x3b6: {  	[hbm4b:s22+s2] =	stream.linear.scatter [tilespmem:s21], [sflag:$0x1], $0x80, $0x38;
	[tilespmem:$0x18800] =	vst v63  }
0x3b7: {  	s24 =	sadd.s32 $0x200, s17;
	s23 =	sadd.s32 $0x1000, s1;
	s10 =	sshrl.u32 s28, $0x3  }
0x3b8: {  	[hbm4b:s24+s2] =	stream.linear.scatter [tilespmem:s23], [sflag:$0x1], $0x80, $0x38;
	[tilespmem:$0x18800] =	vst v63  }
0x3b9: {  	s25 =	sadd.s32 $0x280, s17;
	s1 =	sadd.s32 $0x1400, s1;
	s10 =	smul.u32 $0x6000, s10  }
0x3ba: {  	[hbm4b:s25+s2] =	stream.linear.scatter [tilespmem:s1], [sflag:$0x1], $0x80, $0x38;
	[tilespmem:$0x18800] =	vst v63  }
0x3bb: {  	s29 =	sld [smem:$0x7EE];
	s1 =	sshll.u32 s26, $0x7  }
0x3bc: {  	s10 =	sshra.s32 s10, $0x2;
	s1 =	sand.u32 $0x380, s1  }
0x3bd: {  	s1 =	sor.u32 s1, s10  }
0x3be: {  	[hbm4b:s29+s2] =	stream.linear.scatter [tilespmem:s1], [sflag:$0x1], $0x80, $0x38;
	[tilespmem:$0x18800] =	vst v63  }
0x3bf: {  	s30 =	sadd.s32 $0x80, s29;
	s10 =	sor.u32 $0x400, s1  }
0x3c0: {  	(v2sf) =	vpush v4, $0xD;
	[hbm4b:s30+s2] =	stream.linear.scatter [tilespmem:s10], [sflag:$0x1], $0x80, $0x38;
	[tilespmem:$0x18800] =	vst v63  }
0x3c1: {  	s11 =	spop (v2sf);
	s3 =	sadd.s32 $0x100, s29;
	s31 =	sadd.s32 $0x800, s1  }
0x3c2: {  	[hbm4b:s3+s2] =	stream.linear.scatter [tilespmem:s31], [sflag:$0x1], $0x80, $0x38;
	[tilespmem:$0x18800] =	vst v63  }
0x3c3: {  	s6 =	sadd.s32 $0x180, s29;
	s12 =	sadd.s32 $0x60, s11;
	s5 =	sadd.s32 $0xC00, s1  }
0x3c4: {  	[hbm4b:s6+s2] =	stream.linear.scatter [tilespmem:s5], [sflag:$0x1], $0x80, $0x38;
	[tilespmem:$0x18800] =	vst v63  }
0x3c5: {  	s8 =	sadd.s32 $0x200, s29;
	s7 =	sadd.s32 $0x1000, s1;
	s10 =	sshrl.u32 s12, $0x3  }
0x3c6: {  	[hbm4b:s8+s2] =	stream.linear.scatter [tilespmem:s7], [sflag:$0x1], $0x80, $0x38;
	[tilespmem:$0x18800] =	vst v63  }
0x3c7: {  	s9 =	sadd.s32 $0x280, s29;
	s1 =	sadd.s32 $0x1400, s1;
	s10 =	smul.u32 $0x6000, s10  }
0x3c8: {  	[hbm4b:s9+s2] =	stream.linear.scatter [tilespmem:s1], [sflag:$0x1], $0x80, $0x38;
	[tilespmem:$0x18800] =	vst v63  }
0x3c9: {  	s13 =	sld [smem:$0x7EF];
	s1 =	sshll.u32 s11, $0x7  }
0x3ca: {  	s10 =	sshra.s32 s10, $0x2;
	s1 =	sand.u32 $0x380, s1  }
0x3cb: {  	s1 =	sor.u32 s1, s10  }
0x3cc: {  	[hbm4b:s13+s2] =	stream.linear.scatter [tilespmem:s1], [sflag:$0x1], $0x80, $0x38;
	[tilespmem:$0x18800] =	vst v63  }
0x3cd: {  	s14 =	sadd.s32 $0x80, s13;
	s10 =	sor.u32 $0x400, s1  }
0x3ce: {  	(v2sf) =	vpush v4, $0xE;
	[hbm4b:s14+s2] =	stream.linear.scatter [tilespmem:s10], [sflag:$0x1], $0x80, $0x38;
	[tilespmem:$0x18800] =	vst v63  }
0x3cf: {  	s16 =	sadd.s32 $0x100, s13;
	s22 =	spop (v2sf);
	s15 =	sadd.s32 $0x800, s1  }
0x3d0: {  	[hbm4b:s16+s2] =	stream.linear.scatter [tilespmem:s15], [sflag:$0x1], $0x80, $0x38;
	[tilespmem:$0x18800] =	vst v63  }
0x3d1: {  	s18 =	sadd.s32 $0x180, s13;
	s23 =	sadd.s32 $0x68, s22;
	s17 =	sadd.s32 $0xC00, s1  }
0x3d2: {  	[hbm4b:s18+s2] =	stream.linear.scatter [tilespmem:s17], [sflag:$0x1], $0x80, $0x38;
	[tilespmem:$0x18800] =	vst v63  }
0x3d3: {  	s20 =	sadd.s32 $0x200, s13;
	s19 =	sadd.s32 $0x1000, s1;
	s10 =	sshrl.u32 s23, $0x3  }
0x3d4: {  	[hbm4b:s20+s2] =	stream.linear.scatter [tilespmem:s19], [sflag:$0x1], $0x80, $0x38;
	[tilespmem:$0x18800] =	vst v63  }
0x3d5: {  	s21 =	sadd.s32 $0x280, s13;
	s1 =	sadd.s32 $0x1400, s1;
	s10 =	smul.u32 $0x6000, s10  }
0x3d6: {  	[hbm4b:s21+s2] =	stream.linear.scatter [tilespmem:s1], [sflag:$0x1], $0x80, $0x38;
	[tilespmem:$0x18800] =	vst v63  }
0x3d7: {  	s24 =	sld [smem:$0x7F0];
	s1 =	sshll.u32 s22, $0x7  }
0x3d8: {  	s10 =	sshra.s32 s10, $0x2;
	s1 =	sand.u32 $0x380, s1  }
0x3d9: {  	s1 =	sor.u32 s1, s10  }
0x3da: {  	[hbm4b:s24+s2] =	stream.linear.scatter [tilespmem:s1], [sflag:$0x1], $0x80, $0x38;
	[tilespmem:$0x18800] =	vst v63  }
0x3db: {  	s25 =	sadd.s32 $0x80, s24;
	s10 =	sor.u32 $0x400, s1  }
0x3dc: {  	(v2sf) =	vpush v4, $0xF;
	[hbm4b:s25+s2] =	stream.linear.scatter [tilespmem:s10], [sflag:$0x1], $0x80, $0x38;
	[tilespmem:$0x18800] =	vst v63  }
0x3dd: {  	s28 =	sadd.s32 $0x100, s24;
	s6 =	spop (v2sf);
	s26 =	sadd.s32 $0x800, s1  }
0x3de: {  	[hbm4b:s28+s2] =	stream.linear.scatter [tilespmem:s26], [sflag:$0x1], $0x80, $0x38;
	[tilespmem:$0x18800] =	vst v63  }
0x3df: {  	s30 =	sadd.s32 $0x180, s24;
	s7 =	sadd.s32 $0x70, s6;
	s29 =	sadd.s32 $0xC00, s1  }
0x3e0: {  	[hbm4b:s30+s2] =	stream.linear.scatter [tilespmem:s29], [sflag:$0x1], $0x80, $0x38;
	[tilespmem:$0x18800] =	vst v63  }
0x3e1: {  	s3 =	sadd.s32 $0x200, s24;
	s31 =	sadd.s32 $0x1000, s1;
	s10 =	sshrl.u32 s7, $0x3  }
0x3e2: {  	[hbm4b:s3+s2] =	stream.linear.scatter [tilespmem:s31], [sflag:$0x1], $0x80, $0x38;
	[tilespmem:$0x18800] =	vst v63  }
0x3e3: {  	s5 =	sadd.s32 $0x280, s24;
	s1 =	sadd.s32 $0x1400, s1;
	s10 =	smul.u32 $0x6000, s10  }
0x3e4: {  	[hbm4b:s5+s2] =	stream.linear.scatter [tilespmem:s1], [sflag:$0x1], $0x80, $0x38;
	[tilespmem:$0x18800] =	vst v63  }
0x3e5: {  	s8 =	sld [smem:$0x7F1];
	s1 =	sshll.u32 s6, $0x7  }
0x3e6: {  	s10 =	sshra.s32 s10, $0x2;
	s1 =	sand.u32 $0x380, s1  }
0x3e7: {  	s1 =	sor.u32 s1, s10  }
0x3e8: {  	[hbm4b:s8+s2] =	stream.linear.scatter [tilespmem:s1], [sflag:$0x1], $0x80, $0x38;
	[tilespmem:$0x18800] =	vst v63  }
0x3e9: {  	s9 =	sadd.s32 $0x80, s8;
	s10 =	sor.u32 $0x400, s1  }
0x3ea: {  	[hbm4b:s9+s2] =	stream.linear.scatter [tilespmem:s10], [sflag:$0x1], $0x80, $0x38;
	[tilespmem:$0x18800] =	vst v63  }
0x3eb: {  	s12 =	sadd.s32 $0x100, s8;
	s18 =	spop (v2sf);
	s11 =	sadd.s32 $0x800, s1  }
0x3ec: {  	[hbm4b:s12+s2] =	stream.linear.scatter [tilespmem:s11], [sflag:$0x1], $0x80, $0x38;
	[tilespmem:$0x18800] =	vst v63  }
0x3ed: {  	s14 =	sadd.s32 $0x180, s8;
	s19 =	sadd.s32 $0x78, s18;
	s13 =	sadd.s32 $0xC00, s1  }
0x3ee: {  	[hbm4b:s14+s2] =	stream.linear.scatter [tilespmem:s13], [sflag:$0x1], $0x80, $0x38;
	[tilespmem:$0x18800] =	vst v63  }
0x3ef: {  	s16 =	sadd.s32 $0x200, s8;
	s15 =	sadd.s32 $0x1000, s1;
	s10 =	sshrl.u32 s19, $0x3  }
0x3f0: {  	[hbm4b:s16+s2] =	stream.linear.scatter [tilespmem:s15], [sflag:$0x1], $0x80, $0x38;
	[tilespmem:$0x18800] =	vst v63  }
0x3f1: {  	s17 =	sadd.s32 $0x280, s8;
	s1 =	sadd.s32 $0x1400, s1;
	s10 =	smul.u32 $0x6000, s10  }
0x3f2: {  	[hbm4b:s17+s2] =	stream.linear.scatter [tilespmem:s1], [sflag:$0x1], $0x80, $0x38;
	[tilespmem:$0x18800] =	vst v63  }
0x3f3: {  	s20 =	sld [smem:$0x7F2];
	s1 =	sshll.u32 s18, $0x7  }
0x3f4: {  	s10 =	sshra.s32 s10, $0x2;
	s1 =	sand.u32 $0x380, s1  }
0x3f5: {  	s1 =	sor.u32 s1, s10  }
0x3f6: {  	[hbm4b:s20+s2] =	stream.linear.scatter [tilespmem:s1], [sflag:$0x1], $0x80, $0x38;
	[tilespmem:$0x18800] =	vst v63  }
0x3f7: {  	s21 =	sadd.s32 $0x80, s20;
	s10 =	sor.u32 $0x400, s1  }
0x3f8: {  	[hbm4b:s21+s2] =	stream.linear.scatter [tilespmem:s10], [sflag:$0x1], $0x80, $0x38;
	[tilespmem:$0x18800] =	vst v63  }
0x3f9: {  	s23 =	sadd.s32 $0x100, s20;
	s22 =	sadd.s32 $0x800, s1  }
0x3fa: {  	[hbm4b:s23+s2] =	stream.linear.scatter [tilespmem:s22], [sflag:$0x1], $0x80, $0x38;
	[tilespmem:$0x18800] =	vst v63  }
0x3fb: {  	s25 =	sadd.s32 $0x180, s20;
	s24 =	sadd.s32 $0xC00, s1  }
0x3fc: {  	[hbm4b:s25+s2] =	stream.linear.scatter [tilespmem:s24], [sflag:$0x1], $0x80, $0x38;
	[tilespmem:$0x18800] =	vst v63  }
0x3fd: {  	s28 =	sadd.s32 $0x200, s20;
	s29 =	simm.s32 $0x4;
	s26 =	sadd.s32 $0x1000, s1  }
0x3fe: {  	[hbm4b:s28+s2] =	stream.linear.scatter [tilespmem:s26], [sflag:$0x1], $0x80, $0x38;
	[tilespmem:$0x18800] =	vst v63  }
0x3ff: {  	s30 =	sadd.s32 $0x280, s20;
	v4 =	vor.u32 s29, v0;
	s31 =	simm.s32 $0x1;
	s1 =	sadd.s32 $0x1400, s1  }
0x400: {  	[hbm4b:s30+s2] =	stream.linear.scatter [tilespmem:s1], [sflag:$0x1], $0x80, $0x38;
	[tilespmem:$0x18800] =	vst v63  }
0x401: {  	_ =	swait.ge [sflag:s31], $0x3000  }
0x402: {  	[sflag:s31] =	ssyncset.done $0x0  }
0x403: {  	[sflag:s31] =	ssyncadd.s32 $0xFFFFD000  }
0x404: {  	v4 =	vld.idx.msk [tilespmem:v4+s4+$0x0], $0xffff;
	_ =	sdelay $0x4  }
0x405: {  	(v2sf) =	vpush v4, $0x1  }
0x406: {  	(v2sf) =	vpush v4, $0x0;
	_ =	sdelay $0x6  }
0x407: {  	(v2sf) =	vpush v4, $0x2;
	_ =	sdelay $0x4  }
0x408: {  	s3 =	rddreg [dreg:$0x3]  }
0x409: {  	s10 =	sadd.s32 $0x0, s3  }
0x40a: {  	s13 =	sadd.s32 $0x30000, s10;
	s21 =	sadd.s32 $0x30010, s10;
	s0 =	spop (v2sf)  }
0x40b: {  	s14 =	sadd.s32 $0x80, s13;
	s9 =	sadd.s32 $0x100, s13;
	s5 =	spop (v2sf)  }
0x40c: {  	s17 =	sadd.s32 $0x180, s13;
	s19 =	sadd.s32 $0x200, s13;
	s12 =	sshrl.u32 s5, $0x3  }
0x40d: {  	s24 =	sadd.s32 $0x80, s21;
	s28 =	sadd.s32 $0x100, s21;
	s12 =	smul.u32 $0x6000, s12  }
0x40e: {  	s30 =	sadd.s32 $0x180, s21;
	s15 =	sadd.s32 $0x8, s0;
	s11 =	sshll.u32 s5, $0x7  }
0x40f: {  	s1 =	sshll.u32 s0, $0x7;
	s11 =	sand.u32 $0x380, s11;
	s12 =	sshra.s32 s12, $0x2  }
0x410: {  	s0 =	sadd.s32 $0x200, s21;
	s6 =	sshrl.u32 s15, $0x3;
	s11 =	sor.u32 s11, s12  }
0x411: {  	[hbm4b:s13+s2] =	stream.linear.scatter [tilespmem:s11], [sflag:$0x1], $0x80, $0x38;
	[tilespmem:$0x18800] =	vst v63  }
0x412: {  	s8 =	spop (v2sf);
	s1 =	sand.u32 $0x380, s1;
	s7 =	sor.u32 $0x400, s11  }
0x413: {  	[hbm4b:s14+s2] =	stream.linear.scatter [tilespmem:s7], [sflag:$0x1], $0x80, $0x38;
	[tilespmem:$0x18800] =	vst v63  }
0x414: {  	s5 =	sadd.s32 $0x30020, s10;
	s22 =	sadd.s32 $0x10, s8;
	s16 =	sadd.s32 $0x800, s11  }
0x415: {  	[hbm4b:s9+s2] =	stream.linear.scatter [tilespmem:s16], [sflag:$0x1], $0x80, $0x38;
	[tilespmem:$0x18800] =	vst v63  }
0x416: {  	s26 =	sshll.u32 s8, $0x7;
	s12 =	smul.u32 $0x6000, s6;
	s18 =	sadd.s32 $0xC00, s11  }
0x417: {  	[hbm4b:s17+s2] =	stream.linear.scatter [tilespmem:s18], [sflag:$0x1], $0x80, $0x38;
	[tilespmem:$0x18800] =	vst v63  }
0x418: {  	s23 =	sshrl.u32 s22, $0x3;
	s20 =	sadd.s32 $0x1000, s11;
	s12 =	sshra.s32 s12, $0x2  }
0x419: {  	(v2sf) =	vpush v4, $0x5;
	[hbm4b:s19+s2] =	stream.linear.scatter [tilespmem:s20], [sflag:$0x1], $0x80, $0x38;
	[tilespmem:$0x18800] =	vst v63  }
0x41a: {  	(v2sf) =	vpush v4, $0x3;
	s13 =	sadd.s32 $0x280, s13;
	s11 =	sadd.s32 $0x1400, s11;
	s1 =	sor.u32 s1, s12  }
0x41b: {  	[hbm4b:s13+s2] =	stream.linear.scatter [tilespmem:s11], [sflag:$0x1], $0x80, $0x38;
	[tilespmem:$0x18800] =	vst v63  }
0x41c: {  	s12 =	smul.u32 $0x6000, s23;
	s7 =	sadd.s32 $0x80, s5;
	s25 =	sor.u32 $0x400, s1  }
0x41d: {  	(v2sf) =	vpush v4, $0x4;
	[hbm4b:s21+s2] =	stream.linear.scatter [tilespmem:s1], [sflag:$0x1], $0x80, $0x38;
	[tilespmem:$0x18800] =	vst v63  }
0x41e: {  	s29 =	sadd.s32 $0x800, s1;
	s31 =	sadd.s32 $0xC00, s1;
	s3 =	sadd.s32 $0x1000, s1  }
0x41f: {  	[hbm4b:s24+s2] =	stream.linear.scatter [tilespmem:s25], [sflag:$0x1], $0x80, $0x38;
	[tilespmem:$0x18800] =	vst v63  }
0x420: {  	s12 =	sshra.s32 s12, $0x2;
	s16 =	sadd.s32 $0x100, s5;
	s13 =	sand.u32 $0x380, s26  }
0x421: {  	[hbm4b:s28+s2] =	stream.linear.scatter [tilespmem:s29], [sflag:$0x1], $0x80, $0x38;
	[tilespmem:$0x18800] =	vst v63  }
0x422: {  	s18 =	sadd.s32 $0x180, s5;
	s20 =	sadd.s32 $0x200, s5;
	s12 =	sor.u32 s13, s12  }
0x423: {  	[hbm4b:s30+s2] =	stream.linear.scatter [tilespmem:s31], [sflag:$0x1], $0x80, $0x38;
	[tilespmem:$0x18800] =	vst v63  }
0x424: {  	s11 =	sadd.s32 $0x280, s21;
	s1 =	sadd.s32 $0x1400, s1;
	s8 =	sor.u32 $0x400, s12  }
0x425: {  	[hbm4b:s0+s2] =	stream.linear.scatter [tilespmem:s3], [sflag:$0x1], $0x80, $0x38;
	[tilespmem:$0x18800] =	vst v63  }
0x426: {  	s17 =	sadd.s32 $0x800, s12;
	s19 =	sadd.s32 $0xC00, s12;
	s24 =	sadd.s32 $0x30030, s10  }
0x427: {  	[hbm4b:s11+s2] =	stream.linear.scatter [tilespmem:s1], [sflag:$0x1], $0x80, $0x38;
	[tilespmem:$0x18800] =	vst v63  }
0x428: {  	s21 =	sadd.s32 $0x1000, s12;
	s25 =	sadd.s32 $0x80, s24;
	s11 =	spop (v2sf)  }
0x429: {  	s29 =	sadd.s32 $0x100, s24;
	s31 =	sadd.s32 $0x180, s24;
	s6 =	spop (v2sf)  }
0x42a: {  	[hbm4b:s5+s2] =	stream.linear.scatter [tilespmem:s12], [sflag:$0x1], $0x80, $0x38;
	[tilespmem:$0x18800] =	vst v63  }
0x42b: {  	s3 =	sadd.s32 $0x200, s24;
	s1 =	sadd.s32 $0x280, s5;
	s9 =	sadd.s32 $0x18, s6  }
0x42c: {  	s13 =	sshll.u32 s6, $0x7;
	s22 =	spop (v2sf);
	s12 =	sadd.s32 $0x1400, s12  }
0x42d: {  	s5 =	sadd.s32 $0x30040, s10;
	s6 =	sadd.s32 $0x28, s11;
	s14 =	sshrl.u32 s9, $0x3  }
0x42e: {  	[hbm4b:s7+s2] =	stream.linear.scatter [tilespmem:s8], [sflag:$0x1], $0x80, $0x38;
	[tilespmem:$0x18800] =	vst v63  }
0x42f: {  	(v2sf) =	vpush v4, $0x6;
	s11 =	sshll.u32 s11, $0x7;
	s13 =	sand.u32 $0x380, s13;
	s14 =	smul.u32 $0x6000, s14  }
0x430: {  	[hbm4b:s16+s2] =	stream.linear.scatter [tilespmem:s17], [sflag:$0x1], $0x80, $0x38;
	[tilespmem:$0x18800] =	vst v63  }
0x431: {  	s23 =	sadd.s32 $0x20, s22;
	s26 =	sshll.u32 s22, $0x7;
	s14 =	sshra.s32 s14, $0x2  }
0x432: {  	s7 =	sadd.s32 $0x80, s5;
	s8 =	sadd.s32 $0x100, s5;
	s13 =	sor.u32 s13, s14  }
0x433: {  	[hbm4b:s18+s2] =	stream.linear.scatter [tilespmem:s19], [sflag:$0x1], $0x80, $0x38;
	[tilespmem:$0x18800] =	vst v63  }
0x434: {  	s17 =	sadd.s32 $0x180, s5;
	s14 =	sor.u32 $0x400, s13;
	s28 =	sadd.s32 $0x800, s13  }
0x435: {  	[hbm4b:s20+s2] =	stream.linear.scatter [tilespmem:s21], [sflag:$0x1], $0x80, $0x38;
	[tilespmem:$0x18800] =	vst v63  }
0x436: {  	s30 =	sadd.s32 $0xC00, s13;
	s0 =	sadd.s32 $0x1000, s13;
	s19 =	sadd.s32 $0x200, s5  }
0x437: {  	[hbm4b:s1+s2] =	stream.linear.scatter [tilespmem:s12], [sflag:$0x1], $0x80, $0x38;
	[tilespmem:$0x18800] =	vst v63  }
0x438: {  	s20 =	sand.u32 $0x380, s11;
	s11 =	rddreg [dreg:$0x7];
	s1 =	sshrl.u32 s23, $0x3  }
0x439: {  	(v2sf) =	vpush v4, $0x7;
	[hbm4b:s24+s2] =	stream.linear.scatter [tilespmem:s13], [sflag:$0x1], $0x80, $0x38;
	[tilespmem:$0x18800] =	vst v63  }
0x43a: {  	s21 =	sadd.s32 $0x30050, s10;
	s11 =	sadd.s32 $0x0, s11;
	s1 =	smul.u32 $0x6000, s1  }
0x43b: {  	[hbm4b:s25+s2] =	stream.linear.scatter [tilespmem:s14], [sflag:$0x1], $0x80, $0x38;
	[tilespmem:$0x18800] =	vst v63  }
0x43c: {  	s12 =	sadd.s32 $0x280, s24;
	s1 =	sshra.s32 s1, $0x2;
	s14 =	sand.u32 $0x380, s26  }
0x43d: {  	[hbm4b:s29+s2] =	stream.linear.scatter [tilespmem:s28], [sflag:$0x1], $0x80, $0x38;
	[tilespmem:$0x18800] =	vst v63  }
0x43e: {  	s23 =	sadd.s32 $0x80, s21;
	s24 =	spop (v2sf);
	s1 =	sor.u32 s14, s1  }
0x43f: {  	[hbm4b:s31+s2] =	stream.linear.scatter [tilespmem:s30], [sflag:$0x1], $0x80, $0x38;
	[tilespmem:$0x18800] =	vst v63  }
0x440: {  	s13 =	sadd.s32 $0x1400, s13;
	s26 =	sadd.s32 $0x30, s24;
	s14 =	sor.u32 $0x400, s1  }
0x441: {  	[hbm4b:s3+s2] =	stream.linear.scatter [tilespmem:s0], [sflag:$0x1], $0x80, $0x38;
	[tilespmem:$0x18800] =	vst v63  }
0x442: {  	s9 =	sadd.s32 $0x800, s1;
	s16 =	sadd.s32 $0xC00, s1;
	s18 =	sadd.s32 $0x1000, s1  }
0x443: {  	[hbm4b:s12+s2] =	stream.linear.scatter [tilespmem:s13], [sflag:$0x1], $0x80, $0x38;
	[tilespmem:$0x18800] =	vst v63  }
0x444: {  	s29 =	sadd.s32 $0x100, s21;
	s31 =	sadd.s32 $0x180, s21;
	s13 =	sshrl.u32 s6, $0x3  }
0x445: {  	(v2sf) =	vpush v4, $0x8;
	[hbm4b:s5+s2] =	stream.linear.scatter [tilespmem:s1], [sflag:$0x1], $0x80, $0x38;
	[tilespmem:$0x18800] =	vst v63  }
0x446: {  	s3 =	sadd.s32 $0x200, s21;
	s12 =	sadd.s32 $0x280, s5;
	s13 =	smul.u32 $0x6000, s13  }
0x447: {  	[hbm4b:s7+s2] =	stream.linear.scatter [tilespmem:s14], [sflag:$0x1], $0x80, $0x38;
	[tilespmem:$0x18800] =	vst v63  }
0x448: {  	s1 =	sadd.s32 $0x1400, s1;
	s5 =	spop (v2sf);
	s13 =	sshra.s32 s13, $0x2  }
0x449: {  	[hbm4b:s8+s2] =	stream.linear.scatter [tilespmem:s9], [sflag:$0x1], $0x80, $0x38;
	[tilespmem:$0x18800] =	vst v63  }
0x44a: {  	s6 =	sadd.s32 $0x38, s5;
	s22 =	sor.u32 s20, s13;
	s13 =	sshrl.u32 s26, $0x3  }
0x44b: {  	[hbm4b:s17+s2] =	stream.linear.scatter [tilespmem:s16], [sflag:$0x1], $0x80, $0x38;
	[tilespmem:$0x18800] =	vst v63  }
0x44c: {  	s14 =	sshll.u32 s24, $0x7;
	s7 =	sadd.s32 $0x30060, s10;
	s10 =	sadd.s32 $0x30070, s10  }
0x44d: {  	[hbm4b:s19+s2] =	stream.linear.scatter [tilespmem:s18], [sflag:$0x1], $0x80, $0x38;
	[tilespmem:$0x18800] =	vst v63  }
0x44e: {  	s25 =	sor.u32 $0x400, s22;
	s28 =	sadd.s32 $0x800, s22;
	s30 =	sadd.s32 $0xC00, s22  }
0x44f: {  	[hbm4b:s12+s2] =	stream.linear.scatter [tilespmem:s1], [sflag:$0x1], $0x80, $0x38;
	[tilespmem:$0x18800] =	vst v63  }
0x450: {  	s13 =	smul.u32 $0x6000, s13;
	s0 =	sadd.s32 $0x1000, s22;
	s14 =	sand.u32 $0x380, s14  }
0x451: {  	[hbm4b:s21+s2] =	stream.linear.scatter [tilespmem:s22], [sflag:$0x1], $0x80, $0x38;
	[tilespmem:$0x18800] =	vst v63  }
0x452: {  	s20 =	sadd.s32 $0x180, s7;
	s8 =	sadd.s32 $0x80, s7;
	s13 =	sshra.s32 s13, $0x2  }
0x453: {  	[hbm4b:s23+s2] =	stream.linear.scatter [tilespmem:s25], [sflag:$0x1], $0x80, $0x38;
	[tilespmem:$0x18800] =	vst v63  }
0x454: {  	s24 =	spop (v2sf);
	s13 =	sor.u32 s14, s13;
	s17 =	sshll.u32 s5, $0x7  }
0x455: {  	(v2sf) =	vpush v4, $0x9;
	[hbm4b:s29+s2] =	stream.linear.scatter [tilespmem:s28], [sflag:$0x1], $0x80, $0x38;
	[tilespmem:$0x18800] =	vst v63  }
0x456: {  	s5 =	sadd.s32 $0x200, s10;
	s16 =	rddreg [dreg:$0x6];
	s9 =	sor.u32 $0x400, s13  }
0x457: {  	[hbm4b:s31+s2] =	stream.linear.scatter [tilespmem:s30], [sflag:$0x1], $0x80, $0x38;
	[tilespmem:$0x18800] =	vst v63  }
0x458: {  	s14 =	sand.u32 $0x380, s17;
	s18 =	sadd.s32 $0x100, s7;
	s19 =	sadd.s32 $0x800, s13  }
0x459: {  	[hbm4b:s3+s2] =	stream.linear.scatter [tilespmem:s0], [sflag:$0x1], $0x80, $0x38;
	[tilespmem:$0x18800] =	vst v63  }
0x45a: {  	s12 =	sadd.s32 $0x1400, s22;
	s1 =	sadd.s32 $0x280, s21;
	s21 =	sadd.s32 $0xC00, s13  }
0x45b: {  	[hbm4b:s1+s2] =	stream.linear.scatter [tilespmem:s12], [sflag:$0x1], $0x80, $0x38;
	[tilespmem:$0x18800] =	vst v63  }
0x45c: {  	s22 =	sadd.s32 $0x200, s7;
	s23 =	sadd.s32 $0x1000, s13;
	s25 =	sadd.s32 $0x80, s10  }
0x45d: {  	[hbm4b:s7+s2] =	stream.linear.scatter [tilespmem:s13], [sflag:$0x1], $0x80, $0x38;
	[tilespmem:$0x18800] =	vst v63  }
0x45e: {  	s28 =	sadd.s32 $0x40, s24;
	s29 =	sadd.s32 $0x100, s10;
	s1 =	sshrl.u32 s6, $0x3  }
0x45f: {  	[hbm4b:s8+s2] =	stream.linear.scatter [tilespmem:s9], [sflag:$0x1], $0x80, $0x38;
	[tilespmem:$0x18800] =	vst v63  }
0x460: {  	s31 =	sadd.s32 $0x180, s10;
	s12 =	sadd.s32 $0x280, s7;
	s1 =	smul.u32 $0x6000, s1  }
0x461: {  	[hbm4b:s18+s2] =	stream.linear.scatter [tilespmem:s19], [sflag:$0x1], $0x80, $0x38;
	[tilespmem:$0x18800] =	vst v63  }
0x462: {  	s6 =	rddreg [dreg:$0x4];
	s13 =	sadd.s32 $0x1400, s13;
	s1 =	sshra.s32 s1, $0x2  }
0x463: {  	[hbm4b:s20+s2] =	stream.linear.scatter [tilespmem:s21], [sflag:$0x1], $0x80, $0x38;
	[tilespmem:$0x18800] =	vst v63  }
0x464: {  	s7 =	spop (v2sf);
	s1 =	sor.u32 s14, s1;
	s14 =	sshrl.u32 s28, $0x3  }
0x465: {  	[hbm4b:s22+s2] =	stream.linear.scatter [tilespmem:s23], [sflag:$0x1], $0x80, $0x38;
	[tilespmem:$0x18800] =	vst v63  }
0x466: {  	s8 =	sadd.s32 $0x0, s6;
	s9 =	sadd.s32 $0x48, s7;
	s26 =	sor.u32 $0x400, s1  }
0x467: {  	(v2sf) =	vpush v4, $0xA;
	[hbm4b:s12+s2] =	stream.linear.scatter [tilespmem:s13], [sflag:$0x1], $0x80, $0x38;
	[tilespmem:$0x18800] =	vst v63  }
0x468: {  	s30 =	sadd.s32 $0x800, s1;
	s0 =	sadd.s32 $0xC00, s1;
	s14 =	smul.u32 $0x6000, s14  }
0x469: {  	[hbm4b:s10+s2] =	stream.linear.scatter [tilespmem:s1], [sflag:$0x1], $0x80, $0x38;
	[tilespmem:$0x18800] =	vst v63  }
0x46a: {  	s3 =	sadd.s32 $0x1000, s1;
	s15 =	sadd.s32 $0x80, s8;
	s18 =	sadd.s32 $0x100, s8  }
0x46b: {  	[hbm4b:s25+s2] =	stream.linear.scatter [tilespmem:s26], [sflag:$0x1], $0x80, $0x38;
	[tilespmem:$0x18800] =	vst v63  }
0x46c: {  	s14 =	sshra.s32 s14, $0x2;
	s22 =	sadd.s32 $0x180, s8;
	s13 =	sshll.u32 s24, $0x7  }
0x46d: {  	[hbm4b:s29+s2] =	stream.linear.scatter [tilespmem:s30], [sflag:$0x1], $0x80, $0x38;
	[tilespmem:$0x18800] =	vst v63  }
0x46e: {  	s23 =	sshll.u32 s7, $0x7;
	s12 =	rddreg [dreg:$0x5];
	s13 =	sand.u32 $0x380, s13  }
0x46f: {  	(v2sf) =	vpush v4, $0xB;
	[hbm4b:s31+s2] =	stream.linear.scatter [tilespmem:s0], [sflag:$0x1], $0x80, $0x38;
	[tilespmem:$0x18800] =	vst v63  }
0x470: {  	s28 =	sadd.s32 $0x0, s12;
	s1 =	sadd.s32 $0x1400, s1;
	s13 =	sor.u32 s13, s14  }
0x471: {  	[hbm4b:s5+s2] =	stream.linear.scatter [tilespmem:s3], [sflag:$0x1], $0x80, $0x38;
	[tilespmem:$0x18800] =	vst v63  }
0x472: {  	s10 =	sadd.s32 $0x280, s10;
	s7 =	sadd.s32 $0x180, s28;
	s17 =	sor.u32 $0x400, s13  }
0x473: {  	[hbm4b:s10+s2] =	stream.linear.scatter [tilespmem:s1], [sflag:$0x1], $0x80, $0x38;
	[tilespmem:$0x18800] =	vst v63  }
0x474: {  	s19 =	sadd.s32 $0x800, s13;
	s21 =	sadd.s32 $0xC00, s13;
	s24 =	sadd.s32 $0x1000, s13  }
0x475: {  	[hbm4b:s8+s2] =	stream.linear.scatter [tilespmem:s13], [sflag:$0x1], $0x80, $0x38;
	[tilespmem:$0x18800] =	vst v63  }
0x476: {  	s25 =	sadd.s32 $0x200, s8;
	s26 =	sand.u32 $0x380, s23;
	s30 =	spop (v2sf)  }
0x477: {  	[hbm4b:s15+s2] =	stream.linear.scatter [tilespmem:s17], [sflag:$0x1], $0x80, $0x38;
	[tilespmem:$0x18800] =	vst v63  }
0x478: {  	s31 =	sadd.s32 $0x80, s28;
	s0 =	sadd.s32 $0x50, s30;
	s10 =	sshrl.u32 s9, $0x3  }
0x479: {  	[hbm4b:s18+s2] =	stream.linear.scatter [tilespmem:s19], [sflag:$0x1], $0x80, $0x38;
	[tilespmem:$0x18800] =	vst v63  }
0x47a: {  	s5 =	sadd.s32 $0x100, s28;
	s1 =	sadd.s32 $0x280, s8;
	s10 =	smul.u32 $0x6000, s10  }
0x47b: {  	[hbm4b:s22+s2] =	stream.linear.scatter [tilespmem:s21], [sflag:$0x1], $0x80, $0x38;
	[tilespmem:$0x18800] =	vst v63  }
0x47c: {  	s9 =	sadd.s32 $0x200, s28;
	s13 =	sadd.s32 $0x1400, s13;
	s20 =	sshra.s32 s10, $0x2  }
0x47d: {  	(v2sf) =	vpush v4, $0xC;
	[hbm4b:s25+s2] =	stream.linear.scatter [tilespmem:s24], [sflag:$0x1], $0x80, $0x38;
	[tilespmem:$0x18800] =	vst v63  }
0x47e: {  	s10 =	rddreg [dreg:$0x8];
	s29 =	sor.u32 s26, s20;
	s17 =	spop (v2sf)  }
0x47f: {  	[hbm4b:s1+s2] =	stream.linear.scatter [tilespmem:s13], [sflag:$0x1], $0x80, $0x38;
	[tilespmem:$0x18800] =	vst v63  }
0x480: {  	s10 =	sadd.s32 $0x0, s10;
	s14 =	sor.u32 $0x400, s29;
	s3 =	sadd.s32 $0x800, s29  }
0x481: {  	[hbm4b:s28+s2] =	stream.linear.scatter [tilespmem:s29], [sflag:$0x1], $0x80, $0x38;
	[tilespmem:$0x18800] =	vst v63  }
0x482: {  	s6 =	sadd.s32 $0xC00, s29;
	s8 =	sadd.s32 $0x1000, s29;
	s12 =	sadd.s32 $0x1400, s29  }
0x483: {  	[hbm4b:s31+s2] =	stream.linear.scatter [tilespmem:s14], [sflag:$0x1], $0x80, $0x38;
	[tilespmem:$0x18800] =	vst v63  }
0x484: {  	s20 =	sshll.u32 s17, $0x7;
	s18 =	sadd.s32 $0x0, s16;
	s19 =	sadd.s32 $0x58, s17  }
0x485: {  	[hbm4b:s5+s2] =	stream.linear.scatter [tilespmem:s3], [sflag:$0x1], $0x80, $0x38;
	[tilespmem:$0x18800] =	vst v63  }
0x486: {  	s17 =	sadd.s32 $0x200, s11;
	s26 =	sadd.s32 $0x180, s18;
	s14 =	sshrl.u32 s0, $0x3  }
0x487: {  	(v2sf) =	vpush v4, $0xD;
	[hbm4b:s7+s2] =	stream.linear.scatter [tilespmem:s6], [sflag:$0x1], $0x80, $0x38;
	[tilespmem:$0x18800] =	vst v63  }
0x488: {  	s22 =	sadd.s32 $0x80, s18;
	s13 =	sshll.u32 s30, $0x7;
	s14 =	smul.u32 $0x6000, s14  }
0x489: {  	[hbm4b:s9+s2] =	stream.linear.scatter [tilespmem:s8], [sflag:$0x1], $0x80, $0x38;
	[tilespmem:$0x18800] =	vst v63  }
0x48a: {  	s1 =	sadd.s32 $0x280, s28;
	s13 =	sand.u32 $0x380, s13;
	s14 =	sshra.s32 s14, $0x2  }
0x48b: {  	[hbm4b:s1+s2] =	stream.linear.scatter [tilespmem:s12], [sflag:$0x1], $0x80, $0x38;
	[tilespmem:$0x18800] =	vst v63  }
0x48c: {  	s24 =	sadd.s32 $0x100, s18;
	s30 =	spop (v2sf);
	s13 =	sor.u32 s13, s14  }
0x48d: {  	[hbm4b:s18+s2] =	stream.linear.scatter [tilespmem:s13], [sflag:$0x1], $0x80, $0x38;
	[tilespmem:$0x18800] =	vst v63  }
0x48e: {  	s29 =	sadd.s32 $0x200, s18;
	s0 =	sadd.s32 $0x80, s11;
	s21 =	sor.u32 $0x400, s13  }
0x48f: {  	[hbm4b:s22+s2] =	stream.linear.scatter [tilespmem:s21], [sflag:$0x1], $0x80, $0x38;
	[tilespmem:$0x18800] =	vst v63  }
0x490: {  	s3 =	sadd.s32 $0x60, s30;
	s14 =	sand.u32 $0x380, s20;
	s23 =	sadd.s32 $0x800, s13  }
0x491: {  	[hbm4b:s24+s2] =	stream.linear.scatter [tilespmem:s23], [sflag:$0x1], $0x80, $0x38;
	[tilespmem:$0x18800] =	vst v63  }
0x492: {  	s6 =	sadd.s32 $0x100, s11;
	s25 =	sadd.s32 $0xC00, s13;
	s12 =	sshrl.u32 s19, $0x3  }
0x493: {  	[hbm4b:s26+s2] =	stream.linear.scatter [tilespmem:s25], [sflag:$0x1], $0x80, $0x38;
	[tilespmem:$0x18800] =	vst v63  }
0x494: {  	s28 =	sadd.s32 $0x1000, s13;
	s1 =	sadd.s32 $0x280, s18;
	s12 =	smul.u32 $0x6000, s12  }
0x495: {  	[hbm4b:s29+s2] =	stream.linear.scatter [tilespmem:s28], [sflag:$0x1], $0x80, $0x38;
	[tilespmem:$0x18800] =	vst v63  }
0x496: {  	s13 =	sadd.s32 $0x1400, s13;
	s18 =	spop (v2sf);
	s12 =	sshra.s32 s12, $0x2  }
0x497: {  	[hbm4b:s1+s2] =	stream.linear.scatter [tilespmem:s13], [sflag:$0x1], $0x80, $0x38;
	[tilespmem:$0x18800] =	vst v63  }
0x498: {  	s8 =	sadd.s32 $0x180, s11;
	s19 =	sadd.s32 $0x68, s18;
	s12 =	sor.u32 s14, s12  }
0x499: {  	[hbm4b:s11+s2] =	stream.linear.scatter [tilespmem:s12], [sflag:$0x1], $0x80, $0x38;
	[tilespmem:$0x18800] =	vst v63  }
0x49a: {  	s14 =	sshll.u32 s30, $0x7;
	s21 =	sshll.u32 s18, $0x7;
	s31 =	sor.u32 $0x400, s12  }
0x49b: {  	[hbm4b:s0+s2] =	stream.linear.scatter [tilespmem:s31], [sflag:$0x1], $0x80, $0x38;
	[tilespmem:$0x18800] =	vst v63  }
0x49c: {  	s22 =	sadd.s32 $0x80, s10;
	s30 =	rddreg [dreg:$0xb];
	s5 =	sadd.s32 $0x800, s12  }
0x49d: {  	(v2sf) =	vpush v4, $0xE;
	[hbm4b:s6+s2] =	stream.linear.scatter [tilespmem:s5], [sflag:$0x1], $0x80, $0x38;
	[tilespmem:$0x18800] =	vst v63  }
0x49e: {  	s7 =	sadd.s32 $0xC00, s12;
	s16 =	sadd.s32 $0x1000, s12;
	s1 =	sshrl.u32 s3, $0x3  }
0x49f: {  	[hbm4b:s8+s2] =	stream.linear.scatter [tilespmem:s7], [sflag:$0x1], $0x80, $0x38;
	[tilespmem:$0x18800] =	vst v63  }
0x4a0: {  	s14 =	sand.u32 $0x380, s14;
	s24 =	sadd.s32 $0x100, s10;
	s9 =	smul.u32 $0x6000, s1  }
0x4a1: {  	[hbm4b:s17+s2] =	stream.linear.scatter [tilespmem:s16], [sflag:$0x1], $0x80, $0x38;
	[tilespmem:$0x18800] =	vst v63  }
0x4a2: {  	s12 =	sadd.s32 $0x1400, s12;
	s11 =	sadd.s32 $0x280, s11;
	s15 =	sshra.s32 s9, $0x2  }
0x4a3: {  	(v2sf) =	vpush v4, $0xF;
	[hbm4b:s11+s2] =	stream.linear.scatter [tilespmem:s12], [sflag:$0x1], $0x80, $0x38;
	[tilespmem:$0x18800] =	vst v63  }
0x4a4: {  	s26 =	sadd.s32 $0x180, s10;
	s13 =	rddreg [dreg:$0x9];
	s20 =	sor.u32 s14, s15  }
0x4a5: {  	[hbm4b:s10+s2] =	stream.linear.scatter [tilespmem:s20], [sflag:$0x1], $0x80, $0x38;
	[tilespmem:$0x18800] =	vst v63  }
0x4a6: {  	s29 =	sadd.s32 $0x200, s10;
	s1 =	rddreg [dreg:$0xa];
	s15 =	sor.u32 $0x400, s20  }
0x4a7: {  	[hbm4b:s22+s2] =	stream.linear.scatter [tilespmem:s15], [sflag:$0x1], $0x80, $0x38;
	[tilespmem:$0x18800] =	vst v63  }
0x4a8: {  	s1 =	sadd.s32 $0x0, s1;
	s14 =	sand.u32 $0x380, s21;
	s23 =	sadd.s32 $0x800, s20  }
0x4a9: {  	[hbm4b:s24+s2] =	stream.linear.scatter [tilespmem:s23], [sflag:$0x1], $0x80, $0x38;
	[tilespmem:$0x18800] =	vst v63  }
0x4aa: {  	s31 =	sadd.s32 $0x0, s13;
	s25 =	sadd.s32 $0xC00, s20;
	s11 =	sshrl.u32 s19, $0x3  }
0x4ab: {  	[hbm4b:s26+s2] =	stream.linear.scatter [tilespmem:s25], [sflag:$0x1], $0x80, $0x38;
	[tilespmem:$0x18800] =	vst v63  }
0x4ac: {  	s0 =	spop (v2sf);
	s28 =	sadd.s32 $0x1000, s20;
	s11 =	smul.u32 $0x6000, s11  }
0x4ad: {  	[hbm4b:s29+s2] =	stream.linear.scatter [tilespmem:s28], [sflag:$0x1], $0x80, $0x38;
	[tilespmem:$0x18800] =	vst v63  }
0x4ae: {  	s12 =	sadd.s32 $0x1400, s20;
	s10 =	sadd.s32 $0x280, s10;
	s11 =	sshra.s32 s11, $0x2  }
0x4af: {  	[hbm4b:s10+s2] =	stream.linear.scatter [tilespmem:s12], [sflag:$0x1], $0x80, $0x38;
	[tilespmem:$0x18800] =	vst v63  }
0x4b0: {  	s3 =	sadd.s32 $0x80, s31;
	s9 =	sadd.s32 $0x180, s31;
	s11 =	sor.u32 s14, s11  }
0x4b1: {  	[hbm4b:s31+s2] =	stream.linear.scatter [tilespmem:s11], [sflag:$0x1], $0x80, $0x38;
	[tilespmem:$0x18800] =	vst v63  }
0x4b2: {  	s13 =	sshll.u32 s0, $0x7;
	s18 =	spop (v2sf);
	s14 =	sor.u32 $0x400, s11  }
0x4b3: {  	[hbm4b:s3+s2] =	stream.linear.scatter [tilespmem:s14], [sflag:$0x1], $0x80, $0x38;
	[tilespmem:$0x18800] =	vst v63  }
0x4b4: {  	s5 =	sadd.s32 $0x70, s0;
	s7 =	sadd.s32 $0x100, s31;
	s6 =	sadd.s32 $0x800, s11  }
0x4b5: {  	[hbm4b:s7+s2] =	stream.linear.scatter [tilespmem:s6], [sflag:$0x1], $0x80, $0x38;
	[tilespmem:$0x18800] =	vst v63  }
0x4b6: {  	s13 =	sand.u32 $0x380, s13;
	s8 =	sadd.s32 $0xC00, s11;
	s14 =	sshrl.u32 s5, $0x3  }
0x4b7: {  	[hbm4b:s9+s2] =	stream.linear.scatter [tilespmem:s8], [sflag:$0x1], $0x80, $0x38;
	[tilespmem:$0x18800] =	vst v63  }
0x4b8: {  	s17 =	sadd.s32 $0x200, s31;
	s16 =	sadd.s32 $0x1000, s11;
	s14 =	smul.u32 $0x6000, s14  }
0x4b9: {  	[hbm4b:s17+s2] =	stream.linear.scatter [tilespmem:s16], [sflag:$0x1], $0x80, $0x38;
	[tilespmem:$0x18800] =	vst v63  }
0x4ba: {  	s12 =	sadd.s32 $0x280, s31;
	s11 =	sadd.s32 $0x1400, s11;
	s14 =	sshra.s32 s14, $0x2  }
0x4bb: {  	[hbm4b:s12+s2] =	stream.linear.scatter [tilespmem:s11], [sflag:$0x1], $0x80, $0x38;
	[tilespmem:$0x18800] =	vst v63  }
0x4bc: {  	s21 =	sshll.u32 s18, $0x7;
	s19 =	sadd.s32 $0x78, s18;
	s20 =	sor.u32 s13, s14  }
0x4bd: {  	[hbm4b:s1+s2] =	stream.linear.scatter [tilespmem:s20], [sflag:$0x1], $0x80, $0x38;
	[tilespmem:$0x18800] =	vst v63  }
0x4be: {  	s22 =	sadd.s32 $0x80, s1;
	s24 =	sadd.s32 $0x100, s1;
	s14 =	sor.u32 $0x400, s20  }
0x4bf: {  	[hbm4b:s22+s2] =	stream.linear.scatter [tilespmem:s14], [sflag:$0x1], $0x80, $0x38;
	[tilespmem:$0x18800] =	vst v63  }
0x4c0: {  	s26 =	sadd.s32 $0x180, s1;
	s29 =	sadd.s32 $0x200, s1;
	s23 =	sadd.s32 $0x800, s20  }
0x4c1: {  	[hbm4b:s24+s2] =	stream.linear.scatter [tilespmem:s23], [sflag:$0x1], $0x80, $0x38;
	[tilespmem:$0x18800] =	vst v63  }
0x4c2: {  	s10 =	simm.s32 $0xC000;
	s25 =	sadd.s32 $0xC00, s20;
	s11 =	sshrl.u32 s19, $0x3  }
0x4c3: {  	[hbm4b:s26+s2] =	stream.linear.scatter [tilespmem:s25], [sflag:$0x1], $0x80, $0x38;
	[tilespmem:$0x18800] =	vst v63  }
0x4c4: {  	s13 =	sand.u32 $0x380, s21;
	s28 =	sadd.s32 $0x1000, s20;
	s11 =	smul.u32 $0x6000, s11  }
0x4c5: {  	[hbm4b:s29+s2] =	stream.linear.scatter [tilespmem:s28], [sflag:$0x1], $0x80, $0x38;
	[tilespmem:$0x18800] =	vst v63  }
0x4c6: {  	s12 =	sadd.s32 $0x1400, s20;
	s1 =	sadd.s32 $0x280, s1;
	s11 =	sshra.s32 s11, $0x2  }
0x4c7: {  	[hbm4b:s1+s2] =	stream.linear.scatter [tilespmem:s12], [sflag:$0x1], $0x80, $0x38;
	[tilespmem:$0x18800] =	vst v63  }
0x4c8: {  	s1 =	sor.u32 s13, s11;
	s13 =	sadd.s32 $0x0, s30;
	s11 =	simm.s32 $0x5  }
0x4c9: {  	s30 =	sor.u32 $0x400, s1;
	s31 =	sadd.s32 $0x80, s13;
	s14 =	sadd.s32 $0xC00, s1  }
0x4ca: {  	[hbm4b:s13+s2] =	stream.linear.scatter [tilespmem:s1], [sflag:$0x1], $0x80, $0x38;
	[tilespmem:$0x18800] =	vst v63  }
0x4cb: {  	s12 =	sadd.s32 $0x800, s1;
	s16 =	sadd.s32 $0x100, s13;
	s15 =	sadd.s32 $0x180, s13  }
0x4cc: {  	[hbm4b:s31+s2] =	stream.linear.scatter [tilespmem:s30], [sflag:$0x1], $0x80, $0x38;
	[tilespmem:$0x18800] =	vst v63  }
.LBB2_2:
0x4cd: {  	[hbm4b:s16+s2] =	stream.linear.scatter [tilespmem:s12], [sflag:$0x1], $0x80, $0x38;
	[tilespmem:$0x18800] =	vst v63  }
0x4ce: {  	_ = 	snop  }
0x4cf: {  	[hbm4b:s15+s2] =	stream.linear.scatter [tilespmem:s14], [sflag:$0x1], $0x80, $0x38;
	[tilespmem:$0x18800] =	vst v63  }
0x4d0: {  	s30 =	sadd.s32 $0x1000, s1;
	s17 =	sadd.s32 $0x200, s13  }
0x4d1: {  	[hbm4b:s17+s2] =	stream.linear.scatter [tilespmem:s30], [sflag:$0x1], $0x80, $0x38;
	[tilespmem:$0x18800] =	vst v63  }
0x4d2: {  	s31 =	sadd.s32 $0x1400, s1;
	s0 =	sadd.s32 $0x280, s13  }
0x4d3: {  	v4 =	vor.u32 s11, v0;
	[hbm4b:s0+s2] =	stream.linear.scatter [tilespmem:s31], [sflag:$0x1], $0x80, $0x38;
	[tilespmem:$0x18800] =	vst v63  }
0x4d4: {  	s0 =	simm.s32 $0x1  }
0x4d5: {  	_ =	swait.ge [sflag:s0], $0x3000  }
0x4d6: {  	[sflag:s0] =	ssyncset.done $0x0  }
0x4d7: {  	[sflag:s0] =	ssyncadd.s32 $0xFFFFD000  }
0x4d8: {  	v4 =	vld.idx.msk [tilespmem:v4+s4+$0x0], $0xffff;
	_ =	sdelay $0x4  }
0x4d9: {  	(v2sf) =	vpush v4, $0x1  }
0x4da: {  	(v2sf) =	vpush v4, $0x0;
	_ =	sdelay $0x2  }
0x4db: {  	(v2sf) =	vpush v4, $0x2;
	_ =	sdelay $0x1  }
0x4dc: {  	s3 =	rddreg [dreg:$0x7];
	(v2sf) =	vpush v4, $0x5  }
0x4dd: {  	s21 =	rddreg [dreg:$0x8]  }
0x4de: {  	s26 =	rddreg [dreg:$0x9]  }
0x4df: {  	s5 =	rddreg [dreg:$0x6]  }
0x4e0: {  	s12 =	smov.u32 s10;
	s18 =	rddreg [dreg:$0x5];
	(v2sf) =	vpush v4, $0x3  }
0x4e1: {  	p0 =	sne.s32 s10, $0x5C4000;
	s10 =	sadd.s32 $0xC000, s10;
	s19 =	rddreg [dreg:$0x4]  }
0x4e2: {  	s11 =	sadd.s32 $0x1, s11;
	s16 =	sadd.s32 s12, s3;
	s4 =	rddreg [dreg:$0x3]  }
0x4e3: {  	s17 =	sadd.s32 s12, s5;
	s15 =	sadd.s32 s12, s26;
	s20 =	sadd.s32 s12, s4  }
0x4e4: {  	s1 =	sadd.s32 $0x30000, s20;
	s24 =	sadd.s32 $0x30040, s20;
	s22 =	sadd.s32 $0x30050, s20  }
0x4e5: {  	s29 =	sadd.s32 $0x30010, s20;
	s28 =	sadd.s32 $0x80, s1;
	s6 =	spop (v2sf)  }
0x4e6: {  	s9 =	sadd.s32 $0x180, s1;
	s30 =	sadd.s32 $0x8, s6;
	s31 =	spop (v2sf)  }
0x4e7: {  	s3 =	sshll.u32 s6, $0x7;
	s6 =	sadd.s32 $0x100, s1;
	s7 =	sshrl.u32 s31, $0x3  }
0x4e8: {  	s31 =	sshll.u32 s31, $0x7;
	s30 =	sshrl.u32 s30, $0x3;
	s0 =	smul.u32 $0x6000, s7  }
0x4e9: {  	s8 =	spop (v2sf);
	s3 =	sand.u32 $0x380, s3;
	s31 =	sand.u32 $0x380, s31  }
0x4ea: {  	s30 =	smul.u32 $0x6000, s30;
	s5 =	sadd.s32 $0x10, s8;
	s0 =	sshra.s32 s0, $0x2  }
0x4eb: {  	s26 =	spop (v2sf);
	s5 =	sshrl.u32 s5, $0x3;
	s0 =	sor.u32 s31, s0  }
0x4ec: {  	[hbm4b:s1+s2] =	stream.linear.scatter [tilespmem:s0], [sflag:$0x1], $0x80, $0x38;
	[tilespmem:$0x18800] =	vst v63  }
0x4ed: {  	s4 =	smul.u32 $0x6000, s5;
	s31 =	sshra.s32 s30, $0x2;
	s5 =	sor.u32 $0x400, s0  }
0x4ee: {  	[hbm4b:s28+s2] =	stream.linear.scatter [tilespmem:s5], [sflag:$0x1], $0x80, $0x38;
	[tilespmem:$0x18800] =	vst v63  }
0x4ef: {  	s30 =	sshll.u32 s8, $0x7;
	s8 =	spop (v2sf);
	s28 =	sadd.s32 $0x800, s0  }
0x4f0: {  	(v2sf) =	vpush v4, $0x4;
	[hbm4b:s6+s2] =	stream.linear.scatter [tilespmem:s28], [sflag:$0x1], $0x80, $0x38;
	[tilespmem:$0x18800] =	vst v63  }
0x4f1: {  	s7 =	sadd.s32 $0x200, s1;
	s1 =	sadd.s32 $0x280, s1;
	s5 =	sadd.s32 $0xC00, s0  }
0x4f2: {  	[hbm4b:s9+s2] =	stream.linear.scatter [tilespmem:s5], [sflag:$0x1], $0x80, $0x38;
	[tilespmem:$0x18800] =	vst v63  }
0x4f3: {  	s4 =	sshra.s32 s4, $0x2;
	s6 =	sadd.s32 $0x18, s8;
	s9 =	sadd.s32 $0x1000, s0  }
0x4f4: {  	[hbm4b:s7+s2] =	stream.linear.scatter [tilespmem:s9], [sflag:$0x1], $0x80, $0x38;
	[tilespmem:$0x18800] =	vst v63  }
0x4f5: {  	s28 =	sshll.u32 s8, $0x7;
	s8 =	sadd.s32 $0x80, s29;
	s0 =	sadd.s32 $0x1400, s0  }
0x4f6: {  	[hbm4b:s1+s2] =	stream.linear.scatter [tilespmem:s0], [sflag:$0x1], $0x80, $0x38;
	[tilespmem:$0x18800] =	vst v63  }
0x4f7: {  	s6 =	sshrl.u32 s6, $0x3;
	s5 =	sadd.s32 $0x100, s29;
	s0 =	sor.u32 s3, s31  }
0x4f8: {  	[hbm4b:s29+s2] =	stream.linear.scatter [tilespmem:s0], [sflag:$0x1], $0x80, $0x38;
	[tilespmem:$0x18800] =	vst v63  }
0x4f9: {  	s6 =	smul.u32 $0x6000, s6;
	s7 =	sadd.s32 $0x200, s29;
	s9 =	sor.u32 $0x400, s0  }
0x4fa: {  	[hbm4b:s8+s2] =	stream.linear.scatter [tilespmem:s9], [sflag:$0x1], $0x80, $0x38;
	[tilespmem:$0x18800] =	vst v63  }
0x4fb: {  	s1 =	sadd.s32 $0x180, s29;
	s31 =	sshra.s32 s6, $0x2;
	s9 =	sadd.s32 $0x800, s0  }
0x4fc: {  	[hbm4b:s5+s2] =	stream.linear.scatter [tilespmem:s9], [sflag:$0x1], $0x80, $0x38;
	[tilespmem:$0x18800] =	vst v63  }
0x4fd: {  	s6 =	sadd.s32 $0x280, s29;
	s29 =	sadd.s32 $0xC00, s0;
	s8 =	sadd.s32 $0x28, s26  }
0x4fe: {  	[hbm4b:s1+s2] =	stream.linear.scatter [tilespmem:s29], [sflag:$0x1], $0x80, $0x38;
	[tilespmem:$0x18800] =	vst v63  }
0x4ff: {  	s5 =	sadd.s32 $0x30020, s20;
	s9 =	spop (v2sf);
	s1 =	sadd.s32 $0x1000, s0  }
0x500: {  	[hbm4b:s7+s2] =	stream.linear.scatter [tilespmem:s1], [sflag:$0x1], $0x80, $0x38;
	[tilespmem:$0x18800] =	vst v63  }
0x501: {  	s29 =	sadd.s32 $0x20, s9;
	s0 =	sadd.s32 $0x1400, s0;
	s7 =	sand.u32 $0x380, s30  }
0x502: {  	(v2sf) =	vpush v4, $0x6;
	[hbm4b:s6+s2] =	stream.linear.scatter [tilespmem:s0], [sflag:$0x1], $0x80, $0x38;
	[tilespmem:$0x18800] =	vst v63  }
0x503: {  	s3 =	sadd.s32 $0x80, s5;
	s29 =	sshrl.u32 s29, $0x3;
	s0 =	sor.u32 s7, s4  }
0x504: {  	[hbm4b:s5+s2] =	stream.linear.scatter [tilespmem:s0], [sflag:$0x1], $0x80, $0x38;
	[tilespmem:$0x18800] =	vst v63  }
0x505: {  	s30 =	sshll.u32 s9, $0x7;
	s9 =	smul.u32 $0x6000, s29;
	s4 =	sor.u32 $0x400, s0  }
0x506: {  	[hbm4b:s3+s2] =	stream.linear.scatter [tilespmem:s4], [sflag:$0x1], $0x80, $0x38;
	[tilespmem:$0x18800] =	vst v63  }
0x507: {  	s29 =	sadd.s32 $0x100, s5;
	s1 =	sshra.s32 s9, $0x2;
	s7 =	sadd.s32 $0x800, s0  }
0x508: {  	[hbm4b:s29+s2] =	stream.linear.scatter [tilespmem:s7], [sflag:$0x1], $0x80, $0x38;
	[tilespmem:$0x18800] =	vst v63  }
0x509: {  	s9 =	sshrl.u32 s8, $0x3;
	s4 =	sadd.s32 $0x180, s5;
	s29 =	sadd.s32 $0xC00, s0  }
0x50a: {  	[hbm4b:s4+s2] =	stream.linear.scatter [tilespmem:s29], [sflag:$0x1], $0x80, $0x38;
	[tilespmem:$0x18800] =	vst v63  }
0x50b: {  	s6 =	sadd.s32 $0x200, s5;
	s8 =	sadd.s32 $0x1000, s0;
	s7 =	smul.u32 $0x6000, s9  }
0x50c: {  	[hbm4b:s6+s2] =	stream.linear.scatter [tilespmem:s8], [sflag:$0x1], $0x80, $0x38;
	[tilespmem:$0x18800] =	vst v63  }
0x50d: {  	s9 =	sadd.s32 $0x280, s5;
	s0 =	sadd.s32 $0x1400, s0;
	s6 =	sand.u32 $0x380, s28  }
0x50e: {  	[hbm4b:s9+s2] =	stream.linear.scatter [tilespmem:s0], [sflag:$0x1], $0x80, $0x38;
	[tilespmem:$0x18800] =	vst v63  }
0x50f: {  	s5 =	sadd.s32 $0x30030, s20;
	s29 =	sshra.s32 s7, $0x2;
	s0 =	sor.u32 s6, s31  }
0x510: {  	(v2sf) =	vpush v4, $0x7;
	[hbm4b:s5+s2] =	stream.linear.scatter [tilespmem:s0], [sflag:$0x1], $0x80, $0x38;
	[tilespmem:$0x18800] =	vst v63  }
0x511: {  	s3 =	spop (v2sf);
	s8 =	sadd.s32 $0x80, s5;
	s7 =	sor.u32 $0x400, s0  }
0x512: {  	[hbm4b:s8+s2] =	stream.linear.scatter [tilespmem:s7], [sflag:$0x1], $0x80, $0x38;
	[tilespmem:$0x18800] =	vst v63  }
0x513: {  	s28 =	sadd.s32 $0x100, s5;
	s31 =	sshll.u32 s26, $0x7;
	s26 =	sadd.s32 $0x800, s0  }
0x514: {  	[hbm4b:s28+s2] =	stream.linear.scatter [tilespmem:s26], [sflag:$0x1], $0x80, $0x38;
	[tilespmem:$0x18800] =	vst v63  }
0x515: {  	s9 =	sadd.s32 $0x30, s3;
	s6 =	sadd.s32 $0xC00, s0;
	s8 =	sadd.s32 $0x180, s5  }
0x516: {  	[hbm4b:s8+s2] =	stream.linear.scatter [tilespmem:s6], [sflag:$0x1], $0x80, $0x38;
	[tilespmem:$0x18800] =	vst v63  }
0x517: {  	s7 =	sshrl.u32 s9, $0x3;
	s9 =	sadd.s32 $0x1000, s0;
	s26 =	sadd.s32 $0x200, s5  }
0x518: {  	(v2sf) =	vpush v4, $0x8;
	[hbm4b:s26+s2] =	stream.linear.scatter [tilespmem:s9], [sflag:$0x1], $0x80, $0x38;
	[tilespmem:$0x18800] =	vst v63  }
0x519: {  	s0 =	sadd.s32 $0x1400, s0;
	s8 =	sadd.s32 $0x280, s5;
	s9 =	sand.u32 $0x380, s30  }
0x51a: {  	[hbm4b:s8+s2] =	stream.linear.scatter [tilespmem:s0], [sflag:$0x1], $0x80, $0x38;
	[tilespmem:$0x18800] =	vst v63  }
0x51b: {  	s25 =	sadd.s32 $0x100, s24;
	s7 =	smul.u32 $0x6000, s7;
	s0 =	sor.u32 s9, s1  }
0x51c: {  	[hbm4b:s24+s2] =	stream.linear.scatter [tilespmem:s0], [sflag:$0x1], $0x80, $0x38;
	[tilespmem:$0x18800] =	vst v63  }
0x51d: {  	s28 =	sshra.s32 s7, $0x2;
	s5 =	sadd.s32 $0x80, s24;
	s4 =	sor.u32 $0x400, s0  }
0x51e: {  	[hbm4b:s5+s2] =	stream.linear.scatter [tilespmem:s4], [sflag:$0x1], $0x80, $0x38;
	[tilespmem:$0x18800] =	vst v63  }
0x51f: {  	s30 =	sshll.u32 s3, $0x7;
	s26 =	spop (v2sf);
	s7 =	sadd.s32 $0x800, s0  }
0x520: {  	[hbm4b:s25+s2] =	stream.linear.scatter [tilespmem:s7], [sflag:$0x1], $0x80, $0x38;
	[tilespmem:$0x18800] =	vst v63  }
0x521: {  	s6 =	sadd.s32 $0x38, s26;
	s9 =	sadd.s32 $0xC00, s0;
	s25 =	sadd.s32 $0x180, s24  }
0x522: {  	[hbm4b:s25+s2] =	stream.linear.scatter [tilespmem:s9], [sflag:$0x1], $0x80, $0x38;
	[tilespmem:$0x18800] =	vst v63  }
0x523: {  	s8 =	sshrl.u32 s6, $0x3;
	s3 =	sadd.s32 $0x1000, s0;
	s5 =	sadd.s32 $0x200, s24  }
0x524: {  	[hbm4b:s5+s2] =	stream.linear.scatter [tilespmem:s3], [sflag:$0x1], $0x80, $0x38;
	[tilespmem:$0x18800] =	vst v63  }
0x525: {  	s6 =	sadd.s32 $0x280, s24;
	s0 =	sadd.s32 $0x1400, s0;
	s7 =	sand.u32 $0x380, s31  }
0x526: {  	[hbm4b:s6+s2] =	stream.linear.scatter [tilespmem:s0], [sflag:$0x1], $0x80, $0x38;
	[tilespmem:$0x18800] =	vst v63  }
0x527: {  	s4 =	smul.u32 $0x6000, s8;
	s8 =	spop (v2sf);
	s0 =	sor.u32 s7, s29  }
0x528: {  	[hbm4b:s22+s2] =	stream.linear.scatter [tilespmem:s0], [sflag:$0x1], $0x80, $0x38;
	[tilespmem:$0x18800] =	vst v63  }
0x529: {  	s23 =	sadd.s32 $0x80, s22;
	s24 =	sshll.u32 s8, $0x7;
	s3 =	sor.u32 $0x400, s0  }
0x52a: {  	(v2sf) =	vpush v4, $0x9;
	[hbm4b:s23+s2] =	stream.linear.scatter [tilespmem:s3], [sflag:$0x1], $0x80, $0x38;
	[tilespmem:$0x18800] =	vst v63  }
0x52b: {  	s31 =	sadd.s32 $0x100, s22;
	s25 =	sshra.s32 s4, $0x2;
	s29 =	sadd.s32 $0x800, s0  }
0x52c: {  	[hbm4b:s31+s2] =	stream.linear.scatter [tilespmem:s29], [sflag:$0x1], $0x80, $0x38;
	[tilespmem:$0x18800] =	vst v63  }
0x52d: {  	s9 =	sadd.s32 $0x40, s8;
	s5 =	sadd.s32 $0x180, s22;
	s3 =	sadd.s32 $0xC00, s0  }
0x52e: {  	[hbm4b:s5+s2] =	stream.linear.scatter [tilespmem:s3], [sflag:$0x1], $0x80, $0x38;
	[tilespmem:$0x18800] =	vst v63  }
0x52f: {  	s8 =	sadd.s32 $0x280, s22;
	s7 =	sadd.s32 $0x200, s22;
	s6 =	sadd.s32 $0x1000, s0  }
0x530: {  	[hbm4b:s7+s2] =	stream.linear.scatter [tilespmem:s6], [sflag:$0x1], $0x80, $0x38;
	[tilespmem:$0x18800] =	vst v63  }
0x531: {  	s4 =	sshrl.u32 s9, $0x3;
	s9 =	sand.u32 $0x380, s30;
	s0 =	sadd.s32 $0x1400, s0  }
0x532: {  	[hbm4b:s8+s2] =	stream.linear.scatter [tilespmem:s0], [sflag:$0x1], $0x80, $0x38;
	[tilespmem:$0x18800] =	vst v63  }
0x533: {  	s26 =	sshll.u32 s26, $0x7;
	s5 =	sadd.s32 $0x30060, s20;
	s0 =	sor.u32 s9, s28  }
0x534: {  	[hbm4b:s5+s2] =	stream.linear.scatter [tilespmem:s0], [sflag:$0x1], $0x80, $0x38;
	[tilespmem:$0x18800] =	vst v63  }
0x535: {  	s4 =	smul.u32 $0x6000, s4;
	s22 =	sadd.s32 $0x80, s5;
	s23 =	sor.u32 $0x400, s0  }
0x536: {  	[hbm4b:s22+s2] =	stream.linear.scatter [tilespmem:s23], [sflag:$0x1], $0x80, $0x38;
	[tilespmem:$0x18800] =	vst v63  }
0x537: {  	s1 =	sshra.s32 s4, $0x2;
	s28 =	sadd.s32 $0x100, s5;
	s29 =	sadd.s32 $0x800, s0  }
0x538: {  	[hbm4b:s28+s2] =	stream.linear.scatter [tilespmem:s29], [sflag:$0x1], $0x80, $0x38;
	[tilespmem:$0x18800] =	vst v63  }
0x539: {  	s30 =	sadd.s32 $0x180, s5;
	s7 =	spop (v2sf);
	s6 =	sadd.s32 $0xC00, s0  }
0x53a: {  	[hbm4b:s30+s2] =	stream.linear.scatter [tilespmem:s6], [sflag:$0x1], $0x80, $0x38;
	[tilespmem:$0x18800] =	vst v63  }
0x53b: {  	s31 =	sadd.s32 $0x48, s7;
	s9 =	sadd.s32 $0x200, s5;
	s22 =	sadd.s32 $0x1000, s0  }
0x53c: {  	[hbm4b:s9+s2] =	stream.linear.scatter [tilespmem:s22], [sflag:$0x1], $0x80, $0x38;
	[tilespmem:$0x18800] =	vst v63  }
0x53d: {  	s0 =	sadd.s32 $0x1400, s0;
	s23 =	sadd.s32 $0x280, s5;
	s28 =	sand.u32 $0x380, s26  }
0x53e: {  	[hbm4b:s23+s2] =	stream.linear.scatter [tilespmem:s0], [sflag:$0x1], $0x80, $0x38;
	[tilespmem:$0x18800] =	vst v63  }
0x53f: {  	s8 =	sshrl.u32 s31, $0x3;
	s29 =	sadd.s32 $0x30070, s20;
	s31 =	sor.u32 s28, s25  }
0x540: {  	(v2sf) =	vpush v4, $0xA;
	[hbm4b:s29+s2] =	stream.linear.scatter [tilespmem:s31], [sflag:$0x1], $0x80, $0x38;
	[tilespmem:$0x18800] =	vst v63  }
0x541: {  	s4 =	sadd.s32 $0x80, s29;
	s30 =	smul.u32 $0x6000, s8;
	s8 =	sor.u32 $0x400, s31  }
0x542: {  	[hbm4b:s4+s2] =	stream.linear.scatter [tilespmem:s8], [sflag:$0x1], $0x80, $0x38;
	[tilespmem:$0x18800] =	vst v63  }
0x543: {  	s19 =	sadd.s32 s12, s19;
	s9 =	sadd.s32 $0x100, s29;
	s22 =	sadd.s32 $0x800, s31  }
0x544: {  	[hbm4b:s9+s2] =	stream.linear.scatter [tilespmem:s22], [sflag:$0x1], $0x80, $0x38;
	[tilespmem:$0x18800] =	vst v63  }
0x545: {  	s28 =	sadd.s32 $0x200, s29;
	s25 =	sadd.s32 $0xC00, s31;
	s23 =	sadd.s32 $0x180, s29  }
0x546: {  	[hbm4b:s23+s2] =	stream.linear.scatter [tilespmem:s25], [sflag:$0x1], $0x80, $0x38;
	[tilespmem:$0x18800] =	vst v63  }
0x547: {  	s26 =	sadd.s32 $0x1000, s31;
	s20 =	sshra.s32 s30, $0x2;
	s30 =	sand.u32 $0x380, s24  }
0x548: {  	(v2sf) =	vpush v4, $0xB;
	[hbm4b:s28+s2] =	stream.linear.scatter [tilespmem:s26], [sflag:$0x1], $0x80, $0x38;
	[tilespmem:$0x18800] =	vst v63  }
0x549: {  	s1 =	sor.u32 s30, s1;
	s0 =	sadd.s32 $0x1400, s31;
	s29 =	sadd.s32 $0x280, s29  }
0x54a: {  	[hbm4b:s29+s2] =	stream.linear.scatter [tilespmem:s0], [sflag:$0x1], $0x80, $0x38;
	[tilespmem:$0x18800] =	vst v63  }
0x54b: {  	s18 =	sadd.s32 s12, s18;
	s7 =	sshll.u32 s7, $0x7;
	s24 =	sadd.s32 $0xC00, s1  }
0x54c: {  	[hbm4b:s19+s2] =	stream.linear.scatter [tilespmem:s1], [sflag:$0x1], $0x80, $0x38;
	[tilespmem:$0x18800] =	vst v63  }
0x54d: {  	s30 =	sadd.s32 $0x1400, s1;
	s31 =	sadd.s32 $0x80, s19;
	s9 =	sor.u32 $0x400, s1  }
0x54e: {  	[hbm4b:s31+s2] =	stream.linear.scatter [tilespmem:s9], [sflag:$0x1], $0x80, $0x38;
	[tilespmem:$0x18800] =	vst v63  }
0x54f: {  	s8 =	spop (v2sf);
	s22 =	sadd.s32 $0x100, s19;
	s23 =	sadd.s32 $0x800, s1  }
0x550: {  	[hbm4b:s22+s2] =	stream.linear.scatter [tilespmem:s23], [sflag:$0x1], $0x80, $0x38;
	[tilespmem:$0x18800] =	vst v63  }
0x551: {  	s6 =	sadd.s32 $0x50, s8;
	s8 =	sshll.u32 s8, $0x7;
	s25 =	sadd.s32 $0x180, s19  }
0x552: {  	[hbm4b:s25+s2] =	stream.linear.scatter [tilespmem:s24], [sflag:$0x1], $0x80, $0x38;
	[tilespmem:$0x18800] =	vst v63  }
0x553: {  	s5 =	sshrl.u32 s6, $0x3;
	s26 =	sadd.s32 $0x1000, s1;
	s28 =	sadd.s32 $0x200, s19  }
0x554: {  	[hbm4b:s28+s2] =	stream.linear.scatter [tilespmem:s26], [sflag:$0x1], $0x80, $0x38;
	[tilespmem:$0x18800] =	vst v63  }
0x555: {  	s5 =	smul.u32 $0x6000, s5;
	s31 =	sadd.s32 $0x280, s19;
	s19 =	sand.u32 $0x380, s7  }
0x556: {  	(v2sf) =	vpush v4, $0xC;
	[hbm4b:s31+s2] =	stream.linear.scatter [tilespmem:s30], [sflag:$0x1], $0x80, $0x38;
	[tilespmem:$0x18800] =	vst v63  }
0x557: {  	s5 =	sshra.s32 s5, $0x2;
	s29 =	spop (v2sf);
	s3 =	sor.u32 s19, s20  }
0x558: {  	[hbm4b:s18+s2] =	stream.linear.scatter [tilespmem:s3], [sflag:$0x1], $0x80, $0x38;
	[tilespmem:$0x18800] =	vst v63  }
0x559: {  	s20 =	sadd.s32 $0x58, s29;
	s22 =	sor.u32 $0x400, s3;
	s23 =	sadd.s32 $0x80, s18  }
0x55a: {  	[hbm4b:s23+s2] =	stream.linear.scatter [tilespmem:s22], [sflag:$0x1], $0x80, $0x38;
	[tilespmem:$0x18800] =	vst v63  }
0x55b: {  	s19 =	sshll.u32 s29, $0x7;
	s24 =	sadd.s32 $0x800, s3;
	s25 =	sadd.s32 $0x100, s18  }
0x55c: {  	(v2sf) =	vpush v4, $0xD;
	[hbm4b:s25+s2] =	stream.linear.scatter [tilespmem:s24], [sflag:$0x1], $0x80, $0x38;
	[tilespmem:$0x18800] =	vst v63  }
0x55d: {  	s4 =	sshrl.u32 s20, $0x3;
	s26 =	sadd.s32 $0xC00, s3;
	s28 =	sadd.s32 $0x180, s18  }
0x55e: {  	[hbm4b:s28+s2] =	stream.linear.scatter [tilespmem:s26], [sflag:$0x1], $0x80, $0x38;
	[tilespmem:$0x18800] =	vst v63  }
0x55f: {  	s29 =	sadd.s32 $0x1000, s3;
	s20 =	sadd.s32 $0x1400, s3;
	s30 =	sadd.s32 $0x200, s18  }
0x560: {  	[hbm4b:s30+s2] =	stream.linear.scatter [tilespmem:s29], [sflag:$0x1], $0x80, $0x38;
	[tilespmem:$0x18800] =	vst v63  }
0x561: {  	s4 =	smul.u32 $0x6000, s4;
	s22 =	sadd.s32 $0x280, s18;
	s23 =	sand.u32 $0x380, s8  }
0x562: {  	[hbm4b:s22+s2] =	stream.linear.scatter [tilespmem:s20], [sflag:$0x1], $0x80, $0x38;
	[tilespmem:$0x18800] =	vst v63  }
0x563: {  	s14 =	rddreg [dreg:$0xa];
	s4 =	sshra.s32 s4, $0x2;
	s3 =	sor.u32 s23, s5  }
0x564: {  	[hbm4b:s17+s2] =	stream.linear.scatter [tilespmem:s3], [sflag:$0x1], $0x80, $0x38;
	[tilespmem:$0x18800] =	vst v63  }
0x565: {  	s31 =	spop (v2sf);
	s25 =	sor.u32 $0x400, s3;
	s26 =	sadd.s32 $0x80, s17  }
0x566: {  	[hbm4b:s26+s2] =	stream.linear.scatter [tilespmem:s25], [sflag:$0x1], $0x80, $0x38;
	[tilespmem:$0x18800] =	vst v63  }
0x567: {  	s18 =	sshll.u32 s31, $0x7;
	s28 =	sadd.s32 $0x800, s3;
	s29 =	sadd.s32 $0x100, s17  }
0x568: {  	[hbm4b:s29+s2] =	stream.linear.scatter [tilespmem:s28], [sflag:$0x1], $0x80, $0x38;
	[tilespmem:$0x18800] =	vst v63  }
0x569: {  	s24 =	sadd.s32 $0x60, s31;
	s31 =	sadd.s32 $0x180, s17;
	s30 =	sadd.s32 $0xC00, s3  }
0x56a: {  	[hbm4b:s31+s2] =	stream.linear.scatter [tilespmem:s30], [sflag:$0x1], $0x80, $0x38;
	[tilespmem:$0x18800] =	vst v63  }
0x56b: {  	s9 =	spop (v2sf);
	s8 =	sadd.s32 $0x200, s17;
	s7 =	sadd.s32 $0x1000, s3  }
0x56c: {  	[hbm4b:s8+s2] =	stream.linear.scatter [tilespmem:s7], [sflag:$0x1], $0x80, $0x38;
	[tilespmem:$0x18800] =	vst v63  }
0x56d: {  	s23 =	sand.u32 $0x380, s19;
	s20 =	sadd.s32 $0x1400, s3;
	s22 =	sadd.s32 $0x280, s17  }
0x56e: {  	(v2sf) =	vpush v4, $0xE;
	[hbm4b:s22+s2] =	stream.linear.scatter [tilespmem:s20], [sflag:$0x1], $0x80, $0x38;
	[tilespmem:$0x18800] =	vst v63  }
0x56f: {  	s5 =	sshrl.u32 s24, $0x3;
	s24 =	sadd.s32 $0x68, s9;
	s3 =	sor.u32 s23, s4  }
0x570: {  	[hbm4b:s16+s2] =	stream.linear.scatter [tilespmem:s3], [sflag:$0x1], $0x80, $0x38;
	[tilespmem:$0x18800] =	vst v63  }
0x571: {  	s5 =	smul.u32 $0x6000, s5;
	s25 =	sor.u32 $0x400, s3;
	s26 =	sadd.s32 $0x80, s16  }
0x572: {  	[hbm4b:s26+s2] =	stream.linear.scatter [tilespmem:s25], [sflag:$0x1], $0x80, $0x38;
	[tilespmem:$0x18800] =	vst v63  }
0x573: {  	s5 =	sshra.s32 s5, $0x2;
	s28 =	sadd.s32 $0x800, s3;
	s29 =	sadd.s32 $0x100, s16  }
0x574: {  	[hbm4b:s29+s2] =	stream.linear.scatter [tilespmem:s28], [sflag:$0x1], $0x80, $0x38;
	[tilespmem:$0x18800] =	vst v63  }
0x575: {  	s17 =	sshll.u32 s9, $0x7;
	s30 =	sadd.s32 $0xC00, s3;
	s31 =	sadd.s32 $0x180, s16  }
0x576: {  	[hbm4b:s31+s2] =	stream.linear.scatter [tilespmem:s30], [sflag:$0x1], $0x80, $0x38;
	[tilespmem:$0x18800] =	vst v63  }
0x577: {  	s4 =	sshrl.u32 s24, $0x3;
	s9 =	sadd.s32 $0x200, s16;
	s8 =	sadd.s32 $0x1000, s3  }
0x578: {  	[hbm4b:s9+s2] =	stream.linear.scatter [tilespmem:s8], [sflag:$0x1], $0x80, $0x38;
	[tilespmem:$0x18800] =	vst v63  }
0x579: {  	s23 =	sand.u32 $0x380, s18;
	s20 =	sadd.s32 $0x1400, s3;
	s22 =	sadd.s32 $0x280, s16  }
0x57a: {  	[hbm4b:s22+s2] =	stream.linear.scatter [tilespmem:s20], [sflag:$0x1], $0x80, $0x38;
	[tilespmem:$0x18800] =	vst v63  }
0x57b: {  	s21 =	sadd.s32 s12, s21;
	s4 =	smul.u32 $0x6000, s4;
	s5 =	sor.u32 s23, s5  }
0x57c: {  	[hbm4b:s21+s2] =	stream.linear.scatter [tilespmem:s5], [sflag:$0x1], $0x80, $0x38;
	[tilespmem:$0x18800] =	vst v63  }
0x57d: {  	s19 =	spop (v2sf);
	s25 =	sor.u32 $0x400, s5;
	s26 =	sadd.s32 $0x80, s21  }
0x57e: {  	(v2sf) =	vpush v4, $0xF;
	[hbm4b:s26+s2] =	stream.linear.scatter [tilespmem:s25], [sflag:$0x1], $0x80, $0x38;
	[tilespmem:$0x18800] =	vst v63  }
0x57f: {  	s24 =	sadd.s32 $0x70, s19;
	s28 =	sadd.s32 $0x800, s5;
	s29 =	sadd.s32 $0x100, s21  }
0x580: {  	[hbm4b:s29+s2] =	stream.linear.scatter [tilespmem:s28], [sflag:$0x1], $0x80, $0x38;
	[tilespmem:$0x18800] =	vst v63  }
0x581: {  	s1 =	sshll.u32 s19, $0x7;
	s30 =	sadd.s32 $0xC00, s5;
	s31 =	sadd.s32 $0x180, s21  }
0x582: {  	[hbm4b:s31+s2] =	stream.linear.scatter [tilespmem:s30], [sflag:$0x1], $0x80, $0x38;
	[tilespmem:$0x18800] =	vst v63  }
0x583: {  	s19 =	sadd.s32 $0x1400, s5;
	s16 =	sadd.s32 $0x200, s21;
	s9 =	sadd.s32 $0x1000, s5  }
0x584: {  	[hbm4b:s16+s2] =	stream.linear.scatter [tilespmem:s9], [sflag:$0x1], $0x80, $0x38;
	[tilespmem:$0x18800] =	vst v63  }
0x585: {  	s4 =	sshra.s32 s4, $0x2;
	s20 =	sadd.s32 $0x280, s21;
	s21 =	sand.u32 $0x380, s17  }
0x586: {  	[hbm4b:s20+s2] =	stream.linear.scatter [tilespmem:s19], [sflag:$0x1], $0x80, $0x38;
	[tilespmem:$0x18800] =	vst v63  }
0x587: {  	s13 =	rddreg [dreg:$0xb];
	s6 =	sshrl.u32 s24, $0x3;
	s4 =	sor.u32 s21, s4  }
0x588: {  	[hbm4b:s15+s2] =	stream.linear.scatter [tilespmem:s4], [sflag:$0x1], $0x80, $0x38;
	[tilespmem:$0x18800] =	vst v63  }
0x589: {  	s24 =	sadd.s32 $0x80, s15;
	s1 =	sand.u32 $0x380, s1;
	s23 =	sor.u32 $0x400, s4  }
0x58a: {  	[hbm4b:s24+s2] =	stream.linear.scatter [tilespmem:s23], [sflag:$0x1], $0x80, $0x38;
	[tilespmem:$0x18800] =	vst v63  }
0x58b: {  	s6 =	smul.u32 $0x6000, s6;
	s25 =	sadd.s32 $0x800, s4;
	s26 =	sadd.s32 $0x100, s15  }
0x58c: {  	[hbm4b:s26+s2] =	stream.linear.scatter [tilespmem:s25], [sflag:$0x1], $0x80, $0x38;
	[tilespmem:$0x18800] =	vst v63  }
0x58d: {  	s18 =	spop (v2sf);
	s28 =	sadd.s32 $0xC00, s4;
	s29 =	sadd.s32 $0x180, s15  }
0x58e: {  	[hbm4b:s29+s2] =	stream.linear.scatter [tilespmem:s28], [sflag:$0x1], $0x80, $0x38;
	[tilespmem:$0x18800] =	vst v63  }
0x58f: {  	s6 =	sshra.s32 s6, $0x2;
	s30 =	sadd.s32 $0x1000, s4;
	s31 =	sadd.s32 $0x200, s15  }
0x590: {  	[hbm4b:s31+s2] =	stream.linear.scatter [tilespmem:s30], [sflag:$0x1], $0x80, $0x38;
	[tilespmem:$0x18800] =	vst v63  }
0x591: {  	s1 =	sor.u32 s1, s6;
	s17 =	sadd.s32 $0x280, s15;
	s16 =	sadd.s32 $0x1400, s4  }
0x592: {  	[hbm4b:s17+s2] =	stream.linear.scatter [tilespmem:s16], [sflag:$0x1], $0x80, $0x38;
	[tilespmem:$0x18800] =	vst v63  }
0x593: {  	s7 =	sshll.u32 s18, $0x7;
	s22 =	sadd.s32 $0x78, s18;
	s18 =	sadd.s32 s12, s14  }
0x594: {  	[hbm4b:s18+s2] =	stream.linear.scatter [tilespmem:s1], [sflag:$0x1], $0x80, $0x38;
	[tilespmem:$0x18800] =	vst v63  }
0x595: {  	s13 =	sadd.s32 s12, s13;
	s19 =	sor.u32 $0x400, s1;
	s20 =	sadd.s32 $0x80, s18  }
0x596: {  	[hbm4b:s20+s2] =	stream.linear.scatter [tilespmem:s19], [sflag:$0x1], $0x80, $0x38;
	[tilespmem:$0x18800] =	vst v63  }
0x597: {  	s6 =	sadd.s32 $0x800, s1;
	s5 =	sshrl.u32 s22, $0x3;
	s21 =	sadd.s32 $0x100, s18  }
0x598: {  	[hbm4b:s21+s2] =	stream.linear.scatter [tilespmem:s6], [sflag:$0x1], $0x80, $0x38;
	[tilespmem:$0x18800] =	vst v63  }
0x599: {  	s22 =	sadd.s32 $0xC00, s1;
	s5 =	smul.u32 $0x6000, s5;
	s23 =	sadd.s32 $0x180, s18  }
0x59a: {  	[hbm4b:s23+s2] =	stream.linear.scatter [tilespmem:s22], [sflag:$0x1], $0x80, $0x38;
	[tilespmem:$0x18800] =	vst v63  }
0x59b: {  	s5 =	sshra.s32 s5, $0x2;
	s24 =	sadd.s32 $0x1000, s1;
	s25 =	sadd.s32 $0x200, s18  }
0x59c: {  	[hbm4b:s25+s2] =	stream.linear.scatter [tilespmem:s24], [sflag:$0x1], $0x80, $0x38;
	[tilespmem:$0x18800] =	vst v63  }
0x59d: {  	s4 =	simm.s32 $0x18000;
	s26 =	sadd.s32 $0x1400, s1;
	s28 =	sadd.s32 $0x280, s18  }
0x59e: {  	[hbm4b:s28+s2] =	stream.linear.scatter [tilespmem:s26], [sflag:$0x1], $0x80, $0x38;
	[tilespmem:$0x18800] =	vst v63  }
.Ltmp0:
0x59f: {  	s15 =	sadd.s32 $0x180, s13;
	s29 =	sand.u32 $0x380, s7;
	(pc) =	sbr.rel @p0 .LBB2_2-.Ltmp0, $4  }
0x5a0: {  	s31 =	sadd.s32 $0x80, s13;
	s16 =	sadd.s32 $0x100, s13;
	s1 =	sor.u32 s29, s5  }
0x5a1: {  	[hbm4b:s13+s2] =	stream.linear.scatter [tilespmem:s1], [sflag:$0x1], $0x80, $0x38;
	[tilespmem:$0x18800] =	vst v63  }
0x5a2: {  	s30 =	sor.u32 $0x400, s1;
	s14 =	sadd.s32 $0xC00, s1;
	s12 =	sadd.s32 $0x800, s1  }
0x5a3: {  	[hbm4b:s31+s2] =	stream.linear.scatter [tilespmem:s30], [sflag:$0x1], $0x80, $0x38;
	[tilespmem:$0x18800] =	vst v63  }
0x5a4: {  	[hbm4b:s16+s2] =	stream.linear.scatter [tilespmem:s12], [sflag:$0x1], $0x80, $0x38;
	[tilespmem:$0x18800] =	vst v63  }
0x5a5: {  	_ = 	snop  }
0x5a6: {  	[hbm4b:s15+s2] =	stream.linear.scatter [tilespmem:s14], [sflag:$0x1], $0x80, $0x38;
	[tilespmem:$0x18800] =	vst v63  }
0x5a7: {  	s0 =	sadd.s32 $0x1000, s1;
	s3 =	sadd.s32 $0x200, s13  }
0x5a8: {  	[hbm4b:s3+s2] =	stream.linear.scatter [tilespmem:s0], [sflag:$0x1], $0x80, $0x38;
	[tilespmem:$0x18800] =	vst v63  }
0x5a9: {  	s26 =	sadd.s32 $0x1400, s1;
	s28 =	sadd.s32 $0x280, s13;
	s29 =	simm.s32 $0x1  }
0x5aa: {  	[hbm4b:s28+s2] =	stream.linear.scatter [tilespmem:s26], [sflag:$0x1], $0x80, $0x38;
	[tilespmem:$0x18800] =	vst v63  }
0x5ab: {  	_ =	swait.ge [sflag:s29], $0x3000  }
0x5ac: {  	[sflag:s29] =	ssyncset.done $0x0  }
0x5ad: {  	[sflag:s29] =	ssyncadd.s32 $0xFFFFD000  }
0x5ae: {  	_ =	swait.ge [sflag:s29], $0x3000  }
0x5af: {  	[sflag:s29] =	ssyncset.done $0x0  }
0x5b0: {  	[sflag:s29] =	ssyncadd.s32 $0xFFFFD000  }
0x5b1: {  	_ =	swait.ge [sflag:s29], $0x3000  }
0x5b2: {  	[sflag:s29] =	ssyncset.done $0x0  }
0x5b3: {  	[sflag:s29] =	ssyncadd.s32 $0xFFFFD000  }
0x5b4: {  	_ =	swait.ge [sflag:s29], $0x3000  }
0x5b5: {  	s30 =	sld [smem:$0x7CE]  }
0x5b6: {  	s31 =	sld [smem:$0x7FD];
	_ =	sdelay $0x1  }
0x5b7: {  	s3 =	sadd.s32 $0x1, s30  }
0x5b8: {  	p0 =	sne.s32 s3, s31  }
.Ltmp1:
0x5b9: {  	_ = 	snop;
	(pc) =	sbr.rel @p0 .LBB2_1-.Ltmp1, $3  }
0x5ba: {  	_ =	sdelay $0x1  }
0x5bb: {  	[sflag:s29] =	ssyncset.done $0x0  }
0x5bc: {  	[sflag:s29] =	ssyncadd.s32 $0xFFFFD000  }
0x5bd: {  	_ =	sfence.sel $0x180000  }
0x5be: {  	[bflag:$0x0] =	sbarrier.arrive $0xFFFF  }
0x5bf: {  	_ =	strace $0x90000047  }
0x5c0: {  	s0 =	stileid.u32;
	[bflag:$0x2] =	sbarrier.arrive $0xFFFF  }
0x5c1: {  	p0 =	sne.s32 s0, $0x0;
	s0 =	rddreg [dreg:$0x2]  }
0x5c2: {  	s0 =	sadd.s32 @!p0 $0x100000, s0  }
0x5c3: {  	[sflag:s0] =	ssyncadd.tile.s32 @!p0 $0x1;
	_ =	shalt  }
.Lfunc_end2:
_tile_overlayer_lowered:
.L_overlay_start_2:
0x5c4: {  	(tag) =	ssettag $0x2  }
0x5c5: {  	s0 =	rddreg [dreg:$0x0];
	s2 =	stileid.u32  }
0x5c6: {  	s1 =	rddreg [dreg:$0x1];
	p0 =	sne.s32 s2, $0x0  }
0x5c7: {  	s3 =	rddreg [dreg:$0x2];
	[bflag:$0x3] =	sbarrier.arrive $0xFFFF;
	s2 =	simm.s32 @!p0 $0x1C02  }
0x5c8: {  	[timem:s3], [sflag:s2] =	dma.local @!p0 [hbm:s0], s1  }
0x5c9: {  	s0 =	simm.s32 @!p0 $0x2  }
0x5ca: {  	_ =	swait.ge @!p0 [sflag:s0], s1  }
0x5cb: {  	s1 =	ssub.s32 @!p0 $0x0, s1;
	[sflag:s0] =	ssyncset.done @!p0 $0x0  }
0x5cc: {  	[sflag:s0] =	ssyncadd.s32 @!p0 s1  }
0x5cd: {  	[bflag:$0x3] =	sbarrier.arrive $0xFFFF  }
0x5ce: {  	_ =	shalt  }

</sc_bundles>
